<compile_context>
chip_gen: v7x
topology: tpu7x:2x2x1
jax: 0.10.2.dev20260603
libtpu: 0.0.44.dev20260713+nightly
codegen_flags: <defaults>
</compile_context>

<pallas_src>
import functools

import jax
import jax.numpy as jnp
from jax import lax
from jax.experimental import pallas as pl
from jax.experimental.pallas import tpu as pltpu
from jax.experimental.pallas import tpu_sc as plsc

N = 10000
E = 320000
H = 128
HH = H // 2
C = 10
G = 64

NC = 2
NS = 16
NW = NC * NS

K_A = 200
J_A = (E // NW) // K_A
NBUF = 3
GDEPTH = 2

K_D = 250
J_D = (E // NW) // K_D
DLANE = 16

RPT = 640
RPT_LAST = N - (NS - 1) * RPT

_BLK = 2000

_mesh = plsc.VectorSubcoreMesh(core_axis_name="c", subcore_axis_name="s")
_sc_params = pltpu.CompilerParams(use_tc_tiling_on_sc=False)



def _slice_copy(s, src_ref, dst_ref):
    @pl.when(s < NS - 1)
    def _():
        row0 = s * RPT
        pltpu.sync_copy(src_ref.at[pl.ds(row0, RPT)],
                        dst_ref.at[pl.ds(row0, RPT)])

    @pl.when(s == NS - 1)
    def _():
        row0 = (NS - 1) * RPT
        pltpu.sync_copy(src_ref.at[pl.ds(row0, RPT_LAST)],
                        dst_ref.at[pl.ds(row0, RPT_LAST)])


@functools.partial(
    pl.kernel,
    out_type=(jax.ShapeDtypeStruct((N, DLANE), jnp.float32),
              jax.ShapeDtypeStruct((N, DLANE), jnp.float32)),
    mesh=_mesh,
    scratch_types=[
        pltpu.VMEM((J_D, K_D), jnp.int32),
        pltpu.VMEM((K_D, DLANE), jnp.float32),
        pltpu.VMEM_SHARED((N, DLANE), jnp.float32),
        pltpu.SemaphoreType.DMA,
    ],
    compiler_params=_sc_params,
)
def _sc_degree(dst_hbm, zeros_hbm, out0_hbm, out1_hbm,
               dst_v, ones_v, acc_sh, sem):
    c = lax.axis_index("c")
    s = lax.axis_index("s")
    wid = c * NS + s
    pltpu.sync_copy(dst_hbm.at[wid], dst_v)

    @pl.loop(0, K_D)
    def _(k):
        ones_v[k, :] = jnp.full((DLANE,), 1.0, jnp.float32)

    _slice_copy(s, zeros_hbm, acc_sh)
    plsc.subcore_barrier()

    @pl.loop(0, J_D, step=8)
    def _(j0):
        copies = [
            pltpu.async_copy(ones_v, acc_sh.at[dst_v.at[j0 + u]], sem, add=True)
            for u in range(8)
        ]
        for cp in copies:
            cp.wait()

    plsc.subcore_barrier()

    @pl.when(c == 0)
    def _():
        _slice_copy(s, acc_sh, out0_hbm)

    @pl.when(c == 1)
    def _():
        _slice_copy(s, acc_sh, out1_hbm)


def _agg_loop(h_hbm, src_v, dst_v, rows_v, acc_sh, gsems, ssems):
    for u in range(GDEPTH):
        pltpu.async_copy(h_hbm.at[src_v.at[u]], rows_v.at[u], gsems[u])

    @pl.loop(0, J_A - GDEPTH, step=NBUF)
    def _(j0):
        for u in range(NBUF):
            j = j0 + u
            bn = (u + GDEPTH) % NBUF

            @pl.when(j >= NBUF - GDEPTH)
            def _():
                pltpu.make_async_copy(
                    rows_v.at[bn], acc_sh.at[dst_v.at[j - (NBUF - GDEPTH)]],
                    ssems[bn]).wait()

            pltpu.async_copy(h_hbm.at[src_v.at[j + GDEPTH]], rows_v.at[bn],
                             gsems[bn])
            pltpu.make_async_copy(
                h_hbm.at[src_v.at[j]], rows_v.at[u], gsems[u]).wait()
            pltpu.async_copy(rows_v.at[u], acc_sh.at[dst_v.at[j]],
                             ssems[u], add=True)

    for t in range(J_A - GDEPTH, J_A):
        u = t % NBUF
        pltpu.make_async_copy(
            h_hbm.at[src_v.at[t]], rows_v.at[u], gsems[u]).wait()
        pltpu.async_copy(rows_v.at[u], acc_sh.at[dst_v.at[t]],
                         ssems[u], add=True)

    for t in range(J_A - NBUF, J_A):
        u = t % NBUF
        pltpu.make_async_copy(
            rows_v.at[u], acc_sh.at[dst_v.at[t]], ssems[u]).wait()


@functools.partial(
    pl.kernel,
    out_type=(jax.ShapeDtypeStruct((N, H), jnp.bfloat16),
              jax.ShapeDtypeStruct((N, H), jnp.bfloat16)),
    mesh=_mesh,
    scratch_types=[
        pltpu.VMEM((J_A, K_A), jnp.int32),
        pltpu.VMEM((J_A, K_A), jnp.int32),
        pltpu.VMEM((NBUF, K_A, H), jnp.bfloat16),
        pltpu.VMEM_SHARED((N, H), jnp.bfloat16),
    ] + [pltpu.SemaphoreType.DMA] * (2 * NBUF),
    compiler_params=_sc_params,
)
def _sc_aggregate(h_hbm, src_hbm, dst_hbm, zeros_hbm,
                  out0_hbm, out1_hbm, src_v, dst_v, rows_v, acc_sh, *sems):
    gsems, ssems = sems[:NBUF], sems[NBUF:]
    c = lax.axis_index("c")
    s = lax.axis_index("s")
    wid = c * NS + s
    pltpu.sync_copy(src_hbm.at[wid], src_v)
    pltpu.sync_copy(dst_hbm.at[wid], dst_v)
    _slice_copy(s, zeros_hbm, acc_sh)
    plsc.subcore_barrier()

    _agg_loop(h_hbm, src_v, dst_v, rows_v, acc_sh, gsems, ssems)

    plsc.subcore_barrier()

    @pl.when(c == 0)
    def _():
        _slice_copy(s, acc_sh, out0_hbm)

    @pl.when(c == 1)
    def _():
        _slice_copy(s, acc_sh, out1_hbm)



def _dinv(d0_ref, d1_ref):
    return lax.rsqrt(d0_ref[:, 0:1] + d1_ref[:, 0:1] + 1.0)


def _mm_body(x_ref, w_ref, o_ref):
    o_ref[...] = jnp.dot(x_ref[...], w_ref[...],
                         preferred_element_type=jnp.float32)


def _tc_matmul(x, w):
    return pl.pallas_call(
        _mm_body,
        grid=(N // _BLK,),
        in_specs=[pl.BlockSpec((_BLK, H), lambda i: (i, 0)),
                  pl.BlockSpec((H, H), lambda i: (0, 0))],
        out_specs=pl.BlockSpec((_BLK, H), lambda i: (i, 0)),
        out_shape=jax.ShapeDtypeStruct((N, H), jnp.float32),
    )(x, w)


_full_spec = pl.BlockSpec((_BLK, H), lambda i: (i, 0))
_deg_spec = pl.BlockSpec((_BLK, DLANE), lambda i: (i, 0))
_full_out = jax.ShapeDtypeStruct((N, H), jnp.bfloat16)


def _scale_body(h_ref, d0_ref, d1_ref, o_ref):
    o_ref[...] = (h_ref[...] * _dinv(d0_ref, d1_ref)).astype(jnp.bfloat16)


def _tc_scale(h, d0, d1):
    return pl.pallas_call(
        _scale_body,
        grid=(N // _BLK,),
        in_specs=[pl.BlockSpec((_BLK, H), lambda i: (i, 0)),
                  _deg_spec, _deg_spec],
        out_specs=_full_spec,
        out_shape=_full_out,
    )(h, d0, d1)


def _mid_body(p0_ref, p1_ref, hp_ref, d0_ref, d1_ref, b_ref, w_ref, o_ref):
    dinv = _dinv(d0_ref, d1_ref)
    t = (p0_ref[...] + p1_ref[...] + hp_ref[...]).astype(jnp.float32)
    t = jnp.maximum(t * dinv + b_ref[...], 0.0)
    o_ref[...] = (jnp.dot(t, w_ref[...], preferred_element_type=jnp.float32)
                  * dinv).astype(jnp.bfloat16)


def _tc_mid(p0, p1, hp, d0, d1, b, w):
    return pl.pallas_call(
        _mid_body,
        grid=(N // _BLK,),
        in_specs=[_full_spec, _full_spec, _full_spec,
                  _deg_spec, _deg_spec,
                  pl.BlockSpec((1, H), lambda i: (0, 0)),
                  pl.BlockSpec((H, H), lambda i: (0, 0))],
        out_specs=_full_spec,
        out_shape=_full_out,
    )(p0, p1, hp, d0, d1, b, w)


def _final_body(p0_ref, p1_ref, hp_ref, d0_ref, d1_ref, b_ref,
                batch_ref, wc_ref, bc_ref, o_ref, sums_ref, cnt_ref):
    i = pl.program_id(0)

    @pl.when(i == 0)
    def _():
        sums_ref[...] = jnp.zeros_like(sums_ref)
        cnt_ref[...] = jnp.zeros_like(cnt_ref)

    dinv = _dinv(d0_ref, d1_ref)
    t = (p0_ref[...] + p1_ref[...] + hp_ref[...]).astype(jnp.float32)
    x4 = jnp.maximum(t * dinv + b_ref[...], 0.0)
    bvec = batch_ref[0, 0, :]
    gids = lax.broadcasted_iota(jnp.int32, (G, _BLK), 0)
    sel = (gids == bvec[None, :]).astype(jnp.float32)
    sums_ref[...] += jnp.dot(sel, x4, preferred_element_type=jnp.float32)
    cnt_ref[...] += jnp.broadcast_to(
        jnp.sum(sel, axis=1, keepdims=True), cnt_ref.shape)

    @pl.when(i == pl.num_programs(0) - 1)
    def _():
        pooled = sums_ref[...] / jnp.maximum(cnt_ref[...], 1.0)
        o_ref[...] = jnp.dot(pooled, wc_ref[...],
                             preferred_element_type=jnp.float32) + bc_ref[...]


def _tc_final(p0, p1, hp, d0, d1, b, batch3, wc, bcr):
    return pl.pallas_call(
        _final_body,
        grid=(N // _BLK,),
        in_specs=[_full_spec, _full_spec, _full_spec,
                  _deg_spec, _deg_spec,
                  pl.BlockSpec((1, H), lambda i: (0, 0)),
                  pl.BlockSpec((1, 1, _BLK), lambda i: (i, 0, 0)),
                  pl.BlockSpec((H, C), lambda i: (0, 0)),
                  pl.BlockSpec((1, C), lambda i: (0, 0))],
        out_specs=pl.BlockSpec((G, C), lambda i: (0, 0)),
        out_shape=jax.ShapeDtypeStruct((G, C), jnp.float32),
        scratch_shapes=[pltpu.VMEM((G, H), jnp.float32),
                        pltpu.VMEM((G, H), jnp.float32)],
    )(p0, p1, hp, d0, d1, b, batch3, wc, bcr)



def kernel(x, edge_index, batch, W1, b1, W2, b2, W3, b3, Wc, bc):
    srcw = edge_index[0].reshape(NW, J_A, K_A)
    dstw = edge_index[1].reshape(NW, J_A, K_A)
    dstd = edge_index[1].reshape(NW, J_D, K_D)

    zeros_h = jnp.zeros((N, H), jnp.bfloat16)
    zeros_d = jnp.zeros((N, DLANE), jnp.float32)
    batch3 = batch.reshape(N // _BLK, 1, _BLK)
    b1r, b2r, b3r = b1.reshape(1, H), b2.reshape(1, H), b3.reshape(1, H)
    bcr = bc.reshape(1, C)

    d0, d1 = _sc_degree(dstd, zeros_d)
    h1 = _tc_matmul(x, W1)
    hp1 = _tc_scale(h1, d0, d1)
    p10, p11 = _sc_aggregate(hp1, srcw, dstw, zeros_h)
    hp2 = _tc_mid(p10, p11, hp1, d0, d1, b1r, W2)
    p20, p21 = _sc_aggregate(hp2, srcw, dstw, zeros_h)
    hp3 = _tc_mid(p20, p21, hp2, d0, d1, b2r, W3)
    p30, p31 = _sc_aggregate(hp3, srcw, dstw, zeros_h)
    return _tc_final(p30, p31, hp3, d0, d1, b3r, batch3, Wc, bcr)

# --- scband reference (transcript-rebuilt; emitter-appended) ---
"""Pipeline reference for scband-malware-gnn-8718783610905 (READ-ONLY COPY).

The authoritative reference and input builder live on the scoring server;
editing this copy changes nothing except your own understanding.
"""

import jax, jax.numpy as jnp
import numpy as np

N = 10000
E = 320000
F_IN = 128
H = 128
C = 10
G = 64


def setup_inputs(seed: int = 0) -> dict:
    key = jax.random.key(seed)
    ks = jax.random.split(key, 12)
    x = jax.random.normal(ks[0], (N, F_IN), dtype=jnp.float32)
    edge_index = jax.random.randint(ks[1], (2, E), 0, N, dtype=jnp.int32)
    batch = jnp.sort(jax.random.randint(ks[2], (N,), 0, G, dtype=jnp.int32))
    s = 0.05
    W1 = jax.random.normal(ks[3], (F_IN, H), dtype=jnp.float32) * s
    b1 = jnp.zeros((H,), dtype=jnp.float32)
    W2 = jax.random.normal(ks[4], (H, H), dtype=jnp.float32) * s
    b2 = jnp.zeros((H,), dtype=jnp.float32)
    W3 = jax.random.normal(ks[5], (H, H), dtype=jnp.float32) * s
    b3 = jnp.zeros((H,), dtype=jnp.float32)
    Wc = jax.random.normal(ks[6], (H, C), dtype=jnp.float32) * s
    bc = jnp.zeros((C,), dtype=jnp.float32)
    return {"x": x, "edge_index": edge_index, "batch": batch,
            "W1": W1, "b1": b1, "W2": W2, "b2": b2,
            "W3": W3, "b3": b3, "Wc": Wc, "bc": bc}


def _gcn_layer(x, edge_index, W, b):
    # GCNConv: symmetric-normalized A-hat (with self loops) @ (x W) + b
    num_nodes = x.shape[0]
    loop = jnp.arange(num_nodes, dtype=edge_index.dtype)
    src = jnp.concatenate([edge_index[0], loop])
    dst = jnp.concatenate([edge_index[1], loop])
    deg = jax.ops.segment_sum(jnp.ones_like(src, dtype=x.dtype), dst,
                              num_segments=num_nodes)
    dinv = jnp.where(deg > 0, deg ** -0.5, 0.0)
    norm = dinv[src] * dinv[dst]
    h = x @ W
    msg = h[src] * norm[:, None]
    out = jax.ops.segment_sum(msg, dst, num_segments=num_nodes)
    return out + b


def reference(x, edge_index, batch, W1, b1, W2, b2, W3, b3, Wc, bc):
    h = jax.nn.relu(_gcn_layer(x, edge_index, W1, b1))
    # dropout is a no-op in eval mode
    h = jax.nn.relu(_gcn_layer(h, edge_index, W2, b2))
    h = jax.nn.relu(_gcn_layer(h, edge_index, W3, b3))
    # global_mean_pool over graph ids in `batch`
    sums = jax.ops.segment_sum(h, batch, num_segments=G)
    cnt = jax.ops.segment_sum(jnp.ones((h.shape[0],), h.dtype), batch,
                              num_segments=G)
    pooled = sums / jnp.maximum(cnt, 1.0)[:, None]
    return pooled @ Wc + bc

if __name__ == "__main__":
    import jax
    _d = setup_inputs()
    print(jax.jit(kernel)(*tuple(_d.values())))

</pallas_src>

<mosaic_0001>
#map = affine_map<(d0, d1) -> (0, 0, 0)>
#map1 = affine_map<(d0, d1) -> (0, 0)>
module attributes {stable_mosaic.version = 14 : i64} {
  func.func @_sc_degree(%arg0: i32, %arg1: i32, %arg2: memref<32x40x250xi32, #tpu.memory_space<hbm>>, %arg3: memref<10000x16xf32, #tpu.memory_space<hbm>>, %arg4: memref<10000x16xf32, #tpu.memory_space<hbm>>, %arg5: memref<10000x16xf32, #tpu.memory_space<hbm>>, %arg6: memref<40x250xi32, #tpu.memory_space<vmem>>, %arg7: memref<250x16xf32, #tpu.memory_space<vmem>>, %arg8: memref<10000x16xf32, #tpu.memory_space<vmem_shared>>, %arg9: memref<!tpu.dma_semaphore, #tpu.memory_space<semaphore_mem>>) attributes {dimension_semantics = [#tpu.dimension_semantics<core_parallel>, #tpu.dimension_semantics<subcore_parallel>], iteration_bounds = array<i64: 2, 16>, scalar_prefetch = 0 : i64, scratch_operands = 4 : i64, tpu.core_type = #tpu.core_type<sc_vector_subcore>, window_params = [{transform_indices = #map}, {transform_indices = #map1}, {transform_indices = #map1}, {transform_indices = #map1}]} {
    %mul3A = arith.constant 16 : i32
    %mul3A_0 = arith.muli %arg0, %mul3A : i32
    %add3A = arith.addi %mul3A_0, %arg1 : i32
    "tpu.region"() ({
      %run_scoped3A = tpu.sem_alloc : memref<!tpu.dma_semaphore, #tpu.memory_space<semaphore_mem>>
      %dma_start3A = arith.constant 0 : i32
      %dma_start3A_27 = arith.constant 0 : i32
      %dma_start3A_28 = tpu.memref_slice %arg2[%add3A, %dma_start3A, %dma_start3A_27] : memref<32x40x250xi32, #tpu.memory_space<hbm>> -> memref<1x40x250xi32, #tpu.memory_space<hbm>>
      %dma_start3A_29 = tpu.memref_squeeze %dma_start3A_28 : memref<1x40x250xi32, #tpu.memory_space<hbm>> -> memref<40x250xi32, #tpu.memory_space<hbm>>
      %dma_start3A_30 = arith.constant 0 : i32
      %dma_start3A_31 = arith.constant 0 : i32
      %dma_start3A_32 = tpu.memref_slice %arg2[%add3A, %dma_start3A_30, %dma_start3A_31] : memref<32x40x250xi32, #tpu.memory_space<hbm>> -> memref<1x40x250xi32, #tpu.memory_space<hbm>>
      %dma_start3A_33 = tpu.memref_squeeze %dma_start3A_32 : memref<1x40x250xi32, #tpu.memory_space<hbm>> -> memref<40x250xi32, #tpu.memory_space<hbm>>
      tpu.enqueue_dma source(%dma_start3A_33 : memref<40x250xi32, #tpu.memory_space<hbm>>) target(%arg6 : memref<40x250xi32, #tpu.memory_space<vmem>>) target_semaphore(%run_scoped3A : memref<!tpu.dma_semaphore, #tpu.memory_space<semaphore_mem>>)
      %dma_wait3A = arith.constant 0 : i32
      %dma_wait3A_34 = arith.constant 0 : i32
      %dma_wait3A_35 = tpu.memref_slice %arg2[%add3A, %dma_wait3A, %dma_wait3A_34] : memref<32x40x250xi32, #tpu.memory_space<hbm>> -> memref<1x40x250xi32, #tpu.memory_space<hbm>>
      %dma_wait3A_36 = tpu.memref_squeeze %dma_wait3A_35 : memref<1x40x250xi32, #tpu.memory_space<hbm>> -> memref<40x250xi32, #tpu.memory_space<hbm>>
      %dma_wait3A_37 = arith.constant 0 : i32
      %dma_wait3A_38 = arith.constant 0 : i32
      %dma_wait3A_39 = tpu.memref_slice %arg2[%add3A, %dma_wait3A_37, %dma_wait3A_38] : memref<32x40x250xi32, #tpu.memory_space<hbm>> -> memref<1x40x250xi32, #tpu.memory_space<hbm>>
      %dma_wait3A_40 = tpu.memref_squeeze %dma_wait3A_39 : memref<1x40x250xi32, #tpu.memory_space<hbm>> -> memref<40x250xi32, #tpu.memory_space<hbm>>
      tpu.wait_dma2 semaphore(%run_scoped3A : memref<!tpu.dma_semaphore, #tpu.memory_space<semaphore_mem>>) src(%dma_wait3A_40 : memref<40x250xi32, #tpu.memory_space<hbm>>) dst(%arg6 : memref<40x250xi32, #tpu.memory_space<vmem>>)
      tpu.yield
    }) : () -> ()
    %scan3A = arith.constant 0 : i32
    %scan3A_1 = arith.constant 250 : i32
    %scan3A_2 = arith.addi %scan3A, %scan3A_1 : i32
    %scan3A_3 = arith.constant 1 : i32
    scf.for %scan3A_27 = %scan3A to %scan3A_2 step %scan3A_3  : i32 {
      %mul3A_28 = arith.constant 1 : i32
      %mul3A_29 = arith.muli %scan3A_27, %mul3A_28 : i32
      %add3A_30 = arith.constant 0 : i32
      %add3A_31 = arith.addi %add3A_30, %mul3A_29 : i32
      %broadcast_in_dim3A = arith.constant 1.000000e+00 : f32
      %broadcast_in_dim3A_32 = vector.broadcast %broadcast_in_dim3A : f32 to vector<16xf32>
      %swap3A = arith.index_cast %add3A_31 : i32 to index
      %swap3A_33 = arith.constant 0 : index
      %swap3A_34 = tpu.vector_load %arg7[%swap3A, %swap3A_33] {strides = array<i32>} : memref<250x16xf32, #tpu.memory_space<vmem>>, vector<1x16xf32>,
      %swap3A_35 = vector.shape_cast %swap3A_34 : vector<1x16xf32> to vector<16xf32>
      %swap3A_36 = vector.shape_cast %broadcast_in_dim3A_32 : vector<16xf32> to vector<1x16xf32>
      tpu.vector_store %arg7[%swap3A, %swap3A_33], %swap3A_36 {strides = array<i32>} : memref<250x16xf32, #tpu.memory_space<vmem>>, vector<1x16xf32>,
    }
    %scan3A_4 = arith.constant 250 : i32
    %lt3A = arith.constant 15 : i32
    %lt3A_5 = arith.cmpi slt, %arg1, %lt3A : i32
    %convert_element_type3A = arith.extui %lt3A_5 : i1 to i32
    %cond3A = arith.constant 0 : i32
    %cond3A_6 = arith.cmpi ne, %convert_element_type3A, %cond3A : i32
    scf.if %cond3A_6 {
      %mul3A_27 = arith.constant 640 : i32
      %mul3A_28 = arith.muli %arg1, %mul3A_27 : i32
      "tpu.region"() ({
        %run_scoped3A = tpu.sem_alloc : memref<!tpu.dma_semaphore, #tpu.memory_space<semaphore_mem>>
        %dma_start3A = arith.constant 0 : i32
        %dma_start3A_29 = tpu.memref_slice %arg8[%mul3A_28, %dma_start3A] : memref<10000x16xf32, #tpu.memory_space<vmem_shared>> -> memref<640x16xf32, #tpu.memory_space<vmem_shared>>
        %dma_start3A_30 = arith.constant 0 : i32
        %dma_start3A_31 = tpu.memref_slice %arg3[%mul3A_28, %dma_start3A_30] : memref<10000x16xf32, #tpu.memory_space<hbm>> -> memref<640x16xf32, #tpu.memory_space<hbm>>
        tpu.enqueue_dma source(%dma_start3A_31 : memref<640x16xf32, #tpu.memory_space<hbm>>) target(%dma_start3A_29 : memref<640x16xf32, #tpu.memory_space<vmem_shared>>) target_semaphore(%run_scoped3A : memref<!tpu.dma_semaphore, #tpu.memory_space<semaphore_mem>>)
        %dma_wait3A = arith.constant 0 : i32
        %dma_wait3A_32 = tpu.memref_slice %arg8[%mul3A_28, %dma_wait3A] : memref<10000x16xf32, #tpu.memory_space<vmem_shared>> -> memref<640x16xf32, #tpu.memory_space<vmem_shared>>
        %dma_wait3A_33 = arith.constant 0 : i32
        %dma_wait3A_34 = tpu.memref_slice %arg3[%mul3A_28, %dma_wait3A_33] : memref<10000x16xf32, #tpu.memory_space<hbm>> -> memref<640x16xf32, #tpu.memory_space<hbm>>
        tpu.wait_dma2 semaphore(%run_scoped3A : memref<!tpu.dma_semaphore, #tpu.memory_space<semaphore_mem>>) src(%dma_wait3A_34 : memref<640x16xf32, #tpu.memory_space<hbm>>) dst(%dma_wait3A_32 : memref<640x16xf32, #tpu.memory_space<vmem_shared>>)
        tpu.yield
      }) : () -> ()
    } else {
    }
    %eq3A = arith.constant 15 : i32
    %eq3A_7 = arith.cmpi eq, %arg1, %eq3A : i32
    %convert_element_type3A_8 = arith.extui %eq3A_7 : i1 to i32
    %cond3A_9 = arith.constant 0 : i32
    %cond3A_10 = arith.cmpi ne, %convert_element_type3A_8, %cond3A_9 : i32
    scf.if %cond3A_10 {
      "tpu.region"() ({
        %run_scoped3A = tpu.sem_alloc : memref<!tpu.dma_semaphore, #tpu.memory_space<semaphore_mem>>
        %dma_start3A = arith.constant 9600 : i32
        %dma_start3A_27 = arith.constant 0 : i32
        %dma_start3A_28 = tpu.memref_slice %arg8[%dma_start3A, %dma_start3A_27] : memref<10000x16xf32, #tpu.memory_space<vmem_shared>> -> memref<400x16xf32, #tpu.memory_space<vmem_shared>>
        %dma_start3A_29 = arith.constant 9600 : i32
        %dma_start3A_30 = arith.constant 0 : i32
        %dma_start3A_31 = tpu.memref_slice %arg3[%dma_start3A_29, %dma_start3A_30] : memref<10000x16xf32, #tpu.memory_space<hbm>> -> memref<400x16xf32, #tpu.memory_space<hbm>>
        tpu.enqueue_dma source(%dma_start3A_31 : memref<400x16xf32, #tpu.memory_space<hbm>>) target(%dma_start3A_28 : memref<400x16xf32, #tpu.memory_space<vmem_shared>>) target_semaphore(%run_scoped3A : memref<!tpu.dma_semaphore, #tpu.memory_space<semaphore_mem>>)
        %dma_wait3A = arith.constant 9600 : i32
        %dma_wait3A_32 = arith.constant 0 : i32
        %dma_wait3A_33 = tpu.memref_slice %arg8[%dma_wait3A, %dma_wait3A_32] : memref<10000x16xf32, #tpu.memory_space<vmem_shared>> -> memref<400x16xf32, #tpu.memory_space<vmem_shared>>
        %dma_wait3A_34 = arith.constant 9600 : i32
        %dma_wait3A_35 = arith.constant 0 : i32
        %dma_wait3A_36 = tpu.memref_slice %arg3[%dma_wait3A_34, %dma_wait3A_35] : memref<10000x16xf32, #tpu.memory_space<hbm>> -> memref<400x16xf32, #tpu.memory_space<hbm>>
        tpu.wait_dma2 semaphore(%run_scoped3A : memref<!tpu.dma_semaphore, #tpu.memory_space<semaphore_mem>>) src(%dma_wait3A_36 : memref<400x16xf32, #tpu.memory_space<hbm>>) dst(%dma_wait3A_33 : memref<400x16xf32, #tpu.memory_space<vmem_shared>>)
        tpu.yield
      }) : () -> ()
    } else {
    }
    %barrier3A = arith.constant 0 : index
    tpu.barrier barrier_id(%barrier3A)
    %scan3A_11 = arith.constant 0 : i32
    %scan3A_12 = arith.constant 5 : i32
    %scan3A_13 = arith.addi %scan3A_11, %scan3A_12 : i32
    %scan3A_14 = arith.constant 1 : i32
    scf.for %scan3A_27 = %scan3A_11 to %scan3A_13 step %scan3A_14  : i32 {
      %mul3A_28 = arith.constant 8 : i32
      %mul3A_29 = arith.muli %scan3A_27, %mul3A_28 : i32
      %add3A_30 = arith.constant 0 : i32
      %add3A_31 = arith.addi %add3A_30, %mul3A_29 : i32
      %add3A_32 = arith.constant 0 : i32
      %add3A_33 = arith.addi %add3A_31, %add3A_32 : i32
      %dma_start3A = arith.constant 0 : i32
      %dma_start3A_34 = tpu.memref_slice %arg6[%add3A_33, %dma_start3A] : memref<40x250xi32, #tpu.memory_space<vmem>> -> memref<1x250xi32, #tpu.memory_space<vmem>>
      %dma_start3A_35 = tpu.memref_squeeze %dma_start3A_34 : memref<1x250xi32, #tpu.memory_space<vmem>> -> memref<250xi32, #tpu.memory_space<vmem>>
      %dma_start3A_36 = arith.constant 0 : i32
      %dma_start3A_37 = arith.constant 0 : i32
      %dma_start3A_38 = tpu.memref_slice %arg8[%dma_start3A_36, %dma_start3A_37] : memref<10000x16xf32, #tpu.memory_space<vmem_shared>> -> memref<10000x16xf32, #tpu.memory_space<vmem_shared>>
      tpu.enqueue_indirect_dma source(%arg7 : memref<250x16xf32, #tpu.memory_space<vmem>>) target(%dma_start3A_38 : memref<10000x16xf32, #tpu.memory_space<vmem_shared>>) offsets(%dma_start3A_35 : memref<250xi32, #tpu.memory_space<vmem>>) semaphore(%arg9 : memref<!tpu.dma_semaphore, #tpu.memory_space<semaphore_mem>>) {add = true}
      %add3A_39 = arith.constant 1 : i32
      %add3A_40 = arith.addi %add3A_31, %add3A_39 : i32
      %dma_start3A_41 = arith.constant 0 : i32
      %dma_start3A_42 = tpu.memref_slice %arg6[%add3A_40, %dma_start3A_41] : memref<40x250xi32, #tpu.memory_space<vmem>> -> memref<1x250xi32, #tpu.memory_space<vmem>>
      %dma_start3A_43 = tpu.memref_squeeze %dma_start3A_42 : memref<1x250xi32, #tpu.memory_space<vmem>> -> memref<250xi32, #tpu.memory_space<vmem>>
      %dma_start3A_44 = arith.constant 0 : i32
      %dma_start3A_45 = arith.constant 0 : i32
      %dma_start3A_46 = tpu.memref_slice %arg8[%dma_start3A_44, %dma_start3A_45] : memref<10000x16xf32, #tpu.memory_space<vmem_shared>> -> memref<10000x16xf32, #tpu.memory_space<vmem_shared>>
      tpu.enqueue_indirect_dma source(%arg7 : memref<250x16xf32, #tpu.memory_space<vmem>>) target(%dma_start3A_46 : memref<10000x16xf32, #tpu.memory_space<vmem_shared>>) offsets(%dma_start3A_43 : memref<250xi32, #tpu.memory_space<vmem>>) semaphore(%arg9 : memref<!tpu.dma_semaphore, #tpu.memory_space<semaphore_mem>>) {add = true}
      %add3A_47 = arith.constant 2 : i32
      %add3A_48 = arith.addi %add3A_31, %add3A_47 : i32
      %dma_start3A_49 = arith.constant 0 : i32
      %dma_start3A_50 = tpu.memref_slice %arg6[%add3A_48, %dma_start3A_49] : memref<40x250xi32, #tpu.memory_space<vmem>> -> memref<1x250xi32, #tpu.memory_space<vmem>>
      %dma_start3A_51 = tpu.memref_squeeze %dma_start3A_50 : memref<1x250xi32, #tpu.memory_space<vmem>> -> memref<250xi32, #tpu.memory_space<vmem>>
      %dma_start3A_52 = arith.constant 0 : i32
      %dma_start3A_53 = arith.constant 0 : i32
      %dma_start3A_54 = tpu.memref_slice %arg8[%dma_start3A_52, %dma_start3A_53] : memref<10000x16xf32, #tpu.memory_space<vmem_shared>> -> memref<10000x16xf32, #tpu.memory_space<vmem_shared>>
      tpu.enqueue_indirect_dma source(%arg7 : memref<250x16xf32, #tpu.memory_space<vmem>>) target(%dma_start3A_54 : memref<10000x16xf32, #tpu.memory_space<vmem_shared>>) offsets(%dma_start3A_51 : memref<250xi32, #tpu.memory_space<vmem>>) semaphore(%arg9 : memref<!tpu.dma_semaphore, #tpu.memory_space<semaphore_mem>>) {add = true}
      %add3A_55 = arith.constant 3 : i32
      %add3A_56 = arith.addi %add3A_31, %add3A_55 : i32
      %dma_start3A_57 = arith.constant 0 : i32
      %dma_start3A_58 = tpu.memref_slice %arg6[%add3A_56, %dma_start3A_57] : memref<40x250xi32, #tpu.memory_space<vmem>> -> memref<1x250xi32, #tpu.memory_space<vmem>>
      %dma_start3A_59 = tpu.memref_squeeze %dma_start3A_58 : memref<1x250xi32, #tpu.memory_space<vmem>> -> memref<250xi32, #tpu.memory_space<vmem>>
      %dma_start3A_60 = arith.constant 0 : i32
      %dma_start3A_61 = arith.constant 0 : i32
      %dma_start3A_62 = tpu.memref_slice %arg8[%dma_start3A_60, %dma_start3A_61] : memref<10000x16xf32, #tpu.memory_space<vmem_shared>> -> memref<10000x16xf32, #tpu.memory_space<vmem_shared>>
      tpu.enqueue_indirect_dma source(%arg7 : memref<250x16xf32, #tpu.memory_space<vmem>>) target(%dma_start3A_62 : memref<10000x16xf32, #tpu.memory_space<vmem_shared>>) offsets(%dma_start3A_59 : memref<250xi32, #tpu.memory_space<vmem>>) semaphore(%arg9 : memref<!tpu.dma_semaphore, #tpu.memory_space<semaphore_mem>>) {add = true}
      %add3A_63 = arith.constant 4 : i32
      %add3A_64 = arith.addi %add3A_31, %add3A_63 : i32
      %dma_start3A_65 = arith.constant 0 : i32
      %dma_start3A_66 = tpu.memref_slice %arg6[%add3A_64, %dma_start3A_65] : memref<40x250xi32, #tpu.memory_space<vmem>> -> memref<1x250xi32, #tpu.memory_space<vmem>>
      %dma_start3A_67 = tpu.memref_squeeze %dma_start3A_66 : memref<1x250xi32, #tpu.memory_space<vmem>> -> memref<250xi32, #tpu.memory_space<vmem>>
      %dma_start3A_68 = arith.constant 0 : i32
      %dma_start3A_69 = arith.constant 0 : i32
      %dma_start3A_70 = tpu.memref_slice %arg8[%dma_start3A_68, %dma_start3A_69] : memref<10000x16xf32, #tpu.memory_space<vmem_shared>> -> memref<10000x16xf32, #tpu.memory_space<vmem_shared>>
      tpu.enqueue_indirect_dma source(%arg7 : memref<250x16xf32, #tpu.memory_space<vmem>>) target(%dma_start3A_70 : memref<10000x16xf32, #tpu.memory_space<vmem_shared>>) offsets(%dma_start3A_67 : memref<250xi32, #tpu.memory_space<vmem>>) semaphore(%arg9 : memref<!tpu.dma_semaphore, #tpu.memory_space<semaphore_mem>>) {add = true}
      %add3A_71 = arith.constant 5 : i32
      %add3A_72 = arith.addi %add3A_31, %add3A_71 : i32
      %dma_start3A_73 = arith.constant 0 : i32
      %dma_start3A_74 = tpu.memref_slice %arg6[%add3A_72, %dma_start3A_73] : memref<40x250xi32, #tpu.memory_space<vmem>> -> memref<1x250xi32, #tpu.memory_space<vmem>>
      %dma_start3A_75 = tpu.memref_squeeze %dma_start3A_74 : memref<1x250xi32, #tpu.memory_space<vmem>> -> memref<250xi32, #tpu.memory_space<vmem>>
      %dma_start3A_76 = arith.constant 0 : i32
      %dma_start3A_77 = arith.constant 0 : i32
      %dma_start3A_78 = tpu.memref_slice %arg8[%dma_start3A_76, %dma_start3A_77] : memref<10000x16xf32, #tpu.memory_space<vmem_shared>> -> memref<10000x16xf32, #tpu.memory_space<vmem_shared>>
      tpu.enqueue_indirect_dma source(%arg7 : memref<250x16xf32, #tpu.memory_space<vmem>>) target(%dma_start3A_78 : memref<10000x16xf32, #tpu.memory_space<vmem_shared>>) offsets(%dma_start3A_75 : memref<250xi32, #tpu.memory_space<vmem>>) semaphore(%arg9 : memref<!tpu.dma_semaphore, #tpu.memory_space<semaphore_mem>>) {add = true}
      %add3A_79 = arith.constant 6 : i32
      %add3A_80 = arith.addi %add3A_31, %add3A_79 : i32
      %dma_start3A_81 = arith.constant 0 : i32
      %dma_start3A_82 = tpu.memref_slice %arg6[%add3A_80, %dma_start3A_81] : memref<40x250xi32, #tpu.memory_space<vmem>> -> memref<1x250xi32, #tpu.memory_space<vmem>>
      %dma_start3A_83 = tpu.memref_squeeze %dma_start3A_82 : memref<1x250xi32, #tpu.memory_space<vmem>> -> memref<250xi32, #tpu.memory_space<vmem>>
      %dma_start3A_84 = arith.constant 0 : i32
      %dma_start3A_85 = arith.constant 0 : i32
      %dma_start3A_86 = tpu.memref_slice %arg8[%dma_start3A_84, %dma_start3A_85] : memref<10000x16xf32, #tpu.memory_space<vmem_shared>> -> memref<10000x16xf32, #tpu.memory_space<vmem_shared>>
      tpu.enqueue_indirect_dma source(%arg7 : memref<250x16xf32, #tpu.memory_space<vmem>>) target(%dma_start3A_86 : memref<10000x16xf32, #tpu.memory_space<vmem_shared>>) offsets(%dma_start3A_83 : memref<250xi32, #tpu.memory_space<vmem>>) semaphore(%arg9 : memref<!tpu.dma_semaphore, #tpu.memory_space<semaphore_mem>>) {add = true}
      %add3A_87 = arith.constant 7 : i32
      %add3A_88 = arith.addi %add3A_31, %add3A_87 : i32
      %dma_start3A_89 = arith.constant 0 : i32
      %dma_start3A_90 = tpu.memref_slice %arg6[%add3A_88, %dma_start3A_89] : memref<40x250xi32, #tpu.memory_space<vmem>> -> memref<1x250xi32, #tpu.memory_space<vmem>>
      %dma_start3A_91 = tpu.memref_squeeze %dma_start3A_90 : memref<1x250xi32, #tpu.memory_space<vmem>> -> memref<250xi32, #tpu.memory_space<vmem>>
      %dma_start3A_92 = arith.constant 0 : i32
      %dma_start3A_93 = arith.constant 0 : i32
      %dma_start3A_94 = tpu.memref_slice %arg8[%dma_start3A_92, %dma_start3A_93] : memref<10000x16xf32, #tpu.memory_space<vmem_shared>> -> memref<10000x16xf32, #tpu.memory_space<vmem_shared>>
      tpu.enqueue_indirect_dma source(%arg7 : memref<250x16xf32, #tpu.memory_space<vmem>>) target(%dma_start3A_94 : memref<10000x16xf32, #tpu.memory_space<vmem_shared>>) offsets(%dma_start3A_91 : memref<250xi32, #tpu.memory_space<vmem>>) semaphore(%arg9 : memref<!tpu.dma_semaphore, #tpu.memory_space<semaphore_mem>>) {add = true}
      %dma_wait3A = arith.constant 0 : i32
      %dma_wait3A_95 = tpu.memref_slice %arg6[%add3A_33, %dma_wait3A] : memref<40x250xi32, #tpu.memory_space<vmem>> -> memref<1x250xi32, #tpu.memory_space<vmem>>
      %dma_wait3A_96 = tpu.memref_squeeze %dma_wait3A_95 : memref<1x250xi32, #tpu.memory_space<vmem>> -> memref<250xi32, #tpu.memory_space<vmem>>
      %dma_wait3A_97 = arith.constant 0 : i32
      %dma_wait3A_98 = arith.constant 0 : i32
      %dma_wait3A_99 = tpu.memref_slice %arg8[%dma_wait3A_97, %dma_wait3A_98] : memref<10000x16xf32, #tpu.memory_space<vmem_shared>> -> memref<10000x16xf32, #tpu.memory_space<vmem_shared>>
      tpu.wait_indirect_dma semaphore(%arg9 : memref<!tpu.dma_semaphore, #tpu.memory_space<semaphore_mem>>) src(%arg7 : memref<250x16xf32, #tpu.memory_space<vmem>>) dst(%dma_wait3A_99 : memref<10000x16xf32, #tpu.memory_space<vmem_shared>>)
      %dma_wait3A_100 = arith.constant 0 : i32
      %dma_wait3A_101 = tpu.memref_slice %arg6[%add3A_40, %dma_wait3A_100] : memref<40x250xi32, #tpu.memory_space<vmem>> -> memref<1x250xi32, #tpu.memory_space<vmem>>
      %dma_wait3A_102 = tpu.memref_squeeze %dma_wait3A_101 : memref<1x250xi32, #tpu.memory_space<vmem>> -> memref<250xi32, #tpu.memory_space<vmem>>
      %dma_wait3A_103 = arith.constant 0 : i32
      %dma_wait3A_104 = arith.constant 0 : i32
      %dma_wait3A_105 = tpu.memref_slice %arg8[%dma_wait3A_103, %dma_wait3A_104] : memref<10000x16xf32, #tpu.memory_space<vmem_shared>> -> memref<10000x16xf32, #tpu.memory_space<vmem_shared>>
      tpu.wait_indirect_dma semaphore(%arg9 : memref<!tpu.dma_semaphore, #tpu.memory_space<semaphore_mem>>) src(%arg7 : memref<250x16xf32, #tpu.memory_space<vmem>>) dst(%dma_wait3A_105 : memref<10000x16xf32, #tpu.memory_space<vmem_shared>>)
      %dma_wait3A_106 = arith.constant 0 : i32
      %dma_wait3A_107 = tpu.memref_slice %arg6[%add3A_48, %dma_wait3A_106] : memref<40x250xi32, #tpu.memory_space<vmem>> -> memref<1x250xi32, #tpu.memory_space<vmem>>
      %dma_wait3A_108 = tpu.memref_squeeze %dma_wait3A_107 : memref<1x250xi32, #tpu.memory_space<vmem>> -> memref<250xi32, #tpu.memory_space<vmem>>
      %dma_wait3A_109 = arith.constant 0 : i32
      %dma_wait3A_110 = arith.constant 0 : i32
      %dma_wait3A_111 = tpu.memref_slice %arg8[%dma_wait3A_109, %dma_wait3A_110] : memref<10000x16xf32, #tpu.memory_space<vmem_shared>> -> memref<10000x16xf32, #tpu.memory_space<vmem_shared>>
      tpu.wait_indirect_dma semaphore(%arg9 : memref<!tpu.dma_semaphore, #tpu.memory_space<semaphore_mem>>) src(%arg7 : memref<250x16xf32, #tpu.memory_space<vmem>>) dst(%dma_wait3A_111 : memref<10000x16xf32, #tpu.memory_space<vmem_shared>>)
      %dma_wait3A_112 = arith.constant 0 : i32
      %dma_wait3A_113 = tpu.memref_slice %arg6[%add3A_56, %dma_wait3A_112] : memref<40x250xi32, #tpu.memory_space<vmem>> -> memref<1x250xi32, #tpu.memory_space<vmem>>
      %dma_wait3A_114 = tpu.memref_squeeze %dma_wait3A_113 : memref<1x250xi32, #tpu.memory_space<vmem>> -> memref<250xi32, #tpu.memory_space<vmem>>
      %dma_wait3A_115 = arith.constant 0 : i32
      %dma_wait3A_116 = arith.constant 0 : i32
      %dma_wait3A_117 = tpu.memref_slice %arg8[%dma_wait3A_115, %dma_wait3A_116] : memref<10000x16xf32, #tpu.memory_space<vmem_shared>> -> memref<10000x16xf32, #tpu.memory_space<vmem_shared>>
      tpu.wait_indirect_dma semaphore(%arg9 : memref<!tpu.dma_semaphore, #tpu.memory_space<semaphore_mem>>) src(%arg7 : memref<250x16xf32, #tpu.memory_space<vmem>>) dst(%dma_wait3A_117 : memref<10000x16xf32, #tpu.memory_space<vmem_shared>>)
      %dma_wait3A_118 = arith.constant 0 : i32
      %dma_wait3A_119 = tpu.memref_slice %arg6[%add3A_64, %dma_wait3A_118] : memref<40x250xi32, #tpu.memory_space<vmem>> -> memref<1x250xi32, #tpu.memory_space<vmem>>
      %dma_wait3A_120 = tpu.memref_squeeze %dma_wait3A_119 : memref<1x250xi32, #tpu.memory_space<vmem>> -> memref<250xi32, #tpu.memory_space<vmem>>
      %dma_wait3A_121 = arith.constant 0 : i32
      %dma_wait3A_122 = arith.constant 0 : i32
      %dma_wait3A_123 = tpu.memref_slice %arg8[%dma_wait3A_121, %dma_wait3A_122] : memref<10000x16xf32, #tpu.memory_space<vmem_shared>> -> memref<10000x16xf32, #tpu.memory_space<vmem_shared>>
      tpu.wait_indirect_dma semaphore(%arg9 : memref<!tpu.dma_semaphore, #tpu.memory_space<semaphore_mem>>) src(%arg7 : memref<250x16xf32, #tpu.memory_space<vmem>>) dst(%dma_wait3A_123 : memref<10000x16xf32, #tpu.memory_space<vmem_shared>>)
      %dma_wait3A_124 = arith.constant 0 : i32
      %dma_wait3A_125 = tpu.memref_slice %arg6[%add3A_72, %dma_wait3A_124] : memref<40x250xi32, #tpu.memory_space<vmem>> -> memref<1x250xi32, #tpu.memory_space<vmem>>
      %dma_wait3A_126 = tpu.memref_squeeze %dma_wait3A_125 : memref<1x250xi32, #tpu.memory_space<vmem>> -> memref<250xi32, #tpu.memory_space<vmem>>
      %dma_wait3A_127 = arith.constant 0 : i32
      %dma_wait3A_128 = arith.constant 0 : i32
      %dma_wait3A_129 = tpu.memref_slice %arg8[%dma_wait3A_127, %dma_wait3A_128] : memref<10000x16xf32, #tpu.memory_space<vmem_shared>> -> memref<10000x16xf32, #tpu.memory_space<vmem_shared>>
      tpu.wait_indirect_dma semaphore(%arg9 : memref<!tpu.dma_semaphore, #tpu.memory_space<semaphore_mem>>) src(%arg7 : memref<250x16xf32, #tpu.memory_space<vmem>>) dst(%dma_wait3A_129 : memref<10000x16xf32, #tpu.memory_space<vmem_shared>>)
      %dma_wait3A_130 = arith.constant 0 : i32
      %dma_wait3A_131 = tpu.memref_slice %arg6[%add3A_80, %dma_wait3A_130] : memref<40x250xi32, #tpu.memory_space<vmem>> -> memref<1x250xi32, #tpu.memory_space<vmem>>
      %dma_wait3A_132 = tpu.memref_squeeze %dma_wait3A_131 : memref<1x250xi32, #tpu.memory_space<vmem>> -> memref<250xi32, #tpu.memory_space<vmem>>
      %dma_wait3A_133 = arith.constant 0 : i32
      %dma_wait3A_134 = arith.constant 0 : i32
      %dma_wait3A_135 = tpu.memref_slice %arg8[%dma_wait3A_133, %dma_wait3A_134] : memref<10000x16xf32, #tpu.memory_space<vmem_shared>> -> memref<10000x16xf32, #tpu.memory_space<vmem_shared>>
      tpu.wait_indirect_dma semaphore(%arg9 : memref<!tpu.dma_semaphore, #tpu.memory_space<semaphore_mem>>) src(%arg7 : memref<250x16xf32, #tpu.memory_space<vmem>>) dst(%dma_wait3A_135 : memref<10000x16xf32, #tpu.memory_space<vmem_shared>>)
      %dma_wait3A_136 = arith.constant 0 : i32
      %dma_wait3A_137 = tpu.memref_slice %arg6[%add3A_88, %dma_wait3A_136] : memref<40x250xi32, #tpu.memory_space<vmem>> -> memref<1x250xi32, #tpu.memory_space<vmem>>
      %dma_wait3A_138 = tpu.memref_squeeze %dma_wait3A_137 : memref<1x250xi32, #tpu.memory_space<vmem>> -> memref<250xi32, #tpu.memory_space<vmem>>
      %dma_wait3A_139 = arith.constant 0 : i32
      %dma_wait3A_140 = arith.constant 0 : i32
      %dma_wait3A_141 = tpu.memref_slice %arg8[%dma_wait3A_139, %dma_wait3A_140] : memref<10000x16xf32, #tpu.memory_space<vmem_shared>> -> memref<10000x16xf32, #tpu.memory_space<vmem_shared>>
      tpu.wait_indirect_dma semaphore(%arg9 : memref<!tpu.dma_semaphore, #tpu.memory_space<semaphore_mem>>) src(%arg7 : memref<250x16xf32, #tpu.memory_space<vmem>>) dst(%dma_wait3A_141 : memref<10000x16xf32, #tpu.memory_space<vmem_shared>>)
    }
    %scan3A_15 = arith.constant 5 : i32
    %barrier3A_16 = arith.constant 0 : index
    tpu.barrier barrier_id(%barrier3A_16)
    %eq3A_17 = arith.constant 0 : i32
    %eq3A_18 = arith.cmpi eq, %arg0, %eq3A_17 : i32
    %convert_element_type3A_19 = arith.extui %eq3A_18 : i1 to i32
    %cond3A_20 = arith.constant 0 : i32
    %cond3A_21 = arith.cmpi ne, %convert_element_type3A_19, %cond3A_20 : i32
    scf.if %cond3A_21 {
      %lt3A_27 = arith.constant 15 : i32
      %lt3A_28 = arith.cmpi slt, %arg1, %lt3A_27 : i32
      %convert_element_type3A_29 = arith.extui %lt3A_28 : i1 to i32
      %cond3A_30 = arith.constant 0 : i32
      %cond3A_31 = arith.cmpi ne, %convert_element_type3A_29, %cond3A_30 : i32
      scf.if %cond3A_31 {
        %mul3A_37 = arith.constant 640 : i32
        %mul3A_38 = arith.muli %arg1, %mul3A_37 : i32
        "tpu.region"() ({
          %run_scoped3A = tpu.sem_alloc : memref<!tpu.dma_semaphore, #tpu.memory_space<semaphore_mem>>
          %dma_start3A = arith.constant 0 : i32
          %dma_start3A_39 = tpu.memref_slice %arg4[%mul3A_38, %dma_start3A] : memref<10000x16xf32, #tpu.memory_space<hbm>> -> memref<640x16xf32, #tpu.memory_space<hbm>>
          %dma_start3A_40 = arith.constant 0 : i32
          %dma_start3A_41 = tpu.memref_slice %arg8[%mul3A_38, %dma_start3A_40] : memref<10000x16xf32, #tpu.memory_space<vmem_shared>> -> memref<640x16xf32, #tpu.memory_space<vmem_shared>>
          tpu.enqueue_dma source(%dma_start3A_41 : memref<640x16xf32, #tpu.memory_space<vmem_shared>>) target(%dma_start3A_39 : memref<640x16xf32, #tpu.memory_space<hbm>>) target_semaphore(%run_scoped3A : memref<!tpu.dma_semaphore, #tpu.memory_space<semaphore_mem>>)
          %dma_wait3A = arith.constant 0 : i32
          %dma_wait3A_42 = tpu.memref_slice %arg4[%mul3A_38, %dma_wait3A] : memref<10000x16xf32, #tpu.memory_space<hbm>> -> memref<640x16xf32, #tpu.memory_space<hbm>>
          %dma_wait3A_43 = arith.constant 0 : i32
          %dma_wait3A_44 = tpu.memref_slice %arg8[%mul3A_38, %dma_wait3A_43] : memref<10000x16xf32, #tpu.memory_space<vmem_shared>> -> memref<640x16xf32, #tpu.memory_space<vmem_shared>>
          tpu.wait_dma2 semaphore(%run_scoped3A : memref<!tpu.dma_semaphore, #tpu.memory_space<semaphore_mem>>) src(%dma_wait3A_44 : memref<640x16xf32, #tpu.memory_space<vmem_shared>>) dst(%dma_wait3A_42 : memref<640x16xf32, #tpu.memory_space<hbm>>)
          tpu.yield
        }) : () -> ()
      } else {
      }
      %eq3A_32 = arith.constant 15 : i32
      %eq3A_33 = arith.cmpi eq, %arg1, %eq3A_32 : i32
      %convert_element_type3A_34 = arith.extui %eq3A_33 : i1 to i32
      %cond3A_35 = arith.constant 0 : i32
      %cond3A_36 = arith.cmpi ne, %convert_element_type3A_34, %cond3A_35 : i32
      scf.if %cond3A_36 {
        "tpu.region"() ({
          %run_scoped3A = tpu.sem_alloc : memref<!tpu.dma_semaphore, #tpu.memory_space<semaphore_mem>>
          %dma_start3A = arith.constant 9600 : i32
          %dma_start3A_37 = arith.constant 0 : i32
          %dma_start3A_38 = tpu.memref_slice %arg4[%dma_start3A, %dma_start3A_37] : memref<10000x16xf32, #tpu.memory_space<hbm>> -> memref<400x16xf32, #tpu.memory_space<hbm>>
          %dma_start3A_39 = arith.constant 9600 : i32
          %dma_start3A_40 = arith.constant 0 : i32
          %dma_start3A_41 = tpu.memref_slice %arg8[%dma_start3A_39, %dma_start3A_40] : memref<10000x16xf32, #tpu.memory_space<vmem_shared>> -> memref<400x16xf32, #tpu.memory_space<vmem_shared>>
          tpu.enqueue_dma source(%dma_start3A_41 : memref<400x16xf32, #tpu.memory_space<vmem_shared>>) target(%dma_start3A_38 : memref<400x16xf32, #tpu.memory_space<hbm>>) target_semaphore(%run_scoped3A : memref<!tpu.dma_semaphore, #tpu.memory_space<semaphore_mem>>)
          %dma_wait3A = arith.constant 9600 : i32
          %dma_wait3A_42 = arith.constant 0 : i32
          %dma_wait3A_43 = tpu.memref_slice %arg4[%dma_wait3A, %dma_wait3A_42] : memref<10000x16xf32, #tpu.memory_space<hbm>> -> memref<400x16xf32, #tpu.memory_space<hbm>>
          %dma_wait3A_44 = arith.constant 9600 : i32
          %dma_wait3A_45 = arith.constant 0 : i32
          %dma_wait3A_46 = tpu.memref_slice %arg8[%dma_wait3A_44, %dma_wait3A_45] : memref<10000x16xf32, #tpu.memory_space<vmem_shared>> -> memref<400x16xf32, #tpu.memory_space<vmem_shared>>
          tpu.wait_dma2 semaphore(%run_scoped3A : memref<!tpu.dma_semaphore, #tpu.memory_space<semaphore_mem>>) src(%dma_wait3A_46 : memref<400x16xf32, #tpu.memory_space<vmem_shared>>) dst(%dma_wait3A_43 : memref<400x16xf32, #tpu.memory_space<hbm>>)
          tpu.yield
        }) : () -> ()
      } else {
      }
    } else {
    }
    %eq3A_22 = arith.constant 1 : i32
    %eq3A_23 = arith.cmpi eq, %arg0, %eq3A_22 : i32
    %convert_element_type3A_24 = arith.extui %eq3A_23 : i1 to i32
    %cond3A_25 = arith.constant 0 : i32
    %cond3A_26 = arith.cmpi ne, %convert_element_type3A_24, %cond3A_25 : i32
    scf.if %cond3A_26 {
      %lt3A_27 = arith.constant 15 : i32
      %lt3A_28 = arith.cmpi slt, %arg1, %lt3A_27 : i32
      %convert_element_type3A_29 = arith.extui %lt3A_28 : i1 to i32
      %cond3A_30 = arith.constant 0 : i32
      %cond3A_31 = arith.cmpi ne, %convert_element_type3A_29, %cond3A_30 : i32
      scf.if %cond3A_31 {
        %mul3A_37 = arith.constant 640 : i32
        %mul3A_38 = arith.muli %arg1, %mul3A_37 : i32
        "tpu.region"() ({
          %run_scoped3A = tpu.sem_alloc : memref<!tpu.dma_semaphore, #tpu.memory_space<semaphore_mem>>
          %dma_start3A = arith.constant 0 : i32
          %dma_start3A_39 = tpu.memref_slice %arg5[%mul3A_38, %dma_start3A] : memref<10000x16xf32, #tpu.memory_space<hbm>> -> memref<640x16xf32, #tpu.memory_space<hbm>>
          %dma_start3A_40 = arith.constant 0 : i32
          %dma_start3A_41 = tpu.memref_slice %arg8[%mul3A_38, %dma_start3A_40] : memref<10000x16xf32, #tpu.memory_space<vmem_shared>> -> memref<640x16xf32, #tpu.memory_space<vmem_shared>>
          tpu.enqueue_dma source(%dma_start3A_41 : memref<640x16xf32, #tpu.memory_space<vmem_shared>>) target(%dma_start3A_39 : memref<640x16xf32, #tpu.memory_space<hbm>>) target_semaphore(%run_scoped3A : memref<!tpu.dma_semaphore, #tpu.memory_space<semaphore_mem>>)
          %dma_wait3A = arith.constant 0 : i32
          %dma_wait3A_42 = tpu.memref_slice %arg5[%mul3A_38, %dma_wait3A] : memref<10000x16xf32, #tpu.memory_space<hbm>> -> memref<640x16xf32, #tpu.memory_space<hbm>>
          %dma_wait3A_43 = arith.constant 0 : i32
          %dma_wait3A_44 = tpu.memref_slice %arg8[%mul3A_38, %dma_wait3A_43] : memref<10000x16xf32, #tpu.memory_space<vmem_shared>> -> memref<640x16xf32, #tpu.memory_space<vmem_shared>>
          tpu.wait_dma2 semaphore(%run_scoped3A : memref<!tpu.dma_semaphore, #tpu.memory_space<semaphore_mem>>) src(%dma_wait3A_44 : memref<640x16xf32, #tpu.memory_space<vmem_shared>>) dst(%dma_wait3A_42 : memref<640x16xf32, #tpu.memory_space<hbm>>)
          tpu.yield
        }) : () -> ()
      } else {
      }
      %eq3A_32 = arith.constant 15 : i32
      %eq3A_33 = arith.cmpi eq, %arg1, %eq3A_32 : i32
      %convert_element_type3A_34 = arith.extui %eq3A_33 : i1 to i32
      %cond3A_35 = arith.constant 0 : i32
      %cond3A_36 = arith.cmpi ne, %convert_element_type3A_34, %cond3A_35 : i32
      scf.if %cond3A_36 {
        "tpu.region"() ({
          %run_scoped3A = tpu.sem_alloc : memref<!tpu.dma_semaphore, #tpu.memory_space<semaphore_mem>>
          %dma_start3A = arith.constant 9600 : i32
          %dma_start3A_37 = arith.constant 0 : i32
          %dma_start3A_38 = tpu.memref_slice %arg5[%dma_start3A, %dma_start3A_37] : memref<10000x16xf32, #tpu.memory_space<hbm>> -> memref<400x16xf32, #tpu.memory_space<hbm>>
          %dma_start3A_39 = arith.constant 9600 : i32
          %dma_start3A_40 = arith.constant 0 : i32
          %dma_start3A_41 = tpu.memref_slice %arg8[%dma_start3A_39, %dma_start3A_40] : memref<10000x16xf32, #tpu.memory_space<vmem_shared>> -> memref<400x16xf32, #tpu.memory_space<vmem_shared>>
          tpu.enqueue_dma source(%dma_start3A_41 : memref<400x16xf32, #tpu.memory_space<vmem_shared>>) target(%dma_start3A_38 : memref<400x16xf32, #tpu.memory_space<hbm>>) target_semaphore(%run_scoped3A : memref<!tpu.dma_semaphore, #tpu.memory_space<semaphore_mem>>)
          %dma_wait3A = arith.constant 9600 : i32
          %dma_wait3A_42 = arith.constant 0 : i32
          %dma_wait3A_43 = tpu.memref_slice %arg5[%dma_wait3A, %dma_wait3A_42] : memref<10000x16xf32, #tpu.memory_space<hbm>> -> memref<400x16xf32, #tpu.memory_space<hbm>>
          %dma_wait3A_44 = arith.constant 9600 : i32
          %dma_wait3A_45 = arith.constant 0 : i32
          %dma_wait3A_46 = tpu.memref_slice %arg8[%dma_wait3A_44, %dma_wait3A_45] : memref<10000x16xf32, #tpu.memory_space<vmem_shared>> -> memref<400x16xf32, #tpu.memory_space<vmem_shared>>
          tpu.wait_dma2 semaphore(%run_scoped3A : memref<!tpu.dma_semaphore, #tpu.memory_space<semaphore_mem>>) src(%dma_wait3A_46 : memref<400x16xf32, #tpu.memory_space<vmem_shared>>) dst(%dma_wait3A_43 : memref<400x16xf32, #tpu.memory_space<hbm>>)
          tpu.yield
        }) : () -> ()
      } else {
      }
    } else {
    }
    return
  }
}

#map = affine_map<(d0, d1) -> (0, 0)>
#map1 = affine_map<(d0, d1) -> (0, 0, 0)>
module attributes {stable_mosaic.version = 14 : i64} {
  func.func @_sc_aggregate(%arg0: i32, %arg1: i32, %arg2: memref<10000x128xbf16, #tpu.memory_space<hbm>>, %arg3: memref<32x50x200xi32, #tpu.memory_space<hbm>>, %arg4: memref<32x50x200xi32, #tpu.memory_space<hbm>>, %arg5: memref<10000x128xbf16, #tpu.memory_space<hbm>>, %arg6: memref<10000x128xbf16, #tpu.memory_space<hbm>>, %arg7: memref<10000x128xbf16, #tpu.memory_space<hbm>>, %arg8: memref<50x200xi32, #tpu.memory_space<vmem>>, %arg9: memref<50x200xi32, #tpu.memory_space<vmem>>, %arg10: memref<3x200x128xbf16, #tpu.memory_space<vmem>>, %arg11: memref<10000x128xbf16, #tpu.memory_space<vmem_shared>>, %arg12: memref<!tpu.dma_semaphore, #tpu.memory_space<semaphore_mem>>, %arg13: memref<!tpu.dma_semaphore, #tpu.memory_space<semaphore_mem>>, %arg14: memref<!tpu.dma_semaphore, #tpu.memory_space<semaphore_mem>>, %arg15: memref<!tpu.dma_semaphore, #tpu.memory_space<semaphore_mem>>, %arg16: memref<!tpu.dma_semaphore, #tpu.memory_space<semaphore_mem>>, %arg17: memref<!tpu.dma_semaphore, #tpu.memory_space<semaphore_mem>>) attributes {dimension_semantics = [#tpu.dimension_semantics<core_parallel>, #tpu.dimension_semantics<subcore_parallel>], iteration_bounds = array<i64: 2, 16>, scalar_prefetch = 0 : i64, scratch_operands = 10 : i64, tpu.core_type = #tpu.core_type<sc_vector_subcore>, window_params = [{transform_indices = #map}, {transform_indices = #map1}, {transform_indices = #map1}, {transform_indices = #map}, {transform_indices = #map}, {transform_indices = #map}]} {
    %mul3A = arith.constant 16 : i32
    %mul3A_0 = arith.muli %arg0, %mul3A : i32
    %add3A = arith.addi %mul3A_0, %arg1 : i32
    "tpu.region"() ({
      %run_scoped3A = tpu.sem_alloc : memref<!tpu.dma_semaphore, #tpu.memory_space<semaphore_mem>>
      %dma_start3A_128 = arith.constant 0 : i32
      %dma_start3A_129 = arith.constant 0 : i32
      %dma_start3A_130 = tpu.memref_slice %arg3[%add3A, %dma_start3A_128, %dma_start3A_129] : memref<32x50x200xi32, #tpu.memory_space<hbm>> -> memref<1x50x200xi32, #tpu.memory_space<hbm>>
      %dma_start3A_131 = tpu.memref_squeeze %dma_start3A_130 : memref<1x50x200xi32, #tpu.memory_space<hbm>> -> memref<50x200xi32, #tpu.memory_space<hbm>>
      %dma_start3A_132 = arith.constant 0 : i32
      %dma_start3A_133 = arith.constant 0 : i32
      %dma_start3A_134 = tpu.memref_slice %arg3[%add3A, %dma_start3A_132, %dma_start3A_133] : memref<32x50x200xi32, #tpu.memory_space<hbm>> -> memref<1x50x200xi32, #tpu.memory_space<hbm>>
      %dma_start3A_135 = tpu.memref_squeeze %dma_start3A_134 : memref<1x50x200xi32, #tpu.memory_space<hbm>> -> memref<50x200xi32, #tpu.memory_space<hbm>>
      tpu.enqueue_dma source(%dma_start3A_135 : memref<50x200xi32, #tpu.memory_space<hbm>>) target(%arg8 : memref<50x200xi32, #tpu.memory_space<vmem>>) target_semaphore(%run_scoped3A : memref<!tpu.dma_semaphore, #tpu.memory_space<semaphore_mem>>)
      %dma_wait3A_136 = arith.constant 0 : i32
      %dma_wait3A_137 = arith.constant 0 : i32
      %dma_wait3A_138 = tpu.memref_slice %arg3[%add3A, %dma_wait3A_136, %dma_wait3A_137] : memref<32x50x200xi32, #tpu.memory_space<hbm>> -> memref<1x50x200xi32, #tpu.memory_space<hbm>>
      %dma_wait3A_139 = tpu.memref_squeeze %dma_wait3A_138 : memref<1x50x200xi32, #tpu.memory_space<hbm>> -> memref<50x200xi32, #tpu.memory_space<hbm>>
      %dma_wait3A_140 = arith.constant 0 : i32
      %dma_wait3A_141 = arith.constant 0 : i32
      %dma_wait3A_142 = tpu.memref_slice %arg3[%add3A, %dma_wait3A_140, %dma_wait3A_141] : memref<32x50x200xi32, #tpu.memory_space<hbm>> -> memref<1x50x200xi32, #tpu.memory_space<hbm>>
      %dma_wait3A_143 = tpu.memref_squeeze %dma_wait3A_142 : memref<1x50x200xi32, #tpu.memory_space<hbm>> -> memref<50x200xi32, #tpu.memory_space<hbm>>
      tpu.wait_dma2 semaphore(%run_scoped3A : memref<!tpu.dma_semaphore, #tpu.memory_space<semaphore_mem>>) src(%dma_wait3A_143 : memref<50x200xi32, #tpu.memory_space<hbm>>) dst(%arg8 : memref<50x200xi32, #tpu.memory_space<vmem>>)
      tpu.yield
    }) : () -> ()
    "tpu.region"() ({
      %run_scoped3A = tpu.sem_alloc : memref<!tpu.dma_semaphore, #tpu.memory_space<semaphore_mem>>
      %dma_start3A_128 = arith.constant 0 : i32
      %dma_start3A_129 = arith.constant 0 : i32
      %dma_start3A_130 = tpu.memref_slice %arg4[%add3A, %dma_start3A_128, %dma_start3A_129] : memref<32x50x200xi32, #tpu.memory_space<hbm>> -> memref<1x50x200xi32, #tpu.memory_space<hbm>>
      %dma_start3A_131 = tpu.memref_squeeze %dma_start3A_130 : memref<1x50x200xi32, #tpu.memory_space<hbm>> -> memref<50x200xi32, #tpu.memory_space<hbm>>
      %dma_start3A_132 = arith.constant 0 : i32
      %dma_start3A_133 = arith.constant 0 : i32
      %dma_start3A_134 = tpu.memref_slice %arg4[%add3A, %dma_start3A_132, %dma_start3A_133] : memref<32x50x200xi32, #tpu.memory_space<hbm>> -> memref<1x50x200xi32, #tpu.memory_space<hbm>>
      %dma_start3A_135 = tpu.memref_squeeze %dma_start3A_134 : memref<1x50x200xi32, #tpu.memory_space<hbm>> -> memref<50x200xi32, #tpu.memory_space<hbm>>
      tpu.enqueue_dma source(%dma_start3A_135 : memref<50x200xi32, #tpu.memory_space<hbm>>) target(%arg9 : memref<50x200xi32, #tpu.memory_space<vmem>>) target_semaphore(%run_scoped3A : memref<!tpu.dma_semaphore, #tpu.memory_space<semaphore_mem>>)
      %dma_wait3A_136 = arith.constant 0 : i32
      %dma_wait3A_137 = arith.constant 0 : i32
      %dma_wait3A_138 = tpu.memref_slice %arg4[%add3A, %dma_wait3A_136, %dma_wait3A_137] : memref<32x50x200xi32, #tpu.memory_space<hbm>> -> memref<1x50x200xi32, #tpu.memory_space<hbm>>
      %dma_wait3A_139 = tpu.memref_squeeze %dma_wait3A_138 : memref<1x50x200xi32, #tpu.memory_space<hbm>> -> memref<50x200xi32, #tpu.memory_space<hbm>>
      %dma_wait3A_140 = arith.constant 0 : i32
      %dma_wait3A_141 = arith.constant 0 : i32
      %dma_wait3A_142 = tpu.memref_slice %arg4[%add3A, %dma_wait3A_140, %dma_wait3A_141] : memref<32x50x200xi32, #tpu.memory_space<hbm>> -> memref<1x50x200xi32, #tpu.memory_space<hbm>>
      %dma_wait3A_143 = tpu.memref_squeeze %dma_wait3A_142 : memref<1x50x200xi32, #tpu.memory_space<hbm>> -> memref<50x200xi32, #tpu.memory_space<hbm>>
      tpu.wait_dma2 semaphore(%run_scoped3A : memref<!tpu.dma_semaphore, #tpu.memory_space<semaphore_mem>>) src(%dma_wait3A_143 : memref<50x200xi32, #tpu.memory_space<hbm>>) dst(%arg9 : memref<50x200xi32, #tpu.memory_space<vmem>>)
      tpu.yield
    }) : () -> ()
    %lt3A = arith.constant 15 : i32
    %lt3A_1 = arith.cmpi slt, %arg1, %lt3A : i32
    %convert_element_type3A = arith.extui %lt3A_1 : i1 to i32
    %cond3A = arith.constant 0 : i32
    %cond3A_2 = arith.cmpi ne, %convert_element_type3A, %cond3A : i32
    scf.if %cond3A_2 {
      %mul3A_128 = arith.constant 640 : i32
      %mul3A_129 = arith.muli %arg1, %mul3A_128 : i32
      "tpu.region"() ({
        %run_scoped3A = tpu.sem_alloc : memref<!tpu.dma_semaphore, #tpu.memory_space<semaphore_mem>>
        %dma_start3A_130 = arith.constant 0 : i32
        %dma_start3A_131 = tpu.memref_slice %arg11[%mul3A_129, %dma_start3A_130] : memref<10000x128xbf16, #tpu.memory_space<vmem_shared>> -> memref<640x128xbf16, #tpu.memory_space<vmem_shared>>
        %dma_start3A_132 = arith.constant 0 : i32
        %dma_start3A_133 = tpu.memref_slice %arg5[%mul3A_129, %dma_start3A_132] : memref<10000x128xbf16, #tpu.memory_space<hbm>> -> memref<640x128xbf16, #tpu.memory_space<hbm>>
        tpu.enqueue_dma source(%dma_start3A_133 : memref<640x128xbf16, #tpu.memory_space<hbm>>) target(%dma_start3A_131 : memref<640x128xbf16, #tpu.memory_space<vmem_shared>>) target_semaphore(%run_scoped3A : memref<!tpu.dma_semaphore, #tpu.memory_space<semaphore_mem>>)
        %dma_wait3A_134 = arith.constant 0 : i32
        %dma_wait3A_135 = tpu.memref_slice %arg11[%mul3A_129, %dma_wait3A_134] : memref<10000x128xbf16, #tpu.memory_space<vmem_shared>> -> memref<640x128xbf16, #tpu.memory_space<vmem_shared>>
        %dma_wait3A_136 = arith.constant 0 : i32
        %dma_wait3A_137 = tpu.memref_slice %arg5[%mul3A_129, %dma_wait3A_136] : memref<10000x128xbf16, #tpu.memory_space<hbm>> -> memref<640x128xbf16, #tpu.memory_space<hbm>>
        tpu.wait_dma2 semaphore(%run_scoped3A : memref<!tpu.dma_semaphore, #tpu.memory_space<semaphore_mem>>) src(%dma_wait3A_137 : memref<640x128xbf16, #tpu.memory_space<hbm>>) dst(%dma_wait3A_135 : memref<640x128xbf16, #tpu.memory_space<vmem_shared>>)
        tpu.yield
      }) : () -> ()
    } else {
    }
    %eq3A = arith.constant 15 : i32
    %eq3A_3 = arith.cmpi eq, %arg1, %eq3A : i32
    %convert_element_type3A_4 = arith.extui %eq3A_3 : i1 to i32
    %cond3A_5 = arith.constant 0 : i32
    %cond3A_6 = arith.cmpi ne, %convert_element_type3A_4, %cond3A_5 : i32
    scf.if %cond3A_6 {
      "tpu.region"() ({
        %run_scoped3A = tpu.sem_alloc : memref<!tpu.dma_semaphore, #tpu.memory_space<semaphore_mem>>
        %dma_start3A_128 = arith.constant 9600 : i32
        %dma_start3A_129 = arith.constant 0 : i32
        %dma_start3A_130 = tpu.memref_slice %arg11[%dma_start3A_128, %dma_start3A_129] : memref<10000x128xbf16, #tpu.memory_space<vmem_shared>> -> memref<400x128xbf16, #tpu.memory_space<vmem_shared>>
        %dma_start3A_131 = arith.constant 9600 : i32
        %dma_start3A_132 = arith.constant 0 : i32
        %dma_start3A_133 = tpu.memref_slice %arg5[%dma_start3A_131, %dma_start3A_132] : memref<10000x128xbf16, #tpu.memory_space<hbm>> -> memref<400x128xbf16, #tpu.memory_space<hbm>>
        tpu.enqueue_dma source(%dma_start3A_133 : memref<400x128xbf16, #tpu.memory_space<hbm>>) target(%dma_start3A_130 : memref<400x128xbf16, #tpu.memory_space<vmem_shared>>) target_semaphore(%run_scoped3A : memref<!tpu.dma_semaphore, #tpu.memory_space<semaphore_mem>>)
        %dma_wait3A_134 = arith.constant 9600 : i32
        %dma_wait3A_135 = arith.constant 0 : i32
        %dma_wait3A_136 = tpu.memref_slice %arg11[%dma_wait3A_134, %dma_wait3A_135] : memref<10000x128xbf16, #tpu.memory_space<vmem_shared>> -> memref<400x128xbf16, #tpu.memory_space<vmem_shared>>
        %dma_wait3A_137 = arith.constant 9600 : i32
        %dma_wait3A_138 = arith.constant 0 : i32
        %dma_wait3A_139 = tpu.memref_slice %arg5[%dma_wait3A_137, %dma_wait3A_138] : memref<10000x128xbf16, #tpu.memory_space<hbm>> -> memref<400x128xbf16, #tpu.memory_space<hbm>>
        tpu.wait_dma2 semaphore(%run_scoped3A : memref<!tpu.dma_semaphore, #tpu.memory_space<semaphore_mem>>) src(%dma_wait3A_139 : memref<400x128xbf16, #tpu.memory_space<hbm>>) dst(%dma_wait3A_136 : memref<400x128xbf16, #tpu.memory_space<vmem_shared>>)
        tpu.yield
      }) : () -> ()
    } else {
    }
    %barrier3A = arith.constant 0 : index
    tpu.barrier barrier_id(%barrier3A)
    %dma_start3A = arith.constant 0 : i32
    %dma_start3A_7 = arith.constant 0 : i32
    %dma_start3A_8 = arith.constant 0 : i32
    %dma_start3A_9 = arith.constant 0 : i32
    %dma_start3A_10 = tpu.memref_slice %arg10[%dma_start3A_7, %dma_start3A_8, %dma_start3A_9] : memref<3x200x128xbf16, #tpu.memory_space<vmem>> -> memref<1x200x128xbf16, #tpu.memory_space<vmem>>
    %dma_start3A_11 = tpu.memref_squeeze %dma_start3A_10 : memref<1x200x128xbf16, #tpu.memory_space<vmem>> -> memref<200x128xbf16, #tpu.memory_space<vmem>>
    %dma_start3A_12 = arith.constant 0 : i32
    %dma_start3A_13 = tpu.memref_slice %arg8[%dma_start3A, %dma_start3A_12] : memref<50x200xi32, #tpu.memory_space<vmem>> -> memref<1x200xi32, #tpu.memory_space<vmem>>
    %dma_start3A_14 = tpu.memref_squeeze %dma_start3A_13 : memref<1x200xi32, #tpu.memory_space<vmem>> -> memref<200xi32, #tpu.memory_space<vmem>>
    %dma_start3A_15 = arith.constant 0 : i32
    %dma_start3A_16 = arith.constant 0 : i32
    %dma_start3A_17 = tpu.memref_slice %arg2[%dma_start3A_15, %dma_start3A_16] : memref<10000x128xbf16, #tpu.memory_space<hbm>> -> memref<10000x128xbf16, #tpu.memory_space<hbm>>
    tpu.enqueue_indirect_dma source(%dma_start3A_17 : memref<10000x128xbf16, #tpu.memory_space<hbm>>) target(%dma_start3A_11 : memref<200x128xbf16, #tpu.memory_space<vmem>>) offsets(%dma_start3A_14 : memref<200xi32, #tpu.memory_space<vmem>>) semaphore(%arg12 : memref<!tpu.dma_semaphore, #tpu.memory_space<semaphore_mem>>)
    %dma_start3A_18 = arith.constant 1 : i32
    %dma_start3A_19 = arith.constant 1 : i32
    %dma_start3A_20 = arith.constant 0 : i32
    %dma_start3A_21 = arith.constant 0 : i32
    %dma_start3A_22 = tpu.memref_slice %arg10[%dma_start3A_19, %dma_start3A_20, %dma_start3A_21] : memref<3x200x128xbf16, #tpu.memory_space<vmem>> -> memref<1x200x128xbf16, #tpu.memory_space<vmem>>
    %dma_start3A_23 = tpu.memref_squeeze %dma_start3A_22 : memref<1x200x128xbf16, #tpu.memory_space<vmem>> -> memref<200x128xbf16, #tpu.memory_space<vmem>>
    %dma_start3A_24 = arith.constant 0 : i32
    %dma_start3A_25 = tpu.memref_slice %arg8[%dma_start3A_18, %dma_start3A_24] : memref<50x200xi32, #tpu.memory_space<vmem>> -> memref<1x200xi32, #tpu.memory_space<vmem>>
    %dma_start3A_26 = tpu.memref_squeeze %dma_start3A_25 : memref<1x200xi32, #tpu.memory_space<vmem>> -> memref<200xi32, #tpu.memory_space<vmem>>
    %dma_start3A_27 = arith.constant 0 : i32
    %dma_start3A_28 = arith.constant 0 : i32
    %dma_start3A_29 = tpu.memref_slice %arg2[%dma_start3A_27, %dma_start3A_28] : memref<10000x128xbf16, #tpu.memory_space<hbm>> -> memref<10000x128xbf16, #tpu.memory_space<hbm>>
    tpu.enqueue_indirect_dma source(%dma_start3A_29 : memref<10000x128xbf16, #tpu.memory_space<hbm>>) target(%dma_start3A_23 : memref<200x128xbf16, #tpu.memory_space<vmem>>) offsets(%dma_start3A_26 : memref<200xi32, #tpu.memory_space<vmem>>) semaphore(%arg13 : memref<!tpu.dma_semaphore, #tpu.memory_space<semaphore_mem>>)
    %scan3A = arith.constant 0 : i32
    %scan3A_30 = arith.constant 16 : i32
    %scan3A_31 = arith.addi %scan3A, %scan3A_30 : i32
    %scan3A_32 = arith.constant 1 : i32
    scf.for %scan3A_128 = %scan3A to %scan3A_31 step %scan3A_32  : i32 {
      %mul3A_129 = arith.constant 3 : i32
      %mul3A_130 = arith.muli %scan3A_128, %mul3A_129 : i32
      %add3A_131 = arith.constant 0 : i32
      %add3A_132 = arith.addi %add3A_131, %mul3A_130 : i32
      %add3A_133 = arith.constant 0 : i32
      %add3A_134 = arith.addi %add3A_132, %add3A_133 : i32
      %ge3A = arith.constant 1 : i32
      %ge3A_135 = arith.cmpi sge, %add3A_134, %ge3A : i32
      %convert_element_type3A_136 = arith.extui %ge3A_135 : i1 to i32
      %cond3A_137 = arith.constant 0 : i32
      %cond3A_138 = arith.cmpi ne, %convert_element_type3A_136, %cond3A_137 : i32
      scf.if %cond3A_138 {
        %sub3A = arith.constant 1 : i32
        %sub3A_258 = arith.subi %add3A_134, %sub3A : i32
        %dma_wait3A_259 = arith.constant 2 : i32
        %dma_wait3A_260 = arith.constant 0 : i32
        %dma_wait3A_261 = arith.constant 0 : i32
        %dma_wait3A_262 = tpu.memref_slice %arg10[%dma_wait3A_259, %dma_wait3A_260, %dma_wait3A_261] : memref<3x200x128xbf16, #tpu.memory_space<vmem>> -> memref<1x200x128xbf16, #tpu.memory_space<vmem>>
        %dma_wait3A_263 = tpu.memref_squeeze %dma_wait3A_262 : memref<1x200x128xbf16, #tpu.memory_space<vmem>> -> memref<200x128xbf16, #tpu.memory_space<vmem>>
        %dma_wait3A_264 = arith.constant 0 : i32
        %dma_wait3A_265 = tpu.memref_slice %arg9[%sub3A_258, %dma_wait3A_264] : memref<50x200xi32, #tpu.memory_space<vmem>> -> memref<1x200xi32, #tpu.memory_space<vmem>>
        %dma_wait3A_266 = tpu.memref_squeeze %dma_wait3A_265 : memref<1x200xi32, #tpu.memory_space<vmem>> -> memref<200xi32, #tpu.memory_space<vmem>>
        %dma_wait3A_267 = arith.constant 0 : i32
        %dma_wait3A_268 = arith.constant 0 : i32
        %dma_wait3A_269 = tpu.memref_slice %arg11[%dma_wait3A_267, %dma_wait3A_268] : memref<10000x128xbf16, #tpu.memory_space<vmem_shared>> -> memref<10000x128xbf16, #tpu.memory_space<vmem_shared>>
        tpu.wait_indirect_dma semaphore(%arg17 : memref<!tpu.dma_semaphore, #tpu.memory_space<semaphore_mem>>) src(%dma_wait3A_263 : memref<200x128xbf16, #tpu.memory_space<vmem>>) dst(%dma_wait3A_269 : memref<10000x128xbf16, #tpu.memory_space<vmem_shared>>)
      } else {
      }
      %add3A_139 = arith.constant 2 : i32
      %add3A_140 = arith.addi %add3A_134, %add3A_139 : i32
      %dma_start3A_141 = arith.constant 2 : i32
      %dma_start3A_142 = arith.constant 0 : i32
      %dma_start3A_143 = arith.constant 0 : i32
      %dma_start3A_144 = tpu.memref_slice %arg10[%dma_start3A_141, %dma_start3A_142, %dma_start3A_143] : memref<3x200x128xbf16, #tpu.memory_space<vmem>> -> memref<1x200x128xbf16, #tpu.memory_space<vmem>>
      %dma_start3A_145 = tpu.memref_squeeze %dma_start3A_144 : memref<1x200x128xbf16, #tpu.memory_space<vmem>> -> memref<200x128xbf16, #tpu.memory_space<vmem>>
      %dma_start3A_146 = arith.constant 0 : i32
      %dma_start3A_147 = tpu.memref_slice %arg8[%add3A_140, %dma_start3A_146] : memref<50x200xi32, #tpu.memory_space<vmem>> -> memref<1x200xi32, #tpu.memory_space<vmem>>
      %dma_start3A_148 = tpu.memref_squeeze %dma_start3A_147 : memref<1x200xi32, #tpu.memory_space<vmem>> -> memref<200xi32, #tpu.memory_space<vmem>>
      %dma_start3A_149 = arith.constant 0 : i32
      %dma_start3A_150 = arith.constant 0 : i32
      %dma_start3A_151 = tpu.memref_slice %arg2[%dma_start3A_149, %dma_start3A_150] : memref<10000x128xbf16, #tpu.memory_space<hbm>> -> memref<10000x128xbf16, #tpu.memory_space<hbm>>
      tpu.enqueue_indirect_dma source(%dma_start3A_151 : memref<10000x128xbf16, #tpu.memory_space<hbm>>) target(%dma_start3A_145 : memref<200x128xbf16, #tpu.memory_space<vmem>>) offsets(%dma_start3A_148 : memref<200xi32, #tpu.memory_space<vmem>>) semaphore(%arg14 : memref<!tpu.dma_semaphore, #tpu.memory_space<semaphore_mem>>)
      %dma_wait3A_152 = arith.constant 0 : i32
      %dma_wait3A_153 = arith.constant 0 : i32
      %dma_wait3A_154 = arith.constant 0 : i32
      %dma_wait3A_155 = tpu.memref_slice %arg10[%dma_wait3A_152, %dma_wait3A_153, %dma_wait3A_154] : memref<3x200x128xbf16, #tpu.memory_space<vmem>> -> memref<1x200x128xbf16, #tpu.memory_space<vmem>>
      %dma_wait3A_156 = tpu.memref_squeeze %dma_wait3A_155 : memref<1x200x128xbf16, #tpu.memory_space<vmem>> -> memref<200x128xbf16, #tpu.memory_space<vmem>>
      %dma_wait3A_157 = arith.constant 0 : i32
      %dma_wait3A_158 = tpu.memref_slice %arg8[%add3A_134, %dma_wait3A_157] : memref<50x200xi32, #tpu.memory_space<vmem>> -> memref<1x200xi32, #tpu.memory_space<vmem>>
      %dma_wait3A_159 = tpu.memref_squeeze %dma_wait3A_158 : memref<1x200xi32, #tpu.memory_space<vmem>> -> memref<200xi32, #tpu.memory_space<vmem>>
      %dma_wait3A_160 = arith.constant 0 : i32
      %dma_wait3A_161 = arith.constant 0 : i32
      %dma_wait3A_162 = tpu.memref_slice %arg2[%dma_wait3A_160, %dma_wait3A_161] : memref<10000x128xbf16, #tpu.memory_space<hbm>> -> memref<10000x128xbf16, #tpu.memory_space<hbm>>
      tpu.wait_indirect_dma semaphore(%arg12 : memref<!tpu.dma_semaphore, #tpu.memory_space<semaphore_mem>>) src(%dma_wait3A_162 : memref<10000x128xbf16, #tpu.memory_space<hbm>>) dst(%dma_wait3A_156 : memref<200x128xbf16, #tpu.memory_space<vmem>>)
      %dma_start3A_163 = arith.constant 0 : i32
      %dma_start3A_164 = arith.constant 0 : i32
      %dma_start3A_165 = arith.constant 0 : i32
      %dma_start3A_166 = tpu.memref_slice %arg10[%dma_start3A_163, %dma_start3A_164, %dma_start3A_165] : memref<3x200x128xbf16, #tpu.memory_space<vmem>> -> memref<1x200x128xbf16, #tpu.memory_space<vmem>>
      %dma_start3A_167 = tpu.memref_squeeze %dma_start3A_166 : memref<1x200x128xbf16, #tpu.memory_space<vmem>> -> memref<200x128xbf16, #tpu.memory_space<vmem>>
      %dma_start3A_168 = arith.constant 0 : i32
      %dma_start3A_169 = tpu.memref_slice %arg9[%add3A_134, %dma_start3A_168] : memref<50x200xi32, #tpu.memory_space<vmem>> -> memref<1x200xi32, #tpu.memory_space<vmem>>
      %dma_start3A_170 = tpu.memref_squeeze %dma_start3A_169 : memref<1x200xi32, #tpu.memory_space<vmem>> -> memref<200xi32, #tpu.memory_space<vmem>>
      %dma_start3A_171 = arith.constant 0 : i32
      %dma_start3A_172 = arith.constant 0 : i32
      %dma_start3A_173 = tpu.memref_slice %arg11[%dma_start3A_171, %dma_start3A_172] : memref<10000x128xbf16, #tpu.memory_space<vmem_shared>> -> memref<10000x128xbf16, #tpu.memory_space<vmem_shared>>
      tpu.enqueue_indirect_dma source(%dma_start3A_167 : memref<200x128xbf16, #tpu.memory_space<vmem>>) target(%dma_start3A_173 : memref<10000x128xbf16, #tpu.memory_space<vmem_shared>>) offsets(%dma_start3A_170 : memref<200xi32, #tpu.memory_space<vmem>>) semaphore(%arg15 : memref<!tpu.dma_semaphore, #tpu.memory_space<semaphore_mem>>) {add = true}
      %add3A_174 = arith.constant 1 : i32
      %add3A_175 = arith.addi %add3A_132, %add3A_174 : i32
      %ge3A_176 = arith.constant 1 : i32
      %ge3A_177 = arith.cmpi sge, %add3A_175, %ge3A_176 : i32
      %convert_element_type3A_178 = arith.extui %ge3A_177 : i1 to i32
      %cond3A_179 = arith.constant 0 : i32
      %cond3A_180 = arith.cmpi ne, %convert_element_type3A_178, %cond3A_179 : i32
      scf.if %cond3A_180 {
        %sub3A = arith.constant 1 : i32
        %sub3A_258 = arith.subi %add3A_175, %sub3A : i32
        %dma_wait3A_259 = arith.constant 0 : i32
        %dma_wait3A_260 = arith.constant 0 : i32
        %dma_wait3A_261 = arith.constant 0 : i32
        %dma_wait3A_262 = tpu.memref_slice %arg10[%dma_wait3A_259, %dma_wait3A_260, %dma_wait3A_261] : memref<3x200x128xbf16, #tpu.memory_space<vmem>> -> memref<1x200x128xbf16, #tpu.memory_space<vmem>>
        %dma_wait3A_263 = tpu.memref_squeeze %dma_wait3A_262 : memref<1x200x128xbf16, #tpu.memory_space<vmem>> -> memref<200x128xbf16, #tpu.memory_space<vmem>>
        %dma_wait3A_264 = arith.constant 0 : i32
        %dma_wait3A_265 = tpu.memref_slice %arg9[%sub3A_258, %dma_wait3A_264] : memref<50x200xi32, #tpu.memory_space<vmem>> -> memref<1x200xi32, #tpu.memory_space<vmem>>
        %dma_wait3A_266 = tpu.memref_squeeze %dma_wait3A_265 : memref<1x200xi32, #tpu.memory_space<vmem>> -> memref<200xi32, #tpu.memory_space<vmem>>
        %dma_wait3A_267 = arith.constant 0 : i32
        %dma_wait3A_268 = arith.constant 0 : i32
        %dma_wait3A_269 = tpu.memref_slice %arg11[%dma_wait3A_267, %dma_wait3A_268] : memref<10000x128xbf16, #tpu.memory_space<vmem_shared>> -> memref<10000x128xbf16, #tpu.memory_space<vmem_shared>>
        tpu.wait_indirect_dma semaphore(%arg15 : memref<!tpu.dma_semaphore, #tpu.memory_space<semaphore_mem>>) src(%dma_wait3A_263 : memref<200x128xbf16, #tpu.memory_space<vmem>>) dst(%dma_wait3A_269 : memref<10000x128xbf16, #tpu.memory_space<vmem_shared>>)
      } else {
      }
      %add3A_181 = arith.constant 2 : i32
      %add3A_182 = arith.addi %add3A_175, %add3A_181 : i32
      %dma_start3A_183 = arith.constant 0 : i32
      %dma_start3A_184 = arith.constant 0 : i32
      %dma_start3A_185 = arith.constant 0 : i32
      %dma_start3A_186 = tpu.memref_slice %arg10[%dma_start3A_183, %dma_start3A_184, %dma_start3A_185] : memref<3x200x128xbf16, #tpu.memory_space<vmem>> -> memref<1x200x128xbf16, #tpu.memory_space<vmem>>
      %dma_start3A_187 = tpu.memref_squeeze %dma_start3A_186 : memref<1x200x128xbf16, #tpu.memory_space<vmem>> -> memref<200x128xbf16, #tpu.memory_space<vmem>>
      %dma_start3A_188 = arith.constant 0 : i32
      %dma_start3A_189 = tpu.memref_slice %arg8[%add3A_182, %dma_start3A_188] : memref<50x200xi32, #tpu.memory_space<vmem>> -> memref<1x200xi32, #tpu.memory_space<vmem>>
      %dma_start3A_190 = tpu.memref_squeeze %dma_start3A_189 : memref<1x200xi32, #tpu.memory_space<vmem>> -> memref<200xi32, #tpu.memory_space<vmem>>
      %dma_start3A_191 = arith.constant 0 : i32
      %dma_start3A_192 = arith.constant 0 : i32
      %dma_start3A_193 = tpu.memref_slice %arg2[%dma_start3A_191, %dma_start3A_192] : memref<10000x128xbf16, #tpu.memory_space<hbm>> -> memref<10000x128xbf16, #tpu.memory_space<hbm>>
      tpu.enqueue_indirect_dma source(%dma_start3A_193 : memref<10000x128xbf16, #tpu.memory_space<hbm>>) target(%dma_start3A_187 : memref<200x128xbf16, #tpu.memory_space<vmem>>) offsets(%dma_start3A_190 : memref<200xi32, #tpu.memory_space<vmem>>) semaphore(%arg12 : memref<!tpu.dma_semaphore, #tpu.memory_space<semaphore_mem>>)
      %dma_wait3A_194 = arith.constant 1 : i32
      %dma_wait3A_195 = arith.constant 0 : i32
      %dma_wait3A_196 = arith.constant 0 : i32
      %dma_wait3A_197 = tpu.memref_slice %arg10[%dma_wait3A_194, %dma_wait3A_195, %dma_wait3A_196] : memref<3x200x128xbf16, #tpu.memory_space<vmem>> -> memref<1x200x128xbf16, #tpu.memory_space<vmem>>
      %dma_wait3A_198 = tpu.memref_squeeze %dma_wait3A_197 : memref<1x200x128xbf16, #tpu.memory_space<vmem>> -> memref<200x128xbf16, #tpu.memory_space<vmem>>
      %dma_wait3A_199 = arith.constant 0 : i32
      %dma_wait3A_200 = tpu.memref_slice %arg8[%add3A_175, %dma_wait3A_199] : memref<50x200xi32, #tpu.memory_space<vmem>> -> memref<1x200xi32, #tpu.memory_space<vmem>>
      %dma_wait3A_201 = tpu.memref_squeeze %dma_wait3A_200 : memref<1x200xi32, #tpu.memory_space<vmem>> -> memref<200xi32, #tpu.memory_space<vmem>>
      %dma_wait3A_202 = arith.constant 0 : i32
      %dma_wait3A_203 = arith.constant 0 : i32
      %dma_wait3A_204 = tpu.memref_slice %arg2[%dma_wait3A_202, %dma_wait3A_203] : memref<10000x128xbf16, #tpu.memory_space<hbm>> -> memref<10000x128xbf16, #tpu.memory_space<hbm>>
      tpu.wait_indirect_dma semaphore(%arg13 : memref<!tpu.dma_semaphore, #tpu.memory_space<semaphore_mem>>) src(%dma_wait3A_204 : memref<10000x128xbf16, #tpu.memory_space<hbm>>) dst(%dma_wait3A_198 : memref<200x128xbf16, #tpu.memory_space<vmem>>)
      %dma_start3A_205 = arith.constant 1 : i32
      %dma_start3A_206 = arith.constant 0 : i32
      %dma_start3A_207 = arith.constant 0 : i32
      %dma_start3A_208 = tpu.memref_slice %arg10[%dma_start3A_205, %dma_start3A_206, %dma_start3A_207] : memref<3x200x128xbf16, #tpu.memory_space<vmem>> -> memref<1x200x128xbf16, #tpu.memory_space<vmem>>
      %dma_start3A_209 = tpu.memref_squeeze %dma_start3A_208 : memref<1x200x128xbf16, #tpu.memory_space<vmem>> -> memref<200x128xbf16, #tpu.memory_space<vmem>>
      %dma_start3A_210 = arith.constant 0 : i32
      %dma_start3A_211 = tpu.memref_slice %arg9[%add3A_175, %dma_start3A_210] : memref<50x200xi32, #tpu.memory_space<vmem>> -> memref<1x200xi32, #tpu.memory_space<vmem>>
      %dma_start3A_212 = tpu.memref_squeeze %dma_start3A_211 : memref<1x200xi32, #tpu.memory_space<vmem>> -> memref<200xi32, #tpu.memory_space<vmem>>
      %dma_start3A_213 = arith.constant 0 : i32
      %dma_start3A_214 = arith.constant 0 : i32
      %dma_start3A_215 = tpu.memref_slice %arg11[%dma_start3A_213, %dma_start3A_214] : memref<10000x128xbf16, #tpu.memory_space<vmem_shared>> -> memref<10000x128xbf16, #tpu.memory_space<vmem_shared>>
      tpu.enqueue_indirect_dma source(%dma_start3A_209 : memref<200x128xbf16, #tpu.memory_space<vmem>>) target(%dma_start3A_215 : memref<10000x128xbf16, #tpu.memory_space<vmem_shared>>) offsets(%dma_start3A_212 : memref<200xi32, #tpu.memory_space<vmem>>) semaphore(%arg16 : memref<!tpu.dma_semaphore, #tpu.memory_space<semaphore_mem>>) {add = true}
      %add3A_216 = arith.constant 2 : i32
      %add3A_217 = arith.addi %add3A_132, %add3A_216 : i32
      %ge3A_218 = arith.constant 1 : i32
      %ge3A_219 = arith.cmpi sge, %add3A_217, %ge3A_218 : i32
      %convert_element_type3A_220 = arith.extui %ge3A_219 : i1 to i32
      %cond3A_221 = arith.constant 0 : i32
      %cond3A_222 = arith.cmpi ne, %convert_element_type3A_220, %cond3A_221 : i32
      scf.if %cond3A_222 {
        %sub3A = arith.constant 1 : i32
        %sub3A_258 = arith.subi %add3A_217, %sub3A : i32
        %dma_wait3A_259 = arith.constant 1 : i32
        %dma_wait3A_260 = arith.constant 0 : i32
        %dma_wait3A_261 = arith.constant 0 : i32
        %dma_wait3A_262 = tpu.memref_slice %arg10[%dma_wait3A_259, %dma_wait3A_260, %dma_wait3A_261] : memref<3x200x128xbf16, #tpu.memory_space<vmem>> -> memref<1x200x128xbf16, #tpu.memory_space<vmem>>
        %dma_wait3A_263 = tpu.memref_squeeze %dma_wait3A_262 : memref<1x200x128xbf16, #tpu.memory_space<vmem>> -> memref<200x128xbf16, #tpu.memory_space<vmem>>
        %dma_wait3A_264 = arith.constant 0 : i32
        %dma_wait3A_265 = tpu.memref_slice %arg9[%sub3A_258, %dma_wait3A_264] : memref<50x200xi32, #tpu.memory_space<vmem>> -> memref<1x200xi32, #tpu.memory_space<vmem>>
        %dma_wait3A_266 = tpu.memref_squeeze %dma_wait3A_265 : memref<1x200xi32, #tpu.memory_space<vmem>> -> memref<200xi32, #tpu.memory_space<vmem>>
        %dma_wait3A_267 = arith.constant 0 : i32
        %dma_wait3A_268 = arith.constant 0 : i32
        %dma_wait3A_269 = tpu.memref_slice %arg11[%dma_wait3A_267, %dma_wait3A_268] : memref<10000x128xbf16, #tpu.memory_space<vmem_shared>> -> memref<10000x128xbf16, #tpu.memory_space<vmem_shared>>
        tpu.wait_indirect_dma semaphore(%arg16 : memref<!tpu.dma_semaphore, #tpu.memory_space<semaphore_mem>>) src(%dma_wait3A_263 : memref<200x128xbf16, #tpu.memory_space<vmem>>) dst(%dma_wait3A_269 : memref<10000x128xbf16, #tpu.memory_space<vmem_shared>>)
      } else {
      }
      %add3A_223 = arith.constant 2 : i32
      %add3A_224 = arith.addi %add3A_217, %add3A_223 : i32
      %dma_start3A_225 = arith.constant 1 : i32
      %dma_start3A_226 = arith.constant 0 : i32
      %dma_start3A_227 = arith.constant 0 : i32
      %dma_start3A_228 = tpu.memref_slice %arg10[%dma_start3A_225, %dma_start3A_226, %dma_start3A_227] : memref<3x200x128xbf16, #tpu.memory_space<vmem>> -> memref<1x200x128xbf16, #tpu.memory_space<vmem>>
      %dma_start3A_229 = tpu.memref_squeeze %dma_start3A_228 : memref<1x200x128xbf16, #tpu.memory_space<vmem>> -> memref<200x128xbf16, #tpu.memory_space<vmem>>
      %dma_start3A_230 = arith.constant 0 : i32
      %dma_start3A_231 = tpu.memref_slice %arg8[%add3A_224, %dma_start3A_230] : memref<50x200xi32, #tpu.memory_space<vmem>> -> memref<1x200xi32, #tpu.memory_space<vmem>>
      %dma_start3A_232 = tpu.memref_squeeze %dma_start3A_231 : memref<1x200xi32, #tpu.memory_space<vmem>> -> memref<200xi32, #tpu.memory_space<vmem>>
      %dma_start3A_233 = arith.constant 0 : i32
      %dma_start3A_234 = arith.constant 0 : i32
      %dma_start3A_235 = tpu.memref_slice %arg2[%dma_start3A_233, %dma_start3A_234] : memref<10000x128xbf16, #tpu.memory_space<hbm>> -> memref<10000x128xbf16, #tpu.memory_space<hbm>>
      tpu.enqueue_indirect_dma source(%dma_start3A_235 : memref<10000x128xbf16, #tpu.memory_space<hbm>>) target(%dma_start3A_229 : memref<200x128xbf16, #tpu.memory_space<vmem>>) offsets(%dma_start3A_232 : memref<200xi32, #tpu.memory_space<vmem>>) semaphore(%arg13 : memref<!tpu.dma_semaphore, #tpu.memory_space<semaphore_mem>>)
      %dma_wait3A_236 = arith.constant 2 : i32
      %dma_wait3A_237 = arith.constant 0 : i32
      %dma_wait3A_238 = arith.constant 0 : i32
      %dma_wait3A_239 = tpu.memref_slice %arg10[%dma_wait3A_236, %dma_wait3A_237, %dma_wait3A_238] : memref<3x200x128xbf16, #tpu.memory_space<vmem>> -> memref<1x200x128xbf16, #tpu.memory_space<vmem>>
      %dma_wait3A_240 = tpu.memref_squeeze %dma_wait3A_239 : memref<1x200x128xbf16, #tpu.memory_space<vmem>> -> memref<200x128xbf16, #tpu.memory_space<vmem>>
      %dma_wait3A_241 = arith.constant 0 : i32
      %dma_wait3A_242 = tpu.memref_slice %arg8[%add3A_217, %dma_wait3A_241] : memref<50x200xi32, #tpu.memory_space<vmem>> -> memref<1x200xi32, #tpu.memory_space<vmem>>
      %dma_wait3A_243 = tpu.memref_squeeze %dma_wait3A_242 : memref<1x200xi32, #tpu.memory_space<vmem>> -> memref<200xi32, #tpu.memory_space<vmem>>
      %dma_wait3A_244 = arith.constant 0 : i32
      %dma_wait3A_245 = arith.constant 0 : i32
      %dma_wait3A_246 = tpu.memref_slice %arg2[%dma_wait3A_244, %dma_wait3A_245] : memref<10000x128xbf16, #tpu.memory_space<hbm>> -> memref<10000x128xbf16, #tpu.memory_space<hbm>>
      tpu.wait_indirect_dma semaphore(%arg14 : memref<!tpu.dma_semaphore, #tpu.memory_space<semaphore_mem>>) src(%dma_wait3A_246 : memref<10000x128xbf16, #tpu.memory_space<hbm>>) dst(%dma_wait3A_240 : memref<200x128xbf16, #tpu.memory_space<vmem>>)
      %dma_start3A_247 = arith.constant 2 : i32
      %dma_start3A_248 = arith.constant 0 : i32
      %dma_start3A_249 = arith.constant 0 : i32
      %dma_start3A_250 = tpu.memref_slice %arg10[%dma_start3A_247, %dma_start3A_248, %dma_start3A_249] : memref<3x200x128xbf16, #tpu.memory_space<vmem>> -> memref<1x200x128xbf16, #tpu.memory_space<vmem>>
      %dma_start3A_251 = tpu.memref_squeeze %dma_start3A_250 : memref<1x200x128xbf16, #tpu.memory_space<vmem>> -> memref<200x128xbf16, #tpu.memory_space<vmem>>
      %dma_start3A_252 = arith.constant 0 : i32
      %dma_start3A_253 = tpu.memref_slice %arg9[%add3A_217, %dma_start3A_252] : memref<50x200xi32, #tpu.memory_space<vmem>> -> memref<1x200xi32, #tpu.memory_space<vmem>>
      %dma_start3A_254 = tpu.memref_squeeze %dma_start3A_253 : memref<1x200xi32, #tpu.memory_space<vmem>> -> memref<200xi32, #tpu.memory_space<vmem>>
      %dma_start3A_255 = arith.constant 0 : i32
      %dma_start3A_256 = arith.constant 0 : i32
      %dma_start3A_257 = tpu.memref_slice %arg11[%dma_start3A_255, %dma_start3A_256] : memref<10000x128xbf16, #tpu.memory_space<vmem_shared>> -> memref<10000x128xbf16, #tpu.memory_space<vmem_shared>>
      tpu.enqueue_indirect_dma source(%dma_start3A_251 : memref<200x128xbf16, #tpu.memory_space<vmem>>) target(%dma_start3A_257 : memref<10000x128xbf16, #tpu.memory_space<vmem_shared>>) offsets(%dma_start3A_254 : memref<200xi32, #tpu.memory_space<vmem>>) semaphore(%arg17 : memref<!tpu.dma_semaphore, #tpu.memory_space<semaphore_mem>>) {add = true}
    }
    %scan3A_33 = arith.constant 16 : i32
    %dma_wait3A = arith.constant 48 : i32
    %dma_wait3A_34 = arith.constant 0 : i32
    %dma_wait3A_35 = arith.constant 0 : i32
    %dma_wait3A_36 = arith.constant 0 : i32
    %dma_wait3A_37 = tpu.memref_slice %arg10[%dma_wait3A_34, %dma_wait3A_35, %dma_wait3A_36] : memref<3x200x128xbf16, #tpu.memory_space<vmem>> -> memref<1x200x128xbf16, #tpu.memory_space<vmem>>
    %dma_wait3A_38 = tpu.memref_squeeze %dma_wait3A_37 : memref<1x200x128xbf16, #tpu.memory_space<vmem>> -> memref<200x128xbf16, #tpu.memory_space<vmem>>
    %dma_wait3A_39 = arith.constant 0 : i32
    %dma_wait3A_40 = tpu.memref_slice %arg8[%dma_wait3A, %dma_wait3A_39] : memref<50x200xi32, #tpu.memory_space<vmem>> -> memref<1x200xi32, #tpu.memory_space<vmem>>
    %dma_wait3A_41 = tpu.memref_squeeze %dma_wait3A_40 : memref<1x200xi32, #tpu.memory_space<vmem>> -> memref<200xi32, #tpu.memory_space<vmem>>
    %dma_wait3A_42 = arith.constant 0 : i32
    %dma_wait3A_43 = arith.constant 0 : i32
    %dma_wait3A_44 = tpu.memref_slice %arg2[%dma_wait3A_42, %dma_wait3A_43] : memref<10000x128xbf16, #tpu.memory_space<hbm>> -> memref<10000x128xbf16, #tpu.memory_space<hbm>>
    tpu.wait_indirect_dma semaphore(%arg12 : memref<!tpu.dma_semaphore, #tpu.memory_space<semaphore_mem>>) src(%dma_wait3A_44 : memref<10000x128xbf16, #tpu.memory_space<hbm>>) dst(%dma_wait3A_38 : memref<200x128xbf16, #tpu.memory_space<vmem>>)
    %dma_start3A_45 = arith.constant 0 : i32
    %dma_start3A_46 = arith.constant 48 : i32
    %dma_start3A_47 = arith.constant 0 : i32
    %dma_start3A_48 = arith.constant 0 : i32
    %dma_start3A_49 = tpu.memref_slice %arg10[%dma_start3A_45, %dma_start3A_47, %dma_start3A_48] : memref<3x200x128xbf16, #tpu.memory_space<vmem>> -> memref<1x200x128xbf16, #tpu.memory_space<vmem>>
    %dma_start3A_50 = tpu.memref_squeeze %dma_start3A_49 : memref<1x200x128xbf16, #tpu.memory_space<vmem>> -> memref<200x128xbf16, #tpu.memory_space<vmem>>
    %dma_start3A_51 = arith.constant 0 : i32
    %dma_start3A_52 = tpu.memref_slice %arg9[%dma_start3A_46, %dma_start3A_51] : memref<50x200xi32, #tpu.memory_space<vmem>> -> memref<1x200xi32, #tpu.memory_space<vmem>>
    %dma_start3A_53 = tpu.memref_squeeze %dma_start3A_52 : memref<1x200xi32, #tpu.memory_space<vmem>> -> memref<200xi32, #tpu.memory_space<vmem>>
    %dma_start3A_54 = arith.constant 0 : i32
    %dma_start3A_55 = arith.constant 0 : i32
    %dma_start3A_56 = tpu.memref_slice %arg11[%dma_start3A_54, %dma_start3A_55] : memref<10000x128xbf16, #tpu.memory_space<vmem_shared>> -> memref<10000x128xbf16, #tpu.memory_space<vmem_shared>>
    tpu.enqueue_indirect_dma source(%dma_start3A_50 : memref<200x128xbf16, #tpu.memory_space<vmem>>) target(%dma_start3A_56 : memref<10000x128xbf16, #tpu.memory_space<vmem_shared>>) offsets(%dma_start3A_53 : memref<200xi32, #tpu.memory_space<vmem>>) semaphore(%arg15 : memref<!tpu.dma_semaphore, #tpu.memory_space<semaphore_mem>>) {add = true}
    %dma_wait3A_57 = arith.constant 49 : i32
    %dma_wait3A_58 = arith.constant 1 : i32
    %dma_wait3A_59 = arith.constant 0 : i32
    %dma_wait3A_60 = arith.constant 0 : i32
    %dma_wait3A_61 = tpu.memref_slice %arg10[%dma_wait3A_58, %dma_wait3A_59, %dma_wait3A_60] : memref<3x200x128xbf16, #tpu.memory_space<vmem>> -> memref<1x200x128xbf16, #tpu.memory_space<vmem>>
    %dma_wait3A_62 = tpu.memref_squeeze %dma_wait3A_61 : memref<1x200x128xbf16, #tpu.memory_space<vmem>> -> memref<200x128xbf16, #tpu.memory_space<vmem>>
    %dma_wait3A_63 = arith.constant 0 : i32
    %dma_wait3A_64 = tpu.memref_slice %arg8[%dma_wait3A_57, %dma_wait3A_63] : memref<50x200xi32, #tpu.memory_space<vmem>> -> memref<1x200xi32, #tpu.memory_space<vmem>>
    %dma_wait3A_65 = tpu.memref_squeeze %dma_wait3A_64 : memref<1x200xi32, #tpu.memory_space<vmem>> -> memref<200xi32, #tpu.memory_space<vmem>>
    %dma_wait3A_66 = arith.constant 0 : i32
    %dma_wait3A_67 = arith.constant 0 : i32
    %dma_wait3A_68 = tpu.memref_slice %arg2[%dma_wait3A_66, %dma_wait3A_67] : memref<10000x128xbf16, #tpu.memory_space<hbm>> -> memref<10000x128xbf16, #tpu.memory_space<hbm>>
    tpu.wait_indirect_dma semaphore(%arg13 : memref<!tpu.dma_semaphore, #tpu.memory_space<semaphore_mem>>) src(%dma_wait3A_68 : memref<10000x128xbf16, #tpu.memory_space<hbm>>) dst(%dma_wait3A_62 : memref<200x128xbf16, #tpu.memory_space<vmem>>)
    %dma_start3A_69 = arith.constant 1 : i32
    %dma_start3A_70 = arith.constant 49 : i32
    %dma_start3A_71 = arith.constant 0 : i32
    %dma_start3A_72 = arith.constant 0 : i32
    %dma_start3A_73 = tpu.memref_slice %arg10[%dma_start3A_69, %dma_start3A_71, %dma_start3A_72] : memref<3x200x128xbf16, #tpu.memory_space<vmem>> -> memref<1x200x128xbf16, #tpu.memory_space<vmem>>
    %dma_start3A_74 = tpu.memref_squeeze %dma_start3A_73 : memref<1x200x128xbf16, #tpu.memory_space<vmem>> -> memref<200x128xbf16, #tpu.memory_space<vmem>>
    %dma_start3A_75 = arith.constant 0 : i32
    %dma_start3A_76 = tpu.memref_slice %arg9[%dma_start3A_70, %dma_start3A_75] : memref<50x200xi32, #tpu.memory_space<vmem>> -> memref<1x200xi32, #tpu.memory_space<vmem>>
    %dma_start3A_77 = tpu.memref_squeeze %dma_start3A_76 : memref<1x200xi32, #tpu.memory_space<vmem>> -> memref<200xi32, #tpu.memory_space<vmem>>
    %dma_start3A_78 = arith.constant 0 : i32
    %dma_start3A_79 = arith.constant 0 : i32
    %dma_start3A_80 = tpu.memref_slice %arg11[%dma_start3A_78, %dma_start3A_79] : memref<10000x128xbf16, #tpu.memory_space<vmem_shared>> -> memref<10000x128xbf16, #tpu.memory_space<vmem_shared>>
    tpu.enqueue_indirect_dma source(%dma_start3A_74 : memref<200x128xbf16, #tpu.memory_space<vmem>>) target(%dma_start3A_80 : memref<10000x128xbf16, #tpu.memory_space<vmem_shared>>) offsets(%dma_start3A_77 : memref<200xi32, #tpu.memory_space<vmem>>) semaphore(%arg16 : memref<!tpu.dma_semaphore, #tpu.memory_space<semaphore_mem>>) {add = true}
    %dma_wait3A_81 = arith.constant 2 : i32
    %dma_wait3A_82 = arith.constant 47 : i32
    %dma_wait3A_83 = arith.constant 0 : i32
    %dma_wait3A_84 = arith.constant 0 : i32
    %dma_wait3A_85 = tpu.memref_slice %arg10[%dma_wait3A_81, %dma_wait3A_83, %dma_wait3A_84] : memref<3x200x128xbf16, #tpu.memory_space<vmem>> -> memref<1x200x128xbf16, #tpu.memory_space<vmem>>
    %dma_wait3A_86 = tpu.memref_squeeze %dma_wait3A_85 : memref<1x200x128xbf16, #tpu.memory_space<vmem>> -> memref<200x128xbf16, #tpu.memory_space<vmem>>
    %dma_wait3A_87 = arith.constant 0 : i32
    %dma_wait3A_88 = tpu.memref_slice %arg9[%dma_wait3A_82, %dma_wait3A_87] : memref<50x200xi32, #tpu.memory_space<vmem>> -> memref<1x200xi32, #tpu.memory_space<vmem>>
    %dma_wait3A_89 = tpu.memref_squeeze %dma_wait3A_88 : memref<1x200xi32, #tpu.memory_space<vmem>> -> memref<200xi32, #tpu.memory_space<vmem>>
    %dma_wait3A_90 = arith.constant 0 : i32
    %dma_wait3A_91 = arith.constant 0 : i32
    %dma_wait3A_92 = tpu.memref_slice %arg11[%dma_wait3A_90, %dma_wait3A_91] : memref<10000x128xbf16, #tpu.memory_space<vmem_shared>> -> memref<10000x128xbf16, #tpu.memory_space<vmem_shared>>
    tpu.wait_indirect_dma semaphore(%arg17 : memref<!tpu.dma_semaphore, #tpu.memory_space<semaphore_mem>>) src(%dma_wait3A_86 : memref<200x128xbf16, #tpu.memory_space<vmem>>) dst(%dma_wait3A_92 : memref<10000x128xbf16, #tpu.memory_space<vmem_shared>>)
    %dma_wait3A_93 = arith.constant 0 : i32
    %dma_wait3A_94 = arith.constant 48 : i32
    %dma_wait3A_95 = arith.constant 0 : i32
    %dma_wait3A_96 = arith.constant 0 : i32
    %dma_wait3A_97 = tpu.memref_slice %arg10[%dma_wait3A_93, %dma_wait3A_95, %dma_wait3A_96] : memref<3x200x128xbf16, #tpu.memory_space<vmem>> -> memref<1x200x128xbf16, #tpu.memory_space<vmem>>
    %dma_wait3A_98 = tpu.memref_squeeze %dma_wait3A_97 : memref<1x200x128xbf16, #tpu.memory_space<vmem>> -> memref<200x128xbf16, #tpu.memory_space<vmem>>
    %dma_wait3A_99 = arith.constant 0 : i32
    %dma_wait3A_100 = tpu.memref_slice %arg9[%dma_wait3A_94, %dma_wait3A_99] : memref<50x200xi32, #tpu.memory_space<vmem>> -> memref<1x200xi32, #tpu.memory_space<vmem>>
    %dma_wait3A_101 = tpu.memref_squeeze %dma_wait3A_100 : memref<1x200xi32, #tpu.memory_space<vmem>> -> memref<200xi32, #tpu.memory_space<vmem>>
    %dma_wait3A_102 = arith.constant 0 : i32
    %dma_wait3A_103 = arith.constant 0 : i32
    %dma_wait3A_104 = tpu.memref_slice %arg11[%dma_wait3A_102, %dma_wait3A_103] : memref<10000x128xbf16, #tpu.memory_space<vmem_shared>> -> memref<10000x128xbf16, #tpu.memory_space<vmem_shared>>
    tpu.wait_indirect_dma semaphore(%arg15 : memref<!tpu.dma_semaphore, #tpu.memory_space<semaphore_mem>>) src(%dma_wait3A_98 : memref<200x128xbf16, #tpu.memory_space<vmem>>) dst(%dma_wait3A_104 : memref<10000x128xbf16, #tpu.memory_space<vmem_shared>>)
    %dma_wait3A_105 = arith.constant 1 : i32
    %dma_wait3A_106 = arith.constant 49 : i32
    %dma_wait3A_107 = arith.constant 0 : i32
    %dma_wait3A_108 = arith.constant 0 : i32
    %dma_wait3A_109 = tpu.memref_slice %arg10[%dma_wait3A_105, %dma_wait3A_107, %dma_wait3A_108] : memref<3x200x128xbf16, #tpu.memory_space<vmem>> -> memref<1x200x128xbf16, #tpu.memory_space<vmem>>
    %dma_wait3A_110 = tpu.memref_squeeze %dma_wait3A_109 : memref<1x200x128xbf16, #tpu.memory_space<vmem>> -> memref<200x128xbf16, #tpu.memory_space<vmem>>
    %dma_wait3A_111 = arith.constant 0 : i32
    %dma_wait3A_112 = tpu.memref_slice %arg9[%dma_wait3A_106, %dma_wait3A_111] : memref<50x200xi32, #tpu.memory_space<vmem>> -> memref<1x200xi32, #tpu.memory_space<vmem>>
    %dma_wait3A_113 = tpu.memref_squeeze %dma_wait3A_112 : memref<1x200xi32, #tpu.memory_space<vmem>> -> memref<200xi32, #tpu.memory_space<vmem>>
    %dma_wait3A_114 = arith.constant 0 : i32
    %dma_wait3A_115 = arith.constant 0 : i32
    %dma_wait3A_116 = tpu.memref_slice %arg11[%dma_wait3A_114, %dma_wait3A_115] : memref<10000x128xbf16, #tpu.memory_space<vmem_shared>> -> memref<10000x128xbf16, #tpu.memory_space<vmem_shared>>
    tpu.wait_indirect_dma semaphore(%arg16 : memref<!tpu.dma_semaphore, #tpu.memory_space<semaphore_mem>>) src(%dma_wait3A_110 : memref<200x128xbf16, #tpu.memory_space<vmem>>) dst(%dma_wait3A_116 : memref<10000x128xbf16, #tpu.memory_space<vmem_shared>>)
    %barrier3A_117 = arith.constant 0 : index
    tpu.barrier barrier_id(%barrier3A_117)
    %eq3A_118 = arith.constant 0 : i32
    %eq3A_119 = arith.cmpi eq, %arg0, %eq3A_118 : i32
    %convert_element_type3A_120 = arith.extui %eq3A_119 : i1 to i32
    %cond3A_121 = arith.constant 0 : i32
    %cond3A_122 = arith.cmpi ne, %convert_element_type3A_120, %cond3A_121 : i32
    scf.if %cond3A_122 {
      %lt3A_128 = arith.constant 15 : i32
      %lt3A_129 = arith.cmpi slt, %arg1, %lt3A_128 : i32
      %convert_element_type3A_130 = arith.extui %lt3A_129 : i1 to i32
      %cond3A_131 = arith.constant 0 : i32
      %cond3A_132 = arith.cmpi ne, %convert_element_type3A_130, %cond3A_131 : i32
      scf.if %cond3A_132 {
        %mul3A_138 = arith.constant 640 : i32
        %mul3A_139 = arith.muli %arg1, %mul3A_138 : i32
        "tpu.region"() ({
          %run_scoped3A = tpu.sem_alloc : memref<!tpu.dma_semaphore, #tpu.memory_space<semaphore_mem>>
          %dma_start3A_140 = arith.constant 0 : i32
          %dma_start3A_141 = tpu.memref_slice %arg6[%mul3A_139, %dma_start3A_140] : memref<10000x128xbf16, #tpu.memory_space<hbm>> -> memref<640x128xbf16, #tpu.memory_space<hbm>>
          %dma_start3A_142 = arith.constant 0 : i32
          %dma_start3A_143 = tpu.memref_slice %arg11[%mul3A_139, %dma_start3A_142] : memref<10000x128xbf16, #tpu.memory_space<vmem_shared>> -> memref<640x128xbf16, #tpu.memory_space<vmem_shared>>
          tpu.enqueue_dma source(%dma_start3A_143 : memref<640x128xbf16, #tpu.memory_space<vmem_shared>>) target(%dma_start3A_141 : memref<640x128xbf16, #tpu.memory_space<hbm>>) target_semaphore(%run_scoped3A : memref<!tpu.dma_semaphore, #tpu.memory_space<semaphore_mem>>)
          %dma_wait3A_144 = arith.constant 0 : i32
          %dma_wait3A_145 = tpu.memref_slice %arg6[%mul3A_139, %dma_wait3A_144] : memref<10000x128xbf16, #tpu.memory_space<hbm>> -> memref<640x128xbf16, #tpu.memory_space<hbm>>
          %dma_wait3A_146 = arith.constant 0 : i32
          %dma_wait3A_147 = tpu.memref_slice %arg11[%mul3A_139, %dma_wait3A_146] : memref<10000x128xbf16, #tpu.memory_space<vmem_shared>> -> memref<640x128xbf16, #tpu.memory_space<vmem_shared>>
          tpu.wait_dma2 semaphore(%run_scoped3A : memref<!tpu.dma_semaphore, #tpu.memory_space<semaphore_mem>>) src(%dma_wait3A_147 : memref<640x128xbf16, #tpu.memory_space<vmem_shared>>) dst(%dma_wait3A_145 : memref<640x128xbf16, #tpu.memory_space<hbm>>)
          tpu.yield
        }) : () -> ()
      } else {
      }
      %eq3A_133 = arith.constant 15 : i32
      %eq3A_134 = arith.cmpi eq, %arg1, %eq3A_133 : i32
      %convert_element_type3A_135 = arith.extui %eq3A_134 : i1 to i32
      %cond3A_136 = arith.constant 0 : i32
      %cond3A_137 = arith.cmpi ne, %convert_element_type3A_135, %cond3A_136 : i32
      scf.if %cond3A_137 {
        "tpu.region"() ({
          %run_scoped3A = tpu.sem_alloc : memref<!tpu.dma_semaphore, #tpu.memory_space<semaphore_mem>>
          %dma_start3A_138 = arith.constant 9600 : i32
          %dma_start3A_139 = arith.constant 0 : i32
          %dma_start3A_140 = tpu.memref_slice %arg6[%dma_start3A_138, %dma_start3A_139] : memref<10000x128xbf16, #tpu.memory_space<hbm>> -> memref<400x128xbf16, #tpu.memory_space<hbm>>
          %dma_start3A_141 = arith.constant 9600 : i32
          %dma_start3A_142 = arith.constant 0 : i32
          %dma_start3A_143 = tpu.memref_slice %arg11[%dma_start3A_141, %dma_start3A_142] : memref<10000x128xbf16, #tpu.memory_space<vmem_shared>> -> memref<400x128xbf16, #tpu.memory_space<vmem_shared>>
          tpu.enqueue_dma source(%dma_start3A_143 : memref<400x128xbf16, #tpu.memory_space<vmem_shared>>) target(%dma_start3A_140 : memref<400x128xbf16, #tpu.memory_space<hbm>>) target_semaphore(%run_scoped3A : memref<!tpu.dma_semaphore, #tpu.memory_space<semaphore_mem>>)
          %dma_wait3A_144 = arith.constant 9600 : i32
          %dma_wait3A_145 = arith.constant 0 : i32
          %dma_wait3A_146 = tpu.memref_slice %arg6[%dma_wait3A_144, %dma_wait3A_145] : memref<10000x128xbf16, #tpu.memory_space<hbm>> -> memref<400x128xbf16, #tpu.memory_space<hbm>>
          %dma_wait3A_147 = arith.constant 9600 : i32
          %dma_wait3A_148 = arith.constant 0 : i32
          %dma_wait3A_149 = tpu.memref_slice %arg11[%dma_wait3A_147, %dma_wait3A_148] : memref<10000x128xbf16, #tpu.memory_space<vmem_shared>> -> memref<400x128xbf16, #tpu.memory_space<vmem_shared>>
          tpu.wait_dma2 semaphore(%run_scoped3A : memref<!tpu.dma_semaphore, #tpu.memory_space<semaphore_mem>>) src(%dma_wait3A_149 : memref<400x128xbf16, #tpu.memory_space<vmem_shared>>) dst(%dma_wait3A_146 : memref<400x128xbf16, #tpu.memory_space<hbm>>)
          tpu.yield
        }) : () -> ()
      } else {
      }
    } else {
    }
    %eq3A_123 = arith.constant 1 : i32
    %eq3A_124 = arith.cmpi eq, %arg0, %eq3A_123 : i32
    %convert_element_type3A_125 = arith.extui %eq3A_124 : i1 to i32
    %cond3A_126 = arith.constant 0 : i32
    %cond3A_127 = arith.cmpi ne, %convert_element_type3A_125, %cond3A_126 : i32
    scf.if %cond3A_127 {
      %lt3A_128 = arith.constant 15 : i32
      %lt3A_129 = arith.cmpi slt, %arg1, %lt3A_128 : i32
      %convert_element_type3A_130 = arith.extui %lt3A_129 : i1 to i32
      %cond3A_131 = arith.constant 0 : i32
      %cond3A_132 = arith.cmpi ne, %convert_element_type3A_130, %cond3A_131 : i32
      scf.if %cond3A_132 {
        %mul3A_138 = arith.constant 640 : i32
        %mul3A_139 = arith.muli %arg1, %mul3A_138 : i32
        "tpu.region"() ({
          %run_scoped3A = tpu.sem_alloc : memref<!tpu.dma_semaphore, #tpu.memory_space<semaphore_mem>>
          %dma_start3A_140 = arith.constant 0 : i32
          %dma_start3A_141 = tpu.memref_slice %arg7[%mul3A_139, %dma_start3A_140] : memref<10000x128xbf16, #tpu.memory_space<hbm>> -> memref<640x128xbf16, #tpu.memory_space<hbm>>
          %dma_start3A_142 = arith.constant 0 : i32
          %dma_start3A_143 = tpu.memref_slice %arg11[%mul3A_139, %dma_start3A_142] : memref<10000x128xbf16, #tpu.memory_space<vmem_shared>> -> memref<640x128xbf16, #tpu.memory_space<vmem_shared>>
          tpu.enqueue_dma source(%dma_start3A_143 : memref<640x128xbf16, #tpu.memory_space<vmem_shared>>) target(%dma_start3A_141 : memref<640x128xbf16, #tpu.memory_space<hbm>>) target_semaphore(%run_scoped3A : memref<!tpu.dma_semaphore, #tpu.memory_space<semaphore_mem>>)
          %dma_wait3A_144 = arith.constant 0 : i32
          %dma_wait3A_145 = tpu.memref_slice %arg7[%mul3A_139, %dma_wait3A_144] : memref<10000x128xbf16, #tpu.memory_space<hbm>> -> memref<640x128xbf16, #tpu.memory_space<hbm>>
          %dma_wait3A_146 = arith.constant 0 : i32
          %dma_wait3A_147 = tpu.memref_slice %arg11[%mul3A_139, %dma_wait3A_146] : memref<10000x128xbf16, #tpu.memory_space<vmem_shared>> -> memref<640x128xbf16, #tpu.memory_space<vmem_shared>>
          tpu.wait_dma2 semaphore(%run_scoped3A : memref<!tpu.dma_semaphore, #tpu.memory_space<semaphore_mem>>) src(%dma_wait3A_147 : memref<640x128xbf16, #tpu.memory_space<vmem_shared>>) dst(%dma_wait3A_145 : memref<640x128xbf16, #tpu.memory_space<hbm>>)
          tpu.yield
        }) : () -> ()
      } else {
      }
      %eq3A_133 = arith.constant 15 : i32
      %eq3A_134 = arith.cmpi eq, %arg1, %eq3A_133 : i32
      %convert_element_type3A_135 = arith.extui %eq3A_134 : i1 to i32
      %cond3A_136 = arith.constant 0 : i32
      %cond3A_137 = arith.cmpi ne, %convert_element_type3A_135, %cond3A_136 : i32
      scf.if %cond3A_137 {
        "tpu.region"() ({
          %run_scoped3A = tpu.sem_alloc : memref<!tpu.dma_semaphore, #tpu.memory_space<semaphore_mem>>
          %dma_start3A_138 = arith.constant 9600 : i32
          %dma_start3A_139 = arith.constant 0 : i32
          %dma_start3A_140 = tpu.memref_slice %arg7[%dma_start3A_138, %dma_start3A_139] : memref<10000x128xbf16, #tpu.memory_space<hbm>> -> memref<400x128xbf16, #tpu.memory_space<hbm>>
          %dma_start3A_141 = arith.constant 9600 : i32
          %dma_start3A_142 = arith.constant 0 : i32
          %dma_start3A_143 = tpu.memref_slice %arg11[%dma_start3A_141, %dma_start3A_142] : memref<10000x128xbf16, #tpu.memory_space<vmem_shared>> -> memref<400x128xbf16, #tpu.memory_space<vmem_shared>>
          tpu.enqueue_dma source(%dma_start3A_143 : memref<400x128xbf16, #tpu.memory_space<vmem_shared>>) target(%dma_start3A_140 : memref<400x128xbf16, #tpu.memory_space<hbm>>) target_semaphore(%run_scoped3A : memref<!tpu.dma_semaphore, #tpu.memory_space<semaphore_mem>>)
          %dma_wait3A_144 = arith.constant 9600 : i32
          %dma_wait3A_145 = arith.constant 0 : i32
          %dma_wait3A_146 = tpu.memref_slice %arg7[%dma_wait3A_144, %dma_wait3A_145] : memref<10000x128xbf16, #tpu.memory_space<hbm>> -> memref<400x128xbf16, #tpu.memory_space<hbm>>
          %dma_wait3A_147 = arith.constant 9600 : i32
          %dma_wait3A_148 = arith.constant 0 : i32
          %dma_wait3A_149 = tpu.memref_slice %arg11[%dma_wait3A_147, %dma_wait3A_148] : memref<10000x128xbf16, #tpu.memory_space<vmem_shared>> -> memref<400x128xbf16, #tpu.memory_space<vmem_shared>>
          tpu.wait_dma2 semaphore(%run_scoped3A : memref<!tpu.dma_semaphore, #tpu.memory_space<semaphore_mem>>) src(%dma_wait3A_149 : memref<400x128xbf16, #tpu.memory_space<vmem_shared>>) dst(%dma_wait3A_146 : memref<400x128xbf16, #tpu.memory_space<hbm>>)
          tpu.yield
        }) : () -> ()
      } else {
      }
    } else {
    }
    return
  }
}

#map = affine_map<(d0, d1) -> (0, 0)>
#map1 = affine_map<(d0, d1) -> (0, 0, 0)>
module attributes {stable_mosaic.version = 14 : i64} {
  func.func @_sc_aggregate(%arg0: i32, %arg1: i32, %arg2: memref<10000x128xbf16, #tpu.memory_space<hbm>>, %arg3: memref<32x50x200xi32, #tpu.memory_space<hbm>>, %arg4: memref<32x50x200xi32, #tpu.memory_space<hbm>>, %arg5: memref<10000x128xbf16, #tpu.memory_space<hbm>>, %arg6: memref<10000x128xbf16, #tpu.memory_space<hbm>>, %arg7: memref<10000x128xbf16, #tpu.memory_space<hbm>>, %arg8: memref<50x200xi32, #tpu.memory_space<vmem>>, %arg9: memref<50x200xi32, #tpu.memory_space<vmem>>, %arg10: memref<3x200x128xbf16, #tpu.memory_space<vmem>>, %arg11: memref<10000x128xbf16, #tpu.memory_space<vmem_shared>>, %arg12: memref<!tpu.dma_semaphore, #tpu.memory_space<semaphore_mem>>, %arg13: memref<!tpu.dma_semaphore, #tpu.memory_space<semaphore_mem>>, %arg14: memref<!tpu.dma_semaphore, #tpu.memory_space<semaphore_mem>>, %arg15: memref<!tpu.dma_semaphore, #tpu.memory_space<semaphore_mem>>, %arg16: memref<!tpu.dma_semaphore, #tpu.memory_space<semaphore_mem>>, %arg17: memref<!tpu.dma_semaphore, #tpu.memory_space<semaphore_mem>>) attributes {dimension_semantics = [#tpu.dimension_semantics<core_parallel>, #tpu.dimension_semantics<subcore_parallel>], iteration_bounds = array<i64: 2, 16>, scalar_prefetch = 0 : i64, scratch_operands = 10 : i64, tpu.core_type = #tpu.core_type<sc_vector_subcore>, window_params = [{transform_indices = #map}, {transform_indices = #map1}, {transform_indices = #map1}, {transform_indices = #map}, {transform_indices = #map}, {transform_indices = #map}]} {
    %mul3A = arith.constant 16 : i32
    %mul3A_0 = arith.muli %arg0, %mul3A : i32
    %add3A = arith.addi %mul3A_0, %arg1 : i32
    "tpu.region"() ({
      %run_scoped3A = tpu.sem_alloc : memref<!tpu.dma_semaphore, #tpu.memory_space<semaphore_mem>>
      %dma_start3A_128 = arith.constant 0 : i32
      %dma_start3A_129 = arith.constant 0 : i32
      %dma_start3A_130 = tpu.memref_slice %arg3[%add3A, %dma_start3A_128, %dma_start3A_129] : memref<32x50x200xi32, #tpu.memory_space<hbm>> -> memref<1x50x200xi32, #tpu.memory_space<hbm>>
      %dma_start3A_131 = tpu.memref_squeeze %dma_start3A_130 : memref<1x50x200xi32, #tpu.memory_space<hbm>> -> memref<50x200xi32, #tpu.memory_space<hbm>>
      %dma_start3A_132 = arith.constant 0 : i32
      %dma_start3A_133 = arith.constant 0 : i32
      %dma_start3A_134 = tpu.memref_slice %arg3[%add3A, %dma_start3A_132, %dma_start3A_133] : memref<32x50x200xi32, #tpu.memory_space<hbm>> -> memref<1x50x200xi32, #tpu.memory_space<hbm>>
      %dma_start3A_135 = tpu.memref_squeeze %dma_start3A_134 : memref<1x50x200xi32, #tpu.memory_space<hbm>> -> memref<50x200xi32, #tpu.memory_space<hbm>>
      tpu.enqueue_dma source(%dma_start3A_135 : memref<50x200xi32, #tpu.memory_space<hbm>>) target(%arg8 : memref<50x200xi32, #tpu.memory_space<vmem>>) target_semaphore(%run_scoped3A : memref<!tpu.dma_semaphore, #tpu.memory_space<semaphore_mem>>)
      %dma_wait3A_136 = arith.constant 0 : i32
      %dma_wait3A_137 = arith.constant 0 : i32
      %dma_wait3A_138 = tpu.memref_slice %arg3[%add3A, %dma_wait3A_136, %dma_wait3A_137] : memref<32x50x200xi32, #tpu.memory_space<hbm>> -> memref<1x50x200xi32, #tpu.memory_space<hbm>>
      %dma_wait3A_139 = tpu.memref_squeeze %dma_wait3A_138 : memref<1x50x200xi32, #tpu.memory_space<hbm>> -> memref<50x200xi32, #tpu.memory_space<hbm>>
      %dma_wait3A_140 = arith.constant 0 : i32
      %dma_wait3A_141 = arith.constant 0 : i32
      %dma_wait3A_142 = tpu.memref_slice %arg3[%add3A, %dma_wait3A_140, %dma_wait3A_141] : memref<32x50x200xi32, #tpu.memory_space<hbm>> -> memref<1x50x200xi32, #tpu.memory_space<hbm>>
      %dma_wait3A_143 = tpu.memref_squeeze %dma_wait3A_142 : memref<1x50x200xi32, #tpu.memory_space<hbm>> -> memref<50x200xi32, #tpu.memory_space<hbm>>
      tpu.wait_dma2 semaphore(%run_scoped3A : memref<!tpu.dma_semaphore, #tpu.memory_space<semaphore_mem>>) src(%dma_wait3A_143 : memref<50x200xi32, #tpu.memory_space<hbm>>) dst(%arg8 : memref<50x200xi32, #tpu.memory_space<vmem>>)
      tpu.yield
    }) : () -> ()
    "tpu.region"() ({
      %run_scoped3A = tpu.sem_alloc : memref<!tpu.dma_semaphore, #tpu.memory_space<semaphore_mem>>
      %dma_start3A_128 = arith.constant 0 : i32
      %dma_start3A_129 = arith.constant 0 : i32
      %dma_start3A_130 = tpu.memref_slice %arg4[%add3A, %dma_start3A_128, %dma_start3A_129] : memref<32x50x200xi32, #tpu.memory_space<hbm>> -> memref<1x50x200xi32, #tpu.memory_space<hbm>>
      %dma_start3A_131 = tpu.memref_squeeze %dma_start3A_130 : memref<1x50x200xi32, #tpu.memory_space<hbm>> -> memref<50x200xi32, #tpu.memory_space<hbm>>
      %dma_start3A_132 = arith.constant 0 : i32
      %dma_start3A_133 = arith.constant 0 : i32
      %dma_start3A_134 = tpu.memref_slice %arg4[%add3A, %dma_start3A_132, %dma_start3A_133] : memref<32x50x200xi32, #tpu.memory_space<hbm>> -> memref<1x50x200xi32, #tpu.memory_space<hbm>>
      %dma_start3A_135 = tpu.memref_squeeze %dma_start3A_134 : memref<1x50x200xi32, #tpu.memory_space<hbm>> -> memref<50x200xi32, #tpu.memory_space<hbm>>
      tpu.enqueue_dma source(%dma_start3A_135 : memref<50x200xi32, #tpu.memory_space<hbm>>) target(%arg9 : memref<50x200xi32, #tpu.memory_space<vmem>>) target_semaphore(%run_scoped3A : memref<!tpu.dma_semaphore, #tpu.memory_space<semaphore_mem>>)
      %dma_wait3A_136 = arith.constant 0 : i32
      %dma_wait3A_137 = arith.constant 0 : i32
      %dma_wait3A_138 = tpu.memref_slice %arg4[%add3A, %dma_wait3A_136, %dma_wait3A_137] : memref<32x50x200xi32, #tpu.memory_space<hbm>> -> memref<1x50x200xi32, #tpu.memory_space<hbm>>
      %dma_wait3A_139 = tpu.memref_squeeze %dma_wait3A_138 : memref<1x50x200xi32, #tpu.memory_space<hbm>> -> memref<50x200xi32, #tpu.memory_space<hbm>>
      %dma_wait3A_140 = arith.constant 0 : i32
      %dma_wait3A_141 = arith.constant 0 : i32
      %dma_wait3A_142 = tpu.memref_slice %arg4[%add3A, %dma_wait3A_140, %dma_wait3A_141] : memref<32x50x200xi32, #tpu.memory_space<hbm>> -> memref<1x50x200xi32, #tpu.memory_space<hbm>>
      %dma_wait3A_143 = tpu.memref_squeeze %dma_wait3A_142 : memref<1x50x200xi32, #tpu.memory_space<hbm>> -> memref<50x200xi32, #tpu.memory_space<hbm>>
      tpu.wait_dma2 semaphore(%run_scoped3A : memref<!tpu.dma_semaphore, #tpu.memory_space<semaphore_mem>>) src(%dma_wait3A_143 : memref<50x200xi32, #tpu.memory_space<hbm>>) dst(%arg9 : memref<50x200xi32, #tpu.memory_space<vmem>>)
      tpu.yield
    }) : () -> ()
    %lt3A = arith.constant 15 : i32
    %lt3A_1 = arith.cmpi slt, %arg1, %lt3A : i32
    %convert_element_type3A = arith.extui %lt3A_1 : i1 to i32
    %cond3A = arith.constant 0 : i32
    %cond3A_2 = arith.cmpi ne, %convert_element_type3A, %cond3A : i32
    scf.if %cond3A_2 {
      %mul3A_128 = arith.constant 640 : i32
      %mul3A_129 = arith.muli %arg1, %mul3A_128 : i32
      "tpu.region"() ({
        %run_scoped3A = tpu.sem_alloc : memref<!tpu.dma_semaphore, #tpu.memory_space<semaphore_mem>>
        %dma_start3A_130 = arith.constant 0 : i32
        %dma_start3A_131 = tpu.memref_slice %arg11[%mul3A_129, %dma_start3A_130] : memref<10000x128xbf16, #tpu.memory_space<vmem_shared>> -> memref<640x128xbf16, #tpu.memory_space<vmem_shared>>
        %dma_start3A_132 = arith.constant 0 : i32
        %dma_start3A_133 = tpu.memref_slice %arg5[%mul3A_129, %dma_start3A_132] : memref<10000x128xbf16, #tpu.memory_space<hbm>> -> memref<640x128xbf16, #tpu.memory_space<hbm>>
        tpu.enqueue_dma source(%dma_start3A_133 : memref<640x128xbf16, #tpu.memory_space<hbm>>) target(%dma_start3A_131 : memref<640x128xbf16, #tpu.memory_space<vmem_shared>>) target_semaphore(%run_scoped3A : memref<!tpu.dma_semaphore, #tpu.memory_space<semaphore_mem>>)
        %dma_wait3A_134 = arith.constant 0 : i32
        %dma_wait3A_135 = tpu.memref_slice %arg11[%mul3A_129, %dma_wait3A_134] : memref<10000x128xbf16, #tpu.memory_space<vmem_shared>> -> memref<640x128xbf16, #tpu.memory_space<vmem_shared>>
        %dma_wait3A_136 = arith.constant 0 : i32
        %dma_wait3A_137 = tpu.memref_slice %arg5[%mul3A_129, %dma_wait3A_136] : memref<10000x128xbf16, #tpu.memory_space<hbm>> -> memref<640x128xbf16, #tpu.memory_space<hbm>>
        tpu.wait_dma2 semaphore(%run_scoped3A : memref<!tpu.dma_semaphore, #tpu.memory_space<semaphore_mem>>) src(%dma_wait3A_137 : memref<640x128xbf16, #tpu.memory_space<hbm>>) dst(%dma_wait3A_135 : memref<640x128xbf16, #tpu.memory_space<vmem_shared>>)
        tpu.yield
      }) : () -> ()
    } else {
    }
    %eq3A = arith.constant 15 : i32
    %eq3A_3 = arith.cmpi eq, %arg1, %eq3A : i32
    %convert_element_type3A_4 = arith.extui %eq3A_3 : i1 to i32
    %cond3A_5 = arith.constant 0 : i32
    %cond3A_6 = arith.cmpi ne, %convert_element_type3A_4, %cond3A_5 : i32
    scf.if %cond3A_6 {
      "tpu.region"() ({
        %run_scoped3A = tpu.sem_alloc : memref<!tpu.dma_semaphore, #tpu.memory_space<semaphore_mem>>
        %dma_start3A_128 = arith.constant 9600 : i32
        %dma_start3A_129 = arith.constant 0 : i32
        %dma_start3A_130 = tpu.memref_slice %arg11[%dma_start3A_128, %dma_start3A_129] : memref<10000x128xbf16, #tpu.memory_space<vmem_shared>> -> memref<400x128xbf16, #tpu.memory_space<vmem_shared>>
        %dma_start3A_131 = arith.constant 9600 : i32
        %dma_start3A_132 = arith.constant 0 : i32
        %dma_start3A_133 = tpu.memref_slice %arg5[%dma_start3A_131, %dma_start3A_132] : memref<10000x128xbf16, #tpu.memory_space<hbm>> -> memref<400x128xbf16, #tpu.memory_space<hbm>>
        tpu.enqueue_dma source(%dma_start3A_133 : memref<400x128xbf16, #tpu.memory_space<hbm>>) target(%dma_start3A_130 : memref<400x128xbf16, #tpu.memory_space<vmem_shared>>) target_semaphore(%run_scoped3A : memref<!tpu.dma_semaphore, #tpu.memory_space<semaphore_mem>>)
        %dma_wait3A_134 = arith.constant 9600 : i32
        %dma_wait3A_135 = arith.constant 0 : i32
        %dma_wait3A_136 = tpu.memref_slice %arg11[%dma_wait3A_134, %dma_wait3A_135] : memref<10000x128xbf16, #tpu.memory_space<vmem_shared>> -> memref<400x128xbf16, #tpu.memory_space<vmem_shared>>
        %dma_wait3A_137 = arith.constant 9600 : i32
        %dma_wait3A_138 = arith.constant 0 : i32
        %dma_wait3A_139 = tpu.memref_slice %arg5[%dma_wait3A_137, %dma_wait3A_138] : memref<10000x128xbf16, #tpu.memory_space<hbm>> -> memref<400x128xbf16, #tpu.memory_space<hbm>>
        tpu.wait_dma2 semaphore(%run_scoped3A : memref<!tpu.dma_semaphore, #tpu.memory_space<semaphore_mem>>) src(%dma_wait3A_139 : memref<400x128xbf16, #tpu.memory_space<hbm>>) dst(%dma_wait3A_136 : memref<400x128xbf16, #tpu.memory_space<vmem_shared>>)
        tpu.yield
      }) : () -> ()
    } else {
    }
    %barrier3A = arith.constant 0 : index
    tpu.barrier barrier_id(%barrier3A)
    %dma_start3A = arith.constant 0 : i32
    %dma_start3A_7 = arith.constant 0 : i32
    %dma_start3A_8 = arith.constant 0 : i32
    %dma_start3A_9 = arith.constant 0 : i32
    %dma_start3A_10 = tpu.memref_slice %arg10[%dma_start3A_7, %dma_start3A_8, %dma_start3A_9] : memref<3x200x128xbf16, #tpu.memory_space<vmem>> -> memref<1x200x128xbf16, #tpu.memory_space<vmem>>
    %dma_start3A_11 = tpu.memref_squeeze %dma_start3A_10 : memref<1x200x128xbf16, #tpu.memory_space<vmem>> -> memref<200x128xbf16, #tpu.memory_space<vmem>>
    %dma_start3A_12 = arith.constant 0 : i32
    %dma_start3A_13 = tpu.memref_slice %arg8[%dma_start3A, %dma_start3A_12] : memref<50x200xi32, #tpu.memory_space<vmem>> -> memref<1x200xi32, #tpu.memory_space<vmem>>
    %dma_start3A_14 = tpu.memref_squeeze %dma_start3A_13 : memref<1x200xi32, #tpu.memory_space<vmem>> -> memref<200xi32, #tpu.memory_space<vmem>>
    %dma_start3A_15 = arith.constant 0 : i32
    %dma_start3A_16 = arith.constant 0 : i32
    %dma_start3A_17 = tpu.memref_slice %arg2[%dma_start3A_15, %dma_start3A_16] : memref<10000x128xbf16, #tpu.memory_space<hbm>> -> memref<10000x128xbf16, #tpu.memory_space<hbm>>
    tpu.enqueue_indirect_dma source(%dma_start3A_17 : memref<10000x128xbf16, #tpu.memory_space<hbm>>) target(%dma_start3A_11 : memref<200x128xbf16, #tpu.memory_space<vmem>>) offsets(%dma_start3A_14 : memref<200xi32, #tpu.memory_space<vmem>>) semaphore(%arg12 : memref<!tpu.dma_semaphore, #tpu.memory_space<semaphore_mem>>)
    %dma_start3A_18 = arith.constant 1 : i32
    %dma_start3A_19 = arith.constant 1 : i32
    %dma_start3A_20 = arith.constant 0 : i32
    %dma_start3A_21 = arith.constant 0 : i32
    %dma_start3A_22 = tpu.memref_slice %arg10[%dma_start3A_19, %dma_start3A_20, %dma_start3A_21] : memref<3x200x128xbf16, #tpu.memory_space<vmem>> -> memref<1x200x128xbf16, #tpu.memory_space<vmem>>
    %dma_start3A_23 = tpu.memref_squeeze %dma_start3A_22 : memref<1x200x128xbf16, #tpu.memory_space<vmem>> -> memref<200x128xbf16, #tpu.memory_space<vmem>>
    %dma_start3A_24 = arith.constant 0 : i32
    %dma_start3A_25 = tpu.memref_slice %arg8[%dma_start3A_18, %dma_start3A_24] : memref<50x200xi32, #tpu.memory_space<vmem>> -> memref<1x200xi32, #tpu.memory_space<vmem>>
    %dma_start3A_26 = tpu.memref_squeeze %dma_start3A_25 : memref<1x200xi32, #tpu.memory_space<vmem>> -> memref<200xi32, #tpu.memory_space<vmem>>
    %dma_start3A_27 = arith.constant 0 : i32
    %dma_start3A_28 = arith.constant 0 : i32
    %dma_start3A_29 = tpu.memref_slice %arg2[%dma_start3A_27, %dma_start3A_28] : memref<10000x128xbf16, #tpu.memory_space<hbm>> -> memref<10000x128xbf16, #tpu.memory_space<hbm>>
    tpu.enqueue_indirect_dma source(%dma_start3A_29 : memref<10000x128xbf16, #tpu.memory_space<hbm>>) target(%dma_start3A_23 : memref<200x128xbf16, #tpu.memory_space<vmem>>) offsets(%dma_start3A_26 : memref<200xi32, #tpu.memory_space<vmem>>) semaphore(%arg13 : memref<!tpu.dma_semaphore, #tpu.memory_space<semaphore_mem>>)
    %scan3A = arith.constant 0 : i32
    %scan3A_30 = arith.constant 16 : i32
    %scan3A_31 = arith.addi %scan3A, %scan3A_30 : i32
    %scan3A_32 = arith.constant 1 : i32
    scf.for %scan3A_128 = %scan3A to %scan3A_31 step %scan3A_32  : i32 {
      %mul3A_129 = arith.constant 3 : i32
      %mul3A_130 = arith.muli %scan3A_128, %mul3A_129 : i32
      %add3A_131 = arith.constant 0 : i32
      %add3A_132 = arith.addi %add3A_131, %mul3A_130 : i32
      %add3A_133 = arith.constant 0 : i32
      %add3A_134 = arith.addi %add3A_132, %add3A_133 : i32
      %ge3A = arith.constant 1 : i32
      %ge3A_135 = arith.cmpi sge, %add3A_134, %ge3A : i32
      %convert_element_type3A_136 = arith.extui %ge3A_135 : i1 to i32
      %cond3A_137 = arith.constant 0 : i32
      %cond3A_138 = arith.cmpi ne, %convert_element_type3A_136, %cond3A_137 : i32
      scf.if %cond3A_138 {
        %sub3A = arith.constant 1 : i32
        %sub3A_258 = arith.subi %add3A_134, %sub3A : i32
        %dma_wait3A_259 = arith.constant 2 : i32
        %dma_wait3A_260 = arith.constant 0 : i32
        %dma_wait3A_261 = arith.constant 0 : i32
        %dma_wait3A_262 = tpu.memref_slice %arg10[%dma_wait3A_259, %dma_wait3A_260, %dma_wait3A_261] : memref<3x200x128xbf16, #tpu.memory_space<vmem>> -> memref<1x200x128xbf16, #tpu.memory_space<vmem>>
        %dma_wait3A_263 = tpu.memref_squeeze %dma_wait3A_262 : memref<1x200x128xbf16, #tpu.memory_space<vmem>> -> memref<200x128xbf16, #tpu.memory_space<vmem>>
        %dma_wait3A_264 = arith.constant 0 : i32
        %dma_wait3A_265 = tpu.memref_slice %arg9[%sub3A_258, %dma_wait3A_264] : memref<50x200xi32, #tpu.memory_space<vmem>> -> memref<1x200xi32, #tpu.memory_space<vmem>>
        %dma_wait3A_266 = tpu.memref_squeeze %dma_wait3A_265 : memref<1x200xi32, #tpu.memory_space<vmem>> -> memref<200xi32, #tpu.memory_space<vmem>>
        %dma_wait3A_267 = arith.constant 0 : i32
        %dma_wait3A_268 = arith.constant 0 : i32
        %dma_wait3A_269 = tpu.memref_slice %arg11[%dma_wait3A_267, %dma_wait3A_268] : memref<10000x128xbf16, #tpu.memory_space<vmem_shared>> -> memref<10000x128xbf16, #tpu.memory_space<vmem_shared>>
        tpu.wait_indirect_dma semaphore(%arg17 : memref<!tpu.dma_semaphore, #tpu.memory_space<semaphore_mem>>) src(%dma_wait3A_263 : memref<200x128xbf16, #tpu.memory_space<vmem>>) dst(%dma_wait3A_269 : memref<10000x128xbf16, #tpu.memory_space<vmem_shared>>)
      } else {
      }
      %add3A_139 = arith.constant 2 : i32
      %add3A_140 = arith.addi %add3A_134, %add3A_139 : i32
      %dma_start3A_141 = arith.constant 2 : i32
      %dma_start3A_142 = arith.constant 0 : i32
      %dma_start3A_143 = arith.constant 0 : i32
      %dma_start3A_144 = tpu.memref_slice %arg10[%dma_start3A_141, %dma_start3A_142, %dma_start3A_143] : memref<3x200x128xbf16, #tpu.memory_space<vmem>> -> memref<1x200x128xbf16, #tpu.memory_space<vmem>>
      %dma_start3A_145 = tpu.memref_squeeze %dma_start3A_144 : memref<1x200x128xbf16, #tpu.memory_space<vmem>> -> memref<200x128xbf16, #tpu.memory_space<vmem>>
      %dma_start3A_146 = arith.constant 0 : i32
      %dma_start3A_147 = tpu.memref_slice %arg8[%add3A_140, %dma_start3A_146] : memref<50x200xi32, #tpu.memory_space<vmem>> -> memref<1x200xi32, #tpu.memory_space<vmem>>
      %dma_start3A_148 = tpu.memref_squeeze %dma_start3A_147 : memref<1x200xi32, #tpu.memory_space<vmem>> -> memref<200xi32, #tpu.memory_space<vmem>>
      %dma_start3A_149 = arith.constant 0 : i32
      %dma_start3A_150 = arith.constant 0 : i32
      %dma_start3A_151 = tpu.memref_slice %arg2[%dma_start3A_149, %dma_start3A_150] : memref<10000x128xbf16, #tpu.memory_space<hbm>> -> memref<10000x128xbf16, #tpu.memory_space<hbm>>
      tpu.enqueue_indirect_dma source(%dma_start3A_151 : memref<10000x128xbf16, #tpu.memory_space<hbm>>) target(%dma_start3A_145 : memref<200x128xbf16, #tpu.memory_space<vmem>>) offsets(%dma_start3A_148 : memref<200xi32, #tpu.memory_space<vmem>>) semaphore(%arg14 : memref<!tpu.dma_semaphore, #tpu.memory_space<semaphore_mem>>)
      %dma_wait3A_152 = arith.constant 0 : i32
      %dma_wait3A_153 = arith.constant 0 : i32
      %dma_wait3A_154 = arith.constant 0 : i32
      %dma_wait3A_155 = tpu.memref_slice %arg10[%dma_wait3A_152, %dma_wait3A_153, %dma_wait3A_154] : memref<3x200x128xbf16, #tpu.memory_space<vmem>> -> memref<1x200x128xbf16, #tpu.memory_space<vmem>>
      %dma_wait3A_156 = tpu.memref_squeeze %dma_wait3A_155 : memref<1x200x128xbf16, #tpu.memory_space<vmem>> -> memref<200x128xbf16, #tpu.memory_space<vmem>>
      %dma_wait3A_157 = arith.constant 0 : i32
      %dma_wait3A_158 = tpu.memref_slice %arg8[%add3A_134, %dma_wait3A_157] : memref<50x200xi32, #tpu.memory_space<vmem>> -> memref<1x200xi32, #tpu.memory_space<vmem>>
      %dma_wait3A_159 = tpu.memref_squeeze %dma_wait3A_158 : memref<1x200xi32, #tpu.memory_space<vmem>> -> memref<200xi32, #tpu.memory_space<vmem>>
      %dma_wait3A_160 = arith.constant 0 : i32
      %dma_wait3A_161 = arith.constant 0 : i32
      %dma_wait3A_162 = tpu.memref_slice %arg2[%dma_wait3A_160, %dma_wait3A_161] : memref<10000x128xbf16, #tpu.memory_space<hbm>> -> memref<10000x128xbf16, #tpu.memory_space<hbm>>
      tpu.wait_indirect_dma semaphore(%arg12 : memref<!tpu.dma_semaphore, #tpu.memory_space<semaphore_mem>>) src(%dma_wait3A_162 : memref<10000x128xbf16, #tpu.memory_space<hbm>>) dst(%dma_wait3A_156 : memref<200x128xbf16, #tpu.memory_space<vmem>>)
      %dma_start3A_163 = arith.constant 0 : i32
      %dma_start3A_164 = arith.constant 0 : i32
      %dma_start3A_165 = arith.constant 0 : i32
      %dma_start3A_166 = tpu.memref_slice %arg10[%dma_start3A_163, %dma_start3A_164, %dma_start3A_165] : memref<3x200x128xbf16, #tpu.memory_space<vmem>> -> memref<1x200x128xbf16, #tpu.memory_space<vmem>>
      %dma_start3A_167 = tpu.memref_squeeze %dma_start3A_166 : memref<1x200x128xbf16, #tpu.memory_space<vmem>> -> memref<200x128xbf16, #tpu.memory_space<vmem>>
      %dma_start3A_168 = arith.constant 0 : i32
      %dma_start3A_169 = tpu.memref_slice %arg9[%add3A_134, %dma_start3A_168] : memref<50x200xi32, #tpu.memory_space<vmem>> -> memref<1x200xi32, #tpu.memory_space<vmem>>
      %dma_start3A_170 = tpu.memref_squeeze %dma_start3A_169 : memref<1x200xi32, #tpu.memory_space<vmem>> -> memref<200xi32, #tpu.memory_space<vmem>>
      %dma_start3A_171 = arith.constant 0 : i32
      %dma_start3A_172 = arith.constant 0 : i32
      %dma_start3A_173 = tpu.memref_slice %arg11[%dma_start3A_171, %dma_start3A_172] : memref<10000x128xbf16, #tpu.memory_space<vmem_shared>> -> memref<10000x128xbf16, #tpu.memory_space<vmem_shared>>
      tpu.enqueue_indirect_dma source(%dma_start3A_167 : memref<200x128xbf16, #tpu.memory_space<vmem>>) target(%dma_start3A_173 : memref<10000x128xbf16, #tpu.memory_space<vmem_shared>>) offsets(%dma_start3A_170 : memref<200xi32, #tpu.memory_space<vmem>>) semaphore(%arg15 : memref<!tpu.dma_semaphore, #tpu.memory_space<semaphore_mem>>) {add = true}
      %add3A_174 = arith.constant 1 : i32
      %add3A_175 = arith.addi %add3A_132, %add3A_174 : i32
      %ge3A_176 = arith.constant 1 : i32
      %ge3A_177 = arith.cmpi sge, %add3A_175, %ge3A_176 : i32
      %convert_element_type3A_178 = arith.extui %ge3A_177 : i1 to i32
      %cond3A_179 = arith.constant 0 : i32
      %cond3A_180 = arith.cmpi ne, %convert_element_type3A_178, %cond3A_179 : i32
      scf.if %cond3A_180 {
        %sub3A = arith.constant 1 : i32
        %sub3A_258 = arith.subi %add3A_175, %sub3A : i32
        %dma_wait3A_259 = arith.constant 0 : i32
        %dma_wait3A_260 = arith.constant 0 : i32
        %dma_wait3A_261 = arith.constant 0 : i32
        %dma_wait3A_262 = tpu.memref_slice %arg10[%dma_wait3A_259, %dma_wait3A_260, %dma_wait3A_261] : memref<3x200x128xbf16, #tpu.memory_space<vmem>> -> memref<1x200x128xbf16, #tpu.memory_space<vmem>>
        %dma_wait3A_263 = tpu.memref_squeeze %dma_wait3A_262 : memref<1x200x128xbf16, #tpu.memory_space<vmem>> -> memref<200x128xbf16, #tpu.memory_space<vmem>>
        %dma_wait3A_264 = arith.constant 0 : i32
        %dma_wait3A_265 = tpu.memref_slice %arg9[%sub3A_258, %dma_wait3A_264] : memref<50x200xi32, #tpu.memory_space<vmem>> -> memref<1x200xi32, #tpu.memory_space<vmem>>
        %dma_wait3A_266 = tpu.memref_squeeze %dma_wait3A_265 : memref<1x200xi32, #tpu.memory_space<vmem>> -> memref<200xi32, #tpu.memory_space<vmem>>
        %dma_wait3A_267 = arith.constant 0 : i32
        %dma_wait3A_268 = arith.constant 0 : i32
        %dma_wait3A_269 = tpu.memref_slice %arg11[%dma_wait3A_267, %dma_wait3A_268] : memref<10000x128xbf16, #tpu.memory_space<vmem_shared>> -> memref<10000x128xbf16, #tpu.memory_space<vmem_shared>>
        tpu.wait_indirect_dma semaphore(%arg15 : memref<!tpu.dma_semaphore, #tpu.memory_space<semaphore_mem>>) src(%dma_wait3A_263 : memref<200x128xbf16, #tpu.memory_space<vmem>>) dst(%dma_wait3A_269 : memref<10000x128xbf16, #tpu.memory_space<vmem_shared>>)
      } else {
      }
      %add3A_181 = arith.constant 2 : i32
      %add3A_182 = arith.addi %add3A_175, %add3A_181 : i32
      %dma_start3A_183 = arith.constant 0 : i32
      %dma_start3A_184 = arith.constant 0 : i32
      %dma_start3A_185 = arith.constant 0 : i32
      %dma_start3A_186 = tpu.memref_slice %arg10[%dma_start3A_183, %dma_start3A_184, %dma_start3A_185] : memref<3x200x128xbf16, #tpu.memory_space<vmem>> -> memref<1x200x128xbf16, #tpu.memory_space<vmem>>
      %dma_start3A_187 = tpu.memref_squeeze %dma_start3A_186 : memref<1x200x128xbf16, #tpu.memory_space<vmem>> -> memref<200x128xbf16, #tpu.memory_space<vmem>>
      %dma_start3A_188 = arith.constant 0 : i32
      %dma_start3A_189 = tpu.memref_slice %arg8[%add3A_182, %dma_start3A_188] : memref<50x200xi32, #tpu.memory_space<vmem>> -> memref<1x200xi32, #tpu.memory_space<vmem>>
      %dma_start3A_190 = tpu.memref_squeeze %dma_start3A_189 : memref<1x200xi32, #tpu.memory_space<vmem>> -> memref<200xi32, #tpu.memory_space<vmem>>
      %dma_start3A_191 = arith.constant 0 : i32
      %dma_start3A_192 = arith.constant 0 : i32
      %dma_start3A_193 = tpu.memref_slice %arg2[%dma_start3A_191, %dma_start3A_192] : memref<10000x128xbf16, #tpu.memory_space<hbm>> -> memref<10000x128xbf16, #tpu.memory_space<hbm>>
      tpu.enqueue_indirect_dma source(%dma_start3A_193 : memref<10000x128xbf16, #tpu.memory_space<hbm>>) target(%dma_start3A_187 : memref<200x128xbf16, #tpu.memory_space<vmem>>) offsets(%dma_start3A_190 : memref<200xi32, #tpu.memory_space<vmem>>) semaphore(%arg12 : memref<!tpu.dma_semaphore, #tpu.memory_space<semaphore_mem>>)
      %dma_wait3A_194 = arith.constant 1 : i32
      %dma_wait3A_195 = arith.constant 0 : i32
      %dma_wait3A_196 = arith.constant 0 : i32
      %dma_wait3A_197 = tpu.memref_slice %arg10[%dma_wait3A_194, %dma_wait3A_195, %dma_wait3A_196] : memref<3x200x128xbf16, #tpu.memory_space<vmem>> -> memref<1x200x128xbf16, #tpu.memory_space<vmem>>
      %dma_wait3A_198 = tpu.memref_squeeze %dma_wait3A_197 : memref<1x200x128xbf16, #tpu.memory_space<vmem>> -> memref<200x128xbf16, #tpu.memory_space<vmem>>
      %dma_wait3A_199 = arith.constant 0 : i32
      %dma_wait3A_200 = tpu.memref_slice %arg8[%add3A_175, %dma_wait3A_199] : memref<50x200xi32, #tpu.memory_space<vmem>> -> memref<1x200xi32, #tpu.memory_space<vmem>>
      %dma_wait3A_201 = tpu.memref_squeeze %dma_wait3A_200 : memref<1x200xi32, #tpu.memory_space<vmem>> -> memref<200xi32, #tpu.memory_space<vmem>>
      %dma_wait3A_202 = arith.constant 0 : i32
      %dma_wait3A_203 = arith.constant 0 : i32
      %dma_wait3A_204 = tpu.memref_slice %arg2[%dma_wait3A_202, %dma_wait3A_203] : memref<10000x128xbf16, #tpu.memory_space<hbm>> -> memref<10000x128xbf16, #tpu.memory_space<hbm>>
      tpu.wait_indirect_dma semaphore(%arg13 : memref<!tpu.dma_semaphore, #tpu.memory_space<semaphore_mem>>) src(%dma_wait3A_204 : memref<10000x128xbf16, #tpu.memory_space<hbm>>) dst(%dma_wait3A_198 : memref<200x128xbf16, #tpu.memory_space<vmem>>)
      %dma_start3A_205 = arith.constant 1 : i32
      %dma_start3A_206 = arith.constant 0 : i32
      %dma_start3A_207 = arith.constant 0 : i32
      %dma_start3A_208 = tpu.memref_slice %arg10[%dma_start3A_205, %dma_start3A_206, %dma_start3A_207] : memref<3x200x128xbf16, #tpu.memory_space<vmem>> -> memref<1x200x128xbf16, #tpu.memory_space<vmem>>
      %dma_start3A_209 = tpu.memref_squeeze %dma_start3A_208 : memref<1x200x128xbf16, #tpu.memory_space<vmem>> -> memref<200x128xbf16, #tpu.memory_space<vmem>>
      %dma_start3A_210 = arith.constant 0 : i32
      %dma_start3A_211 = tpu.memref_slice %arg9[%add3A_175, %dma_start3A_210] : memref<50x200xi32, #tpu.memory_space<vmem>> -> memref<1x200xi32, #tpu.memory_space<vmem>>
      %dma_start3A_212 = tpu.memref_squeeze %dma_start3A_211 : memref<1x200xi32, #tpu.memory_space<vmem>> -> memref<200xi32, #tpu.memory_space<vmem>>
      %dma_start3A_213 = arith.constant 0 : i32
      %dma_start3A_214 = arith.constant 0 : i32
      %dma_start3A_215 = tpu.memref_slice %arg11[%dma_start3A_213, %dma_start3A_214] : memref<10000x128xbf16, #tpu.memory_space<vmem_shared>> -> memref<10000x128xbf16, #tpu.memory_space<vmem_shared>>
      tpu.enqueue_indirect_dma source(%dma_start3A_209 : memref<200x128xbf16, #tpu.memory_space<vmem>>) target(%dma_start3A_215 : memref<10000x128xbf16, #tpu.memory_space<vmem_shared>>) offsets(%dma_start3A_212 : memref<200xi32, #tpu.memory_space<vmem>>) semaphore(%arg16 : memref<!tpu.dma_semaphore, #tpu.memory_space<semaphore_mem>>) {add = true}
      %add3A_216 = arith.constant 2 : i32
      %add3A_217 = arith.addi %add3A_132, %add3A_216 : i32
      %ge3A_218 = arith.constant 1 : i32
      %ge3A_219 = arith.cmpi sge, %add3A_217, %ge3A_218 : i32
      %convert_element_type3A_220 = arith.extui %ge3A_219 : i1 to i32
      %cond3A_221 = arith.constant 0 : i32
      %cond3A_222 = arith.cmpi ne, %convert_element_type3A_220, %cond3A_221 : i32
      scf.if %cond3A_222 {
        %sub3A = arith.constant 1 : i32
        %sub3A_258 = arith.subi %add3A_217, %sub3A : i32
        %dma_wait3A_259 = arith.constant 1 : i32
        %dma_wait3A_260 = arith.constant 0 : i32
        %dma_wait3A_261 = arith.constant 0 : i32
        %dma_wait3A_262 = tpu.memref_slice %arg10[%dma_wait3A_259, %dma_wait3A_260, %dma_wait3A_261] : memref<3x200x128xbf16, #tpu.memory_space<vmem>> -> memref<1x200x128xbf16, #tpu.memory_space<vmem>>
        %dma_wait3A_263 = tpu.memref_squeeze %dma_wait3A_262 : memref<1x200x128xbf16, #tpu.memory_space<vmem>> -> memref<200x128xbf16, #tpu.memory_space<vmem>>
        %dma_wait3A_264 = arith.constant 0 : i32
        %dma_wait3A_265 = tpu.memref_slice %arg9[%sub3A_258, %dma_wait3A_264] : memref<50x200xi32, #tpu.memory_space<vmem>> -> memref<1x200xi32, #tpu.memory_space<vmem>>
        %dma_wait3A_266 = tpu.memref_squeeze %dma_wait3A_265 : memref<1x200xi32, #tpu.memory_space<vmem>> -> memref<200xi32, #tpu.memory_space<vmem>>
        %dma_wait3A_267 = arith.constant 0 : i32
        %dma_wait3A_268 = arith.constant 0 : i32
        %dma_wait3A_269 = tpu.memref_slice %arg11[%dma_wait3A_267, %dma_wait3A_268] : memref<10000x128xbf16, #tpu.memory_space<vmem_shared>> -> memref<10000x128xbf16, #tpu.memory_space<vmem_shared>>
        tpu.wait_indirect_dma semaphore(%arg16 : memref<!tpu.dma_semaphore, #tpu.memory_space<semaphore_mem>>) src(%dma_wait3A_263 : memref<200x128xbf16, #tpu.memory_space<vmem>>) dst(%dma_wait3A_269 : memref<10000x128xbf16, #tpu.memory_space<vmem_shared>>)
      } else {
      }
      %add3A_223 = arith.constant 2 : i32
      %add3A_224 = arith.addi %add3A_217, %add3A_223 : i32
      %dma_start3A_225 = arith.constant 1 : i32
      %dma_start3A_226 = arith.constant 0 : i32
      %dma_start3A_227 = arith.constant 0 : i32
      %dma_start3A_228 = tpu.memref_slice %arg10[%dma_start3A_225, %dma_start3A_226, %dma_start3A_227] : memref<3x200x128xbf16, #tpu.memory_space<vmem>> -> memref<1x200x128xbf16, #tpu.memory_space<vmem>>
      %dma_start3A_229 = tpu.memref_squeeze %dma_start3A_228 : memref<1x200x128xbf16, #tpu.memory_space<vmem>> -> memref<200x128xbf16, #tpu.memory_space<vmem>>
      %dma_start3A_230 = arith.constant 0 : i32
      %dma_start3A_231 = tpu.memref_slice %arg8[%add3A_224, %dma_start3A_230] : memref<50x200xi32, #tpu.memory_space<vmem>> -> memref<1x200xi32, #tpu.memory_space<vmem>>
      %dma_start3A_232 = tpu.memref_squeeze %dma_start3A_231 : memref<1x200xi32, #tpu.memory_space<vmem>> -> memref<200xi32, #tpu.memory_space<vmem>>
      %dma_start3A_233 = arith.constant 0 : i32
      %dma_start3A_234 = arith.constant 0 : i32
      %dma_start3A_235 = tpu.memref_slice %arg2[%dma_start3A_233, %dma_start3A_234] : memref<10000x128xbf16, #tpu.memory_space<hbm>> -> memref<10000x128xbf16, #tpu.memory_space<hbm>>
      tpu.enqueue_indirect_dma source(%dma_start3A_235 : memref<10000x128xbf16, #tpu.memory_space<hbm>>) target(%dma_start3A_229 : memref<200x128xbf16, #tpu.memory_space<vmem>>) offsets(%dma_start3A_232 : memref<200xi32, #tpu.memory_space<vmem>>) semaphore(%arg13 : memref<!tpu.dma_semaphore, #tpu.memory_space<semaphore_mem>>)
      %dma_wait3A_236 = arith.constant 2 : i32
      %dma_wait3A_237 = arith.constant 0 : i32
      %dma_wait3A_238 = arith.constant 0 : i32
      %dma_wait3A_239 = tpu.memref_slice %arg10[%dma_wait3A_236, %dma_wait3A_237, %dma_wait3A_238] : memref<3x200x128xbf16, #tpu.memory_space<vmem>> -> memref<1x200x128xbf16, #tpu.memory_space<vmem>>
      %dma_wait3A_240 = tpu.memref_squeeze %dma_wait3A_239 : memref<1x200x128xbf16, #tpu.memory_space<vmem>> -> memref<200x128xbf16, #tpu.memory_space<vmem>>
      %dma_wait3A_241 = arith.constant 0 : i32
      %dma_wait3A_242 = tpu.memref_slice %arg8[%add3A_217, %dma_wait3A_241] : memref<50x200xi32, #tpu.memory_space<vmem>> -> memref<1x200xi32, #tpu.memory_space<vmem>>
      %dma_wait3A_243 = tpu.memref_squeeze %dma_wait3A_242 : memref<1x200xi32, #tpu.memory_space<vmem>> -> memref<200xi32, #tpu.memory_space<vmem>>
      %dma_wait3A_244 = arith.constant 0 : i32
      %dma_wait3A_245 = arith.constant 0 : i32
      %dma_wait3A_246 = tpu.memref_slice %arg2[%dma_wait3A_244, %dma_wait3A_245] : memref<10000x128xbf16, #tpu.memory_space<hbm>> -> memref<10000x128xbf16, #tpu.memory_space<hbm>>
      tpu.wait_indirect_dma semaphore(%arg14 : memref<!tpu.dma_semaphore, #tpu.memory_space<semaphore_mem>>) src(%dma_wait3A_246 : memref<10000x128xbf16, #tpu.memory_space<hbm>>) dst(%dma_wait3A_240 : memref<200x128xbf16, #tpu.memory_space<vmem>>)
      %dma_start3A_247 = arith.constant 2 : i32
      %dma_start3A_248 = arith.constant 0 : i32
      %dma_start3A_249 = arith.constant 0 : i32
      %dma_start3A_250 = tpu.memref_slice %arg10[%dma_start3A_247, %dma_start3A_248, %dma_start3A_249] : memref<3x200x128xbf16, #tpu.memory_space<vmem>> -> memref<1x200x128xbf16, #tpu.memory_space<vmem>>
      %dma_start3A_251 = tpu.memref_squeeze %dma_start3A_250 : memref<1x200x128xbf16, #tpu.memory_space<vmem>> -> memref<200x128xbf16, #tpu.memory_space<vmem>>
      %dma_start3A_252 = arith.constant 0 : i32
      %dma_start3A_253 = tpu.memref_slice %arg9[%add3A_217, %dma_start3A_252] : memref<50x200xi32, #tpu.memory_space<vmem>> -> memref<1x200xi32, #tpu.memory_space<vmem>>
      %dma_start3A_254 = tpu.memref_squeeze %dma_start3A_253 : memref<1x200xi32, #tpu.memory_space<vmem>> -> memref<200xi32, #tpu.memory_space<vmem>>
      %dma_start3A_255 = arith.constant 0 : i32
      %dma_start3A_256 = arith.constant 0 : i32
      %dma_start3A_257 = tpu.memref_slice %arg11[%dma_start3A_255, %dma_start3A_256] : memref<10000x128xbf16, #tpu.memory_space<vmem_shared>> -> memref<10000x128xbf16, #tpu.memory_space<vmem_shared>>
      tpu.enqueue_indirect_dma source(%dma_start3A_251 : memref<200x128xbf16, #tpu.memory_space<vmem>>) target(%dma_start3A_257 : memref<10000x128xbf16, #tpu.memory_space<vmem_shared>>) offsets(%dma_start3A_254 : memref<200xi32, #tpu.memory_space<vmem>>) semaphore(%arg17 : memref<!tpu.dma_semaphore, #tpu.memory_space<semaphore_mem>>) {add = true}
    }
    %scan3A_33 = arith.constant 16 : i32
    %dma_wait3A = arith.constant 48 : i32
    %dma_wait3A_34 = arith.constant 0 : i32
    %dma_wait3A_35 = arith.constant 0 : i32
    %dma_wait3A_36 = arith.constant 0 : i32
    %dma_wait3A_37 = tpu.memref_slice %arg10[%dma_wait3A_34, %dma_wait3A_35, %dma_wait3A_36] : memref<3x200x128xbf16, #tpu.memory_space<vmem>> -> memref<1x200x128xbf16, #tpu.memory_space<vmem>>
    %dma_wait3A_38 = tpu.memref_squeeze %dma_wait3A_37 : memref<1x200x128xbf16, #tpu.memory_space<vmem>> -> memref<200x128xbf16, #tpu.memory_space<vmem>>
    %dma_wait3A_39 = arith.constant 0 : i32
    %dma_wait3A_40 = tpu.memref_slice %arg8[%dma_wait3A, %dma_wait3A_39] : memref<50x200xi32, #tpu.memory_space<vmem>> -> memref<1x200xi32, #tpu.memory_space<vmem>>
    %dma_wait3A_41 = tpu.memref_squeeze %dma_wait3A_40 : memref<1x200xi32, #tpu.memory_space<vmem>> -> memref<200xi32, #tpu.memory_space<vmem>>
    %dma_wait3A_42 = arith.constant 0 : i32
    %dma_wait3A_43 = arith.constant 0 : i32
    %dma_wait3A_44 = tpu.memref_slice %arg2[%dma_wait3A_42, %dma_wait3A_43] : memref<10000x128xbf16, #tpu.memory_space<hbm>> -> memref<10000x128xbf16, #tpu.memory_space<hbm>>
    tpu.wait_indirect_dma semaphore(%arg12 : memref<!tpu.dma_semaphore, #tpu.memory_space<semaphore_mem>>) src(%dma_wait3A_44 : memref<10000x128xbf16, #tpu.memory_space<hbm>>) dst(%dma_wait3A_38 : memref<200x128xbf16, #tpu.memory_space<vmem>>)
    %dma_start3A_45 = arith.constant 0 : i32
    %dma_start3A_46 = arith.constant 48 : i32
    %dma_start3A_47 = arith.constant 0 : i32
    %dma_start3A_48 = arith.constant 0 : i32
    %dma_start3A_49 = tpu.memref_slice %arg10[%dma_start3A_45, %dma_start3A_47, %dma_start3A_48] : memref<3x200x128xbf16, #tpu.memory_space<vmem>> -> memref<1x200x128xbf16, #tpu.memory_space<vmem>>
    %dma_start3A_50 = tpu.memref_squeeze %dma_start3A_49 : memref<1x200x128xbf16, #tpu.memory_space<vmem>> -> memref<200x128xbf16, #tpu.memory_space<vmem>>
    %dma_start3A_51 = arith.constant 0 : i32
    %dma_start3A_52 = tpu.memref_slice %arg9[%dma_start3A_46, %dma_start3A_51] : memref<50x200xi32, #tpu.memory_space<vmem>> -> memref<1x200xi32, #tpu.memory_space<vmem>>
    %dma_start3A_53 = tpu.memref_squeeze %dma_start3A_52 : memref<1x200xi32, #tpu.memory_space<vmem>> -> memref<200xi32, #tpu.memory_space<vmem>>
    %dma_start3A_54 = arith.constant 0 : i32
    %dma_start3A_55 = arith.constant 0 : i32
    %dma_start3A_56 = tpu.memref_slice %arg11[%dma_start3A_54, %dma_start3A_55] : memref<10000x128xbf16, #tpu.memory_space<vmem_shared>> -> memref<10000x128xbf16, #tpu.memory_space<vmem_shared>>
    tpu.enqueue_indirect_dma source(%dma_start3A_50 : memref<200x128xbf16, #tpu.memory_space<vmem>>) target(%dma_start3A_56 : memref<10000x128xbf16, #tpu.memory_space<vmem_shared>>) offsets(%dma_start3A_53 : memref<200xi32, #tpu.memory_space<vmem>>) semaphore(%arg15 : memref<!tpu.dma_semaphore, #tpu.memory_space<semaphore_mem>>) {add = true}
    %dma_wait3A_57 = arith.constant 49 : i32
    %dma_wait3A_58 = arith.constant 1 : i32
    %dma_wait3A_59 = arith.constant 0 : i32
    %dma_wait3A_60 = arith.constant 0 : i32
    %dma_wait3A_61 = tpu.memref_slice %arg10[%dma_wait3A_58, %dma_wait3A_59, %dma_wait3A_60] : memref<3x200x128xbf16, #tpu.memory_space<vmem>> -> memref<1x200x128xbf16, #tpu.memory_space<vmem>>
    %dma_wait3A_62 = tpu.memref_squeeze %dma_wait3A_61 : memref<1x200x128xbf16, #tpu.memory_space<vmem>> -> memref<200x128xbf16, #tpu.memory_space<vmem>>
    %dma_wait3A_63 = arith.constant 0 : i32
    %dma_wait3A_64 = tpu.memref_slice %arg8[%dma_wait3A_57, %dma_wait3A_63] : memref<50x200xi32, #tpu.memory_space<vmem>> -> memref<1x200xi32, #tpu.memory_space<vmem>>
    %dma_wait3A_65 = tpu.memref_squeeze %dma_wait3A_64 : memref<1x200xi32, #tpu.memory_space<vmem>> -> memref<200xi32, #tpu.memory_space<vmem>>
    %dma_wait3A_66 = arith.constant 0 : i32
    %dma_wait3A_67 = arith.constant 0 : i32
    %dma_wait3A_68 = tpu.memref_slice %arg2[%dma_wait3A_66, %dma_wait3A_67] : memref<10000x128xbf16, #tpu.memory_space<hbm>> -> memref<10000x128xbf16, #tpu.memory_space<hbm>>
    tpu.wait_indirect_dma semaphore(%arg13 : memref<!tpu.dma_semaphore, #tpu.memory_space<semaphore_mem>>) src(%dma_wait3A_68 : memref<10000x128xbf16, #tpu.memory_space<hbm>>) dst(%dma_wait3A_62 : memref<200x128xbf16, #tpu.memory_space<vmem>>)
    %dma_start3A_69 = arith.constant 1 : i32
    %dma_start3A_70 = arith.constant 49 : i32
    %dma_start3A_71 = arith.constant 0 : i32
    %dma_start3A_72 = arith.constant 0 : i32
    %dma_start3A_73 = tpu.memref_slice %arg10[%dma_start3A_69, %dma_start3A_71, %dma_start3A_72] : memref<3x200x128xbf16, #tpu.memory_space<vmem>> -> memref<1x200x128xbf16, #tpu.memory_space<vmem>>
    %dma_start3A_74 = tpu.memref_squeeze %dma_start3A_73 : memref<1x200x128xbf16, #tpu.memory_space<vmem>> -> memref<200x128xbf16, #tpu.memory_space<vmem>>
    %dma_start3A_75 = arith.constant 0 : i32
    %dma_start3A_76 = tpu.memref_slice %arg9[%dma_start3A_70, %dma_start3A_75] : memref<50x200xi32, #tpu.memory_space<vmem>> -> memref<1x200xi32, #tpu.memory_space<vmem>>
    %dma_start3A_77 = tpu.memref_squeeze %dma_start3A_76 : memref<1x200xi32, #tpu.memory_space<vmem>> -> memref<200xi32, #tpu.memory_space<vmem>>
    %dma_start3A_78 = arith.constant 0 : i32
    %dma_start3A_79 = arith.constant 0 : i32
    %dma_start3A_80 = tpu.memref_slice %arg11[%dma_start3A_78, %dma_start3A_79] : memref<10000x128xbf16, #tpu.memory_space<vmem_shared>> -> memref<10000x128xbf16, #tpu.memory_space<vmem_shared>>
    tpu.enqueue_indirect_dma source(%dma_start3A_74 : memref<200x128xbf16, #tpu.memory_space<vmem>>) target(%dma_start3A_80 : memref<10000x128xbf16, #tpu.memory_space<vmem_shared>>) offsets(%dma_start3A_77 : memref<200xi32, #tpu.memory_space<vmem>>) semaphore(%arg16 : memref<!tpu.dma_semaphore, #tpu.memory_space<semaphore_mem>>) {add = true}
    %dma_wait3A_81 = arith.constant 2 : i32
    %dma_wait3A_82 = arith.constant 47 : i32
    %dma_wait3A_83 = arith.constant 0 : i32
    %dma_wait3A_84 = arith.constant 0 : i32
    %dma_wait3A_85 = tpu.memref_slice %arg10[%dma_wait3A_81, %dma_wait3A_83, %dma_wait3A_84] : memref<3x200x128xbf16, #tpu.memory_space<vmem>> -> memref<1x200x128xbf16, #tpu.memory_space<vmem>>
    %dma_wait3A_86 = tpu.memref_squeeze %dma_wait3A_85 : memref<1x200x128xbf16, #tpu.memory_space<vmem>> -> memref<200x128xbf16, #tpu.memory_space<vmem>>
    %dma_wait3A_87 = arith.constant 0 : i32
    %dma_wait3A_88 = tpu.memref_slice %arg9[%dma_wait3A_82, %dma_wait3A_87] : memref<50x200xi32, #tpu.memory_space<vmem>> -> memref<1x200xi32, #tpu.memory_space<vmem>>
    %dma_wait3A_89 = tpu.memref_squeeze %dma_wait3A_88 : memref<1x200xi32, #tpu.memory_space<vmem>> -> memref<200xi32, #tpu.memory_space<vmem>>
    %dma_wait3A_90 = arith.constant 0 : i32
    %dma_wait3A_91 = arith.constant 0 : i32
    %dma_wait3A_92 = tpu.memref_slice %arg11[%dma_wait3A_90, %dma_wait3A_91] : memref<10000x128xbf16, #tpu.memory_space<vmem_shared>> -> memref<10000x128xbf16, #tpu.memory_space<vmem_shared>>
    tpu.wait_indirect_dma semaphore(%arg17 : memref<!tpu.dma_semaphore, #tpu.memory_space<semaphore_mem>>) src(%dma_wait3A_86 : memref<200x128xbf16, #tpu.memory_space<vmem>>) dst(%dma_wait3A_92 : memref<10000x128xbf16, #tpu.memory_space<vmem_shared>>)
    %dma_wait3A_93 = arith.constant 0 : i32
    %dma_wait3A_94 = arith.constant 48 : i32
    %dma_wait3A_95 = arith.constant 0 : i32
    %dma_wait3A_96 = arith.constant 0 : i32
    %dma_wait3A_97 = tpu.memref_slice %arg10[%dma_wait3A_93, %dma_wait3A_95, %dma_wait3A_96] : memref<3x200x128xbf16, #tpu.memory_space<vmem>> -> memref<1x200x128xbf16, #tpu.memory_space<vmem>>
    %dma_wait3A_98 = tpu.memref_squeeze %dma_wait3A_97 : memref<1x200x128xbf16, #tpu.memory_space<vmem>> -> memref<200x128xbf16, #tpu.memory_space<vmem>>
    %dma_wait3A_99 = arith.constant 0 : i32
    %dma_wait3A_100 = tpu.memref_slice %arg9[%dma_wait3A_94, %dma_wait3A_99] : memref<50x200xi32, #tpu.memory_space<vmem>> -> memref<1x200xi32, #tpu.memory_space<vmem>>
    %dma_wait3A_101 = tpu.memref_squeeze %dma_wait3A_100 : memref<1x200xi32, #tpu.memory_space<vmem>> -> memref<200xi32, #tpu.memory_space<vmem>>
    %dma_wait3A_102 = arith.constant 0 : i32
    %dma_wait3A_103 = arith.constant 0 : i32
    %dma_wait3A_104 = tpu.memref_slice %arg11[%dma_wait3A_102, %dma_wait3A_103] : memref<10000x128xbf16, #tpu.memory_space<vmem_shared>> -> memref<10000x128xbf16, #tpu.memory_space<vmem_shared>>
    tpu.wait_indirect_dma semaphore(%arg15 : memref<!tpu.dma_semaphore, #tpu.memory_space<semaphore_mem>>) src(%dma_wait3A_98 : memref<200x128xbf16, #tpu.memory_space<vmem>>) dst(%dma_wait3A_104 : memref<10000x128xbf16, #tpu.memory_space<vmem_shared>>)
    %dma_wait3A_105 = arith.constant 1 : i32
    %dma_wait3A_106 = arith.constant 49 : i32
    %dma_wait3A_107 = arith.constant 0 : i32
    %dma_wait3A_108 = arith.constant 0 : i32
    %dma_wait3A_109 = tpu.memref_slice %arg10[%dma_wait3A_105, %dma_wait3A_107, %dma_wait3A_108] : memref<3x200x128xbf16, #tpu.memory_space<vmem>> -> memref<1x200x128xbf16, #tpu.memory_space<vmem>>
    %dma_wait3A_110 = tpu.memref_squeeze %dma_wait3A_109 : memref<1x200x128xbf16, #tpu.memory_space<vmem>> -> memref<200x128xbf16, #tpu.memory_space<vmem>>
    %dma_wait3A_111 = arith.constant 0 : i32
    %dma_wait3A_112 = tpu.memref_slice %arg9[%dma_wait3A_106, %dma_wait3A_111] : memref<50x200xi32, #tpu.memory_space<vmem>> -> memref<1x200xi32, #tpu.memory_space<vmem>>
    %dma_wait3A_113 = tpu.memref_squeeze %dma_wait3A_112 : memref<1x200xi32, #tpu.memory_space<vmem>> -> memref<200xi32, #tpu.memory_space<vmem>>
    %dma_wait3A_114 = arith.constant 0 : i32
    %dma_wait3A_115 = arith.constant 0 : i32
    %dma_wait3A_116 = tpu.memref_slice %arg11[%dma_wait3A_114, %dma_wait3A_115] : memref<10000x128xbf16, #tpu.memory_space<vmem_shared>> -> memref<10000x128xbf16, #tpu.memory_space<vmem_shared>>
    tpu.wait_indirect_dma semaphore(%arg16 : memref<!tpu.dma_semaphore, #tpu.memory_space<semaphore_mem>>) src(%dma_wait3A_110 : memref<200x128xbf16, #tpu.memory_space<vmem>>) dst(%dma_wait3A_116 : memref<10000x128xbf16, #tpu.memory_space<vmem_shared>>)
    %barrier3A_117 = arith.constant 0 : index
    tpu.barrier barrier_id(%barrier3A_117)
    %eq3A_118 = arith.constant 0 : i32
    %eq3A_119 = arith.cmpi eq, %arg0, %eq3A_118 : i32
    %convert_element_type3A_120 = arith.extui %eq3A_119 : i1 to i32
    %cond3A_121 = arith.constant 0 : i32
    %cond3A_122 = arith.cmpi ne, %convert_element_type3A_120, %cond3A_121 : i32
    scf.if %cond3A_122 {
      %lt3A_128 = arith.constant 15 : i32
      %lt3A_129 = arith.cmpi slt, %arg1, %lt3A_128 : i32
      %convert_element_type3A_130 = arith.extui %lt3A_129 : i1 to i32
      %cond3A_131 = arith.constant 0 : i32
      %cond3A_132 = arith.cmpi ne, %convert_element_type3A_130, %cond3A_131 : i32
      scf.if %cond3A_132 {
        %mul3A_138 = arith.constant 640 : i32
        %mul3A_139 = arith.muli %arg1, %mul3A_138 : i32
        "tpu.region"() ({
          %run_scoped3A = tpu.sem_alloc : memref<!tpu.dma_semaphore, #tpu.memory_space<semaphore_mem>>
          %dma_start3A_140 = arith.constant 0 : i32
          %dma_start3A_141 = tpu.memref_slice %arg6[%mul3A_139, %dma_start3A_140] : memref<10000x128xbf16, #tpu.memory_space<hbm>> -> memref<640x128xbf16, #tpu.memory_space<hbm>>
          %dma_start3A_142 = arith.constant 0 : i32
          %dma_start3A_143 = tpu.memref_slice %arg11[%mul3A_139, %dma_start3A_142] : memref<10000x128xbf16, #tpu.memory_space<vmem_shared>> -> memref<640x128xbf16, #tpu.memory_space<vmem_shared>>
          tpu.enqueue_dma source(%dma_start3A_143 : memref<640x128xbf16, #tpu.memory_space<vmem_shared>>) target(%dma_start3A_141 : memref<640x128xbf16, #tpu.memory_space<hbm>>) target_semaphore(%run_scoped3A : memref<!tpu.dma_semaphore, #tpu.memory_space<semaphore_mem>>)
          %dma_wait3A_144 = arith.constant 0 : i32
          %dma_wait3A_145 = tpu.memref_slice %arg6[%mul3A_139, %dma_wait3A_144] : memref<10000x128xbf16, #tpu.memory_space<hbm>> -> memref<640x128xbf16, #tpu.memory_space<hbm>>
          %dma_wait3A_146 = arith.constant 0 : i32
          %dma_wait3A_147 = tpu.memref_slice %arg11[%mul3A_139, %dma_wait3A_146] : memref<10000x128xbf16, #tpu.memory_space<vmem_shared>> -> memref<640x128xbf16, #tpu.memory_space<vmem_shared>>
          tpu.wait_dma2 semaphore(%run_scoped3A : memref<!tpu.dma_semaphore, #tpu.memory_space<semaphore_mem>>) src(%dma_wait3A_147 : memref<640x128xbf16, #tpu.memory_space<vmem_shared>>) dst(%dma_wait3A_145 : memref<640x128xbf16, #tpu.memory_space<hbm>>)
          tpu.yield
        }) : () -> ()
      } else {
      }
      %eq3A_133 = arith.constant 15 : i32
      %eq3A_134 = arith.cmpi eq, %arg1, %eq3A_133 : i32
      %convert_element_type3A_135 = arith.extui %eq3A_134 : i1 to i32
      %cond3A_136 = arith.constant 0 : i32
      %cond3A_137 = arith.cmpi ne, %convert_element_type3A_135, %cond3A_136 : i32
      scf.if %cond3A_137 {
        "tpu.region"() ({
          %run_scoped3A = tpu.sem_alloc : memref<!tpu.dma_semaphore, #tpu.memory_space<semaphore_mem>>
          %dma_start3A_138 = arith.constant 9600 : i32
          %dma_start3A_139 = arith.constant 0 : i32
          %dma_start3A_140 = tpu.memref_slice %arg6[%dma_start3A_138, %dma_start3A_139] : memref<10000x128xbf16, #tpu.memory_space<hbm>> -> memref<400x128xbf16, #tpu.memory_space<hbm>>
          %dma_start3A_141 = arith.constant 9600 : i32
          %dma_start3A_142 = arith.constant 0 : i32
          %dma_start3A_143 = tpu.memref_slice %arg11[%dma_start3A_141, %dma_start3A_142] : memref<10000x128xbf16, #tpu.memory_space<vmem_shared>> -> memref<400x128xbf16, #tpu.memory_space<vmem_shared>>
          tpu.enqueue_dma source(%dma_start3A_143 : memref<400x128xbf16, #tpu.memory_space<vmem_shared>>) target(%dma_start3A_140 : memref<400x128xbf16, #tpu.memory_space<hbm>>) target_semaphore(%run_scoped3A : memref<!tpu.dma_semaphore, #tpu.memory_space<semaphore_mem>>)
          %dma_wait3A_144 = arith.constant 9600 : i32
          %dma_wait3A_145 = arith.constant 0 : i32
          %dma_wait3A_146 = tpu.memref_slice %arg6[%dma_wait3A_144, %dma_wait3A_145] : memref<10000x128xbf16, #tpu.memory_space<hbm>> -> memref<400x128xbf16, #tpu.memory_space<hbm>>
          %dma_wait3A_147 = arith.constant 9600 : i32
          %dma_wait3A_148 = arith.constant 0 : i32
          %dma_wait3A_149 = tpu.memref_slice %arg11[%dma_wait3A_147, %dma_wait3A_148] : memref<10000x128xbf16, #tpu.memory_space<vmem_shared>> -> memref<400x128xbf16, #tpu.memory_space<vmem_shared>>
          tpu.wait_dma2 semaphore(%run_scoped3A : memref<!tpu.dma_semaphore, #tpu.memory_space<semaphore_mem>>) src(%dma_wait3A_149 : memref<400x128xbf16, #tpu.memory_space<vmem_shared>>) dst(%dma_wait3A_146 : memref<400x128xbf16, #tpu.memory_space<hbm>>)
          tpu.yield
        }) : () -> ()
      } else {
      }
    } else {
    }
    %eq3A_123 = arith.constant 1 : i32
    %eq3A_124 = arith.cmpi eq, %arg0, %eq3A_123 : i32
    %convert_element_type3A_125 = arith.extui %eq3A_124 : i1 to i32
    %cond3A_126 = arith.constant 0 : i32
    %cond3A_127 = arith.cmpi ne, %convert_element_type3A_125, %cond3A_126 : i32
    scf.if %cond3A_127 {
      %lt3A_128 = arith.constant 15 : i32
      %lt3A_129 = arith.cmpi slt, %arg1, %lt3A_128 : i32
      %convert_element_type3A_130 = arith.extui %lt3A_129 : i1 to i32
      %cond3A_131 = arith.constant 0 : i32
      %cond3A_132 = arith.cmpi ne, %convert_element_type3A_130, %cond3A_131 : i32
      scf.if %cond3A_132 {
        %mul3A_138 = arith.constant 640 : i32
        %mul3A_139 = arith.muli %arg1, %mul3A_138 : i32
        "tpu.region"() ({
          %run_scoped3A = tpu.sem_alloc : memref<!tpu.dma_semaphore, #tpu.memory_space<semaphore_mem>>
          %dma_start3A_140 = arith.constant 0 : i32
          %dma_start3A_141 = tpu.memref_slice %arg7[%mul3A_139, %dma_start3A_140] : memref<10000x128xbf16, #tpu.memory_space<hbm>> -> memref<640x128xbf16, #tpu.memory_space<hbm>>
          %dma_start3A_142 = arith.constant 0 : i32
          %dma_start3A_143 = tpu.memref_slice %arg11[%mul3A_139, %dma_start3A_142] : memref<10000x128xbf16, #tpu.memory_space<vmem_shared>> -> memref<640x128xbf16, #tpu.memory_space<vmem_shared>>
          tpu.enqueue_dma source(%dma_start3A_143 : memref<640x128xbf16, #tpu.memory_space<vmem_shared>>) target(%dma_start3A_141 : memref<640x128xbf16, #tpu.memory_space<hbm>>) target_semaphore(%run_scoped3A : memref<!tpu.dma_semaphore, #tpu.memory_space<semaphore_mem>>)
          %dma_wait3A_144 = arith.constant 0 : i32
          %dma_wait3A_145 = tpu.memref_slice %arg7[%mul3A_139, %dma_wait3A_144] : memref<10000x128xbf16, #tpu.memory_space<hbm>> -> memref<640x128xbf16, #tpu.memory_space<hbm>>
          %dma_wait3A_146 = arith.constant 0 : i32
          %dma_wait3A_147 = tpu.memref_slice %arg11[%mul3A_139, %dma_wait3A_146] : memref<10000x128xbf16, #tpu.memory_space<vmem_shared>> -> memref<640x128xbf16, #tpu.memory_space<vmem_shared>>
          tpu.wait_dma2 semaphore(%run_scoped3A : memref<!tpu.dma_semaphore, #tpu.memory_space<semaphore_mem>>) src(%dma_wait3A_147 : memref<640x128xbf16, #tpu.memory_space<vmem_shared>>) dst(%dma_wait3A_145 : memref<640x128xbf16, #tpu.memory_space<hbm>>)
          tpu.yield
        }) : () -> ()
      } else {
      }
      %eq3A_133 = arith.constant 15 : i32
      %eq3A_134 = arith.cmpi eq, %arg1, %eq3A_133 : i32
      %convert_element_type3A_135 = arith.extui %eq3A_134 : i1 to i32
      %cond3A_136 = arith.constant 0 : i32
      %cond3A_137 = arith.cmpi ne, %convert_element_type3A_135, %cond3A_136 : i32
      scf.if %cond3A_137 {
        "tpu.region"() ({
          %run_scoped3A = tpu.sem_alloc : memref<!tpu.dma_semaphore, #tpu.memory_space<semaphore_mem>>
          %dma_start3A_138 = arith.constant 9600 : i32
          %dma_start3A_139 = arith.constant 0 : i32
          %dma_start3A_140 = tpu.memref_slice %arg7[%dma_start3A_138, %dma_start3A_139] : memref<10000x128xbf16, #tpu.memory_space<hbm>> -> memref<400x128xbf16, #tpu.memory_space<hbm>>
          %dma_start3A_141 = arith.constant 9600 : i32
          %dma_start3A_142 = arith.constant 0 : i32
          %dma_start3A_143 = tpu.memref_slice %arg11[%dma_start3A_141, %dma_start3A_142] : memref<10000x128xbf16, #tpu.memory_space<vmem_shared>> -> memref<400x128xbf16, #tpu.memory_space<vmem_shared>>
          tpu.enqueue_dma source(%dma_start3A_143 : memref<400x128xbf16, #tpu.memory_space<vmem_shared>>) target(%dma_start3A_140 : memref<400x128xbf16, #tpu.memory_space<hbm>>) target_semaphore(%run_scoped3A : memref<!tpu.dma_semaphore, #tpu.memory_space<semaphore_mem>>)
          %dma_wait3A_144 = arith.constant 9600 : i32
          %dma_wait3A_145 = arith.constant 0 : i32
          %dma_wait3A_146 = tpu.memref_slice %arg7[%dma_wait3A_144, %dma_wait3A_145] : memref<10000x128xbf16, #tpu.memory_space<hbm>> -> memref<400x128xbf16, #tpu.memory_space<hbm>>
          %dma_wait3A_147 = arith.constant 9600 : i32
          %dma_wait3A_148 = arith.constant 0 : i32
          %dma_wait3A_149 = tpu.memref_slice %arg11[%dma_wait3A_147, %dma_wait3A_148] : memref<10000x128xbf16, #tpu.memory_space<vmem_shared>> -> memref<400x128xbf16, #tpu.memory_space<vmem_shared>>
          tpu.wait_dma2 semaphore(%run_scoped3A : memref<!tpu.dma_semaphore, #tpu.memory_space<semaphore_mem>>) src(%dma_wait3A_149 : memref<400x128xbf16, #tpu.memory_space<vmem_shared>>) dst(%dma_wait3A_146 : memref<400x128xbf16, #tpu.memory_space<hbm>>)
          tpu.yield
        }) : () -> ()
      } else {
      }
    } else {
    }
    return
  }
}

#map = affine_map<(d0, d1) -> (0, 0)>
#map1 = affine_map<(d0, d1) -> (0, 0, 0)>
module attributes {stable_mosaic.version = 14 : i64} {
  func.func @_sc_aggregate(%arg0: i32, %arg1: i32, %arg2: memref<10000x128xbf16, #tpu.memory_space<hbm>>, %arg3: memref<32x50x200xi32, #tpu.memory_space<hbm>>, %arg4: memref<32x50x200xi32, #tpu.memory_space<hbm>>, %arg5: memref<10000x128xbf16, #tpu.memory_space<hbm>>, %arg6: memref<10000x128xbf16, #tpu.memory_space<hbm>>, %arg7: memref<10000x128xbf16, #tpu.memory_space<hbm>>, %arg8: memref<50x200xi32, #tpu.memory_space<vmem>>, %arg9: memref<50x200xi32, #tpu.memory_space<vmem>>, %arg10: memref<3x200x128xbf16, #tpu.memory_space<vmem>>, %arg11: memref<10000x128xbf16, #tpu.memory_space<vmem_shared>>, %arg12: memref<!tpu.dma_semaphore, #tpu.memory_space<semaphore_mem>>, %arg13: memref<!tpu.dma_semaphore, #tpu.memory_space<semaphore_mem>>, %arg14: memref<!tpu.dma_semaphore, #tpu.memory_space<semaphore_mem>>, %arg15: memref<!tpu.dma_semaphore, #tpu.memory_space<semaphore_mem>>, %arg16: memref<!tpu.dma_semaphore, #tpu.memory_space<semaphore_mem>>, %arg17: memref<!tpu.dma_semaphore, #tpu.memory_space<semaphore_mem>>) attributes {dimension_semantics = [#tpu.dimension_semantics<core_parallel>, #tpu.dimension_semantics<subcore_parallel>], iteration_bounds = array<i64: 2, 16>, scalar_prefetch = 0 : i64, scratch_operands = 10 : i64, tpu.core_type = #tpu.core_type<sc_vector_subcore>, window_params = [{transform_indices = #map}, {transform_indices = #map1}, {transform_indices = #map1}, {transform_indices = #map}, {transform_indices = #map}, {transform_indices = #map}]} {
    %mul3A = arith.constant 16 : i32
    %mul3A_0 = arith.muli %arg0, %mul3A : i32
    %add3A = arith.addi %mul3A_0, %arg1 : i32
    "tpu.region"() ({
      %run_scoped3A = tpu.sem_alloc : memref<!tpu.dma_semaphore, #tpu.memory_space<semaphore_mem>>
      %dma_start3A_128 = arith.constant 0 : i32
      %dma_start3A_129 = arith.constant 0 : i32
      %dma_start3A_130 = tpu.memref_slice %arg3[%add3A, %dma_start3A_128, %dma_start3A_129] : memref<32x50x200xi32, #tpu.memory_space<hbm>> -> memref<1x50x200xi32, #tpu.memory_space<hbm>>
      %dma_start3A_131 = tpu.memref_squeeze %dma_start3A_130 : memref<1x50x200xi32, #tpu.memory_space<hbm>> -> memref<50x200xi32, #tpu.memory_space<hbm>>
      %dma_start3A_132 = arith.constant 0 : i32
      %dma_start3A_133 = arith.constant 0 : i32
      %dma_start3A_134 = tpu.memref_slice %arg3[%add3A, %dma_start3A_132, %dma_start3A_133] : memref<32x50x200xi32, #tpu.memory_space<hbm>> -> memref<1x50x200xi32, #tpu.memory_space<hbm>>
      %dma_start3A_135 = tpu.memref_squeeze %dma_start3A_134 : memref<1x50x200xi32, #tpu.memory_space<hbm>> -> memref<50x200xi32, #tpu.memory_space<hbm>>
      tpu.enqueue_dma source(%dma_start3A_135 : memref<50x200xi32, #tpu.memory_space<hbm>>) target(%arg8 : memref<50x200xi32, #tpu.memory_space<vmem>>) target_semaphore(%run_scoped3A : memref<!tpu.dma_semaphore, #tpu.memory_space<semaphore_mem>>)
      %dma_wait3A_136 = arith.constant 0 : i32
      %dma_wait3A_137 = arith.constant 0 : i32
      %dma_wait3A_138 = tpu.memref_slice %arg3[%add3A, %dma_wait3A_136, %dma_wait3A_137] : memref<32x50x200xi32, #tpu.memory_space<hbm>> -> memref<1x50x200xi32, #tpu.memory_space<hbm>>
      %dma_wait3A_139 = tpu.memref_squeeze %dma_wait3A_138 : memref<1x50x200xi32, #tpu.memory_space<hbm>> -> memref<50x200xi32, #tpu.memory_space<hbm>>
      %dma_wait3A_140 = arith.constant 0 : i32
      %dma_wait3A_141 = arith.constant 0 : i32
      %dma_wait3A_142 = tpu.memref_slice %arg3[%add3A, %dma_wait3A_140, %dma_wait3A_141] : memref<32x50x200xi32, #tpu.memory_space<hbm>> -> memref<1x50x200xi32, #tpu.memory_space<hbm>>
      %dma_wait3A_143 = tpu.memref_squeeze %dma_wait3A_142 : memref<1x50x200xi32, #tpu.memory_space<hbm>> -> memref<50x200xi32, #tpu.memory_space<hbm>>
      tpu.wait_dma2 semaphore(%run_scoped3A : memref<!tpu.dma_semaphore, #tpu.memory_space<semaphore_mem>>) src(%dma_wait3A_143 : memref<50x200xi32, #tpu.memory_space<hbm>>) dst(%arg8 : memref<50x200xi32, #tpu.memory_space<vmem>>)
      tpu.yield
    }) : () -> ()
    "tpu.region"() ({
      %run_scoped3A = tpu.sem_alloc : memref<!tpu.dma_semaphore, #tpu.memory_space<semaphore_mem>>
      %dma_start3A_128 = arith.constant 0 : i32
      %dma_start3A_129 = arith.constant 0 : i32
      %dma_start3A_130 = tpu.memref_slice %arg4[%add3A, %dma_start3A_128, %dma_start3A_129] : memref<32x50x200xi32, #tpu.memory_space<hbm>> -> memref<1x50x200xi32, #tpu.memory_space<hbm>>
      %dma_start3A_131 = tpu.memref_squeeze %dma_start3A_130 : memref<1x50x200xi32, #tpu.memory_space<hbm>> -> memref<50x200xi32, #tpu.memory_space<hbm>>
      %dma_start3A_132 = arith.constant 0 : i32
      %dma_start3A_133 = arith.constant 0 : i32
      %dma_start3A_134 = tpu.memref_slice %arg4[%add3A, %dma_start3A_132, %dma_start3A_133] : memref<32x50x200xi32, #tpu.memory_space<hbm>> -> memref<1x50x200xi32, #tpu.memory_space<hbm>>
      %dma_start3A_135 = tpu.memref_squeeze %dma_start3A_134 : memref<1x50x200xi32, #tpu.memory_space<hbm>> -> memref<50x200xi32, #tpu.memory_space<hbm>>
      tpu.enqueue_dma source(%dma_start3A_135 : memref<50x200xi32, #tpu.memory_space<hbm>>) target(%arg9 : memref<50x200xi32, #tpu.memory_space<vmem>>) target_semaphore(%run_scoped3A : memref<!tpu.dma_semaphore, #tpu.memory_space<semaphore_mem>>)
      %dma_wait3A_136 = arith.constant 0 : i32
      %dma_wait3A_137 = arith.constant 0 : i32
      %dma_wait3A_138 = tpu.memref_slice %arg4[%add3A, %dma_wait3A_136, %dma_wait3A_137] : memref<32x50x200xi32, #tpu.memory_space<hbm>> -> memref<1x50x200xi32, #tpu.memory_space<hbm>>
      %dma_wait3A_139 = tpu.memref_squeeze %dma_wait3A_138 : memref<1x50x200xi32, #tpu.memory_space<hbm>> -> memref<50x200xi32, #tpu.memory_space<hbm>>
      %dma_wait3A_140 = arith.constant 0 : i32
      %dma_wait3A_141 = arith.constant 0 : i32
      %dma_wait3A_142 = tpu.memref_slice %arg4[%add3A, %dma_wait3A_140, %dma_wait3A_141] : memref<32x50x200xi32, #tpu.memory_space<hbm>> -> memref<1x50x200xi32, #tpu.memory_space<hbm>>
      %dma_wait3A_143 = tpu.memref_squeeze %dma_wait3A_142 : memref<1x50x200xi32, #tpu.memory_space<hbm>> -> memref<50x200xi32, #tpu.memory_space<hbm>>
      tpu.wait_dma2 semaphore(%run_scoped3A : memref<!tpu.dma_semaphore, #tpu.memory_space<semaphore_mem>>) src(%dma_wait3A_143 : memref<50x200xi32, #tpu.memory_space<hbm>>) dst(%arg9 : memref<50x200xi32, #tpu.memory_space<vmem>>)
      tpu.yield
    }) : () -> ()
    %lt3A = arith.constant 15 : i32
    %lt3A_1 = arith.cmpi slt, %arg1, %lt3A : i32
    %convert_element_type3A = arith.extui %lt3A_1 : i1 to i32
    %cond3A = arith.constant 0 : i32
    %cond3A_2 = arith.cmpi ne, %convert_element_type3A, %cond3A : i32
    scf.if %cond3A_2 {
      %mul3A_128 = arith.constant 640 : i32
      %mul3A_129 = arith.muli %arg1, %mul3A_128 : i32
      "tpu.region"() ({
        %run_scoped3A = tpu.sem_alloc : memref<!tpu.dma_semaphore, #tpu.memory_space<semaphore_mem>>
        %dma_start3A_130 = arith.constant 0 : i32
        %dma_start3A_131 = tpu.memref_slice %arg11[%mul3A_129, %dma_start3A_130] : memref<10000x128xbf16, #tpu.memory_space<vmem_shared>> -> memref<640x128xbf16, #tpu.memory_space<vmem_shared>>
        %dma_start3A_132 = arith.constant 0 : i32
        %dma_start3A_133 = tpu.memref_slice %arg5[%mul3A_129, %dma_start3A_132] : memref<10000x128xbf16, #tpu.memory_space<hbm>> -> memref<640x128xbf16, #tpu.memory_space<hbm>>
        tpu.enqueue_dma source(%dma_start3A_133 : memref<640x128xbf16, #tpu.memory_space<hbm>>) target(%dma_start3A_131 : memref<640x128xbf16, #tpu.memory_space<vmem_shared>>) target_semaphore(%run_scoped3A : memref<!tpu.dma_semaphore, #tpu.memory_space<semaphore_mem>>)
        %dma_wait3A_134 = arith.constant 0 : i32
        %dma_wait3A_135 = tpu.memref_slice %arg11[%mul3A_129, %dma_wait3A_134] : memref<10000x128xbf16, #tpu.memory_space<vmem_shared>> -> memref<640x128xbf16, #tpu.memory_space<vmem_shared>>
        %dma_wait3A_136 = arith.constant 0 : i32
        %dma_wait3A_137 = tpu.memref_slice %arg5[%mul3A_129, %dma_wait3A_136] : memref<10000x128xbf16, #tpu.memory_space<hbm>> -> memref<640x128xbf16, #tpu.memory_space<hbm>>
        tpu.wait_dma2 semaphore(%run_scoped3A : memref<!tpu.dma_semaphore, #tpu.memory_space<semaphore_mem>>) src(%dma_wait3A_137 : memref<640x128xbf16, #tpu.memory_space<hbm>>) dst(%dma_wait3A_135 : memref<640x128xbf16, #tpu.memory_space<vmem_shared>>)
        tpu.yield
      }) : () -> ()
    } else {
    }
    %eq3A = arith.constant 15 : i32
    %eq3A_3 = arith.cmpi eq, %arg1, %eq3A : i32
    %convert_element_type3A_4 = arith.extui %eq3A_3 : i1 to i32
    %cond3A_5 = arith.constant 0 : i32
    %cond3A_6 = arith.cmpi ne, %convert_element_type3A_4, %cond3A_5 : i32
    scf.if %cond3A_6 {
      "tpu.region"() ({
        %run_scoped3A = tpu.sem_alloc : memref<!tpu.dma_semaphore, #tpu.memory_space<semaphore_mem>>
        %dma_start3A_128 = arith.constant 9600 : i32
        %dma_start3A_129 = arith.constant 0 : i32
        %dma_start3A_130 = tpu.memref_slice %arg11[%dma_start3A_128, %dma_start3A_129] : memref<10000x128xbf16, #tpu.memory_space<vmem_shared>> -> memref<400x128xbf16, #tpu.memory_space<vmem_shared>>
        %dma_start3A_131 = arith.constant 9600 : i32
        %dma_start3A_132 = arith.constant 0 : i32
        %dma_start3A_133 = tpu.memref_slice %arg5[%dma_start3A_131, %dma_start3A_132] : memref<10000x128xbf16, #tpu.memory_space<hbm>> -> memref<400x128xbf16, #tpu.memory_space<hbm>>
        tpu.enqueue_dma source(%dma_start3A_133 : memref<400x128xbf16, #tpu.memory_space<hbm>>) target(%dma_start3A_130 : memref<400x128xbf16, #tpu.memory_space<vmem_shared>>) target_semaphore(%run_scoped3A : memref<!tpu.dma_semaphore, #tpu.memory_space<semaphore_mem>>)
        %dma_wait3A_134 = arith.constant 9600 : i32
        %dma_wait3A_135 = arith.constant 0 : i32
        %dma_wait3A_136 = tpu.memref_slice %arg11[%dma_wait3A_134, %dma_wait3A_135] : memref<10000x128xbf16, #tpu.memory_space<vmem_shared>> -> memref<400x128xbf16, #tpu.memory_space<vmem_shared>>
        %dma_wait3A_137 = arith.constant 9600 : i32
        %dma_wait3A_138 = arith.constant 0 : i32
        %dma_wait3A_139 = tpu.memref_slice %arg5[%dma_wait3A_137, %dma_wait3A_138] : memref<10000x128xbf16, #tpu.memory_space<hbm>> -> memref<400x128xbf16, #tpu.memory_space<hbm>>
        tpu.wait_dma2 semaphore(%run_scoped3A : memref<!tpu.dma_semaphore, #tpu.memory_space<semaphore_mem>>) src(%dma_wait3A_139 : memref<400x128xbf16, #tpu.memory_space<hbm>>) dst(%dma_wait3A_136 : memref<400x128xbf16, #tpu.memory_space<vmem_shared>>)
        tpu.yield
      }) : () -> ()
    } else {
    }
    %barrier3A = arith.constant 0 : index
    tpu.barrier barrier_id(%barrier3A)
    %dma_start3A = arith.constant 0 : i32
    %dma_start3A_7 = arith.constant 0 : i32
    %dma_start3A_8 = arith.constant 0 : i32
    %dma_start3A_9 = arith.constant 0 : i32
    %dma_start3A_10 = tpu.memref_slice %arg10[%dma_start3A_7, %dma_start3A_8, %dma_start3A_9] : memref<3x200x128xbf16, #tpu.memory_space<vmem>> -> memref<1x200x128xbf16, #tpu.memory_space<vmem>>
    %dma_start3A_11 = tpu.memref_squeeze %dma_start3A_10 : memref<1x200x128xbf16, #tpu.memory_space<vmem>> -> memref<200x128xbf16, #tpu.memory_space<vmem>>
    %dma_start3A_12 = arith.constant 0 : i32
    %dma_start3A_13 = tpu.memref_slice %arg8[%dma_start3A, %dma_start3A_12] : memref<50x200xi32, #tpu.memory_space<vmem>> -> memref<1x200xi32, #tpu.memory_space<vmem>>
    %dma_start3A_14 = tpu.memref_squeeze %dma_start3A_13 : memref<1x200xi32, #tpu.memory_space<vmem>> -> memref<200xi32, #tpu.memory_space<vmem>>
    %dma_start3A_15 = arith.constant 0 : i32
    %dma_start3A_16 = arith.constant 0 : i32
    %dma_start3A_17 = tpu.memref_slice %arg2[%dma_start3A_15, %dma_start3A_16] : memref<10000x128xbf16, #tpu.memory_space<hbm>> -> memref<10000x128xbf16, #tpu.memory_space<hbm>>
    tpu.enqueue_indirect_dma source(%dma_start3A_17 : memref<10000x128xbf16, #tpu.memory_space<hbm>>) target(%dma_start3A_11 : memref<200x128xbf16, #tpu.memory_space<vmem>>) offsets(%dma_start3A_14 : memref<200xi32, #tpu.memory_space<vmem>>) semaphore(%arg12 : memref<!tpu.dma_semaphore, #tpu.memory_space<semaphore_mem>>)
    %dma_start3A_18 = arith.constant 1 : i32
    %dma_start3A_19 = arith.constant 1 : i32
    %dma_start3A_20 = arith.constant 0 : i32
    %dma_start3A_21 = arith.constant 0 : i32
    %dma_start3A_22 = tpu.memref_slice %arg10[%dma_start3A_19, %dma_start3A_20, %dma_start3A_21] : memref<3x200x128xbf16, #tpu.memory_space<vmem>> -> memref<1x200x128xbf16, #tpu.memory_space<vmem>>
    %dma_start3A_23 = tpu.memref_squeeze %dma_start3A_22 : memref<1x200x128xbf16, #tpu.memory_space<vmem>> -> memref<200x128xbf16, #tpu.memory_space<vmem>>
    %dma_start3A_24 = arith.constant 0 : i32
    %dma_start3A_25 = tpu.memref_slice %arg8[%dma_start3A_18, %dma_start3A_24] : memref<50x200xi32, #tpu.memory_space<vmem>> -> memref<1x200xi32, #tpu.memory_space<vmem>>
    %dma_start3A_26 = tpu.memref_squeeze %dma_start3A_25 : memref<1x200xi32, #tpu.memory_space<vmem>> -> memref<200xi32, #tpu.memory_space<vmem>>
    %dma_start3A_27 = arith.constant 0 : i32
    %dma_start3A_28 = arith.constant 0 : i32
    %dma_start3A_29 = tpu.memref_slice %arg2[%dma_start3A_27, %dma_start3A_28] : memref<10000x128xbf16, #tpu.memory_space<hbm>> -> memref<10000x128xbf16, #tpu.memory_space<hbm>>
    tpu.enqueue_indirect_dma source(%dma_start3A_29 : memref<10000x128xbf16, #tpu.memory_space<hbm>>) target(%dma_start3A_23 : memref<200x128xbf16, #tpu.memory_space<vmem>>) offsets(%dma_start3A_26 : memref<200xi32, #tpu.memory_space<vmem>>) semaphore(%arg13 : memref<!tpu.dma_semaphore, #tpu.memory_space<semaphore_mem>>)
    %scan3A = arith.constant 0 : i32
    %scan3A_30 = arith.constant 16 : i32
    %scan3A_31 = arith.addi %scan3A, %scan3A_30 : i32
    %scan3A_32 = arith.constant 1 : i32
    scf.for %scan3A_128 = %scan3A to %scan3A_31 step %scan3A_32  : i32 {
      %mul3A_129 = arith.constant 3 : i32
      %mul3A_130 = arith.muli %scan3A_128, %mul3A_129 : i32
      %add3A_131 = arith.constant 0 : i32
      %add3A_132 = arith.addi %add3A_131, %mul3A_130 : i32
      %add3A_133 = arith.constant 0 : i32
      %add3A_134 = arith.addi %add3A_132, %add3A_133 : i32
      %ge3A = arith.constant 1 : i32
      %ge3A_135 = arith.cmpi sge, %add3A_134, %ge3A : i32
      %convert_element_type3A_136 = arith.extui %ge3A_135 : i1 to i32
      %cond3A_137 = arith.constant 0 : i32
      %cond3A_138 = arith.cmpi ne, %convert_element_type3A_136, %cond3A_137 : i32
      scf.if %cond3A_138 {
        %sub3A = arith.constant 1 : i32
        %sub3A_258 = arith.subi %add3A_134, %sub3A : i32
        %dma_wait3A_259 = arith.constant 2 : i32
        %dma_wait3A_260 = arith.constant 0 : i32
        %dma_wait3A_261 = arith.constant 0 : i32
        %dma_wait3A_262 = tpu.memref_slice %arg10[%dma_wait3A_259, %dma_wait3A_260, %dma_wait3A_261] : memref<3x200x128xbf16, #tpu.memory_space<vmem>> -> memref<1x200x128xbf16, #tpu.memory_space<vmem>>
        %dma_wait3A_263 = tpu.memref_squeeze %dma_wait3A_262 : memref<1x200x128xbf16, #tpu.memory_space<vmem>> -> memref<200x128xbf16, #tpu.memory_space<vmem>>
        %dma_wait3A_264 = arith.constant 0 : i32
        %dma_wait3A_265 = tpu.memref_slice %arg9[%sub3A_258, %dma_wait3A_264] : memref<50x200xi32, #tpu.memory_space<vmem>> -> memref<1x200xi32, #tpu.memory_space<vmem>>
        %dma_wait3A_266 = tpu.memref_squeeze %dma_wait3A_265 : memref<1x200xi32, #tpu.memory_space<vmem>> -> memref<200xi32, #tpu.memory_space<vmem>>
        %dma_wait3A_267 = arith.constant 0 : i32
        %dma_wait3A_268 = arith.constant 0 : i32
        %dma_wait3A_269 = tpu.memref_slice %arg11[%dma_wait3A_267, %dma_wait3A_268] : memref<10000x128xbf16, #tpu.memory_space<vmem_shared>> -> memref<10000x128xbf16, #tpu.memory_space<vmem_shared>>
        tpu.wait_indirect_dma semaphore(%arg17 : memref<!tpu.dma_semaphore, #tpu.memory_space<semaphore_mem>>) src(%dma_wait3A_263 : memref<200x128xbf16, #tpu.memory_space<vmem>>) dst(%dma_wait3A_269 : memref<10000x128xbf16, #tpu.memory_space<vmem_shared>>)
      } else {
      }
      %add3A_139 = arith.constant 2 : i32
      %add3A_140 = arith.addi %add3A_134, %add3A_139 : i32
      %dma_start3A_141 = arith.constant 2 : i32
      %dma_start3A_142 = arith.constant 0 : i32
      %dma_start3A_143 = arith.constant 0 : i32
      %dma_start3A_144 = tpu.memref_slice %arg10[%dma_start3A_141, %dma_start3A_142, %dma_start3A_143] : memref<3x200x128xbf16, #tpu.memory_space<vmem>> -> memref<1x200x128xbf16, #tpu.memory_space<vmem>>
      %dma_start3A_145 = tpu.memref_squeeze %dma_start3A_144 : memref<1x200x128xbf16, #tpu.memory_space<vmem>> -> memref<200x128xbf16, #tpu.memory_space<vmem>>
      %dma_start3A_146 = arith.constant 0 : i32
      %dma_start3A_147 = tpu.memref_slice %arg8[%add3A_140, %dma_start3A_146] : memref<50x200xi32, #tpu.memory_space<vmem>> -> memref<1x200xi32, #tpu.memory_space<vmem>>
      %dma_start3A_148 = tpu.memref_squeeze %dma_start3A_147 : memref<1x200xi32, #tpu.memory_space<vmem>> -> memref<200xi32, #tpu.memory_space<vmem>>
      %dma_start3A_149 = arith.constant 0 : i32
      %dma_start3A_150 = arith.constant 0 : i32
      %dma_start3A_151 = tpu.memref_slice %arg2[%dma_start3A_149, %dma_start3A_150] : memref<10000x128xbf16, #tpu.memory_space<hbm>> -> memref<10000x128xbf16, #tpu.memory_space<hbm>>
      tpu.enqueue_indirect_dma source(%dma_start3A_151 : memref<10000x128xbf16, #tpu.memory_space<hbm>>) target(%dma_start3A_145 : memref<200x128xbf16, #tpu.memory_space<vmem>>) offsets(%dma_start3A_148 : memref<200xi32, #tpu.memory_space<vmem>>) semaphore(%arg14 : memref<!tpu.dma_semaphore, #tpu.memory_space<semaphore_mem>>)
      %dma_wait3A_152 = arith.constant 0 : i32
      %dma_wait3A_153 = arith.constant 0 : i32
      %dma_wait3A_154 = arith.constant 0 : i32
      %dma_wait3A_155 = tpu.memref_slice %arg10[%dma_wait3A_152, %dma_wait3A_153, %dma_wait3A_154] : memref<3x200x128xbf16, #tpu.memory_space<vmem>> -> memref<1x200x128xbf16, #tpu.memory_space<vmem>>
      %dma_wait3A_156 = tpu.memref_squeeze %dma_wait3A_155 : memref<1x200x128xbf16, #tpu.memory_space<vmem>> -> memref<200x128xbf16, #tpu.memory_space<vmem>>
      %dma_wait3A_157 = arith.constant 0 : i32
      %dma_wait3A_158 = tpu.memref_slice %arg8[%add3A_134, %dma_wait3A_157] : memref<50x200xi32, #tpu.memory_space<vmem>> -> memref<1x200xi32, #tpu.memory_space<vmem>>
      %dma_wait3A_159 = tpu.memref_squeeze %dma_wait3A_158 : memref<1x200xi32, #tpu.memory_space<vmem>> -> memref<200xi32, #tpu.memory_space<vmem>>
      %dma_wait3A_160 = arith.constant 0 : i32
      %dma_wait3A_161 = arith.constant 0 : i32
      %dma_wait3A_162 = tpu.memref_slice %arg2[%dma_wait3A_160, %dma_wait3A_161] : memref<10000x128xbf16, #tpu.memory_space<hbm>> -> memref<10000x128xbf16, #tpu.memory_space<hbm>>
      tpu.wait_indirect_dma semaphore(%arg12 : memref<!tpu.dma_semaphore, #tpu.memory_space<semaphore_mem>>) src(%dma_wait3A_162 : memref<10000x128xbf16, #tpu.memory_space<hbm>>) dst(%dma_wait3A_156 : memref<200x128xbf16, #tpu.memory_space<vmem>>)
      %dma_start3A_163 = arith.constant 0 : i32
      %dma_start3A_164 = arith.constant 0 : i32
      %dma_start3A_165 = arith.constant 0 : i32
      %dma_start3A_166 = tpu.memref_slice %arg10[%dma_start3A_163, %dma_start3A_164, %dma_start3A_165] : memref<3x200x128xbf16, #tpu.memory_space<vmem>> -> memref<1x200x128xbf16, #tpu.memory_space<vmem>>
      %dma_start3A_167 = tpu.memref_squeeze %dma_start3A_166 : memref<1x200x128xbf16, #tpu.memory_space<vmem>> -> memref<200x128xbf16, #tpu.memory_space<vmem>>
      %dma_start3A_168 = arith.constant 0 : i32
      %dma_start3A_169 = tpu.memref_slice %arg9[%add3A_134, %dma_start3A_168] : memref<50x200xi32, #tpu.memory_space<vmem>> -> memref<1x200xi32, #tpu.memory_space<vmem>>
      %dma_start3A_170 = tpu.memref_squeeze %dma_start3A_169 : memref<1x200xi32, #tpu.memory_space<vmem>> -> memref<200xi32, #tpu.memory_space<vmem>>
      %dma_start3A_171 = arith.constant 0 : i32
      %dma_start3A_172 = arith.constant 0 : i32
      %dma_start3A_173 = tpu.memref_slice %arg11[%dma_start3A_171, %dma_start3A_172] : memref<10000x128xbf16, #tpu.memory_space<vmem_shared>> -> memref<10000x128xbf16, #tpu.memory_space<vmem_shared>>
      tpu.enqueue_indirect_dma source(%dma_start3A_167 : memref<200x128xbf16, #tpu.memory_space<vmem>>) target(%dma_start3A_173 : memref<10000x128xbf16, #tpu.memory_space<vmem_shared>>) offsets(%dma_start3A_170 : memref<200xi32, #tpu.memory_space<vmem>>) semaphore(%arg15 : memref<!tpu.dma_semaphore, #tpu.memory_space<semaphore_mem>>) {add = true}
      %add3A_174 = arith.constant 1 : i32
      %add3A_175 = arith.addi %add3A_132, %add3A_174 : i32
      %ge3A_176 = arith.constant 1 : i32
      %ge3A_177 = arith.cmpi sge, %add3A_175, %ge3A_176 : i32
      %convert_element_type3A_178 = arith.extui %ge3A_177 : i1 to i32
      %cond3A_179 = arith.constant 0 : i32
      %cond3A_180 = arith.cmpi ne, %convert_element_type3A_178, %cond3A_179 : i32
      scf.if %cond3A_180 {
        %sub3A = arith.constant 1 : i32
        %sub3A_258 = arith.subi %add3A_175, %sub3A : i32
        %dma_wait3A_259 = arith.constant 0 : i32
        %dma_wait3A_260 = arith.constant 0 : i32
        %dma_wait3A_261 = arith.constant 0 : i32
        %dma_wait3A_262 = tpu.memref_slice %arg10[%dma_wait3A_259, %dma_wait3A_260, %dma_wait3A_261] : memref<3x200x128xbf16, #tpu.memory_space<vmem>> -> memref<1x200x128xbf16, #tpu.memory_space<vmem>>
        %dma_wait3A_263 = tpu.memref_squeeze %dma_wait3A_262 : memref<1x200x128xbf16, #tpu.memory_space<vmem>> -> memref<200x128xbf16, #tpu.memory_space<vmem>>
        %dma_wait3A_264 = arith.constant 0 : i32
        %dma_wait3A_265 = tpu.memref_slice %arg9[%sub3A_258, %dma_wait3A_264] : memref<50x200xi32, #tpu.memory_space<vmem>> -> memref<1x200xi32, #tpu.memory_space<vmem>>
        %dma_wait3A_266 = tpu.memref_squeeze %dma_wait3A_265 : memref<1x200xi32, #tpu.memory_space<vmem>> -> memref<200xi32, #tpu.memory_space<vmem>>
        %dma_wait3A_267 = arith.constant 0 : i32
        %dma_wait3A_268 = arith.constant 0 : i32
        %dma_wait3A_269 = tpu.memref_slice %arg11[%dma_wait3A_267, %dma_wait3A_268] : memref<10000x128xbf16, #tpu.memory_space<vmem_shared>> -> memref<10000x128xbf16, #tpu.memory_space<vmem_shared>>
        tpu.wait_indirect_dma semaphore(%arg15 : memref<!tpu.dma_semaphore, #tpu.memory_space<semaphore_mem>>) src(%dma_wait3A_263 : memref<200x128xbf16, #tpu.memory_space<vmem>>) dst(%dma_wait3A_269 : memref<10000x128xbf16, #tpu.memory_space<vmem_shared>>)
      } else {
      }
      %add3A_181 = arith.constant 2 : i32
      %add3A_182 = arith.addi %add3A_175, %add3A_181 : i32
      %dma_start3A_183 = arith.constant 0 : i32
      %dma_start3A_184 = arith.constant 0 : i32
      %dma_start3A_185 = arith.constant 0 : i32
      %dma_start3A_186 = tpu.memref_slice %arg10[%dma_start3A_183, %dma_start3A_184, %dma_start3A_185] : memref<3x200x128xbf16, #tpu.memory_space<vmem>> -> memref<1x200x128xbf16, #tpu.memory_space<vmem>>
      %dma_start3A_187 = tpu.memref_squeeze %dma_start3A_186 : memref<1x200x128xbf16, #tpu.memory_space<vmem>> -> memref<200x128xbf16, #tpu.memory_space<vmem>>
      %dma_start3A_188 = arith.constant 0 : i32
      %dma_start3A_189 = tpu.memref_slice %arg8[%add3A_182, %dma_start3A_188] : memref<50x200xi32, #tpu.memory_space<vmem>> -> memref<1x200xi32, #tpu.memory_space<vmem>>
      %dma_start3A_190 = tpu.memref_squeeze %dma_start3A_189 : memref<1x200xi32, #tpu.memory_space<vmem>> -> memref<200xi32, #tpu.memory_space<vmem>>
      %dma_start3A_191 = arith.constant 0 : i32
      %dma_start3A_192 = arith.constant 0 : i32
      %dma_start3A_193 = tpu.memref_slice %arg2[%dma_start3A_191, %dma_start3A_192] : memref<10000x128xbf16, #tpu.memory_space<hbm>> -> memref<10000x128xbf16, #tpu.memory_space<hbm>>
      tpu.enqueue_indirect_dma source(%dma_start3A_193 : memref<10000x128xbf16, #tpu.memory_space<hbm>>) target(%dma_start3A_187 : memref<200x128xbf16, #tpu.memory_space<vmem>>) offsets(%dma_start3A_190 : memref<200xi32, #tpu.memory_space<vmem>>) semaphore(%arg12 : memref<!tpu.dma_semaphore, #tpu.memory_space<semaphore_mem>>)
      %dma_wait3A_194 = arith.constant 1 : i32
      %dma_wait3A_195 = arith.constant 0 : i32
      %dma_wait3A_196 = arith.constant 0 : i32
      %dma_wait3A_197 = tpu.memref_slice %arg10[%dma_wait3A_194, %dma_wait3A_195, %dma_wait3A_196] : memref<3x200x128xbf16, #tpu.memory_space<vmem>> -> memref<1x200x128xbf16, #tpu.memory_space<vmem>>
      %dma_wait3A_198 = tpu.memref_squeeze %dma_wait3A_197 : memref<1x200x128xbf16, #tpu.memory_space<vmem>> -> memref<200x128xbf16, #tpu.memory_space<vmem>>
      %dma_wait3A_199 = arith.constant 0 : i32
      %dma_wait3A_200 = tpu.memref_slice %arg8[%add3A_175, %dma_wait3A_199] : memref<50x200xi32, #tpu.memory_space<vmem>> -> memref<1x200xi32, #tpu.memory_space<vmem>>
      %dma_wait3A_201 = tpu.memref_squeeze %dma_wait3A_200 : memref<1x200xi32, #tpu.memory_space<vmem>> -> memref<200xi32, #tpu.memory_space<vmem>>
      %dma_wait3A_202 = arith.constant 0 : i32
      %dma_wait3A_203 = arith.constant 0 : i32
      %dma_wait3A_204 = tpu.memref_slice %arg2[%dma_wait3A_202, %dma_wait3A_203] : memref<10000x128xbf16, #tpu.memory_space<hbm>> -> memref<10000x128xbf16, #tpu.memory_space<hbm>>
      tpu.wait_indirect_dma semaphore(%arg13 : memref<!tpu.dma_semaphore, #tpu.memory_space<semaphore_mem>>) src(%dma_wait3A_204 : memref<10000x128xbf16, #tpu.memory_space<hbm>>) dst(%dma_wait3A_198 : memref<200x128xbf16, #tpu.memory_space<vmem>>)
      %dma_start3A_205 = arith.constant 1 : i32
      %dma_start3A_206 = arith.constant 0 : i32
      %dma_start3A_207 = arith.constant 0 : i32
      %dma_start3A_208 = tpu.memref_slice %arg10[%dma_start3A_205, %dma_start3A_206, %dma_start3A_207] : memref<3x200x128xbf16, #tpu.memory_space<vmem>> -> memref<1x200x128xbf16, #tpu.memory_space<vmem>>
      %dma_start3A_209 = tpu.memref_squeeze %dma_start3A_208 : memref<1x200x128xbf16, #tpu.memory_space<vmem>> -> memref<200x128xbf16, #tpu.memory_space<vmem>>
      %dma_start3A_210 = arith.constant 0 : i32
      %dma_start3A_211 = tpu.memref_slice %arg9[%add3A_175, %dma_start3A_210] : memref<50x200xi32, #tpu.memory_space<vmem>> -> memref<1x200xi32, #tpu.memory_space<vmem>>
      %dma_start3A_212 = tpu.memref_squeeze %dma_start3A_211 : memref<1x200xi32, #tpu.memory_space<vmem>> -> memref<200xi32, #tpu.memory_space<vmem>>
      %dma_start3A_213 = arith.constant 0 : i32
      %dma_start3A_214 = arith.constant 0 : i32
      %dma_start3A_215 = tpu.memref_slice %arg11[%dma_start3A_213, %dma_start3A_214] : memref<10000x128xbf16, #tpu.memory_space<vmem_shared>> -> memref<10000x128xbf16, #tpu.memory_space<vmem_shared>>
      tpu.enqueue_indirect_dma source(%dma_start3A_209 : memref<200x128xbf16, #tpu.memory_space<vmem>>) target(%dma_start3A_215 : memref<10000x128xbf16, #tpu.memory_space<vmem_shared>>) offsets(%dma_start3A_212 : memref<200xi32, #tpu.memory_space<vmem>>) semaphore(%arg16 : memref<!tpu.dma_semaphore, #tpu.memory_space<semaphore_mem>>) {add = true}
      %add3A_216 = arith.constant 2 : i32
      %add3A_217 = arith.addi %add3A_132, %add3A_216 : i32
      %ge3A_218 = arith.constant 1 : i32
      %ge3A_219 = arith.cmpi sge, %add3A_217, %ge3A_218 : i32
      %convert_element_type3A_220 = arith.extui %ge3A_219 : i1 to i32
      %cond3A_221 = arith.constant 0 : i32
      %cond3A_222 = arith.cmpi ne, %convert_element_type3A_220, %cond3A_221 : i32
      scf.if %cond3A_222 {
        %sub3A = arith.constant 1 : i32
        %sub3A_258 = arith.subi %add3A_217, %sub3A : i32
        %dma_wait3A_259 = arith.constant 1 : i32
        %dma_wait3A_260 = arith.constant 0 : i32
        %dma_wait3A_261 = arith.constant 0 : i32
        %dma_wait3A_262 = tpu.memref_slice %arg10[%dma_wait3A_259, %dma_wait3A_260, %dma_wait3A_261] : memref<3x200x128xbf16, #tpu.memory_space<vmem>> -> memref<1x200x128xbf16, #tpu.memory_space<vmem>>
        %dma_wait3A_263 = tpu.memref_squeeze %dma_wait3A_262 : memref<1x200x128xbf16, #tpu.memory_space<vmem>> -> memref<200x128xbf16, #tpu.memory_space<vmem>>
        %dma_wait3A_264 = arith.constant 0 : i32
        %dma_wait3A_265 = tpu.memref_slice %arg9[%sub3A_258, %dma_wait3A_264] : memref<50x200xi32, #tpu.memory_space<vmem>> -> memref<1x200xi32, #tpu.memory_space<vmem>>
        %dma_wait3A_266 = tpu.memref_squeeze %dma_wait3A_265 : memref<1x200xi32, #tpu.memory_space<vmem>> -> memref<200xi32, #tpu.memory_space<vmem>>
        %dma_wait3A_267 = arith.constant 0 : i32
        %dma_wait3A_268 = arith.constant 0 : i32
        %dma_wait3A_269 = tpu.memref_slice %arg11[%dma_wait3A_267, %dma_wait3A_268] : memref<10000x128xbf16, #tpu.memory_space<vmem_shared>> -> memref<10000x128xbf16, #tpu.memory_space<vmem_shared>>
        tpu.wait_indirect_dma semaphore(%arg16 : memref<!tpu.dma_semaphore, #tpu.memory_space<semaphore_mem>>) src(%dma_wait3A_263 : memref<200x128xbf16, #tpu.memory_space<vmem>>) dst(%dma_wait3A_269 : memref<10000x128xbf16, #tpu.memory_space<vmem_shared>>)
      } else {
      }
      %add3A_223 = arith.constant 2 : i32
      %add3A_224 = arith.addi %add3A_217, %add3A_223 : i32
      %dma_start3A_225 = arith.constant 1 : i32
      %dma_start3A_226 = arith.constant 0 : i32
      %dma_start3A_227 = arith.constant 0 : i32
      %dma_start3A_228 = tpu.memref_slice %arg10[%dma_start3A_225, %dma_start3A_226, %dma_start3A_227] : memref<3x200x128xbf16, #tpu.memory_space<vmem>> -> memref<1x200x128xbf16, #tpu.memory_space<vmem>>
      %dma_start3A_229 = tpu.memref_squeeze %dma_start3A_228 : memref<1x200x128xbf16, #tpu.memory_space<vmem>> -> memref<200x128xbf16, #tpu.memory_space<vmem>>
      %dma_start3A_230 = arith.constant 0 : i32
      %dma_start3A_231 = tpu.memref_slice %arg8[%add3A_224, %dma_start3A_230] : memref<50x200xi32, #tpu.memory_space<vmem>> -> memref<1x200xi32, #tpu.memory_space<vmem>>
      %dma_start3A_232 = tpu.memref_squeeze %dma_start3A_231 : memref<1x200xi32, #tpu.memory_space<vmem>> -> memref<200xi32, #tpu.memory_space<vmem>>
      %dma_start3A_233 = arith.constant 0 : i32
      %dma_start3A_234 = arith.constant 0 : i32
      %dma_start3A_235 = tpu.memref_slice %arg2[%dma_start3A_233, %dma_start3A_234] : memref<10000x128xbf16, #tpu.memory_space<hbm>> -> memref<10000x128xbf16, #tpu.memory_space<hbm>>
      tpu.enqueue_indirect_dma source(%dma_start3A_235 : memref<10000x128xbf16, #tpu.memory_space<hbm>>) target(%dma_start3A_229 : memref<200x128xbf16, #tpu.memory_space<vmem>>) offsets(%dma_start3A_232 : memref<200xi32, #tpu.memory_space<vmem>>) semaphore(%arg13 : memref<!tpu.dma_semaphore, #tpu.memory_space<semaphore_mem>>)
      %dma_wait3A_236 = arith.constant 2 : i32
      %dma_wait3A_237 = arith.constant 0 : i32
      %dma_wait3A_238 = arith.constant 0 : i32
      %dma_wait3A_239 = tpu.memref_slice %arg10[%dma_wait3A_236, %dma_wait3A_237, %dma_wait3A_238] : memref<3x200x128xbf16, #tpu.memory_space<vmem>> -> memref<1x200x128xbf16, #tpu.memory_space<vmem>>
      %dma_wait3A_240 = tpu.memref_squeeze %dma_wait3A_239 : memref<1x200x128xbf16, #tpu.memory_space<vmem>> -> memref<200x128xbf16, #tpu.memory_space<vmem>>
      %dma_wait3A_241 = arith.constant 0 : i32
      %dma_wait3A_242 = tpu.memref_slice %arg8[%add3A_217, %dma_wait3A_241] : memref<50x200xi32, #tpu.memory_space<vmem>> -> memref<1x200xi32, #tpu.memory_space<vmem>>
      %dma_wait3A_243 = tpu.memref_squeeze %dma_wait3A_242 : memref<1x200xi32, #tpu.memory_space<vmem>> -> memref<200xi32, #tpu.memory_space<vmem>>
      %dma_wait3A_244 = arith.constant 0 : i32
      %dma_wait3A_245 = arith.constant 0 : i32
      %dma_wait3A_246 = tpu.memref_slice %arg2[%dma_wait3A_244, %dma_wait3A_245] : memref<10000x128xbf16, #tpu.memory_space<hbm>> -> memref<10000x128xbf16, #tpu.memory_space<hbm>>
      tpu.wait_indirect_dma semaphore(%arg14 : memref<!tpu.dma_semaphore, #tpu.memory_space<semaphore_mem>>) src(%dma_wait3A_246 : memref<10000x128xbf16, #tpu.memory_space<hbm>>) dst(%dma_wait3A_240 : memref<200x128xbf16, #tpu.memory_space<vmem>>)
      %dma_start3A_247 = arith.constant 2 : i32
      %dma_start3A_248 = arith.constant 0 : i32
      %dma_start3A_249 = arith.constant 0 : i32
      %dma_start3A_250 = tpu.memref_slice %arg10[%dma_start3A_247, %dma_start3A_248, %dma_start3A_249] : memref<3x200x128xbf16, #tpu.memory_space<vmem>> -> memref<1x200x128xbf16, #tpu.memory_space<vmem>>
      %dma_start3A_251 = tpu.memref_squeeze %dma_start3A_250 : memref<1x200x128xbf16, #tpu.memory_space<vmem>> -> memref<200x128xbf16, #tpu.memory_space<vmem>>
      %dma_start3A_252 = arith.constant 0 : i32
      %dma_start3A_253 = tpu.memref_slice %arg9[%add3A_217, %dma_start3A_252] : memref<50x200xi32, #tpu.memory_space<vmem>> -> memref<1x200xi32, #tpu.memory_space<vmem>>
      %dma_start3A_254 = tpu.memref_squeeze %dma_start3A_253 : memref<1x200xi32, #tpu.memory_space<vmem>> -> memref<200xi32, #tpu.memory_space<vmem>>
      %dma_start3A_255 = arith.constant 0 : i32
      %dma_start3A_256 = arith.constant 0 : i32
      %dma_start3A_257 = tpu.memref_slice %arg11[%dma_start3A_255, %dma_start3A_256] : memref<10000x128xbf16, #tpu.memory_space<vmem_shared>> -> memref<10000x128xbf16, #tpu.memory_space<vmem_shared>>
      tpu.enqueue_indirect_dma source(%dma_start3A_251 : memref<200x128xbf16, #tpu.memory_space<vmem>>) target(%dma_start3A_257 : memref<10000x128xbf16, #tpu.memory_space<vmem_shared>>) offsets(%dma_start3A_254 : memref<200xi32, #tpu.memory_space<vmem>>) semaphore(%arg17 : memref<!tpu.dma_semaphore, #tpu.memory_space<semaphore_mem>>) {add = true}
    }
    %scan3A_33 = arith.constant 16 : i32
    %dma_wait3A = arith.constant 48 : i32
    %dma_wait3A_34 = arith.constant 0 : i32
    %dma_wait3A_35 = arith.constant 0 : i32
    %dma_wait3A_36 = arith.constant 0 : i32
    %dma_wait3A_37 = tpu.memref_slice %arg10[%dma_wait3A_34, %dma_wait3A_35, %dma_wait3A_36] : memref<3x200x128xbf16, #tpu.memory_space<vmem>> -> memref<1x200x128xbf16, #tpu.memory_space<vmem>>
    %dma_wait3A_38 = tpu.memref_squeeze %dma_wait3A_37 : memref<1x200x128xbf16, #tpu.memory_space<vmem>> -> memref<200x128xbf16, #tpu.memory_space<vmem>>
    %dma_wait3A_39 = arith.constant 0 : i32
    %dma_wait3A_40 = tpu.memref_slice %arg8[%dma_wait3A, %dma_wait3A_39] : memref<50x200xi32, #tpu.memory_space<vmem>> -> memref<1x200xi32, #tpu.memory_space<vmem>>
    %dma_wait3A_41 = tpu.memref_squeeze %dma_wait3A_40 : memref<1x200xi32, #tpu.memory_space<vmem>> -> memref<200xi32, #tpu.memory_space<vmem>>
    %dma_wait3A_42 = arith.constant 0 : i32
    %dma_wait3A_43 = arith.constant 0 : i32
    %dma_wait3A_44 = tpu.memref_slice %arg2[%dma_wait3A_42, %dma_wait3A_43] : memref<10000x128xbf16, #tpu.memory_space<hbm>> -> memref<10000x128xbf16, #tpu.memory_space<hbm>>
    tpu.wait_indirect_dma semaphore(%arg12 : memref<!tpu.dma_semaphore, #tpu.memory_space<semaphore_mem>>) src(%dma_wait3A_44 : memref<10000x128xbf16, #tpu.memory_space<hbm>>) dst(%dma_wait3A_38 : memref<200x128xbf16, #tpu.memory_space<vmem>>)
    %dma_start3A_45 = arith.constant 0 : i32
    %dma_start3A_46 = arith.constant 48 : i32
    %dma_start3A_47 = arith.constant 0 : i32
    %dma_start3A_48 = arith.constant 0 : i32
    %dma_start3A_49 = tpu.memref_slice %arg10[%dma_start3A_45, %dma_start3A_47, %dma_start3A_48] : memref<3x200x128xbf16, #tpu.memory_space<vmem>> -> memref<1x200x128xbf16, #tpu.memory_space<vmem>>
    %dma_start3A_50 = tpu.memref_squeeze %dma_start3A_49 : memref<1x200x128xbf16, #tpu.memory_space<vmem>> -> memref<200x128xbf16, #tpu.memory_space<vmem>>
    %dma_start3A_51 = arith.constant 0 : i32
    %dma_start3A_52 = tpu.memref_slice %arg9[%dma_start3A_46, %dma_start3A_51] : memref<50x200xi32, #tpu.memory_space<vmem>> -> memref<1x200xi32, #tpu.memory_space<vmem>>
    %dma_start3A_53 = tpu.memref_squeeze %dma_start3A_52 : memref<1x200xi32, #tpu.memory_space<vmem>> -> memref<200xi32, #tpu.memory_space<vmem>>
    %dma_start3A_54 = arith.constant 0 : i32
    %dma_start3A_55 = arith.constant 0 : i32
    %dma_start3A_56 = tpu.memref_slice %arg11[%dma_start3A_54, %dma_start3A_55] : memref<10000x128xbf16, #tpu.memory_space<vmem_shared>> -> memref<10000x128xbf16, #tpu.memory_space<vmem_shared>>
    tpu.enqueue_indirect_dma source(%dma_start3A_50 : memref<200x128xbf16, #tpu.memory_space<vmem>>) target(%dma_start3A_56 : memref<10000x128xbf16, #tpu.memory_space<vmem_shared>>) offsets(%dma_start3A_53 : memref<200xi32, #tpu.memory_space<vmem>>) semaphore(%arg15 : memref<!tpu.dma_semaphore, #tpu.memory_space<semaphore_mem>>) {add = true}
    %dma_wait3A_57 = arith.constant 49 : i32
    %dma_wait3A_58 = arith.constant 1 : i32
    %dma_wait3A_59 = arith.constant 0 : i32
    %dma_wait3A_60 = arith.constant 0 : i32
    %dma_wait3A_61 = tpu.memref_slice %arg10[%dma_wait3A_58, %dma_wait3A_59, %dma_wait3A_60] : memref<3x200x128xbf16, #tpu.memory_space<vmem>> -> memref<1x200x128xbf16, #tpu.memory_space<vmem>>
    %dma_wait3A_62 = tpu.memref_squeeze %dma_wait3A_61 : memref<1x200x128xbf16, #tpu.memory_space<vmem>> -> memref<200x128xbf16, #tpu.memory_space<vmem>>
    %dma_wait3A_63 = arith.constant 0 : i32
    %dma_wait3A_64 = tpu.memref_slice %arg8[%dma_wait3A_57, %dma_wait3A_63] : memref<50x200xi32, #tpu.memory_space<vmem>> -> memref<1x200xi32, #tpu.memory_space<vmem>>
    %dma_wait3A_65 = tpu.memref_squeeze %dma_wait3A_64 : memref<1x200xi32, #tpu.memory_space<vmem>> -> memref<200xi32, #tpu.memory_space<vmem>>
    %dma_wait3A_66 = arith.constant 0 : i32
    %dma_wait3A_67 = arith.constant 0 : i32
    %dma_wait3A_68 = tpu.memref_slice %arg2[%dma_wait3A_66, %dma_wait3A_67] : memref<10000x128xbf16, #tpu.memory_space<hbm>> -> memref<10000x128xbf16, #tpu.memory_space<hbm>>
    tpu.wait_indirect_dma semaphore(%arg13 : memref<!tpu.dma_semaphore, #tpu.memory_space<semaphore_mem>>) src(%dma_wait3A_68 : memref<10000x128xbf16, #tpu.memory_space<hbm>>) dst(%dma_wait3A_62 : memref<200x128xbf16, #tpu.memory_space<vmem>>)
    %dma_start3A_69 = arith.constant 1 : i32
    %dma_start3A_70 = arith.constant 49 : i32
    %dma_start3A_71 = arith.constant 0 : i32
    %dma_start3A_72 = arith.constant 0 : i32
    %dma_start3A_73 = tpu.memref_slice %arg10[%dma_start3A_69, %dma_start3A_71, %dma_start3A_72] : memref<3x200x128xbf16, #tpu.memory_space<vmem>> -> memref<1x200x128xbf16, #tpu.memory_space<vmem>>
    %dma_start3A_74 = tpu.memref_squeeze %dma_start3A_73 : memref<1x200x128xbf16, #tpu.memory_space<vmem>> -> memref<200x128xbf16, #tpu.memory_space<vmem>>
    %dma_start3A_75 = arith.constant 0 : i32
    %dma_start3A_76 = tpu.memref_slice %arg9[%dma_start3A_70, %dma_start3A_75] : memref<50x200xi32, #tpu.memory_space<vmem>> -> memref<1x200xi32, #tpu.memory_space<vmem>>
    %dma_start3A_77 = tpu.memref_squeeze %dma_start3A_76 : memref<1x200xi32, #tpu.memory_space<vmem>> -> memref<200xi32, #tpu.memory_space<vmem>>
    %dma_start3A_78 = arith.constant 0 : i32
    %dma_start3A_79 = arith.constant 0 : i32
    %dma_start3A_80 = tpu.memref_slice %arg11[%dma_start3A_78, %dma_start3A_79] : memref<10000x128xbf16, #tpu.memory_space<vmem_shared>> -> memref<10000x128xbf16, #tpu.memory_space<vmem_shared>>
    tpu.enqueue_indirect_dma source(%dma_start3A_74 : memref<200x128xbf16, #tpu.memory_space<vmem>>) target(%dma_start3A_80 : memref<10000x128xbf16, #tpu.memory_space<vmem_shared>>) offsets(%dma_start3A_77 : memref<200xi32, #tpu.memory_space<vmem>>) semaphore(%arg16 : memref<!tpu.dma_semaphore, #tpu.memory_space<semaphore_mem>>) {add = true}
    %dma_wait3A_81 = arith.constant 2 : i32
    %dma_wait3A_82 = arith.constant 47 : i32
    %dma_wait3A_83 = arith.constant 0 : i32
    %dma_wait3A_84 = arith.constant 0 : i32
    %dma_wait3A_85 = tpu.memref_slice %arg10[%dma_wait3A_81, %dma_wait3A_83, %dma_wait3A_84] : memref<3x200x128xbf16, #tpu.memory_space<vmem>> -> memref<1x200x128xbf16, #tpu.memory_space<vmem>>
    %dma_wait3A_86 = tpu.memref_squeeze %dma_wait3A_85 : memref<1x200x128xbf16, #tpu.memory_space<vmem>> -> memref<200x128xbf16, #tpu.memory_space<vmem>>
    %dma_wait3A_87 = arith.constant 0 : i32
    %dma_wait3A_88 = tpu.memref_slice %arg9[%dma_wait3A_82, %dma_wait3A_87] : memref<50x200xi32, #tpu.memory_space<vmem>> -> memref<1x200xi32, #tpu.memory_space<vmem>>
    %dma_wait3A_89 = tpu.memref_squeeze %dma_wait3A_88 : memref<1x200xi32, #tpu.memory_space<vmem>> -> memref<200xi32, #tpu.memory_space<vmem>>
    %dma_wait3A_90 = arith.constant 0 : i32
    %dma_wait3A_91 = arith.constant 0 : i32
    %dma_wait3A_92 = tpu.memref_slice %arg11[%dma_wait3A_90, %dma_wait3A_91] : memref<10000x128xbf16, #tpu.memory_space<vmem_shared>> -> memref<10000x128xbf16, #tpu.memory_space<vmem_shared>>
    tpu.wait_indirect_dma semaphore(%arg17 : memref<!tpu.dma_semaphore, #tpu.memory_space<semaphore_mem>>) src(%dma_wait3A_86 : memref<200x128xbf16, #tpu.memory_space<vmem>>) dst(%dma_wait3A_92 : memref<10000x128xbf16, #tpu.memory_space<vmem_shared>>)
    %dma_wait3A_93 = arith.constant 0 : i32
    %dma_wait3A_94 = arith.constant 48 : i32
    %dma_wait3A_95 = arith.constant 0 : i32
    %dma_wait3A_96 = arith.constant 0 : i32
    %dma_wait3A_97 = tpu.memref_slice %arg10[%dma_wait3A_93, %dma_wait3A_95, %dma_wait3A_96] : memref<3x200x128xbf16, #tpu.memory_space<vmem>> -> memref<1x200x128xbf16, #tpu.memory_space<vmem>>
    %dma_wait3A_98 = tpu.memref_squeeze %dma_wait3A_97 : memref<1x200x128xbf16, #tpu.memory_space<vmem>> -> memref<200x128xbf16, #tpu.memory_space<vmem>>
    %dma_wait3A_99 = arith.constant 0 : i32
    %dma_wait3A_100 = tpu.memref_slice %arg9[%dma_wait3A_94, %dma_wait3A_99] : memref<50x200xi32, #tpu.memory_space<vmem>> -> memref<1x200xi32, #tpu.memory_space<vmem>>
    %dma_wait3A_101 = tpu.memref_squeeze %dma_wait3A_100 : memref<1x200xi32, #tpu.memory_space<vmem>> -> memref<200xi32, #tpu.memory_space<vmem>>
    %dma_wait3A_102 = arith.constant 0 : i32
    %dma_wait3A_103 = arith.constant 0 : i32
    %dma_wait3A_104 = tpu.memref_slice %arg11[%dma_wait3A_102, %dma_wait3A_103] : memref<10000x128xbf16, #tpu.memory_space<vmem_shared>> -> memref<10000x128xbf16, #tpu.memory_space<vmem_shared>>
    tpu.wait_indirect_dma semaphore(%arg15 : memref<!tpu.dma_semaphore, #tpu.memory_space<semaphore_mem>>) src(%dma_wait3A_98 : memref<200x128xbf16, #tpu.memory_space<vmem>>) dst(%dma_wait3A_104 : memref<10000x128xbf16, #tpu.memory_space<vmem_shared>>)
    %dma_wait3A_105 = arith.constant 1 : i32
    %dma_wait3A_106 = arith.constant 49 : i32
    %dma_wait3A_107 = arith.constant 0 : i32
    %dma_wait3A_108 = arith.constant 0 : i32
    %dma_wait3A_109 = tpu.memref_slice %arg10[%dma_wait3A_105, %dma_wait3A_107, %dma_wait3A_108] : memref<3x200x128xbf16, #tpu.memory_space<vmem>> -> memref<1x200x128xbf16, #tpu.memory_space<vmem>>
    %dma_wait3A_110 = tpu.memref_squeeze %dma_wait3A_109 : memref<1x200x128xbf16, #tpu.memory_space<vmem>> -> memref<200x128xbf16, #tpu.memory_space<vmem>>
    %dma_wait3A_111 = arith.constant 0 : i32
    %dma_wait3A_112 = tpu.memref_slice %arg9[%dma_wait3A_106, %dma_wait3A_111] : memref<50x200xi32, #tpu.memory_space<vmem>> -> memref<1x200xi32, #tpu.memory_space<vmem>>
    %dma_wait3A_113 = tpu.memref_squeeze %dma_wait3A_112 : memref<1x200xi32, #tpu.memory_space<vmem>> -> memref<200xi32, #tpu.memory_space<vmem>>
    %dma_wait3A_114 = arith.constant 0 : i32
    %dma_wait3A_115 = arith.constant 0 : i32
    %dma_wait3A_116 = tpu.memref_slice %arg11[%dma_wait3A_114, %dma_wait3A_115] : memref<10000x128xbf16, #tpu.memory_space<vmem_shared>> -> memref<10000x128xbf16, #tpu.memory_space<vmem_shared>>
    tpu.wait_indirect_dma semaphore(%arg16 : memref<!tpu.dma_semaphore, #tpu.memory_space<semaphore_mem>>) src(%dma_wait3A_110 : memref<200x128xbf16, #tpu.memory_space<vmem>>) dst(%dma_wait3A_116 : memref<10000x128xbf16, #tpu.memory_space<vmem_shared>>)
    %barrier3A_117 = arith.constant 0 : index
    tpu.barrier barrier_id(%barrier3A_117)
    %eq3A_118 = arith.constant 0 : i32
    %eq3A_119 = arith.cmpi eq, %arg0, %eq3A_118 : i32
    %convert_element_type3A_120 = arith.extui %eq3A_119 : i1 to i32
    %cond3A_121 = arith.constant 0 : i32
    %cond3A_122 = arith.cmpi ne, %convert_element_type3A_120, %cond3A_121 : i32
    scf.if %cond3A_122 {
      %lt3A_128 = arith.constant 15 : i32
      %lt3A_129 = arith.cmpi slt, %arg1, %lt3A_128 : i32
      %convert_element_type3A_130 = arith.extui %lt3A_129 : i1 to i32
      %cond3A_131 = arith.constant 0 : i32
      %cond3A_132 = arith.cmpi ne, %convert_element_type3A_130, %cond3A_131 : i32
      scf.if %cond3A_132 {
        %mul3A_138 = arith.constant 640 : i32
        %mul3A_139 = arith.muli %arg1, %mul3A_138 : i32
        "tpu.region"() ({
          %run_scoped3A = tpu.sem_alloc : memref<!tpu.dma_semaphore, #tpu.memory_space<semaphore_mem>>
          %dma_start3A_140 = arith.constant 0 : i32
          %dma_start3A_141 = tpu.memref_slice %arg6[%mul3A_139, %dma_start3A_140] : memref<10000x128xbf16, #tpu.memory_space<hbm>> -> memref<640x128xbf16, #tpu.memory_space<hbm>>
          %dma_start3A_142 = arith.constant 0 : i32
          %dma_start3A_143 = tpu.memref_slice %arg11[%mul3A_139, %dma_start3A_142] : memref<10000x128xbf16, #tpu.memory_space<vmem_shared>> -> memref<640x128xbf16, #tpu.memory_space<vmem_shared>>
          tpu.enqueue_dma source(%dma_start3A_143 : memref<640x128xbf16, #tpu.memory_space<vmem_shared>>) target(%dma_start3A_141 : memref<640x128xbf16, #tpu.memory_space<hbm>>) target_semaphore(%run_scoped3A : memref<!tpu.dma_semaphore, #tpu.memory_space<semaphore_mem>>)
          %dma_wait3A_144 = arith.constant 0 : i32
          %dma_wait3A_145 = tpu.memref_slice %arg6[%mul3A_139, %dma_wait3A_144] : memref<10000x128xbf16, #tpu.memory_space<hbm>> -> memref<640x128xbf16, #tpu.memory_space<hbm>>
          %dma_wait3A_146 = arith.constant 0 : i32
          %dma_wait3A_147 = tpu.memref_slice %arg11[%mul3A_139, %dma_wait3A_146] : memref<10000x128xbf16, #tpu.memory_space<vmem_shared>> -> memref<640x128xbf16, #tpu.memory_space<vmem_shared>>
          tpu.wait_dma2 semaphore(%run_scoped3A : memref<!tpu.dma_semaphore, #tpu.memory_space<semaphore_mem>>) src(%dma_wait3A_147 : memref<640x128xbf16, #tpu.memory_space<vmem_shared>>) dst(%dma_wait3A_145 : memref<640x128xbf16, #tpu.memory_space<hbm>>)
          tpu.yield
        }) : () -> ()
      } else {
      }
      %eq3A_133 = arith.constant 15 : i32
      %eq3A_134 = arith.cmpi eq, %arg1, %eq3A_133 : i32
      %convert_element_type3A_135 = arith.extui %eq3A_134 : i1 to i32
      %cond3A_136 = arith.constant 0 : i32
      %cond3A_137 = arith.cmpi ne, %convert_element_type3A_135, %cond3A_136 : i32
      scf.if %cond3A_137 {
        "tpu.region"() ({
          %run_scoped3A = tpu.sem_alloc : memref<!tpu.dma_semaphore, #tpu.memory_space<semaphore_mem>>
          %dma_start3A_138 = arith.constant 9600 : i32
          %dma_start3A_139 = arith.constant 0 : i32
          %dma_start3A_140 = tpu.memref_slice %arg6[%dma_start3A_138, %dma_start3A_139] : memref<10000x128xbf16, #tpu.memory_space<hbm>> -> memref<400x128xbf16, #tpu.memory_space<hbm>>
          %dma_start3A_141 = arith.constant 9600 : i32
          %dma_start3A_142 = arith.constant 0 : i32
          %dma_start3A_143 = tpu.memref_slice %arg11[%dma_start3A_141, %dma_start3A_142] : memref<10000x128xbf16, #tpu.memory_space<vmem_shared>> -> memref<400x128xbf16, #tpu.memory_space<vmem_shared>>
          tpu.enqueue_dma source(%dma_start3A_143 : memref<400x128xbf16, #tpu.memory_space<vmem_shared>>) target(%dma_start3A_140 : memref<400x128xbf16, #tpu.memory_space<hbm>>) target_semaphore(%run_scoped3A : memref<!tpu.dma_semaphore, #tpu.memory_space<semaphore_mem>>)
          %dma_wait3A_144 = arith.constant 9600 : i32
          %dma_wait3A_145 = arith.constant 0 : i32
          %dma_wait3A_146 = tpu.memref_slice %arg6[%dma_wait3A_144, %dma_wait3A_145] : memref<10000x128xbf16, #tpu.memory_space<hbm>> -> memref<400x128xbf16, #tpu.memory_space<hbm>>
          %dma_wait3A_147 = arith.constant 9600 : i32
          %dma_wait3A_148 = arith.constant 0 : i32
          %dma_wait3A_149 = tpu.memref_slice %arg11[%dma_wait3A_147, %dma_wait3A_148] : memref<10000x128xbf16, #tpu.memory_space<vmem_shared>> -> memref<400x128xbf16, #tpu.memory_space<vmem_shared>>
          tpu.wait_dma2 semaphore(%run_scoped3A : memref<!tpu.dma_semaphore, #tpu.memory_space<semaphore_mem>>) src(%dma_wait3A_149 : memref<400x128xbf16, #tpu.memory_space<vmem_shared>>) dst(%dma_wait3A_146 : memref<400x128xbf16, #tpu.memory_space<hbm>>)
          tpu.yield
        }) : () -> ()
      } else {
      }
    } else {
    }
    %eq3A_123 = arith.constant 1 : i32
    %eq3A_124 = arith.cmpi eq, %arg0, %eq3A_123 : i32
    %convert_element_type3A_125 = arith.extui %eq3A_124 : i1 to i32
    %cond3A_126 = arith.constant 0 : i32
    %cond3A_127 = arith.cmpi ne, %convert_element_type3A_125, %cond3A_126 : i32
    scf.if %cond3A_127 {
      %lt3A_128 = arith.constant 15 : i32
      %lt3A_129 = arith.cmpi slt, %arg1, %lt3A_128 : i32
      %convert_element_type3A_130 = arith.extui %lt3A_129 : i1 to i32
      %cond3A_131 = arith.constant 0 : i32
      %cond3A_132 = arith.cmpi ne, %convert_element_type3A_130, %cond3A_131 : i32
      scf.if %cond3A_132 {
        %mul3A_138 = arith.constant 640 : i32
        %mul3A_139 = arith.muli %arg1, %mul3A_138 : i32
        "tpu.region"() ({
          %run_scoped3A = tpu.sem_alloc : memref<!tpu.dma_semaphore, #tpu.memory_space<semaphore_mem>>
          %dma_start3A_140 = arith.constant 0 : i32
          %dma_start3A_141 = tpu.memref_slice %arg7[%mul3A_139, %dma_start3A_140] : memref<10000x128xbf16, #tpu.memory_space<hbm>> -> memref<640x128xbf16, #tpu.memory_space<hbm>>
          %dma_start3A_142 = arith.constant 0 : i32
          %dma_start3A_143 = tpu.memref_slice %arg11[%mul3A_139, %dma_start3A_142] : memref<10000x128xbf16, #tpu.memory_space<vmem_shared>> -> memref<640x128xbf16, #tpu.memory_space<vmem_shared>>
          tpu.enqueue_dma source(%dma_start3A_143 : memref<640x128xbf16, #tpu.memory_space<vmem_shared>>) target(%dma_start3A_141 : memref<640x128xbf16, #tpu.memory_space<hbm>>) target_semaphore(%run_scoped3A : memref<!tpu.dma_semaphore, #tpu.memory_space<semaphore_mem>>)
          %dma_wait3A_144 = arith.constant 0 : i32
          %dma_wait3A_145 = tpu.memref_slice %arg7[%mul3A_139, %dma_wait3A_144] : memref<10000x128xbf16, #tpu.memory_space<hbm>> -> memref<640x128xbf16, #tpu.memory_space<hbm>>
          %dma_wait3A_146 = arith.constant 0 : i32
          %dma_wait3A_147 = tpu.memref_slice %arg11[%mul3A_139, %dma_wait3A_146] : memref<10000x128xbf16, #tpu.memory_space<vmem_shared>> -> memref<640x128xbf16, #tpu.memory_space<vmem_shared>>
          tpu.wait_dma2 semaphore(%run_scoped3A : memref<!tpu.dma_semaphore, #tpu.memory_space<semaphore_mem>>) src(%dma_wait3A_147 : memref<640x128xbf16, #tpu.memory_space<vmem_shared>>) dst(%dma_wait3A_145 : memref<640x128xbf16, #tpu.memory_space<hbm>>)
          tpu.yield
        }) : () -> ()
      } else {
      }
      %eq3A_133 = arith.constant 15 : i32
      %eq3A_134 = arith.cmpi eq, %arg1, %eq3A_133 : i32
      %convert_element_type3A_135 = arith.extui %eq3A_134 : i1 to i32
      %cond3A_136 = arith.constant 0 : i32
      %cond3A_137 = arith.cmpi ne, %convert_element_type3A_135, %cond3A_136 : i32
      scf.if %cond3A_137 {
        "tpu.region"() ({
          %run_scoped3A = tpu.sem_alloc : memref<!tpu.dma_semaphore, #tpu.memory_space<semaphore_mem>>
          %dma_start3A_138 = arith.constant 9600 : i32
          %dma_start3A_139 = arith.constant 0 : i32
          %dma_start3A_140 = tpu.memref_slice %arg7[%dma_start3A_138, %dma_start3A_139] : memref<10000x128xbf16, #tpu.memory_space<hbm>> -> memref<400x128xbf16, #tpu.memory_space<hbm>>
          %dma_start3A_141 = arith.constant 9600 : i32
          %dma_start3A_142 = arith.constant 0 : i32
          %dma_start3A_143 = tpu.memref_slice %arg11[%dma_start3A_141, %dma_start3A_142] : memref<10000x128xbf16, #tpu.memory_space<vmem_shared>> -> memref<400x128xbf16, #tpu.memory_space<vmem_shared>>
          tpu.enqueue_dma source(%dma_start3A_143 : memref<400x128xbf16, #tpu.memory_space<vmem_shared>>) target(%dma_start3A_140 : memref<400x128xbf16, #tpu.memory_space<hbm>>) target_semaphore(%run_scoped3A : memref<!tpu.dma_semaphore, #tpu.memory_space<semaphore_mem>>)
          %dma_wait3A_144 = arith.constant 9600 : i32
          %dma_wait3A_145 = arith.constant 0 : i32
          %dma_wait3A_146 = tpu.memref_slice %arg7[%dma_wait3A_144, %dma_wait3A_145] : memref<10000x128xbf16, #tpu.memory_space<hbm>> -> memref<400x128xbf16, #tpu.memory_space<hbm>>
          %dma_wait3A_147 = arith.constant 9600 : i32
          %dma_wait3A_148 = arith.constant 0 : i32
          %dma_wait3A_149 = tpu.memref_slice %arg11[%dma_wait3A_147, %dma_wait3A_148] : memref<10000x128xbf16, #tpu.memory_space<vmem_shared>> -> memref<400x128xbf16, #tpu.memory_space<vmem_shared>>
          tpu.wait_dma2 semaphore(%run_scoped3A : memref<!tpu.dma_semaphore, #tpu.memory_space<semaphore_mem>>) src(%dma_wait3A_149 : memref<400x128xbf16, #tpu.memory_space<vmem_shared>>) dst(%dma_wait3A_146 : memref<400x128xbf16, #tpu.memory_space<hbm>>)
          tpu.yield
        }) : () -> ()
      } else {
      }
    } else {
    }
    return
  }
}

module attributes {stable_mosaic.version = 14 : i64} {
  func.func @_mm_body(%arg0: i32, %arg1: memref<2000x128xf32, #tpu.memory_space<vmem>>, %arg2: memref<128x128xf32, #tpu.memory_space<vmem>>, %arg3: memref<2000x128xf32, #tpu.memory_space<vmem>>) attributes {dimension_semantics = [#tpu.dimension_semantics<arbitrary>], iteration_bounds = array<i64: 5>, scalar_prefetch = 0 : i64, scratch_operands = 0 : i64, tpu.core_type = #tpu.core_type<tc>, window_params = [{transform_indices = @transform_0, window_bounds = array<i64: 2000, 128>}, {pipeline_mode = #tpu.pipeline_mode<synchronous>, transform_indices = @transform_1, window_bounds = array<i64: 128, 128>}, {transform_indices = @transform_2, window_bounds = array<i64: 2000, 128>}]} {
    %get3A = arith.constant 0 : index
    %get3A_0 = arith.constant 0 : index
    %get3A_1 = vector.load %arg1[%get3A, %get3A_0] : memref<2000x128xf32, #tpu.memory_space<vmem>>, vector<2000x128xf32>
    %get3A_2 = arith.constant 0 : index
    %get3A_3 = arith.constant 0 : index
    %get3A_4 = vector.load %arg2[%get3A_2, %get3A_3] : memref<128x128xf32, #tpu.memory_space<vmem>>, vector<128x128xf32>
    %dot_general3A = arith.constant dense<0.000000e+00> : vector<2000x128xf32>
    %dot_general3A_5 = tpu.matmul %get3A_1, %get3A_4, %dot_general3A {dimension_numbers = #tpu.dot_dimension_numbers<[1], [0], [0], [1], [0, 0, 1, 1], [], []>, transpose_lhs_hint = false} : vector<2000x128xf32>, vector<128x128xf32>, vector<2000x128xf32> -> vector<2000x128xf32>
    %swap3A = arith.constant 0 : index
    %swap3A_6 = arith.constant 0 : index
    %swap3A_7 = vector.load %arg3[%swap3A, %swap3A_6] : memref<2000x128xf32, #tpu.memory_space<vmem>>, vector<2000x128xf32>
    tpu.vector_store %arg3[%swap3A, %swap3A_6], %dot_general3A_5 {strides = array<i32>} : memref<2000x128xf32, #tpu.memory_space<vmem>>, vector<2000x128xf32>,
    return
  }
  func.func @transform_0(%arg0: i32) -> (i32, i32) {
    %c0_i32 = arith.constant 0 : i32
    %c0_i32_0 = arith.constant 0 : i32
    return %arg0, %c0_i32 : i32, i32
  }
  func.func @transform_1(%arg0: i32) -> (i32, i32) {
    %c0_i32 = arith.constant 0 : i32
    %c0_i32_0 = arith.constant 0 : i32
    %c0_i32_1 = arith.constant 0 : i32
    return %c0_i32, %c0_i32_0 : i32, i32
  }
  func.func @transform_2(%arg0: i32) -> (i32, i32) {
    %c0_i32 = arith.constant 0 : i32
    %c0_i32_0 = arith.constant 0 : i32
    return %arg0, %c0_i32 : i32, i32
  }
}

module attributes {stable_mosaic.version = 14 : i64} {
  func.func @_scale_body(%arg0: i32, %arg1: memref<2000x128xf32, #tpu.memory_space<vmem>>, %arg2: memref<2000x16xf32, #tpu.memory_space<vmem>>, %arg3: memref<2000x16xf32, #tpu.memory_space<vmem>>, %arg4: memref<2000x128xbf16, #tpu.memory_space<vmem>>) attributes {dimension_semantics = [#tpu.dimension_semantics<arbitrary>], iteration_bounds = array<i64: 5>, scalar_prefetch = 0 : i64, scratch_operands = 0 : i64, tpu.core_type = #tpu.core_type<tc>, window_params = [{transform_indices = @transform_0, window_bounds = array<i64: 2000, 128>}, {transform_indices = @transform_1, window_bounds = array<i64: 2000, 16>}, {transform_indices = @transform_2, window_bounds = array<i64: 2000, 16>}, {transform_indices = @transform_3, window_bounds = array<i64: 2000, 128>}]} {
    %get3A = arith.constant 0 : index
    %get3A_0 = arith.constant 0 : index
    %get3A_1 = vector.load %arg1[%get3A, %get3A_0] : memref<2000x128xf32, #tpu.memory_space<vmem>>, vector<2000x128xf32>
    %get3A_2 = arith.constant 0 : index
    %get3A_3 = arith.constant 0 : index
    %get3A_4 = vector.load %arg2[%get3A_2, %get3A_3] : memref<2000x16xf32, #tpu.memory_space<vmem>>, vector<2000x1xf32>
    %get3A_5 = arith.constant 0 : index
    %get3A_6 = arith.constant 0 : index
    %get3A_7 = vector.load %arg3[%get3A_5, %get3A_6] : memref<2000x16xf32, #tpu.memory_space<vmem>>, vector<2000x1xf32>
    %add3A = arith.addf %get3A_4, %get3A_7 : vector<2000x1xf32>
    %add3A_8 = arith.constant 1.000000e+00 : f32
    %add3A_9 = vector.broadcast %add3A_8 : f32 to vector<2000x1xf32>
    %add3A_10 = arith.addf %add3A, %add3A_9 : vector<2000x1xf32>
    %rsqrt3A = math.rsqrt %add3A_10 : vector<2000x1xf32>
    %mul3A = vector.broadcast %rsqrt3A : vector<2000x1xf32> to vector<2000x128xf32>
    %mul3A_11 = arith.mulf %get3A_1, %mul3A : vector<2000x128xf32>
    %convert_element_type3A = arith.truncf %mul3A_11 : vector<2000x128xf32> to vector<2000x128xbf16>
    %swap3A = arith.constant 0 : index
    %swap3A_12 = arith.constant 0 : index
    %swap3A_13 = vector.load %arg4[%swap3A, %swap3A_12] : memref<2000x128xbf16, #tpu.memory_space<vmem>>, vector<2000x128xbf16>
    tpu.vector_store %arg4[%swap3A, %swap3A_12], %convert_element_type3A {strides = array<i32>} : memref<2000x128xbf16, #tpu.memory_space<vmem>>, vector<2000x128xbf16>,
    return
  }
  func.func @transform_0(%arg0: i32) -> (i32, i32) {
    %c0_i32 = arith.constant 0 : i32
    %c0_i32_0 = arith.constant 0 : i32
    return %arg0, %c0_i32 : i32, i32
  }
  func.func @transform_1(%arg0: i32) -> (i32, i32) {
    %c0_i32 = arith.constant 0 : i32
    %c0_i32_0 = arith.constant 0 : i32
    return %arg0, %c0_i32 : i32, i32
  }
  func.func @transform_2(%arg0: i32) -> (i32, i32) {
    %c0_i32 = arith.constant 0 : i32
    %c0_i32_0 = arith.constant 0 : i32
    return %arg0, %c0_i32 : i32, i32
  }
  func.func @transform_3(%arg0: i32) -> (i32, i32) {
    %c0_i32 = arith.constant 0 : i32
    %c0_i32_0 = arith.constant 0 : i32
    return %arg0, %c0_i32 : i32, i32
  }
}

module attributes {stable_mosaic.version = 14 : i64} {
  func.func @_mid_body(%arg0: i32, %arg1: memref<2000x128xbf16, #tpu.memory_space<vmem>>, %arg2: memref<2000x128xbf16, #tpu.memory_space<vmem>>, %arg3: memref<2000x128xbf16, #tpu.memory_space<vmem>>, %arg4: memref<2000x16xf32, #tpu.memory_space<vmem>>, %arg5: memref<2000x16xf32, #tpu.memory_space<vmem>>, %arg6: memref<1x128xf32, #tpu.memory_space<vmem>>, %arg7: memref<128x128xf32, #tpu.memory_space<vmem>>, %arg8: memref<2000x128xbf16, #tpu.memory_space<vmem>>) attributes {dimension_semantics = [#tpu.dimension_semantics<arbitrary>], iteration_bounds = array<i64: 5>, scalar_prefetch = 0 : i64, scratch_operands = 0 : i64, tpu.core_type = #tpu.core_type<tc>, window_params = [{transform_indices = @transform_0, window_bounds = array<i64: 2000, 128>}, {transform_indices = @transform_1, window_bounds = array<i64: 2000, 128>}, {transform_indices = @transform_2, window_bounds = array<i64: 2000, 128>}, {transform_indices = @transform_3, window_bounds = array<i64: 2000, 16>}, {transform_indices = @transform_4, window_bounds = array<i64: 2000, 16>}, {pipeline_mode = #tpu.pipeline_mode<synchronous>, transform_indices = @transform_5, window_bounds = array<i64: 1, 128>}, {pipeline_mode = #tpu.pipeline_mode<synchronous>, transform_indices = @transform_6, window_bounds = array<i64: 128, 128>}, {transform_indices = @transform_7, window_bounds = array<i64: 2000, 128>}]} {
    %get3A = arith.constant 0 : index
    %get3A_0 = arith.constant 0 : index
    %get3A_1 = vector.load %arg4[%get3A, %get3A_0] : memref<2000x16xf32, #tpu.memory_space<vmem>>, vector<2000x1xf32>
    %get3A_2 = arith.constant 0 : index
    %get3A_3 = arith.constant 0 : index
    %get3A_4 = vector.load %arg5[%get3A_2, %get3A_3] : memref<2000x16xf32, #tpu.memory_space<vmem>>, vector<2000x1xf32>
    %add3A = arith.addf %get3A_1, %get3A_4 : vector<2000x1xf32>
    %add3A_5 = arith.constant 1.000000e+00 : f32
    %add3A_6 = vector.broadcast %add3A_5 : f32 to vector<2000x1xf32>
    %add3A_7 = arith.addf %add3A, %add3A_6 : vector<2000x1xf32>
    %rsqrt3A = math.rsqrt %add3A_7 : vector<2000x1xf32>
    %get3A_8 = arith.constant 0 : index
    %get3A_9 = arith.constant 0 : index
    %get3A_10 = vector.load %arg1[%get3A_8, %get3A_9] : memref<2000x128xbf16, #tpu.memory_space<vmem>>, vector<2000x128xbf16>
    %get3A_11 = arith.constant 0 : index
    %get3A_12 = arith.constant 0 : index
    %get3A_13 = vector.load %arg2[%get3A_11, %get3A_12] : memref<2000x128xbf16, #tpu.memory_space<vmem>>, vector<2000x128xbf16>
    %add3A_14 = arith.addf %get3A_10, %get3A_13 : vector<2000x128xbf16>
    %get3A_15 = arith.constant 0 : index
    %get3A_16 = arith.constant 0 : index
    %get3A_17 = vector.load %arg3[%get3A_15, %get3A_16] : memref<2000x128xbf16, #tpu.memory_space<vmem>>, vector<2000x128xbf16>
    %add3A_18 = arith.addf %add3A_14, %get3A_17 : vector<2000x128xbf16>
    %convert_element_type3A = arith.extf %add3A_18 : vector<2000x128xbf16> to vector<2000x128xf32>
    %mul3A = vector.broadcast %rsqrt3A : vector<2000x1xf32> to vector<2000x128xf32>
    %mul3A_19 = arith.mulf %convert_element_type3A, %mul3A : vector<2000x128xf32>
    %get3A_20 = arith.constant 0 : index
    %get3A_21 = arith.constant 0 : index
    %get3A_22 = vector.load %arg6[%get3A_20, %get3A_21] : memref<1x128xf32, #tpu.memory_space<vmem>>, vector<1x128xf32>
    %add3A_23 = vector.broadcast %get3A_22 : vector<1x128xf32> to vector<2000x128xf32>
    %add3A_24 = arith.addf %mul3A_19, %add3A_23 : vector<2000x128xf32>
    %max3A = arith.constant 0.000000e+00 : f32
    %max3A_25 = vector.broadcast %max3A : f32 to vector<2000x128xf32>
    %max3A_26 = arith.maximumf %add3A_24, %max3A_25 : vector<2000x128xf32>
    %get3A_27 = arith.constant 0 : index
    %get3A_28 = arith.constant 0 : index
    %get3A_29 = vector.load %arg7[%get3A_27, %get3A_28] : memref<128x128xf32, #tpu.memory_space<vmem>>, vector<128x128xf32>
    %dot_general3A = arith.constant dense<0.000000e+00> : vector<2000x128xf32>
    %dot_general3A_30 = tpu.matmul %max3A_26, %get3A_29, %dot_general3A {dimension_numbers = #tpu.dot_dimension_numbers<[1], [0], [0], [1], [0, 0, 1, 1], [], []>, transpose_lhs_hint = false} : vector<2000x128xf32>, vector<128x128xf32>, vector<2000x128xf32> -> vector<2000x128xf32>
    %mul3A_31 = vector.broadcast %rsqrt3A : vector<2000x1xf32> to vector<2000x128xf32>
    %mul3A_32 = arith.mulf %dot_general3A_30, %mul3A_31 : vector<2000x128xf32>
    %convert_element_type3A_33 = arith.truncf %mul3A_32 : vector<2000x128xf32> to vector<2000x128xbf16>
    %swap3A = arith.constant 0 : index
    %swap3A_34 = arith.constant 0 : index
    %swap3A_35 = vector.load %arg8[%swap3A, %swap3A_34] : memref<2000x128xbf16, #tpu.memory_space<vmem>>, vector<2000x128xbf16>
    tpu.vector_store %arg8[%swap3A, %swap3A_34], %convert_element_type3A_33 {strides = array<i32>} : memref<2000x128xbf16, #tpu.memory_space<vmem>>, vector<2000x128xbf16>,
    return
  }
  func.func @transform_0(%arg0: i32) -> (i32, i32) {
    %c0_i32 = arith.constant 0 : i32
    %c0_i32_0 = arith.constant 0 : i32
    return %arg0, %c0_i32 : i32, i32
  }
  func.func @transform_1(%arg0: i32) -> (i32, i32) {
    %c0_i32 = arith.constant 0 : i32
    %c0_i32_0 = arith.constant 0 : i32
    return %arg0, %c0_i32 : i32, i32
  }
  func.func @transform_2(%arg0: i32) -> (i32, i32) {
    %c0_i32 = arith.constant 0 : i32
    %c0_i32_0 = arith.constant 0 : i32
    return %arg0, %c0_i32 : i32, i32
  }
  func.func @transform_3(%arg0: i32) -> (i32, i32) {
    %c0_i32 = arith.constant 0 : i32
    %c0_i32_0 = arith.constant 0 : i32
    return %arg0, %c0_i32 : i32, i32
  }
  func.func @transform_4(%arg0: i32) -> (i32, i32) {
    %c0_i32 = arith.constant 0 : i32
    %c0_i32_0 = arith.constant 0 : i32
    return %arg0, %c0_i32 : i32, i32
  }
  func.func @transform_5(%arg0: i32) -> (i32, i32) {
    %c0_i32 = arith.constant 0 : i32
    %c0_i32_0 = arith.constant 0 : i32
    %c0_i32_1 = arith.constant 0 : i32
    return %c0_i32, %c0_i32_0 : i32, i32
  }
  func.func @transform_6(%arg0: i32) -> (i32, i32) {
    %c0_i32 = arith.constant 0 : i32
    %c0_i32_0 = arith.constant 0 : i32
    %c0_i32_1 = arith.constant 0 : i32
    return %c0_i32, %c0_i32_0 : i32, i32
  }
  func.func @transform_7(%arg0: i32) -> (i32, i32) {
    %c0_i32 = arith.constant 0 : i32
    %c0_i32_0 = arith.constant 0 : i32
    return %arg0, %c0_i32 : i32, i32
  }
}

module attributes {stable_mosaic.version = 14 : i64} {
  func.func @_final_body(%arg0: i32, %arg1: memref<2000x128xbf16, #tpu.memory_space<vmem>>, %arg2: memref<2000x128xbf16, #tpu.memory_space<vmem>>, %arg3: memref<2000x128xbf16, #tpu.memory_space<vmem>>, %arg4: memref<2000x16xf32, #tpu.memory_space<vmem>>, %arg5: memref<2000x16xf32, #tpu.memory_space<vmem>>, %arg6: memref<1x128xf32, #tpu.memory_space<vmem>>, %arg7: memref<1x1x2000xi32, #tpu.memory_space<vmem>>, %arg8: memref<128x10xf32, #tpu.memory_space<vmem>>, %arg9: memref<1x10xf32, #tpu.memory_space<vmem>>, %arg10: memref<64x10xf32, #tpu.memory_space<vmem>>, %arg11: memref<64x128xf32, #tpu.memory_space<vmem>>, %arg12: memref<64x128xf32, #tpu.memory_space<vmem>>) attributes {dimension_semantics = [#tpu.dimension_semantics<arbitrary>], iteration_bounds = array<i64: 5>, scalar_prefetch = 0 : i64, scratch_operands = 2 : i64, tpu.core_type = #tpu.core_type<tc>, window_params = [{transform_indices = @transform_0, window_bounds = array<i64: 2000, 128>}, {transform_indices = @transform_1, window_bounds = array<i64: 2000, 128>}, {transform_indices = @transform_2, window_bounds = array<i64: 2000, 128>}, {transform_indices = @transform_3, window_bounds = array<i64: 2000, 16>}, {transform_indices = @transform_4, window_bounds = array<i64: 2000, 16>}, {pipeline_mode = #tpu.pipeline_mode<synchronous>, transform_indices = @transform_5, window_bounds = array<i64: 1, 128>}, {transform_indices = @transform_6, window_bounds = array<i64: 1, 1, 2000>}, {pipeline_mode = #tpu.pipeline_mode<synchronous>, transform_indices = @transform_7, window_bounds = array<i64: 128, 10>}, {pipeline_mode = #tpu.pipeline_mode<synchronous>, transform_indices = @transform_8, window_bounds = array<i64: 1, 10>}, {pipeline_mode = #tpu.pipeline_mode<synchronous>, transform_indices = @transform_9, window_bounds = array<i64: 64, 10>}]} {
    %eq3A = arith.constant 0 : i32
    %eq3A_0 = arith.cmpi eq, %arg0, %eq3A : i32
    %convert_element_type3A = arith.extui %eq3A_0 : i1 to i32
    %cond3A = arith.constant 0 : i32
    %cond3A_1 = arith.cmpi ne, %convert_element_type3A, %cond3A : i32
    scf.if %cond3A_1 {
      %broadcast_in_dim3A_62 = arith.constant 0.000000e+00 : f32
      %broadcast_in_dim3A_63 = vector.broadcast %broadcast_in_dim3A_62 : f32 to vector<64x128xf32>
      %swap3A_64 = arith.constant 0 : index
      %swap3A_65 = arith.constant 0 : index
      %swap3A_66 = vector.load %arg11[%swap3A_64, %swap3A_65] : memref<64x128xf32, #tpu.memory_space<vmem>>, vector<64x128xf32>
      tpu.vector_store %arg11[%swap3A_64, %swap3A_65], %broadcast_in_dim3A_63 {strides = array<i32>} : memref<64x128xf32, #tpu.memory_space<vmem>>, vector<64x128xf32>,
      %broadcast_in_dim3A_67 = arith.constant 0.000000e+00 : f32
      %broadcast_in_dim3A_68 = vector.broadcast %broadcast_in_dim3A_67 : f32 to vector<64x128xf32>
      %swap3A_69 = arith.constant 0 : index
      %swap3A_70 = arith.constant 0 : index
      %swap3A_71 = vector.load %arg12[%swap3A_69, %swap3A_70] : memref<64x128xf32, #tpu.memory_space<vmem>>, vector<64x128xf32>
      tpu.vector_store %arg12[%swap3A_69, %swap3A_70], %broadcast_in_dim3A_68 {strides = array<i32>} : memref<64x128xf32, #tpu.memory_space<vmem>>, vector<64x128xf32>,
    } else {
    }
    %get3A = arith.constant 0 : index
    %get3A_2 = arith.constant 0 : index
    %get3A_3 = vector.load %arg4[%get3A, %get3A_2] : memref<2000x16xf32, #tpu.memory_space<vmem>>, vector<2000x1xf32>
    %get3A_4 = arith.constant 0 : index
    %get3A_5 = arith.constant 0 : index
    %get3A_6 = vector.load %arg5[%get3A_4, %get3A_5] : memref<2000x16xf32, #tpu.memory_space<vmem>>, vector<2000x1xf32>
    %add3A = arith.addf %get3A_3, %get3A_6 : vector<2000x1xf32>
    %add3A_7 = arith.constant 1.000000e+00 : f32
    %add3A_8 = vector.broadcast %add3A_7 : f32 to vector<2000x1xf32>
    %add3A_9 = arith.addf %add3A, %add3A_8 : vector<2000x1xf32>
    %rsqrt3A = math.rsqrt %add3A_9 : vector<2000x1xf32>
    %get3A_10 = arith.constant 0 : index
    %get3A_11 = arith.constant 0 : index
    %get3A_12 = vector.load %arg1[%get3A_10, %get3A_11] : memref<2000x128xbf16, #tpu.memory_space<vmem>>, vector<2000x128xbf16>
    %get3A_13 = arith.constant 0 : index
    %get3A_14 = arith.constant 0 : index
    %get3A_15 = vector.load %arg2[%get3A_13, %get3A_14] : memref<2000x128xbf16, #tpu.memory_space<vmem>>, vector<2000x128xbf16>
    %add3A_16 = arith.addf %get3A_12, %get3A_15 : vector<2000x128xbf16>
    %get3A_17 = arith.constant 0 : index
    %get3A_18 = arith.constant 0 : index
    %get3A_19 = vector.load %arg3[%get3A_17, %get3A_18] : memref<2000x128xbf16, #tpu.memory_space<vmem>>, vector<2000x128xbf16>
    %add3A_20 = arith.addf %add3A_16, %get3A_19 : vector<2000x128xbf16>
    %convert_element_type3A_21 = arith.extf %add3A_20 : vector<2000x128xbf16> to vector<2000x128xf32>
    %mul3A = vector.broadcast %rsqrt3A : vector<2000x1xf32> to vector<2000x128xf32>
    %mul3A_22 = arith.mulf %convert_element_type3A_21, %mul3A : vector<2000x128xf32>
    %get3A_23 = arith.constant 0 : index
    %get3A_24 = arith.constant 0 : index
    %get3A_25 = vector.load %arg6[%get3A_23, %get3A_24] : memref<1x128xf32, #tpu.memory_space<vmem>>, vector<1x128xf32>
    %add3A_26 = vector.broadcast %get3A_25 : vector<1x128xf32> to vector<2000x128xf32>
    %add3A_27 = arith.addf %mul3A_22, %add3A_26 : vector<2000x128xf32>
    %max3A = arith.constant 0.000000e+00 : f32
    %max3A_28 = vector.broadcast %max3A : f32 to vector<2000x128xf32>
    %max3A_29 = arith.maximumf %add3A_27, %max3A_28 : vector<2000x128xf32>
    %get3A_30 = arith.constant 0 : index
    %get3A_31 = arith.constant 0 : index
    %get3A_32 = arith.constant 0 : index
    %get3A_33 = vector.load %arg7[%get3A_30, %get3A_31, %get3A_32] : memref<1x1x2000xi32, #tpu.memory_space<vmem>>, vector<1x1x2000xi32>
    %get3A_34 = vector.shape_cast %get3A_33 : vector<1x1x2000xi32> to vector<2000xi32>
    %iota3A = tpu.iota {dimensions = array<i32: 0>} : vector<64x2000xi32>
    %broadcast_in_dim3A = vector.shape_cast %get3A_34 : vector<2000xi32> to vector<1x2000xi32>
    %eq3A_35 = vector.broadcast %broadcast_in_dim3A : vector<1x2000xi32> to vector<64x2000xi32>
    %eq3A_36 = arith.cmpi eq, %iota3A, %eq3A_35 : vector<64x2000xi32>
    %convert_element_type3A_37 = arith.extui %eq3A_36 : vector<64x2000xi1> to vector<64x2000xi32>
    %convert_element_type3A_38 = arith.sitofp %convert_element_type3A_37 : vector<64x2000xi32> to vector<64x2000xf32>
    %get3A_39 = arith.constant 0 : index
    %get3A_40 = arith.constant 0 : index
    %get3A_41 = vector.load %arg11[%get3A_39, %get3A_40] : memref<64x128xf32, #tpu.memory_space<vmem>>, vector<64x128xf32>
    %dot_general3A = arith.constant dense<0.000000e+00> : vector<64x128xf32>
    %dot_general3A_42 = tpu.matmul %convert_element_type3A_38, %max3A_29, %dot_general3A {dimension_numbers = #tpu.dot_dimension_numbers<[1], [0], [0], [1], [0, 0, 1, 1], [], []>, transpose_lhs_hint = false} : vector<64x2000xf32>, vector<2000x128xf32>, vector<64x128xf32> -> vector<64x128xf32>
    %add3A_43 = arith.addf %get3A_41, %dot_general3A_42 : vector<64x128xf32>
    %swap3A = arith.constant 0 : index
    %swap3A_44 = arith.constant 0 : index
    %swap3A_45 = vector.load %arg11[%swap3A, %swap3A_44] : memref<64x128xf32, #tpu.memory_space<vmem>>, vector<64x128xf32>
    tpu.vector_store %arg11[%swap3A, %swap3A_44], %add3A_43 {strides = array<i32>} : memref<64x128xf32, #tpu.memory_space<vmem>>, vector<64x128xf32>,
    %get3A_46 = arith.constant 0 : index
    %get3A_47 = arith.constant 0 : index
    %get3A_48 = vector.load %arg12[%get3A_46, %get3A_47] : memref<64x128xf32, #tpu.memory_space<vmem>>, vector<64x128xf32>
    %reduce_sum3A = arith.constant dense<0.000000e+00> : vector<64xf32>
    %reduce_sum3A_49 = vector.multi_reduction <add>, %convert_element_type3A_38, %reduce_sum3A [1] : vector<64x2000xf32> to vector<64xf32>
    %broadcast_in_dim3A_50 = vector.shape_cast %reduce_sum3A_49 : vector<64xf32> to vector<64x1xf32>
    %broadcast_in_dim3A_51 = vector.shape_cast %broadcast_in_dim3A_50 : vector<64x1xf32> to vector<64x1xf32>
    %broadcast_in_dim3A_52 = vector.broadcast %broadcast_in_dim3A_51 : vector<64x1xf32> to vector<64x128xf32>
    %add3A_53 = arith.addf %get3A_48, %broadcast_in_dim3A_52 : vector<64x128xf32>
    %swap3A_54 = arith.constant 0 : index
    %swap3A_55 = arith.constant 0 : index
    %swap3A_56 = vector.load %arg12[%swap3A_54, %swap3A_55] : memref<64x128xf32, #tpu.memory_space<vmem>>, vector<64x128xf32>
    tpu.vector_store %arg12[%swap3A_54, %swap3A_55], %add3A_53 {strides = array<i32>} : memref<64x128xf32, #tpu.memory_space<vmem>>, vector<64x128xf32>,
    %eq3A_57 = arith.constant 4 : i32
    %eq3A_58 = arith.cmpi eq, %arg0, %eq3A_57 : i32
    %convert_element_type3A_59 = arith.extui %eq3A_58 : i1 to i32
    %cond3A_60 = arith.constant 0 : i32
    %cond3A_61 = arith.cmpi ne, %convert_element_type3A_59, %cond3A_60 : i32
    scf.if %cond3A_61 {
      %get3A_62 = arith.constant 0 : index
      %get3A_63 = arith.constant 0 : index
      %get3A_64 = vector.load %arg11[%get3A_62, %get3A_63] : memref<64x128xf32, #tpu.memory_space<vmem>>, vector<64x128xf32>
      %get3A_65 = arith.constant 0 : index
      %get3A_66 = arith.constant 0 : index
      %get3A_67 = vector.load %arg12[%get3A_65, %get3A_66] : memref<64x128xf32, #tpu.memory_space<vmem>>, vector<64x128xf32>
      %max3A_68 = arith.constant 1.000000e+00 : f32
      %max3A_69 = vector.broadcast %max3A_68 : f32 to vector<64x128xf32>
      %max3A_70 = arith.maximumf %get3A_67, %max3A_69 : vector<64x128xf32>
      %div3A = arith.divf %get3A_64, %max3A_70 : vector<64x128xf32>
      %get3A_71 = arith.constant 0 : index
      %get3A_72 = arith.constant 0 : index
      %get3A_73 = vector.load %arg8[%get3A_71, %get3A_72] : memref<128x10xf32, #tpu.memory_space<vmem>>, vector<128x10xf32>
      %dot_general3A_74 = arith.constant dense<0.000000e+00> : vector<64x10xf32>
      %dot_general3A_75 = tpu.matmul %div3A, %get3A_73, %dot_general3A_74 {dimension_numbers = #tpu.dot_dimension_numbers<[1], [0], [0], [1], [0, 0, 1, 1], [], []>, transpose_lhs_hint = false} : vector<64x128xf32>, vector<128x10xf32>, vector<64x10xf32> -> vector<64x10xf32>
      %get3A_76 = arith.constant 0 : index
      %get3A_77 = arith.constant 0 : index
      %get3A_78 = vector.load %arg9[%get3A_76, %get3A_77] : memref<1x10xf32, #tpu.memory_space<vmem>>, vector<1x10xf32>
      %add3A_79 = vector.broadcast %get3A_78 : vector<1x10xf32> to vector<64x10xf32>
      %add3A_80 = arith.addf %dot_general3A_75, %add3A_79 : vector<64x10xf32>
      %swap3A_81 = arith.constant 0 : index
      %swap3A_82 = arith.constant 0 : index
      %swap3A_83 = vector.load %arg10[%swap3A_81, %swap3A_82] : memref<64x10xf32, #tpu.memory_space<vmem>>, vector<64x10xf32>
      tpu.vector_store %arg10[%swap3A_81, %swap3A_82], %add3A_80 {strides = array<i32>} : memref<64x10xf32, #tpu.memory_space<vmem>>, vector<64x10xf32>,
    } else {
    }
    return
  }
  func.func @transform_0(%arg0: i32) -> (i32, i32) {
    %c0_i32 = arith.constant 0 : i32
    %c0_i32_0 = arith.constant 0 : i32
    return %arg0, %c0_i32 : i32, i32
  }
  func.func @transform_1(%arg0: i32) -> (i32, i32) {
    %c0_i32 = arith.constant 0 : i32
    %c0_i32_0 = arith.constant 0 : i32
    return %arg0, %c0_i32 : i32, i32
  }
  func.func @transform_2(%arg0: i32) -> (i32, i32) {
    %c0_i32 = arith.constant 0 : i32
    %c0_i32_0 = arith.constant 0 : i32
    return %arg0, %c0_i32 : i32, i32
  }
  func.func @transform_3(%arg0: i32) -> (i32, i32) {
    %c0_i32 = arith.constant 0 : i32
    %c0_i32_0 = arith.constant 0 : i32
    return %arg0, %c0_i32 : i32, i32
  }
  func.func @transform_4(%arg0: i32) -> (i32, i32) {
    %c0_i32 = arith.constant 0 : i32
    %c0_i32_0 = arith.constant 0 : i32
    return %arg0, %c0_i32 : i32, i32
  }
  func.func @transform_5(%arg0: i32) -> (i32, i32) {
    %c0_i32 = arith.constant 0 : i32
    %c0_i32_0 = arith.constant 0 : i32
    %c0_i32_1 = arith.constant 0 : i32
    return %c0_i32, %c0_i32_0 : i32, i32
  }
  func.func @transform_6(%arg0: i32) -> (i32, i32, i32) {
    %c0_i32 = arith.constant 0 : i32
    %c0_i32_0 = arith.constant 0 : i32
    %c0_i32_1 = arith.constant 0 : i32
    return %arg0, %c0_i32, %c0_i32_0 : i32, i32, i32
  }
  func.func @transform_7(%arg0: i32) -> (i32, i32) {
    %c0_i32 = arith.constant 0 : i32
    %c0_i32_0 = arith.constant 0 : i32
    %c0_i32_1 = arith.constant 0 : i32
    return %c0_i32, %c0_i32_0 : i32, i32
  }
  func.func @transform_8(%arg0: i32) -> (i32, i32) {
    %c0_i32 = arith.constant 0 : i32
    %c0_i32_0 = arith.constant 0 : i32
    %c0_i32_1 = arith.constant 0 : i32
    return %c0_i32, %c0_i32_0 : i32, i32
  }
  func.func @transform_9(%arg0: i32) -> (i32, i32) {
    %c0_i32 = arith.constant 0 : i32
    %c0_i32_0 = arith.constant 0 : i32
    %c0_i32_1 = arith.constant 0 : i32
    return %c0_i32, %c0_i32_0 : i32, i32
  }
}

</mosaic_0001>

<sc_bundles>
// kernel: kernel.11.cloned.1.call-start
scs
__scs_entry_jumppad:
0x0: {  	(pc) =	sbr.rel $0x88, $3  }
0x1: {  	(tag) =	ssettag $0x0;
	lr =	simm.s32 $0x1  }
0x2: {  	[smem:$0x3F96] =	sst lr;
	_ =	strace $0xD0000000  }
0x3: {  	_ = 	snop  }
0x4: {  	_ = 	snop  }
0x5: {  	_ = 	snop  }
0x6: {  	_ = 	snop  }
0x7: {  	_ = 	snop  }
__scs_overlays_trampoline_lowered:
0x8: {  	[smem:$0x3FA5] =	sst s0  }
0x9: {  	[smem:$0x3FA6] =	sst s1  }
0xa: {  	[smem:$0x3FA7] =	sst s2  }
0xb: {  	[smem:$0x3FA8] =	sst s3  }
0xc: {  	[smem:$0x3FA9] =	sst s4  }
0xd: {  	[smem:$0x3FAA] =	sst s5  }
0xe: {  	[smem:$0x3FAB] =	sst s6  }
0xf: {  	[smem:$0x3FAC] =	sst s7  }
0x10: {  	[smem:$0x3FAD] =	sst s8  }
0x11: {  	[smem:$0x3FAE] =	sst s9;
	s0 =	simm.s32 @!p0 $0x0  }
0x12: {  	s1 =	sld [smem:$0x3F94];
	s0 =	simm.s32 @p0 $0x1  }
0x13: {  	[smem:$0x3FAF] =	sst s0;
	s0 =	simm.s32 @!p1 $0x0  }
0x14: {  	s2 =	sld [smem:$0x3F93];
	s0 =	simm.s32 @p1 $0x1  }
0x15: {  	[smem:$0x3FB0] =	sst s0;
	s0 =	simm.s32 @!p2 $0x0  }
0x16: {  	s3 =	sld [smem:$0x3FDB];
	s0 =	simm.s32 @p2 $0x1  }
0x17: {  	s4 =	simm.s32 $0x1BF5;
	[smem:$0x3FB2] =	sst s0  }
0x18: {  	s0 =	sld [smem:$0x3F95];
	_ =	swait.ge [sflag:s4], $0x0  }
0x19: {  	s7 =	sld [smem:$0x3F96]  }
0x1a: {  	s8 =	sadd.s32 $0xFFFFE003, lr  }
0x1b: {  	s9 =	sadd.s32 $0xFFFFFEF7, lr;
	s5 =	simm.s32 $0xFFFFFFFF;
	p2 =	slt.u32 s8, $0xFFFFF086  }
0x1c: {  	p1 =	slt.u32 s9, $0xF7A;
	s5 =	simm.s32 @!p2 $0x0  }
0x1d: {  	s5 =	simm.s32 @p1 $0x1;
	p0 =	seq.s32 s7, s2  }
0x1e: {  	s7 =	smul.u32 @!p0 $0xF7A, s2;
	p2 =	seq.s32 @!p0 s5, $0x0  }
0x1f: {  	s9 =	smul.u32 $0xF7A, s1;
	s8 =	simm.s32 @!p0 $0x1BF5;
	p2 =	por !p2, p0  }
0x20: {  	[sflag:s8] =	ssyncset.s32 @!p0 $0xFFFFF086;
	s6 =	sadd.s32 @!p0 s3, s7;
	s7 =	simm.s32 @!p0 $0x108  }
0x21: {  	s3 =	sadd.s32 s3, s9;
	s6 =	sadd.s32 @!p0 $0x88, s6;
	s7 =	simm.s32 @p2 $0x1082  }
0x22: {  	[simem:s7], [sflag:s8] =	dma.local @!p0 [hbm:s6], $0xF7A  }
0x23: {  	s9 =	sor.u32 $0xD0000000, s2;
	s6 =	simm.s32 $0x108;
	_ =	swait.ge @!p0 [sflag:s8], $0x0  }
0x24: {  	s3 =	sadd.s32 $0x88, s3;
	s6 =	simm.s32 @!p1 $0x1082;
	[sflag:s4] =	ssyncset.s32 $0xFFFFF086  }
0x25: {  	[simem:s6], [sflag:s4] =	dma.local [hbm:s3], $0xF7A  }
0x26: {  	[smem:$0x3F96] =	sst s1;
	(tag) =	ssettag s2;
	_ =	strace s9  }
0x27: {  	s1 =	sld [smem:$0x3FA6]  }
0x28: {  	s2 =	sld [smem:$0x3FA7]  }
0x29: {  	s4 =	sld [smem:$0x3FA9]  }
0x2a: {  	p0 =	seq.s32 s5, $0x0;
	s5 =	sld [smem:$0x3FAA]  }
0x2b: {  	s6 =	sld [smem:$0x3FAB]  }
0x2c: {  	s7 =	sld [smem:$0x3FAC]  }
0x2d: {  	s3 =	simm.s32 $0x108;
	s8 =	sld [smem:$0x3FAD]  }
0x2e: {  	s3 =	simm.s32 @!p0 $0x1082;
	s9 =	sld [smem:$0x3FAE]  }
0x2f: {  	lr =	sadd.s32 s0, s3;
	s0 =	sld [smem:$0x3FA5]  }
0x30: {  	s3 =	sld [smem:$0x3FA8]  }
0x31: {  	[smem:$0x3FB1] =	sst s10  }
0x32: {  	s10 =	sld [smem:$0x3FAF];
	_ =	sdelay $0x3  }
0x33: {  	p0 =	seq.s32 s10, $0x1;
	s10 =	sld [smem:$0x3FB1];
	_ =	sdelay $0x3  }
0x34: {  	[smem:$0x3FB1] =	sst s10  }
0x35: {  	s10 =	sld [smem:$0x3FB0];
	_ =	sdelay $0x3  }
0x36: {  	p1 =	seq.s32 s10, $0x1;
	s10 =	sld [smem:$0x3FB1];
	_ =	sdelay $0x3  }
0x37: {  	[smem:$0x3FB1] =	sst s10  }
0x38: {  	s10 =	sld [smem:$0x3FB2]  }
0x39: {  	_ = 	snop;
	(pc) =	sbr.ind lr, $3  }
0x3a: {  	_ = 	snop  }
0x3b: {  	_ = 	snop  }
0x3c: {  	p2 =	seq.s32 s10, $0x1;
	s10 =	sld [smem:$0x3FB1]  }
0x3d: {  	_ =	shalt  }
0x3e: {  	_ =	shalt  }
0x3f: {  	_ =	shalt  }
0x40: {  	_ =	shalt  }
0x41: {  	_ =	shalt  }
0x42: {  	_ =	shalt  }
0x43: {  	_ =	shalt  }
0x44: {  	_ =	shalt  }
0x45: {  	_ =	shalt  }
0x46: {  	_ =	shalt  }
0x47: {  	_ =	shalt  }
0x48: {  	_ =	shalt  }
0x49: {  	_ =	shalt  }
0x4a: {  	_ =	shalt  }
0x4b: {  	_ =	shalt  }
0x4c: {  	_ =	shalt  }
0x4d: {  	_ =	shalt  }
0x4e: {  	_ =	shalt  }
0x4f: {  	_ =	shalt  }
0x50: {  	_ =	shalt  }
0x51: {  	_ =	shalt  }
0x52: {  	_ =	shalt  }
0x53: {  	_ =	shalt  }
0x54: {  	_ =	shalt  }
0x55: {  	_ =	shalt  }
0x56: {  	_ =	shalt  }
0x57: {  	_ =	shalt  }
0x58: {  	_ =	shalt  }
0x59: {  	_ =	shalt  }
0x5a: {  	_ =	shalt  }
0x5b: {  	_ =	shalt  }
0x5c: {  	_ =	shalt  }
0x5d: {  	_ =	shalt  }
0x5e: {  	_ =	shalt  }
0x5f: {  	_ =	shalt  }
0x60: {  	_ =	shalt  }
0x61: {  	_ =	shalt  }
0x62: {  	_ =	shalt  }
0x63: {  	_ =	shalt  }
0x64: {  	_ =	shalt  }
0x65: {  	_ =	shalt  }
0x66: {  	_ =	shalt  }
0x67: {  	_ =	shalt  }
0x68: {  	_ =	shalt  }
0x69: {  	_ =	shalt  }
0x6a: {  	_ =	shalt  }
0x6b: {  	_ =	shalt  }
0x6c: {  	_ =	shalt  }
0x6d: {  	_ =	shalt  }
0x6e: {  	_ =	shalt  }
0x6f: {  	_ =	shalt  }
0x70: {  	_ =	shalt  }
0x71: {  	_ =	shalt  }
0x72: {  	_ =	shalt  }
0x73: {  	_ =	shalt  }
0x74: {  	_ =	shalt  }
0x75: {  	_ =	shalt  }
0x76: {  	_ =	shalt  }
0x77: {  	_ =	shalt  }
0x78: {  	_ =	shalt  }
0x79: {  	_ =	shalt  }
0x7a: {  	_ =	shalt  }
0x7b: {  	_ =	shalt  }
0x7c: {  	_ =	shalt  }
0x7d: {  	_ =	shalt  }
0x7e: {  	_ =	shalt  }
0x7f: {  	_ =	shalt  }
0x80: {  	_ =	shalt  }
0x81: {  	_ =	shalt  }
0x82: {  	_ =	shalt  }
0x83: {  	_ =	shalt  }
0x84: {  	_ =	shalt  }
0x85: {  	_ =	shalt  }
0x86: {  	_ =	shalt  }
0x87: {  	_ =	shalt  }
.Lfunc_end0:
.L_simem_size_0:
called_computation_lowered:
.L_overlay_start_0:
0x88: {  	s2 =	sld [smem:$0x3FD9]  }
0x89: {  	s3 =	sld [smem:$0x3FFE];
	_ =	sdelay $0x1  }
0x8a: {  	s1 =	srdreg.scid  }
0x8b: {  	s0 =	sand.u32 $0x1, s1  }
0x8c: {  	s16 =	sshll.u32 s0, $0xA;
	s2 =	sadd.s32 s3, s2  }
0x8d: {  	s2 =	sadd.s32 s2, s16  }
0x8e: {  	[smem:$0x3FBD] =	sst s2  }
0x8f: {  	_ = 	snop  }
0x90: {  	(tm) =	ssettm $0x1  }
0x91: {  	s17 =	sld [smem:$0x3FFB];
	_ =	sdelay $0x3  }
0x92: {  	_ =	strace s17  }
0x93: {  	s2 =	sld [smem:$0x3FFC];
	_ =	sdelay $0x3  }
0x94: {  	_ =	strace s2  }
0x95: {  	s2 =	sld [smem:$0x3FFD];
	_ =	sdelay $0x3  }
0x96: {  	_ =	strace s2  }
0x97: {  	_ =	strace $0x8FFFFFFF  }
0x98: {  	s18 =	sld [smem:$0x3FDB];
	_ =	sdelay $0x1  }
0x99: {  	s19 =	simm.s32 $_scs_section_size  }
0x9a: {  	s4 =	simm.s32 $_size__tile_overlayer_lowered;
	s5 =	simm.s32 $_tile_overlayer_lowered  }
0x9b: {  	s22 =	simm.s32 $0x1BFF;
	s21 =	sshll.u32 s5, $0x1;
	s2 =	sadd.s32 s19, s18  }
0x9c: {  	s6 =	simm.s32 $0x0;
	s20 =	sshll.u32 s4, $0x1;
	s4 =	sadd.s32 s21, s2  }
0x9d: {  	[timem:s6], [sflag:s22] =	dma.local [hbm:s4], s20  }
0x9e: {  	_ =	swait.ge [sflag:s22], s20  }
0x9f: {  	s3 =	ssub.s32 $0x0, s20;
	[sflag:s22] =	ssyncset.done $0x0  }
0xa0: {  	[sflag:s22] =	ssyncadd.s32 s3;
	_ =	sdelay $0x1  }
0xa1: {  	s23 =	simm.s32 $0x1B8B  }
0xa2: {  	_ =	swait.ge [sflag:s23], $0x1  }
0xa3: {  	[sflag:s23] =	ssyncset.done $0x0  }
0xa4: {  	s25 =	simm.s32 $0x1B8E;
	s24 =	sld [smem:$0x3FFE];
	[sflag:s23] =	ssyncadd.s32 $0xFFFFFFFF  }
0xa5: {  	s26 =	simm.s32 $execute0_lowered;
	[smem:$0x3FD2] =	sst s25  }
0xa6: {  	s4 =	sshll.u32 s26, $0x1;
	_ =	strace $0x80000046;
	[dreg:$0x1] =	wrdreg $0xFFFFFFFF  }
0xa7: {  	s28 =	simm.s32 $_size_execute0_lowered;
	s2 =	sadd.s32 s2, s4;
	[dreg:$0x0] =	wrdreg $0x0  }
0xa8: {  	s4 =	sshll.u32 s28, $0x1;
	[dreg:$0x2] =	wrdreg s2  }
0xa9: {  	[dreg:$0x3] =	wrdreg s4  }
0xaa: {  	[dreg:$0x4] =	wrdreg $0xC0  }
0xab: {  	_ =	task [dreg:s6], $0x5FFFF  }
0xac: {  	[dreg:$0x1] =	wrdreg $0xFFFFFFFF  }
0xad: {  	[dreg:$0x0] =	wrdreg $0x60  }
0xae: {  	[dreg:$0x2] =	wrdreg s24  }
0xaf: {  	[dreg:$0x3] =	wrdreg $0x37A00  }
0xb0: {  	[dreg:$0x4] =	wrdreg $0x9  }
0xb1: {  	_ =	task.clear_ibuf [dreg:s6], $0x5FFFF;
	_ =	strace $0x90000046  }
0xb2: {  	s29 =	simm.s32 $0x9;
	_ =	strace $0x80000048  }
0xb3: {  	_ =	swait.ge [sflag:s29], $0x1  }
0xb4: {  	[sflag:s29] =	ssyncadd.s32 $0xFFFFFFFF  }
0xb5: {  	_ =	strace $0x90000048  }
0xb6: {  	_ =	sfence  }
0xb7: {  	s30 =	sld [smem:$0x0];
	_ =	sdelay $0x2  }
0xb8: {  	s31 =	sshll.u32 s1, $0xD;
	s1 =	sshrl.u32 s1, $0x2  }
0xb9: {  	s3 =	sand.u32 $0x4000, s31;
	s1 =	sadd.s32 s1, s30  }
0xba: {  	s0 =	sor.u32 s3, s0;
	s1 =	sshll.u32 s1, $0x11  }
0xbb: {  	s0 =	sor.u32 s1, s0  }
0xbc: {  	s0 =	sadd.s32 $0x8F2B, s0  }
0xbd: {  	[sflag:s0] =	ssyncadd.remote.s32 $0x1  }
0xbe: {  	_ =	sfence.sel $0xFFFF  }
0xbf: {  	[dreg:$0x0] =	wrdreg $0xFFFFFFFF;
	(pc) =	sbr.abs _section_cstart, $3  }
0xc0: {  	[dreg:$0x1] =	wrdreg $0xFFFFFFFF  }
0xc1: {  	_ =	task.clear_ibuf [dreg:s6], $0x2FFFF;
	_ =	strace $0x9FFFFFFF  }
0xc2: {  	(tm) =	ssettm $0x7FFFFFFF  }
0xc3: {  	_ =	shalt  }
tec
execute0_lowered:
.L_overlay_start_1:
0x0: {  	(tag) =	ssettag $0x1  }
0x1: {  	s0 =	rddreg [dreg:$0x0];
	s1 =	srdreg.scid  }
0x2: {  	s2 =	rddreg [dreg:$0x1];
	s3 =	simm.s32 $0x0;
	s14 =	simm.s32 $0x2  }
0x3: {  	s18 =	simm.s32 $0xFA;
	s19 =	simm.s32 $0x2800;
	s28 =	simm.s32 $0x1  }
0x4: {  	s31 =	simm.s32 $0x2000;
	s20 =	simm.s32 $0x2200;
	s21 =	simm.s32 $0x2300  }
0x5: {  	s22 =	simm.s32 $0x2400;
	s23 =	simm.s32 $0x2500;
	s24 =	simm.s32 $0x2600  }
0x6: {  	s25 =	simm.s32 $0x2700;
	s26 =	simm.s32 $0x0;
	s9 =	sand.u32 $0x1, s1  }
0x7: {  	s1 =	stileid.u32;
	[smem:$0x7FF] =	sst s3;
	s10 =	sadd.s32 $0x30300, s0  }
0x8: {  	s12 =	sadd.s32 $0x2B300, s0;
	s4 =	sshll.u32 s9, $0x4;
	s5 =	smul.u32 $0x2800, s1  }
0x9: {  	s6 =	ssub.s32 $0x2, s9;
	_ =	strace $0x80000047;
	p4 =	seq.s32 s9, $0x1  }
0xa: {  	p0 =	seq.s32 s1, $0xF;
	s4 =	sor.u32 s1, s4;
	s8 =	sshrl.u32 s6, $0x1  }
0xb: {  	p2 =	seq.s32 @p4 s1, $0xF;
	p5 =	seq.s32 @!p4 s1, $0xF;
	s4 =	smul.u32 $0x500, s4  }
0xc: {  	s7 =	sshrl.u32 s5, $0x3;
	s13 =	ssub.s32 s6, s8;
	s5 =	sadd.s32 s5, s2  }
0xd: {  	s8 =	sadd.s32 $0x26300, s0;
	p1 =	por !p2, !p4;
	p2 =	por p2, !p4  }
0xe: {  	p3 =	por !p5, p4;
	p4 =	por p5, p4;
	s11 =	sadd.s32 s7, s0  }
0xf: {  	s7 =	sadd.s32 $0x25800, s2;
	s13 =	smax.u32 s13, $0x1;
	s17 =	sshrl.u32 @!p0 s5, $0x3  }
0x10: {  	s4 =	sadd.s32 s4, s0;
	s6 =	sadd.s32 $0x21800, s11;
	s9 =	sadd.s32 $0x2B800, s11  }
0x11: {  	s11 =	sadd.s32 $0x26800, s11;
	s15 =	sshrl.u32 @p0 s7, $0x3;
	s0 =	sshll.u32 @!p0 s1, $0x6  }
0x12: {  	v0 =	vimm.f32 $1.000000000e+00;
	s4 =	sadd.s32 $0x17800, s4;
	s16 =	sor.u32 @!p0 $0x1C02, s0;
	s0 =	simm.s32 $0x2100  }
.LBB2_1:
0x13: {  	[tilespmem:s3], [sflag:$0x2] =	stream.linear.gather [hbm4b:s4+s3], $0x2800, $0x38;
	[tilespmem:$0x5EB0] =	vst v63  }
0x14: {  	_ =	swait.ge [sflag:s14], $0x2800  }
0x15: {  	[sflag:s14] =	ssyncset.done $0x0  }
0x16: {  	s29 =	simm.s32 $0x40;
	s30 =	simm.s32 $0x0;
	[sflag:s14] =	ssyncadd.s32 $0xFFFFD800  }
.LBB2_2:
0x17: {  	p5 =	sne.s32 s29, $0x3E40;
	[tilespmem:s30+$0x2800] =	vst v0;
	s30 =	smov.u32 s29;
	s29 =	sadd.s32 $0x40, s29  }
.Ltmp0:
0x18: {  	(pc) =	sbr.rel @p5 .LBB2_2-.Ltmp0, $2  }
0x19: {  	_ =	sdelay $0x2  }
0x1a: {  	s30 =	sshra.s32 s30, $0x2  }
0x1b: {  	[tilespmem:s30+$0x2800] =	vst v0;
	s29 =	simm.s32 @p0 $0x1FC2  }
0x1c: {  	[spmem:s15], [sflag:s29] =	dma.local @p0 [hbm:s8], $0x320  }
0x1d: {  	s29 =	simm.s32 @p0 $0x2  }
0x1e: {  	_ =	swait.ge @p0 [sflag:s29], $0x320  }
0x1f: {  	[sflag:s29] =	ssyncset.done @p0 $0x0  }
0x20: {  	[sflag:s29] =	ssyncadd.s32 @p0 $0xFFFFFCE0;
	s29 =	simm.s32 @!p0 $0x2  }
0x21: {  	[spmem:s17], [sflag:s16] =	dma.local @!p0 [hbm:s6], $0x500  }
0x22: {  	_ =	swait.ge @!p0 [sflag:s29], $0x500  }
0x23: {  	[sflag:s29] =	ssyncset.done @!p0 $0x0  }
0x24: {  	[sflag:s29] =	ssyncadd.s32 @!p0 $0xFFFFFB00  }
0x25: {  	[bflag:$0x0] =	sbarrier.arrive $0xFFFF  }
0x26: {  	[spmem:s2] =	stream.indirect.scatter.add.f32 [tilespmem:s19], [sflag:$0x1], $0x10, s3, s18, $0xb8;
	[tilespmem:$0x5EB0] =	vst v63  }
0x27: {  	s30 =	simm.s32 $0x100  }
0x28: {  	[spmem:s2] =	stream.indirect.scatter.add.f32 [tilespmem:s19], [sflag:$0x1], $0x10, s30, s18, $0xb8;
	[tilespmem:$0x5EB0] =	vst v63  }
0x29: {  	s30 =	simm.s32 $0x200  }
0x2a: {  	[spmem:s2] =	stream.indirect.scatter.add.f32 [tilespmem:s19], [sflag:$0x1], $0x10, s30, s18, $0xb8;
	[tilespmem:$0x5EB0] =	vst v63  }
0x2b: {  	s30 =	simm.s32 $0x300  }
0x2c: {  	[spmem:s2] =	stream.indirect.scatter.add.f32 [tilespmem:s19], [sflag:$0x1], $0x10, s30, s18, $0xb8;
	[tilespmem:$0x5EB0] =	vst v63  }
0x2d: {  	s30 =	simm.s32 $0x400  }
0x2e: {  	[spmem:s2] =	stream.indirect.scatter.add.f32 [tilespmem:s19], [sflag:$0x1], $0x10, s30, s18, $0xb8;
	[tilespmem:$0x5EB0] =	vst v63  }
0x2f: {  	s30 =	simm.s32 $0x500  }
0x30: {  	[spmem:s2] =	stream.indirect.scatter.add.f32 [tilespmem:s19], [sflag:$0x1], $0x10, s30, s18, $0xb8;
	[tilespmem:$0x5EB0] =	vst v63  }
0x31: {  	s30 =	simm.s32 $0x600  }
0x32: {  	[spmem:s2] =	stream.indirect.scatter.add.f32 [tilespmem:s19], [sflag:$0x1], $0x10, s30, s18, $0xb8;
	[tilespmem:$0x5EB0] =	vst v63  }
0x33: {  	s30 =	simm.s32 $0x700  }
0x34: {  	[spmem:s2] =	stream.indirect.scatter.add.f32 [tilespmem:s19], [sflag:$0x1], $0x10, s30, s18, $0xb8;
	[tilespmem:$0x5EB0] =	vst v63  }
0x35: {  	_ =	swait.ge [sflag:s28], $0xFA0  }
0x36: {  	[sflag:s28] =	ssyncset.done $0x0  }
0x37: {  	[sflag:s28] =	ssyncadd.s32 $0xFFFFF060  }
0x38: {  	_ =	swait.ge [sflag:s28], $0xFA0  }
0x39: {  	[sflag:s28] =	ssyncset.done $0x0  }
0x3a: {  	[sflag:s28] =	ssyncadd.s32 $0xFFFFF060  }
0x3b: {  	_ =	swait.ge [sflag:s28], $0xFA0  }
0x3c: {  	[sflag:s28] =	ssyncset.done $0x0  }
0x3d: {  	[sflag:s28] =	ssyncadd.s32 $0xFFFFF060  }
0x3e: {  	_ =	swait.ge [sflag:s28], $0xFA0  }
0x3f: {  	[sflag:s28] =	ssyncset.done $0x0  }
0x40: {  	[sflag:s28] =	ssyncadd.s32 $0xFFFFF060  }
0x41: {  	_ =	swait.ge [sflag:s28], $0xFA0  }
0x42: {  	[sflag:s28] =	ssyncset.done $0x0  }
0x43: {  	[sflag:s28] =	ssyncadd.s32 $0xFFFFF060  }
0x44: {  	_ =	swait.ge [sflag:s28], $0xFA0  }
0x45: {  	[sflag:s28] =	ssyncset.done $0x0  }
0x46: {  	[sflag:s28] =	ssyncadd.s32 $0xFFFFF060  }
0x47: {  	_ =	swait.ge [sflag:s28], $0xFA0  }
0x48: {  	[sflag:s28] =	ssyncset.done $0x0  }
0x49: {  	[sflag:s28] =	ssyncadd.s32 $0xFFFFF060  }
0x4a: {  	_ =	swait.ge [sflag:s28], $0xFA0  }
0x4b: {  	[sflag:s28] =	ssyncset.done $0x0  }
0x4c: {  	s30 =	simm.s32 $0x800;
	[sflag:s28] =	ssyncadd.s32 $0xFFFFF060  }
0x4d: {  	[spmem:s2] =	stream.indirect.scatter.add.f32 [tilespmem:s19], [sflag:$0x1], $0x10, s30, s18, $0xb8;
	[tilespmem:$0x5EB0] =	vst v63  }
0x4e: {  	s30 =	simm.s32 $0x900  }
0x4f: {  	[spmem:s2] =	stream.indirect.scatter.add.f32 [tilespmem:s19], [sflag:$0x1], $0x10, s30, s18, $0xb8;
	[tilespmem:$0x5EB0] =	vst v63  }
0x50: {  	s30 =	simm.s32 $0xA00  }
0x51: {  	[spmem:s2] =	stream.indirect.scatter.add.f32 [tilespmem:s19], [sflag:$0x1], $0x10, s30, s18, $0xb8;
	[tilespmem:$0x5EB0] =	vst v63  }
0x52: {  	s30 =	simm.s32 $0xB00  }
0x53: {  	[spmem:s2] =	stream.indirect.scatter.add.f32 [tilespmem:s19], [sflag:$0x1], $0x10, s30, s18, $0xb8;
	[tilespmem:$0x5EB0] =	vst v63  }
0x54: {  	s30 =	simm.s32 $0xC00  }
0x55: {  	[spmem:s2] =	stream.indirect.scatter.add.f32 [tilespmem:s19], [sflag:$0x1], $0x10, s30, s18, $0xb8;
	[tilespmem:$0x5EB0] =	vst v63  }
0x56: {  	s30 =	simm.s32 $0xD00  }
0x57: {  	[spmem:s2] =	stream.indirect.scatter.add.f32 [tilespmem:s19], [sflag:$0x1], $0x10, s30, s18, $0xb8;
	[tilespmem:$0x5EB0] =	vst v63  }
0x58: {  	s30 =	simm.s32 $0xE00  }
0x59: {  	[spmem:s2] =	stream.indirect.scatter.add.f32 [tilespmem:s19], [sflag:$0x1], $0x10, s30, s18, $0xb8;
	[tilespmem:$0x5EB0] =	vst v63  }
0x5a: {  	s30 =	simm.s32 $0xF00  }
0x5b: {  	[spmem:s2] =	stream.indirect.scatter.add.f32 [tilespmem:s19], [sflag:$0x1], $0x10, s30, s18, $0xb8;
	[tilespmem:$0x5EB0] =	vst v63  }
0x5c: {  	_ =	swait.ge [sflag:s28], $0xFA0  }
0x5d: {  	[sflag:s28] =	ssyncset.done $0x0  }
0x5e: {  	[sflag:s28] =	ssyncadd.s32 $0xFFFFF060  }
0x5f: {  	_ =	swait.ge [sflag:s28], $0xFA0  }
0x60: {  	[sflag:s28] =	ssyncset.done $0x0  }
0x61: {  	[sflag:s28] =	ssyncadd.s32 $0xFFFFF060  }
0x62: {  	_ =	swait.ge [sflag:s28], $0xFA0  }
0x63: {  	[sflag:s28] =	ssyncset.done $0x0  }
0x64: {  	[sflag:s28] =	ssyncadd.s32 $0xFFFFF060  }
0x65: {  	_ =	swait.ge [sflag:s28], $0xFA0  }
0x66: {  	[sflag:s28] =	ssyncset.done $0x0  }
0x67: {  	[sflag:s28] =	ssyncadd.s32 $0xFFFFF060  }
0x68: {  	_ =	swait.ge [sflag:s28], $0xFA0  }
0x69: {  	[sflag:s28] =	ssyncset.done $0x0  }
0x6a: {  	[sflag:s28] =	ssyncadd.s32 $0xFFFFF060  }
0x6b: {  	_ =	swait.ge [sflag:s28], $0xFA0  }
0x6c: {  	[sflag:s28] =	ssyncset.done $0x0  }
0x6d: {  	[sflag:s28] =	ssyncadd.s32 $0xFFFFF060  }
0x6e: {  	_ =	swait.ge [sflag:s28], $0xFA0  }
0x6f: {  	[sflag:s28] =	ssyncset.done $0x0  }
0x70: {  	[sflag:s28] =	ssyncadd.s32 $0xFFFFF060  }
0x71: {  	_ =	swait.ge [sflag:s28], $0xFA0  }
0x72: {  	[sflag:s28] =	ssyncset.done $0x0  }
0x73: {  	s30 =	simm.s32 $0x1000;
	[sflag:s28] =	ssyncadd.s32 $0xFFFFF060  }
0x74: {  	[spmem:s2] =	stream.indirect.scatter.add.f32 [tilespmem:s19], [sflag:$0x1], $0x10, s30, s18, $0xb8;
	[tilespmem:$0x5EB0] =	vst v63  }
0x75: {  	s30 =	simm.s32 $0x1100  }
0x76: {  	[spmem:s2] =	stream.indirect.scatter.add.f32 [tilespmem:s19], [sflag:$0x1], $0x10, s30, s18, $0xb8;
	[tilespmem:$0x5EB0] =	vst v63  }
0x77: {  	s30 =	simm.s32 $0x1200  }
0x78: {  	[spmem:s2] =	stream.indirect.scatter.add.f32 [tilespmem:s19], [sflag:$0x1], $0x10, s30, s18, $0xb8;
	[tilespmem:$0x5EB0] =	vst v63  }
0x79: {  	s30 =	simm.s32 $0x1300  }
0x7a: {  	[spmem:s2] =	stream.indirect.scatter.add.f32 [tilespmem:s19], [sflag:$0x1], $0x10, s30, s18, $0xb8;
	[tilespmem:$0x5EB0] =	vst v63  }
0x7b: {  	s30 =	simm.s32 $0x1400  }
0x7c: {  	[spmem:s2] =	stream.indirect.scatter.add.f32 [tilespmem:s19], [sflag:$0x1], $0x10, s30, s18, $0xb8;
	[tilespmem:$0x5EB0] =	vst v63  }
0x7d: {  	s30 =	simm.s32 $0x1500  }
0x7e: {  	[spmem:s2] =	stream.indirect.scatter.add.f32 [tilespmem:s19], [sflag:$0x1], $0x10, s30, s18, $0xb8;
	[tilespmem:$0x5EB0] =	vst v63  }
0x7f: {  	s30 =	simm.s32 $0x1600  }
0x80: {  	[spmem:s2] =	stream.indirect.scatter.add.f32 [tilespmem:s19], [sflag:$0x1], $0x10, s30, s18, $0xb8;
	[tilespmem:$0x5EB0] =	vst v63  }
0x81: {  	s30 =	simm.s32 $0x1700  }
0x82: {  	[spmem:s2] =	stream.indirect.scatter.add.f32 [tilespmem:s19], [sflag:$0x1], $0x10, s30, s18, $0xb8;
	[tilespmem:$0x5EB0] =	vst v63  }
0x83: {  	_ =	swait.ge [sflag:s28], $0xFA0  }
0x84: {  	[sflag:s28] =	ssyncset.done $0x0  }
0x85: {  	[sflag:s28] =	ssyncadd.s32 $0xFFFFF060  }
0x86: {  	_ =	swait.ge [sflag:s28], $0xFA0  }
0x87: {  	[sflag:s28] =	ssyncset.done $0x0  }
0x88: {  	[sflag:s28] =	ssyncadd.s32 $0xFFFFF060  }
0x89: {  	_ =	swait.ge [sflag:s28], $0xFA0  }
0x8a: {  	[sflag:s28] =	ssyncset.done $0x0  }
0x8b: {  	[sflag:s28] =	ssyncadd.s32 $0xFFFFF060  }
0x8c: {  	_ =	swait.ge [sflag:s28], $0xFA0  }
0x8d: {  	[sflag:s28] =	ssyncset.done $0x0  }
0x8e: {  	[sflag:s28] =	ssyncadd.s32 $0xFFFFF060  }
0x8f: {  	_ =	swait.ge [sflag:s28], $0xFA0  }
0x90: {  	[sflag:s28] =	ssyncset.done $0x0  }
0x91: {  	[sflag:s28] =	ssyncadd.s32 $0xFFFFF060  }
0x92: {  	_ =	swait.ge [sflag:s28], $0xFA0  }
0x93: {  	[sflag:s28] =	ssyncset.done $0x0  }
0x94: {  	[sflag:s28] =	ssyncadd.s32 $0xFFFFF060  }
0x95: {  	_ =	swait.ge [sflag:s28], $0xFA0  }
0x96: {  	[sflag:s28] =	ssyncset.done $0x0  }
0x97: {  	[sflag:s28] =	ssyncadd.s32 $0xFFFFF060  }
0x98: {  	_ =	swait.ge [sflag:s28], $0xFA0  }
0x99: {  	[sflag:s28] =	ssyncset.done $0x0  }
0x9a: {  	s30 =	simm.s32 $0x1800;
	[sflag:s28] =	ssyncadd.s32 $0xFFFFF060  }
0x9b: {  	[spmem:s2] =	stream.indirect.scatter.add.f32 [tilespmem:s19], [sflag:$0x1], $0x10, s30, s18, $0xb8;
	[tilespmem:$0x5EB0] =	vst v63  }
0x9c: {  	s30 =	simm.s32 $0x1900  }
0x9d: {  	[spmem:s2] =	stream.indirect.scatter.add.f32 [tilespmem:s19], [sflag:$0x1], $0x10, s30, s18, $0xb8;
	[tilespmem:$0x5EB0] =	vst v63  }
0x9e: {  	s30 =	simm.s32 $0x1A00  }
0x9f: {  	[spmem:s2] =	stream.indirect.scatter.add.f32 [tilespmem:s19], [sflag:$0x1], $0x10, s30, s18, $0xb8;
	[tilespmem:$0x5EB0] =	vst v63  }
0xa0: {  	s30 =	simm.s32 $0x1B00  }
0xa1: {  	[spmem:s2] =	stream.indirect.scatter.add.f32 [tilespmem:s19], [sflag:$0x1], $0x10, s30, s18, $0xb8;
	[tilespmem:$0x5EB0] =	vst v63  }
0xa2: {  	s30 =	simm.s32 $0x1C00  }
0xa3: {  	[spmem:s2] =	stream.indirect.scatter.add.f32 [tilespmem:s19], [sflag:$0x1], $0x10, s30, s18, $0xb8;
	[tilespmem:$0x5EB0] =	vst v63  }
0xa4: {  	s30 =	simm.s32 $0x1D00  }
0xa5: {  	[spmem:s2] =	stream.indirect.scatter.add.f32 [tilespmem:s19], [sflag:$0x1], $0x10, s30, s18, $0xb8;
	[tilespmem:$0x5EB0] =	vst v63  }
0xa6: {  	s30 =	simm.s32 $0x1E00  }
0xa7: {  	[spmem:s2] =	stream.indirect.scatter.add.f32 [tilespmem:s19], [sflag:$0x1], $0x10, s30, s18, $0xb8;
	[tilespmem:$0x5EB0] =	vst v63  }
0xa8: {  	s30 =	simm.s32 $0x1F00  }
0xa9: {  	[spmem:s2] =	stream.indirect.scatter.add.f32 [tilespmem:s19], [sflag:$0x1], $0x10, s30, s18, $0xb8;
	[tilespmem:$0x5EB0] =	vst v63  }
0xaa: {  	_ =	swait.ge [sflag:s28], $0xFA0  }
0xab: {  	[sflag:s28] =	ssyncset.done $0x0  }
0xac: {  	[sflag:s28] =	ssyncadd.s32 $0xFFFFF060  }
0xad: {  	_ =	swait.ge [sflag:s28], $0xFA0  }
0xae: {  	[sflag:s28] =	ssyncset.done $0x0  }
0xaf: {  	[sflag:s28] =	ssyncadd.s32 $0xFFFFF060  }
0xb0: {  	_ =	swait.ge [sflag:s28], $0xFA0  }
0xb1: {  	[sflag:s28] =	ssyncset.done $0x0  }
0xb2: {  	[sflag:s28] =	ssyncadd.s32 $0xFFFFF060  }
0xb3: {  	_ =	swait.ge [sflag:s28], $0xFA0  }
0xb4: {  	[sflag:s28] =	ssyncset.done $0x0  }
0xb5: {  	[sflag:s28] =	ssyncadd.s32 $0xFFFFF060  }
0xb6: {  	_ =	swait.ge [sflag:s28], $0xFA0  }
0xb7: {  	[sflag:s28] =	ssyncset.done $0x0  }
0xb8: {  	[sflag:s28] =	ssyncadd.s32 $0xFFFFF060  }
0xb9: {  	_ =	swait.ge [sflag:s28], $0xFA0  }
0xba: {  	[sflag:s28] =	ssyncset.done $0x0  }
0xbb: {  	[sflag:s28] =	ssyncadd.s32 $0xFFFFF060  }
0xbc: {  	_ =	swait.ge [sflag:s28], $0xFA0  }
0xbd: {  	[sflag:s28] =	ssyncset.done $0x0  }
0xbe: {  	[sflag:s28] =	ssyncadd.s32 $0xFFFFF060  }
0xbf: {  	_ =	swait.ge [sflag:s28], $0xFA0  }
0xc0: {  	[sflag:s28] =	ssyncset.done $0x0  }
0xc1: {  	[sflag:s28] =	ssyncadd.s32 $0xFFFFF060  }
0xc2: {  	[spmem:s2] =	stream.indirect.scatter.add.f32 [tilespmem:s19], [sflag:$0x1], $0x10, s31, s18, $0xb8;
	[tilespmem:$0x5EB0] =	vst v63  }
0xc3: {  	_ = 	snop  }
0xc4: {  	[spmem:s2] =	stream.indirect.scatter.add.f32 [tilespmem:s19], [sflag:$0x1], $0x10, s0, s18, $0xb8;
	[tilespmem:$0x5EB0] =	vst v63  }
0xc5: {  	_ = 	snop  }
0xc6: {  	[spmem:s2] =	stream.indirect.scatter.add.f32 [tilespmem:s19], [sflag:$0x1], $0x10, s20, s18, $0xb8;
	[tilespmem:$0x5EB0] =	vst v63  }
0xc7: {  	_ = 	snop  }
0xc8: {  	[spmem:s2] =	stream.indirect.scatter.add.f32 [tilespmem:s19], [sflag:$0x1], $0x10, s21, s18, $0xb8;
	[tilespmem:$0x5EB0] =	vst v63  }
0xc9: {  	_ = 	snop  }
0xca: {  	[spmem:s2] =	stream.indirect.scatter.add.f32 [tilespmem:s19], [sflag:$0x1], $0x10, s22, s18, $0xb8;
	[tilespmem:$0x5EB0] =	vst v63  }
0xcb: {  	_ = 	snop  }
0xcc: {  	[spmem:s2] =	stream.indirect.scatter.add.f32 [tilespmem:s19], [sflag:$0x1], $0x10, s23, s18, $0xb8;
	[tilespmem:$0x5EB0] =	vst v63  }
0xcd: {  	_ = 	snop  }
0xce: {  	[spmem:s2] =	stream.indirect.scatter.add.f32 [tilespmem:s19], [sflag:$0x1], $0x10, s24, s18, $0xb8;
	[tilespmem:$0x5EB0] =	vst v63  }
0xcf: {  	_ = 	snop  }
0xd0: {  	[spmem:s2] =	stream.indirect.scatter.add.f32 [tilespmem:s19], [sflag:$0x1], $0x10, s25, s18, $0xb8;
	[tilespmem:$0x5EB0] =	vst v63  }
0xd1: {  	_ =	swait.ge [sflag:s28], $0xFA0  }
0xd2: {  	[sflag:s28] =	ssyncset.done $0x0  }
0xd3: {  	[sflag:s28] =	ssyncadd.s32 $0xFFFFF060  }
0xd4: {  	_ =	swait.ge [sflag:s28], $0xFA0  }
0xd5: {  	[sflag:s28] =	ssyncset.done $0x0  }
0xd6: {  	[sflag:s28] =	ssyncadd.s32 $0xFFFFF060  }
0xd7: {  	_ =	swait.ge [sflag:s28], $0xFA0  }
0xd8: {  	[sflag:s28] =	ssyncset.done $0x0  }
0xd9: {  	[sflag:s28] =	ssyncadd.s32 $0xFFFFF060  }
0xda: {  	_ =	swait.ge [sflag:s28], $0xFA0  }
0xdb: {  	[sflag:s28] =	ssyncset.done $0x0  }
0xdc: {  	[sflag:s28] =	ssyncadd.s32 $0xFFFFF060  }
0xdd: {  	_ =	swait.ge [sflag:s28], $0xFA0  }
0xde: {  	[sflag:s28] =	ssyncset.done $0x0  }
0xdf: {  	[sflag:s28] =	ssyncadd.s32 $0xFFFFF060  }
0xe0: {  	_ =	swait.ge [sflag:s28], $0xFA0  }
0xe1: {  	[sflag:s28] =	ssyncset.done $0x0  }
0xe2: {  	[sflag:s28] =	ssyncadd.s32 $0xFFFFF060  }
0xe3: {  	_ =	swait.ge [sflag:s28], $0xFA0  }
0xe4: {  	[sflag:s28] =	ssyncset.done $0x0  }
0xe5: {  	[sflag:s28] =	ssyncadd.s32 $0xFFFFF060  }
0xe6: {  	_ =	swait.ge [sflag:s28], $0xFA0  }
0xe7: {  	[sflag:s28] =	ssyncset.done $0x0  }
0xe8: {  	[sflag:s28] =	ssyncadd.s32 $0xFFFFF060  }
0xe9: {  	s29 =	sshrl.u32 @!p1 s7, $0x3;
	s30 =	simm.s32 @!p1 $0x1FC2;
	[bflag:$0x0] =	sbarrier.arrive $0xFFFF  }
0xea: {  	[hbm:s12], [sflag:s30] =	dma.local @!p1 [spmem:s29], $0x320  }
0xeb: {  	s29 =	simm.s32 @!p1 $0x2  }
0xec: {  	_ =	swait.ge @!p1 [sflag:s29], $0x320  }
0xed: {  	s30 =	sshll.u32 @!p2 s1, $0x6;
	[sflag:s29] =	ssyncset.done @!p1 $0x0  }
0xee: {  	[sflag:s29] =	ssyncadd.s32 @!p1 $0xFFFFFCE0;
	s29 =	sor.u32 @!p2 $0x1C02, s30;
	s30 =	sshrl.u32 @!p2 s5, $0x3  }
0xef: {  	[hbm:s11], [sflag:s29] =	dma.local @!p2 [spmem:s30], $0x500  }
0xf0: {  	s29 =	simm.s32 @!p2 $0x2  }
0xf1: {  	_ =	swait.ge @!p2 [sflag:s29], $0x500  }
0xf2: {  	[sflag:s29] =	ssyncset.done @!p2 $0x0  }
0xf3: {  	s30 =	simm.s32 @!p3 $0x1FC2;
	[sflag:s29] =	ssyncadd.s32 @!p2 $0xFFFFFB00;
	s29 =	sshrl.u32 @!p3 s7, $0x3  }
0xf4: {  	[hbm:s10], [sflag:s30] =	dma.local @!p3 [spmem:s29], $0x320  }
0xf5: {  	s29 =	simm.s32 @!p3 $0x2  }
0xf6: {  	s26 =	sadd.s32 $0x1, s26;
	_ =	swait.ge @!p3 [sflag:s29], $0x320  }
0xf7: {  	p5 =	sne.s32 s26, s13;
	s30 =	sshll.u32 @!p4 s1, $0x6;
	[sflag:s29] =	ssyncset.done @!p3 $0x0  }
0xf8: {  	[sflag:s29] =	ssyncadd.s32 @!p3 $0xFFFFFCE0;
	s29 =	sor.u32 @!p4 $0x1C02, s30;
	s30 =	sshrl.u32 @!p4 s5, $0x3  }
0xf9: {  	[hbm:s9], [sflag:s29] =	dma.local @!p4 [spmem:s30], $0x500  }
.Ltmp1:
0xfa: {  	_ = 	snop;
	(pc) =	sbr.rel @p5 .LBB2_1-.Ltmp1, $4  }
0xfb: {  	s29 =	simm.s32 @!p4 $0x2  }
0xfc: {  	_ =	swait.ge @!p4 [sflag:s29], $0x500  }
0xfd: {  	[sflag:s29] =	ssyncset.done @!p4 $0x0  }
0xfe: {  	[sflag:s29] =	ssyncadd.s32 @!p4 $0xFFFFFB00  }
0xff: {  	_ =	sfence.sel $0x180000  }
0x100: {  	[bflag:$0x0] =	sbarrier.arrive $0xFFFF  }
0x101: {  	_ =	strace $0x90000047  }
0x102: {  	[bflag:$0x2] =	sbarrier.arrive $0xFFFF  }
0x103: {  	p0 =	sne.s32 s1, $0x0;
	s0 =	rddreg [dreg:$0x2]  }
0x104: {  	s0 =	sadd.s32 @!p0 $0x100000, s0  }
0x105: {  	[sflag:s0] =	ssyncadd.tile.s32 @!p0 $0x1;
	_ =	shalt  }
.Lfunc_end2:
_tile_overlayer_lowered:
.L_overlay_start_2:
0x106: {  	(tag) =	ssettag $0x2  }
0x107: {  	s0 =	rddreg [dreg:$0x0];
	s2 =	stileid.u32  }
0x108: {  	s1 =	rddreg [dreg:$0x1];
	p0 =	sne.s32 s2, $0x0  }
0x109: {  	s3 =	rddreg [dreg:$0x2];
	[bflag:$0x3] =	sbarrier.arrive $0xFFFF;
	s2 =	simm.s32 @!p0 $0x1C02  }
0x10a: {  	[timem:s3], [sflag:s2] =	dma.local @!p0 [hbm:s0], s1  }
0x10b: {  	s0 =	simm.s32 @!p0 $0x2  }
0x10c: {  	_ =	swait.ge @!p0 [sflag:s0], s1  }
0x10d: {  	s1 =	ssub.s32 @!p0 $0x0, s1;
	[sflag:s0] =	ssyncset.done @!p0 $0x0  }
0x10e: {  	[sflag:s0] =	ssyncadd.s32 @!p0 s1  }
0x10f: {  	[bflag:$0x3] =	sbarrier.arrive $0xFFFF  }
0x110: {  	_ =	shalt  }

// kernel: kernel.14.cloned.1.call-start
scs
__scs_entry_jumppad:
0x0: {  	(pc) =	sbr.rel $0x88, $3  }
0x1: {  	(tag) =	ssettag $0x0;
	lr =	simm.s32 $0x1  }
0x2: {  	[smem:$0x3F96] =	sst lr;
	_ =	strace $0xD0000000  }
0x3: {  	_ = 	snop  }
0x4: {  	_ = 	snop  }
0x5: {  	_ = 	snop  }
0x6: {  	_ = 	snop  }
0x7: {  	_ = 	snop  }
__scs_overlays_trampoline_lowered:
0x8: {  	[smem:$0x3FA5] =	sst s0  }
0x9: {  	[smem:$0x3FA6] =	sst s1  }
0xa: {  	[smem:$0x3FA7] =	sst s2  }
0xb: {  	[smem:$0x3FA8] =	sst s3  }
0xc: {  	[smem:$0x3FA9] =	sst s4  }
0xd: {  	[smem:$0x3FAA] =	sst s5  }
0xe: {  	[smem:$0x3FAB] =	sst s6  }
0xf: {  	[smem:$0x3FAC] =	sst s7  }
0x10: {  	[smem:$0x3FAD] =	sst s8  }
0x11: {  	[smem:$0x3FAE] =	sst s9;
	s0 =	simm.s32 @!p0 $0x0  }
0x12: {  	s1 =	sld [smem:$0x3F94];
	s0 =	simm.s32 @p0 $0x1  }
0x13: {  	[smem:$0x3FAF] =	sst s0;
	s0 =	simm.s32 @!p1 $0x0  }
0x14: {  	s2 =	sld [smem:$0x3F93];
	s0 =	simm.s32 @p1 $0x1  }
0x15: {  	[smem:$0x3FB0] =	sst s0;
	s0 =	simm.s32 @!p2 $0x0  }
0x16: {  	s3 =	sld [smem:$0x3FDB];
	s0 =	simm.s32 @p2 $0x1  }
0x17: {  	s4 =	simm.s32 $0x1BF5;
	[smem:$0x3FB2] =	sst s0  }
0x18: {  	s0 =	sld [smem:$0x3F95];
	_ =	swait.ge [sflag:s4], $0x0  }
0x19: {  	s7 =	sld [smem:$0x3F96]  }
0x1a: {  	s8 =	sadd.s32 $0xFFFFE003, lr  }
0x1b: {  	s9 =	sadd.s32 $0xFFFFFEF7, lr;
	s5 =	simm.s32 $0xFFFFFFFF;
	p2 =	slt.u32 s8, $0xFFFFF086  }
0x1c: {  	p1 =	slt.u32 s9, $0xF7A;
	s5 =	simm.s32 @!p2 $0x0  }
0x1d: {  	s5 =	simm.s32 @p1 $0x1;
	p0 =	seq.s32 s7, s2  }
0x1e: {  	s7 =	smul.u32 @!p0 $0xF7A, s2;
	p2 =	seq.s32 @!p0 s5, $0x0  }
0x1f: {  	s9 =	smul.u32 $0xF7A, s1;
	s8 =	simm.s32 @!p0 $0x1BF5;
	p2 =	por !p2, p0  }
0x20: {  	[sflag:s8] =	ssyncset.s32 @!p0 $0xFFFFF086;
	s6 =	sadd.s32 @!p0 s3, s7;
	s7 =	simm.s32 @!p0 $0x108  }
0x21: {  	s3 =	sadd.s32 s3, s9;
	s6 =	sadd.s32 @!p0 $0x88, s6;
	s7 =	simm.s32 @p2 $0x1082  }
0x22: {  	[simem:s7], [sflag:s8] =	dma.local @!p0 [hbm:s6], $0xF7A  }
0x23: {  	s9 =	sor.u32 $0xD0000000, s2;
	s6 =	simm.s32 $0x108;
	_ =	swait.ge @!p0 [sflag:s8], $0x0  }
0x24: {  	s3 =	sadd.s32 $0x88, s3;
	s6 =	simm.s32 @!p1 $0x1082;
	[sflag:s4] =	ssyncset.s32 $0xFFFFF086  }
0x25: {  	[simem:s6], [sflag:s4] =	dma.local [hbm:s3], $0xF7A  }
0x26: {  	[smem:$0x3F96] =	sst s1;
	(tag) =	ssettag s2;
	_ =	strace s9  }
0x27: {  	s1 =	sld [smem:$0x3FA6]  }
0x28: {  	s2 =	sld [smem:$0x3FA7]  }
0x29: {  	s4 =	sld [smem:$0x3FA9]  }
0x2a: {  	p0 =	seq.s32 s5, $0x0;
	s5 =	sld [smem:$0x3FAA]  }
0x2b: {  	s6 =	sld [smem:$0x3FAB]  }
0x2c: {  	s7 =	sld [smem:$0x3FAC]  }
0x2d: {  	s3 =	simm.s32 $0x108;
	s8 =	sld [smem:$0x3FAD]  }
0x2e: {  	s3 =	simm.s32 @!p0 $0x1082;
	s9 =	sld [smem:$0x3FAE]  }
0x2f: {  	lr =	sadd.s32 s0, s3;
	s0 =	sld [smem:$0x3FA5]  }
0x30: {  	s3 =	sld [smem:$0x3FA8]  }
0x31: {  	[smem:$0x3FB1] =	sst s10  }
0x32: {  	s10 =	sld [smem:$0x3FAF];
	_ =	sdelay $0x3  }
0x33: {  	p0 =	seq.s32 s10, $0x1;
	s10 =	sld [smem:$0x3FB1];
	_ =	sdelay $0x3  }
0x34: {  	[smem:$0x3FB1] =	sst s10  }
0x35: {  	s10 =	sld [smem:$0x3FB0];
	_ =	sdelay $0x3  }
0x36: {  	p1 =	seq.s32 s10, $0x1;
	s10 =	sld [smem:$0x3FB1];
	_ =	sdelay $0x3  }
0x37: {  	[smem:$0x3FB1] =	sst s10  }
0x38: {  	s10 =	sld [smem:$0x3FB2]  }
0x39: {  	_ = 	snop;
	(pc) =	sbr.ind lr, $3  }
0x3a: {  	_ = 	snop  }
0x3b: {  	_ = 	snop  }
0x3c: {  	p2 =	seq.s32 s10, $0x1;
	s10 =	sld [smem:$0x3FB1]  }
0x3d: {  	_ =	shalt  }
0x3e: {  	_ =	shalt  }
0x3f: {  	_ =	shalt  }
0x40: {  	_ =	shalt  }
0x41: {  	_ =	shalt  }
0x42: {  	_ =	shalt  }
0x43: {  	_ =	shalt  }
0x44: {  	_ =	shalt  }
0x45: {  	_ =	shalt  }
0x46: {  	_ =	shalt  }
0x47: {  	_ =	shalt  }
0x48: {  	_ =	shalt  }
0x49: {  	_ =	shalt  }
0x4a: {  	_ =	shalt  }
0x4b: {  	_ =	shalt  }
0x4c: {  	_ =	shalt  }
0x4d: {  	_ =	shalt  }
0x4e: {  	_ =	shalt  }
0x4f: {  	_ =	shalt  }
0x50: {  	_ =	shalt  }
0x51: {  	_ =	shalt  }
0x52: {  	_ =	shalt  }
0x53: {  	_ =	shalt  }
0x54: {  	_ =	shalt  }
0x55: {  	_ =	shalt  }
0x56: {  	_ =	shalt  }
0x57: {  	_ =	shalt  }
0x58: {  	_ =	shalt  }
0x59: {  	_ =	shalt  }
0x5a: {  	_ =	shalt  }
0x5b: {  	_ =	shalt  }
0x5c: {  	_ =	shalt  }
0x5d: {  	_ =	shalt  }
0x5e: {  	_ =	shalt  }
0x5f: {  	_ =	shalt  }
0x60: {  	_ =	shalt  }
0x61: {  	_ =	shalt  }
0x62: {  	_ =	shalt  }
0x63: {  	_ =	shalt  }
0x64: {  	_ =	shalt  }
0x65: {  	_ =	shalt  }
0x66: {  	_ =	shalt  }
0x67: {  	_ =	shalt  }
0x68: {  	_ =	shalt  }
0x69: {  	_ =	shalt  }
0x6a: {  	_ =	shalt  }
0x6b: {  	_ =	shalt  }
0x6c: {  	_ =	shalt  }
0x6d: {  	_ =	shalt  }
0x6e: {  	_ =	shalt  }
0x6f: {  	_ =	shalt  }
0x70: {  	_ =	shalt  }
0x71: {  	_ =	shalt  }
0x72: {  	_ =	shalt  }
0x73: {  	_ =	shalt  }
0x74: {  	_ =	shalt  }
0x75: {  	_ =	shalt  }
0x76: {  	_ =	shalt  }
0x77: {  	_ =	shalt  }
0x78: {  	_ =	shalt  }
0x79: {  	_ =	shalt  }
0x7a: {  	_ =	shalt  }
0x7b: {  	_ =	shalt  }
0x7c: {  	_ =	shalt  }
0x7d: {  	_ =	shalt  }
0x7e: {  	_ =	shalt  }
0x7f: {  	_ =	shalt  }
0x80: {  	_ =	shalt  }
0x81: {  	_ =	shalt  }
0x82: {  	_ =	shalt  }
0x83: {  	_ =	shalt  }
0x84: {  	_ =	shalt  }
0x85: {  	_ =	shalt  }
0x86: {  	_ =	shalt  }
0x87: {  	_ =	shalt  }
.Lfunc_end0:
.L_simem_size_0:
called_computation.1_lowered:
.L_overlay_start_0:
0x88: {  	s2 =	sld [smem:$0x3FD9]  }
0x89: {  	s3 =	sld [smem:$0x3FFE];
	_ =	sdelay $0x1  }
0x8a: {  	s1 =	srdreg.scid  }
0x8b: {  	s0 =	sand.u32 $0x1, s1  }
0x8c: {  	s16 =	sshll.u32 s0, $0xA;
	s2 =	sadd.s32 s3, s2  }
0x8d: {  	s2 =	sadd.s32 s2, s16  }
0x8e: {  	[smem:$0x3FBD] =	sst s2  }
0x8f: {  	_ = 	snop  }
0x90: {  	(tm) =	ssettm $0x1  }
0x91: {  	s17 =	sld [smem:$0x3FFB];
	_ =	sdelay $0x3  }
0x92: {  	_ =	strace s17  }
0x93: {  	s2 =	sld [smem:$0x3FFC];
	_ =	sdelay $0x3  }
0x94: {  	_ =	strace s2  }
0x95: {  	s2 =	sld [smem:$0x3FFD];
	_ =	sdelay $0x3  }
0x96: {  	_ =	strace s2  }
0x97: {  	_ =	strace $0x8FFFFFFF  }
0x98: {  	s18 =	sld [smem:$0x3FDB];
	_ =	sdelay $0x1  }
0x99: {  	s19 =	simm.s32 $_scs_section_size  }
0x9a: {  	s4 =	simm.s32 $_size__tile_overlayer_lowered;
	s5 =	simm.s32 $_tile_overlayer_lowered  }
0x9b: {  	s22 =	simm.s32 $0x1BFF;
	s21 =	sshll.u32 s5, $0x1;
	s2 =	sadd.s32 s19, s18  }
0x9c: {  	s6 =	simm.s32 $0x0;
	s20 =	sshll.u32 s4, $0x1;
	s4 =	sadd.s32 s21, s2  }
0x9d: {  	[timem:s6], [sflag:s22] =	dma.local [hbm:s4], s20  }
0x9e: {  	_ =	swait.ge [sflag:s22], s20  }
0x9f: {  	s3 =	ssub.s32 $0x0, s20;
	[sflag:s22] =	ssyncset.done $0x0  }
0xa0: {  	[sflag:s22] =	ssyncadd.s32 s3;
	_ =	sdelay $0x1  }
0xa1: {  	s23 =	simm.s32 $0x1B8B  }
0xa2: {  	_ =	swait.ge [sflag:s23], $0x1  }
0xa3: {  	[sflag:s23] =	ssyncset.done $0x0  }
0xa4: {  	s25 =	simm.s32 $0x1B8E;
	s24 =	sld [smem:$0x3FFE];
	[sflag:s23] =	ssyncadd.s32 $0xFFFFFFFF  }
0xa5: {  	s26 =	simm.s32 $execute0_lowered;
	[smem:$0x3FD2] =	sst s25  }
0xa6: {  	s4 =	sshll.u32 s26, $0x1;
	_ =	strace $0x80000049;
	[dreg:$0x1] =	wrdreg $0xFFFFFFFF  }
0xa7: {  	s28 =	simm.s32 $_size_execute0_lowered;
	s2 =	sadd.s32 s2, s4;
	[dreg:$0x0] =	wrdreg $0x0  }
0xa8: {  	s4 =	sshll.u32 s28, $0x1;
	[dreg:$0x2] =	wrdreg s2  }
0xa9: {  	[dreg:$0x3] =	wrdreg s4  }
0xaa: {  	[dreg:$0x4] =	wrdreg $0xC0  }
0xab: {  	_ =	task [dreg:s6], $0x5FFFF  }
0xac: {  	[dreg:$0x1] =	wrdreg $0xFFFFFFFF  }
0xad: {  	[dreg:$0x0] =	wrdreg $0x60  }
0xae: {  	[dreg:$0x2] =	wrdreg s24  }
0xaf: {  	[dreg:$0x3] =	wrdreg $0xE4200  }
0xb0: {  	[dreg:$0x4] =	wrdreg $0x9  }
0xb1: {  	_ =	task.clear_ibuf [dreg:s6], $0x5FFFF;
	_ =	strace $0x90000049  }
0xb2: {  	s29 =	simm.s32 $0x9;
	_ =	strace $0x8000004B  }
0xb3: {  	_ =	swait.ge [sflag:s29], $0x1  }
0xb4: {  	[sflag:s29] =	ssyncadd.s32 $0xFFFFFFFF  }
0xb5: {  	_ =	strace $0x9000004B  }
0xb6: {  	_ =	sfence  }
0xb7: {  	s30 =	sld [smem:$0x0];
	_ =	sdelay $0x2  }
0xb8: {  	s31 =	sshll.u32 s1, $0xD;
	s1 =	sshrl.u32 s1, $0x2  }
0xb9: {  	s3 =	sand.u32 $0x4000, s31;
	s1 =	sadd.s32 s1, s30  }
0xba: {  	s0 =	sor.u32 s3, s0;
	s1 =	sshll.u32 s1, $0x11  }
0xbb: {  	s0 =	sor.u32 s1, s0  }
0xbc: {  	s0 =	sadd.s32 $0x8F2B, s0  }
0xbd: {  	[sflag:s0] =	ssyncadd.remote.s32 $0x1  }
0xbe: {  	_ =	sfence.sel $0xFFFF  }
0xbf: {  	[dreg:$0x0] =	wrdreg $0xFFFFFFFF;
	(pc) =	sbr.abs _section_cstart, $3  }
0xc0: {  	[dreg:$0x1] =	wrdreg $0xFFFFFFFF  }
0xc1: {  	_ =	task.clear_ibuf [dreg:s6], $0x2FFFF;
	_ =	strace $0x9FFFFFFF  }
0xc2: {  	(tm) =	ssettm $0x7FFFFFFF  }
0xc3: {  	_ =	shalt  }
tec
execute0_lowered:
.L_overlay_start_1:
0x0: {  	(tag) =	ssettag $0x1  }
0x1: {  	s0 =	rddreg [dreg:$0x0]  }
0x2: {  	s1 =	rddreg [dreg:$0x1]  }
0x3: {  	s2 =	srdreg.scid;
	s3 =	simm.s32 $0x0;
	s16 =	simm.s32 $0x7  }
0x4: {  	s17 =	simm.s32 $0x2710;
	s21 =	simm.s32 $0xC8;
	s22 =	simm.s32 $0x4E20  }
0x5: {  	s23 =	simm.s32 $0x8020;
	s28 =	simm.s32 $0x4;
	s30 =	simm.s32 $0x2  }
0x6: {  	s29 =	simm.s32 $0x3;
	s31 =	simm.s32 $0x0;
	s5 =	sand.u32 $0x1, s2  }
0x7: {  	s2 =	stileid.u32;
	[smem:$0x7FF] =	sst s3;
	s10 =	sadd.s32 $0x43400, s0  }
0x8: {  	s12 =	sadd.s32 $0x6A800, s0;
	s14 =	sadd.s32 $0x56E00, s0;
	s4 =	sshll.u32 s5, $0x4  }
0x9: {  	s6 =	smul.u32 $0x14000, s2;
	_ =	strace $0x8000004A;
	s9 =	ssub.s32 $0x2, s5  }
0xa: {  	p4 =	seq.s32 s5, $0x1;
	p0 =	seq.s32 s2, $0xF;
	s4 =	sor.u32 s2, s4  }
0xb: {  	s24 =	sshrl.u32 s9, $0x1;
	p2 =	seq.s32 @p4 s2, $0xF;
	p5 =	seq.s32 @!p4 s2, $0xF  }
0xc: {  	s7 =	smul.u32 $0x4E2, s4;
	s4 =	sadd.s32 $0x17800, s0;
	s8 =	sshrl.u32 s6, $0x4  }
0xd: {  	s15 =	ssub.s32 s9, s24;
	s6 =	sshrl.u32 s6, $0x1;
	s9 =	sadd.s32 $0x96000, s1  }
0xe: {  	p1 =	por !p2, !p4;
	p2 =	por p2, !p4;
	p3 =	por !p5, p4  }
0xf: {  	p4 =	por p5, p4;
	s24 =	simm.s32 $0x6;
	s13 =	sadd.s32 s8, s0  }
0x10: {  	s15 =	smax.u32 s15, $0x1;
	s18 =	sshrl.u32 @p0 s9, $0x3;
	s7 =	sadd.s32 s7, s0  }
0x11: {  	s26 =	sadd.s32 $0x30800, s13;
	s11 =	sadd.s32 $0x57C00, s13;
	s13 =	sadd.s32 $0x44200, s13  }
0x12: {  	s0 =	sshll.u32 @!p0 s2, $0x6;
	s25 =	sadd.s32 $0x3C00, s7;
	s7 =	sadd.s32 $0xDA00, s7  }
0x13: {  	[dreg:$0x5] =	wrdreg s26;
	s19 =	sor.u32 @!p0 $0x1C07, s0;
	s26 =	simm.s32 $0x1  }
0x14: {  	s0 =	simm.s32 $0x5;
	[dreg:$0x4] =	wrdreg s7;
	s7 =	sadd.s32 s6, s1  }
0x15: {  	[dreg:$0x3] =	wrdreg s25;
	s25 =	simm.s32 $0xB220;
	s20 =	sshrl.u32 @!p0 s7, $0x3  }
.LBB2_1:
0x16: {  	s5 =	rddreg [dreg:$0x3]  }
0x17: {  	[tilespmem:s3], [sflag:$0x7] =	stream.linear.gather [hbm4b:s5+s3], $0x2710, $0x38;
	[tilespmem:$0x18060] =	vst v63  }
0x18: {  	_ =	swait.ge [sflag:s16], $0x2710  }
0x19: {  	[sflag:s16] =	ssyncset.done $0x0  }
0x1a: {  	s8 =	rddreg [dreg:$0x4];
	[sflag:s16] =	ssyncadd.s32 $0xFFFFD8F0  }
0x1b: {  	[tilespmem:s17], [sflag:$0x7] =	stream.linear.gather [hbm4b:s8+s3], $0x2710, $0x38;
	[tilespmem:$0x18060] =	vst v63  }
0x1c: {  	_ =	swait.ge [sflag:s16], $0x2710  }
0x1d: {  	[sflag:s16] =	ssyncset.done $0x0  }
0x1e: {  	s5 =	simm.s32 @p0 $0x1FC7;
	[sflag:s16] =	ssyncadd.s32 $0xFFFFD8F0  }
0x1f: {  	[spmem:s18], [sflag:s5] =	dma.local @p0 [hbm:s10], $0xC80  }
0x20: {  	s5 =	simm.s32 @p0 $0x7  }
0x21: {  	_ =	swait.ge @p0 [sflag:s5], $0xC80  }
0x22: {  	[sflag:s5] =	ssyncset.done @p0 $0x0  }
0x23: {  	[sflag:s5] =	ssyncadd.s32 @p0 $0xFFFFF380;
	s5 =	rddreg [dreg:$0x5]  }
0x24: {  	[spmem:s20], [sflag:s19] =	dma.local @!p0 [hbm:s5], $0x1400  }
0x25: {  	s5 =	simm.s32 @!p0 $0x7  }
0x26: {  	_ =	swait.ge @!p0 [sflag:s5], $0x1400  }
0x27: {  	[sflag:s5] =	ssyncset.done @!p0 $0x0  }
0x28: {  	[sflag:s5] =	ssyncadd.s32 @!p0 $0xFFFFEC00  }
0x29: {  	[bflag:$0x0] =	sbarrier.arrive $0xFFFF  }
0x2a: {  	[tilespmem:s22], [sflag:$0x1] =	stream.indirect.gather [hbm4b:s4+s21], $0x40, s3, s21, $0xb8;
	[tilespmem:$0x18060] =	vst v63  }
0x2b: {  	_ = 	snop  }
0x2c: {  	[tilespmem:s23], [sflag:$0x2] =	stream.indirect.gather [hbm4b:s4+s21], $0x40, s21, s21, $0xb8;
	[tilespmem:$0x18060] =	vst v63  }
0x2d: {  	s6 =	simm.s32 $0x190  }
0x2e: {  	[tilespmem:s25], [sflag:$0x3] =	stream.indirect.gather [hbm4b:s4+s21], $0x40, s6, s21, $0xb8;
	[tilespmem:$0x18060] =	vst v63  }
0x2f: {  	_ =	swait.ge [sflag:s26], $0x3200  }
0x30: {  	[sflag:s26] =	ssyncset.done $0x0  }
0x31: {  	[sflag:s26] =	ssyncadd.s32 $0xFFFFCE00  }
0x32: {  	[spmem:s1] =	stream.indirect.scatter.add.bf16 [tilespmem:s22], [sflag:$0x4], $0x40, s17, s21, $0xb8;
	[tilespmem:$0x18060] =	vst v63  }
0x33: {  	_ =	swait.ge [sflag:s28], $0x3200  }
0x34: {  	[sflag:s28] =	ssyncset.done $0x0  }
0x35: {  	s8 =	simm.s32 $0x258;
	[sflag:s28] =	ssyncadd.s32 $0xFFFFCE00  }
0x36: {  	[tilespmem:s22], [sflag:$0x1] =	stream.indirect.gather [hbm4b:s4+s21], $0x40, s8, s21, $0xb8;
	[tilespmem:$0x18060] =	vst v63  }
0x37: {  	_ =	swait.ge [sflag:s30], $0x3200  }
0x38: {  	[sflag:s30] =	ssyncset.done $0x0  }
0x39: {  	s6 =	simm.s32 $0x27D8;
	[sflag:s30] =	ssyncadd.s32 $0xFFFFCE00  }
0x3a: {  	[spmem:s1] =	stream.indirect.scatter.add.bf16 [tilespmem:s23], [sflag:$0x5], $0x40, s6, s21, $0xb8;
	[tilespmem:$0x18060] =	vst v63  }
0x3b: {  	_ =	swait.ge [sflag:s0], $0x3200  }
0x3c: {  	[sflag:s0] =	ssyncset.done $0x0  }
0x3d: {  	s8 =	simm.s32 $0x320;
	[sflag:s0] =	ssyncadd.s32 $0xFFFFCE00  }
0x3e: {  	[tilespmem:s23], [sflag:$0x2] =	stream.indirect.gather [hbm4b:s4+s21], $0x40, s8, s21, $0xb8;
	[tilespmem:$0x18060] =	vst v63  }
0x3f: {  	_ =	swait.ge [sflag:s29], $0x3200  }
0x40: {  	[sflag:s29] =	ssyncset.done $0x0  }
0x41: {  	s6 =	simm.s32 $0x28A0;
	[sflag:s29] =	ssyncadd.s32 $0xFFFFCE00  }
0x42: {  	[spmem:s1] =	stream.indirect.scatter.add.bf16 [tilespmem:s25], [sflag:$0x6], $0x40, s6, s21, $0xb8;
	[tilespmem:$0x18060] =	vst v63  }
0x43: {  	_ =	swait.ge [sflag:s24], $0x3200  }
0x44: {  	[sflag:s24] =	ssyncset.done $0x0  }
0x45: {  	s8 =	simm.s32 $0x3E8;
	[sflag:s24] =	ssyncadd.s32 $0xFFFFCE00  }
0x46: {  	[tilespmem:s25], [sflag:$0x3] =	stream.indirect.gather [hbm4b:s4+s21], $0x40, s8, s21, $0xb8;
	[tilespmem:$0x18060] =	vst v63  }
0x47: {  	_ =	swait.ge [sflag:s26], $0x3200  }
0x48: {  	[sflag:s26] =	ssyncset.done $0x0  }
0x49: {  	s6 =	simm.s32 $0x2968;
	[sflag:s26] =	ssyncadd.s32 $0xFFFFCE00  }
0x4a: {  	[spmem:s1] =	stream.indirect.scatter.add.bf16 [tilespmem:s22], [sflag:$0x4], $0x40, s6, s21, $0xb8;
	[tilespmem:$0x18060] =	vst v63  }
0x4b: {  	_ =	swait.ge [sflag:s28], $0x3200  }
0x4c: {  	[sflag:s28] =	ssyncset.done $0x0  }
0x4d: {  	s8 =	simm.s32 $0x4B0;
	[sflag:s28] =	ssyncadd.s32 $0xFFFFCE00  }
0x4e: {  	[tilespmem:s22], [sflag:$0x1] =	stream.indirect.gather [hbm4b:s4+s21], $0x40, s8, s21, $0xb8;
	[tilespmem:$0x18060] =	vst v63  }
0x4f: {  	_ =	swait.ge [sflag:s30], $0x3200  }
0x50: {  	[sflag:s30] =	ssyncset.done $0x0  }
0x51: {  	s6 =	simm.s32 $0x2A30;
	[sflag:s30] =	ssyncadd.s32 $0xFFFFCE00  }
0x52: {  	[spmem:s1] =	stream.indirect.scatter.add.bf16 [tilespmem:s23], [sflag:$0x5], $0x40, s6, s21, $0xb8;
	[tilespmem:$0x18060] =	vst v63  }
0x53: {  	_ =	swait.ge [sflag:s0], $0x3200  }
0x54: {  	[sflag:s0] =	ssyncset.done $0x0  }
0x55: {  	s8 =	simm.s32 $0x578;
	[sflag:s0] =	ssyncadd.s32 $0xFFFFCE00  }
0x56: {  	[tilespmem:s23], [sflag:$0x2] =	stream.indirect.gather [hbm4b:s4+s21], $0x40, s8, s21, $0xb8;
	[tilespmem:$0x18060] =	vst v63  }
0x57: {  	_ =	swait.ge [sflag:s29], $0x3200  }
0x58: {  	[sflag:s29] =	ssyncset.done $0x0  }
0x59: {  	s5 =	simm.s32 $0x960;
	s6 =	simm.s32 $0x2AF8;
	[sflag:s29] =	ssyncadd.s32 $0xFFFFCE00  }
.LBB2_2:
0x5a: {  	[spmem:s1] =	stream.indirect.scatter.add.bf16 [tilespmem:s25], [sflag:$0x6], $0x40, s6, s21, $0xb8;
	[tilespmem:$0x18060] =	vst v63  }
0x5b: {  	s6 =	smov.u32 s5  }
0x5c: {  	p5 =	sne.s32 s5, $0x8340;
	s5 =	sadd.s32 $0x960, s5;
	_ =	swait.ge [sflag:s24], $0x3200  }
0x5d: {  	s6 =	sshra.s32 s6, $0x2;
	[sflag:s24] =	ssyncset.done $0x0  }
0x5e: {  	s8 =	sadd.s32 $0x3E8, s6;
	[sflag:s24] =	ssyncadd.s32 $0xFFFFCE00  }
0x5f: {  	[tilespmem:s25], [sflag:$0x3] =	stream.indirect.gather [hbm4b:s4+s21], $0x40, s8, s21, $0xb8;
	[tilespmem:$0x18060] =	vst v63  }
0x60: {  	_ =	swait.ge [sflag:s26], $0x3200  }
0x61: {  	[sflag:s26] =	ssyncset.done $0x0  }
0x62: {  	s8 =	sadd.s32 $0x2968, s6;
	[sflag:s26] =	ssyncadd.s32 $0xFFFFCE00  }
0x63: {  	[spmem:s1] =	stream.indirect.scatter.add.bf16 [tilespmem:s22], [sflag:$0x4], $0x40, s8, s21, $0xb8;
	[tilespmem:$0x18060] =	vst v63  }
0x64: {  	_ =	swait.ge [sflag:s28], $0x3200  }
0x65: {  	[sflag:s28] =	ssyncset.done $0x0  }
0x66: {  	s8 =	sadd.s32 $0x4B0, s6;
	[sflag:s28] =	ssyncadd.s32 $0xFFFFCE00  }
0x67: {  	[tilespmem:s22], [sflag:$0x1] =	stream.indirect.gather [hbm4b:s4+s21], $0x40, s8, s21, $0xb8;
	[tilespmem:$0x18060] =	vst v63  }
0x68: {  	_ =	swait.ge [sflag:s30], $0x3200  }
0x69: {  	[sflag:s30] =	ssyncset.done $0x0  }
0x6a: {  	s8 =	sadd.s32 $0x2A30, s6;
	[sflag:s30] =	ssyncadd.s32 $0xFFFFCE00  }
0x6b: {  	[spmem:s1] =	stream.indirect.scatter.add.bf16 [tilespmem:s23], [sflag:$0x5], $0x40, s8, s21, $0xb8;
	[tilespmem:$0x18060] =	vst v63  }
0x6c: {  	_ =	swait.ge [sflag:s0], $0x3200  }
0x6d: {  	[sflag:s0] =	ssyncset.done $0x0  }
.Ltmp0:
0x6e: {  	s8 =	sadd.s32 $0x578, s6;
	[sflag:s0] =	ssyncadd.s32 $0xFFFFCE00;
	(pc) =	sbr.rel @p5 .LBB2_2-.Ltmp0, $4  }
0x6f: {  	[tilespmem:s23], [sflag:$0x2] =	stream.indirect.gather [hbm4b:s4+s21], $0x40, s8, s21, $0xb8;
	[tilespmem:$0x18060] =	vst v63  }
0x70: {  	_ =	swait.ge [sflag:s29], $0x3200  }
0x71: {  	[sflag:s29] =	ssyncset.done $0x0  }
0x72: {  	s6 =	sadd.s32 $0x2AF8, s6;
	[sflag:s29] =	ssyncadd.s32 $0xFFFFCE00  }
0x73: {  	[spmem:s1] =	stream.indirect.scatter.add.bf16 [tilespmem:s25], [sflag:$0x6], $0x40, s6, s21, $0xb8;
	[tilespmem:$0x18060] =	vst v63  }
0x74: {  	_ =	swait.ge [sflag:s26], $0x3200  }
0x75: {  	[sflag:s26] =	ssyncset.done $0x0  }
0x76: {  	s5 =	simm.s32 $0x4C90;
	[sflag:s26] =	ssyncadd.s32 $0xFFFFCE00  }
0x77: {  	[spmem:s1] =	stream.indirect.scatter.add.bf16 [tilespmem:s22], [sflag:$0x4], $0x40, s5, s21, $0xb8;
	[tilespmem:$0x18060] =	vst v63  }
0x78: {  	_ =	swait.ge [sflag:s30], $0x3200  }
0x79: {  	[sflag:s30] =	ssyncset.done $0x0  }
0x7a: {  	s8 =	simm.s32 $0x4D58;
	[sflag:s30] =	ssyncadd.s32 $0xFFFFCE00  }
0x7b: {  	[spmem:s1] =	stream.indirect.scatter.add.bf16 [tilespmem:s23], [sflag:$0x5], $0x40, s8, s21, $0xb8;
	[tilespmem:$0x18060] =	vst v63  }
0x7c: {  	_ =	swait.ge [sflag:s24], $0x3200  }
0x7d: {  	[sflag:s24] =	ssyncset.done $0x0  }
0x7e: {  	[sflag:s24] =	ssyncadd.s32 $0xFFFFCE00  }
0x7f: {  	_ =	swait.ge [sflag:s28], $0x3200  }
0x80: {  	[sflag:s28] =	ssyncset.done $0x0  }
0x81: {  	[sflag:s28] =	ssyncadd.s32 $0xFFFFCE00  }
0x82: {  	_ =	swait.ge [sflag:s0], $0x3200  }
0x83: {  	[sflag:s0] =	ssyncset.done $0x0  }
0x84: {  	[sflag:s0] =	ssyncadd.s32 $0xFFFFCE00  }
0x85: {  	s6 =	simm.s32 @!p1 $0x1FC7;
	s5 =	sshrl.u32 @!p1 s9, $0x3;
	[bflag:$0x0] =	sbarrier.arrive $0xFFFF  }
0x86: {  	[hbm:s14], [sflag:s6] =	dma.local @!p1 [spmem:s5], $0xC80  }
0x87: {  	s5 =	simm.s32 @!p1 $0x7  }
0x88: {  	_ =	swait.ge @!p1 [sflag:s5], $0xC80  }
0x89: {  	s6 =	sshll.u32 @!p2 s2, $0x6;
	[sflag:s5] =	ssyncset.done @!p1 $0x0  }
0x8a: {  	[sflag:s5] =	ssyncadd.s32 @!p1 $0xFFFFF380;
	s5 =	sor.u32 @!p2 $0x1C07, s6;
	s6 =	sshrl.u32 @!p2 s7, $0x3  }
0x8b: {  	[hbm:s13], [sflag:s5] =	dma.local @!p2 [spmem:s6], $0x1400  }
0x8c: {  	s5 =	simm.s32 @!p2 $0x7  }
0x8d: {  	_ =	swait.ge @!p2 [sflag:s5], $0x1400  }
0x8e: {  	[sflag:s5] =	ssyncset.done @!p2 $0x0  }
0x8f: {  	s6 =	simm.s32 @!p3 $0x1FC7;
	[sflag:s5] =	ssyncadd.s32 @!p2 $0xFFFFEC00;
	s5 =	sshrl.u32 @!p3 s9, $0x3  }
0x90: {  	[hbm:s12], [sflag:s6] =	dma.local @!p3 [spmem:s5], $0xC80  }
0x91: {  	s5 =	simm.s32 @!p3 $0x7  }
0x92: {  	s31 =	sadd.s32 $0x1, s31;
	_ =	swait.ge @!p3 [sflag:s5], $0xC80  }
0x93: {  	p5 =	sne.s32 s31, s15;
	s6 =	sshll.u32 @!p4 s2, $0x6;
	[sflag:s5] =	ssyncset.done @!p3 $0x0  }
0x94: {  	[sflag:s5] =	ssyncadd.s32 @!p3 $0xFFFFF380;
	s5 =	sor.u32 @!p4 $0x1C07, s6;
	s6 =	sshrl.u32 @!p4 s7, $0x3  }
0x95: {  	[hbm:s11], [sflag:s5] =	dma.local @!p4 [spmem:s6], $0x1400  }
.Ltmp1:
0x96: {  	_ = 	snop;
	(pc) =	sbr.rel @p5 .LBB2_1-.Ltmp1, $4  }
0x97: {  	s5 =	simm.s32 @!p4 $0x7  }
0x98: {  	_ =	swait.ge @!p4 [sflag:s5], $0x1400  }
0x99: {  	[sflag:s5] =	ssyncset.done @!p4 $0x0  }
0x9a: {  	[sflag:s5] =	ssyncadd.s32 @!p4 $0xFFFFEC00  }
0x9b: {  	_ =	sfence.sel $0x180000  }
0x9c: {  	[bflag:$0x0] =	sbarrier.arrive $0xFFFF  }
0x9d: {  	_ =	strace $0x9000004A  }
0x9e: {  	[bflag:$0x2] =	sbarrier.arrive $0xFFFF  }
0x9f: {  	p0 =	sne.s32 s2, $0x0;
	s0 =	rddreg [dreg:$0x2]  }
0xa0: {  	s0 =	sadd.s32 @!p0 $0x100000, s0  }
0xa1: {  	[sflag:s0] =	ssyncadd.tile.s32 @!p0 $0x1;
	_ =	shalt  }
.Lfunc_end2:
_tile_overlayer_lowered:
.L_overlay_start_2:
0xa2: {  	(tag) =	ssettag $0x2  }
0xa3: {  	s0 =	rddreg [dreg:$0x0];
	s2 =	stileid.u32  }
0xa4: {  	s1 =	rddreg [dreg:$0x1];
	p0 =	sne.s32 s2, $0x0  }
0xa5: {  	s3 =	rddreg [dreg:$0x2];
	[bflag:$0x3] =	sbarrier.arrive $0xFFFF;
	s2 =	simm.s32 @!p0 $0x1C07  }
0xa6: {  	[timem:s3], [sflag:s2] =	dma.local @!p0 [hbm:s0], s1  }
0xa7: {  	s0 =	simm.s32 @!p0 $0x7  }
0xa8: {  	_ =	swait.ge @!p0 [sflag:s0], s1  }
0xa9: {  	s1 =	ssub.s32 @!p0 $0x0, s1;
	[sflag:s0] =	ssyncset.done @!p0 $0x0  }
0xaa: {  	[sflag:s0] =	ssyncadd.s32 @!p0 s1  }
0xab: {  	[bflag:$0x3] =	sbarrier.arrive $0xFFFF  }
0xac: {  	_ =	shalt  }

// kernel: kernel.17.cloned.1.call-start
scs
__scs_entry_jumppad:
0x0: {  	(pc) =	sbr.rel $0x88, $3  }
0x1: {  	(tag) =	ssettag $0x0;
	lr =	simm.s32 $0x1  }
0x2: {  	[smem:$0x3F96] =	sst lr;
	_ =	strace $0xD0000000  }
0x3: {  	_ = 	snop  }
0x4: {  	_ = 	snop  }
0x5: {  	_ = 	snop  }
0x6: {  	_ = 	snop  }
0x7: {  	_ = 	snop  }
__scs_overlays_trampoline_lowered:
0x8: {  	[smem:$0x3FA5] =	sst s0  }
0x9: {  	[smem:$0x3FA6] =	sst s1  }
0xa: {  	[smem:$0x3FA7] =	sst s2  }
0xb: {  	[smem:$0x3FA8] =	sst s3  }
0xc: {  	[smem:$0x3FA9] =	sst s4  }
0xd: {  	[smem:$0x3FAA] =	sst s5  }
0xe: {  	[smem:$0x3FAB] =	sst s6  }
0xf: {  	[smem:$0x3FAC] =	sst s7  }
0x10: {  	[smem:$0x3FAD] =	sst s8  }
0x11: {  	[smem:$0x3FAE] =	sst s9;
	s0 =	simm.s32 @!p0 $0x0  }
0x12: {  	s1 =	sld [smem:$0x3F94];
	s0 =	simm.s32 @p0 $0x1  }
0x13: {  	[smem:$0x3FAF] =	sst s0;
	s0 =	simm.s32 @!p1 $0x0  }
0x14: {  	s2 =	sld [smem:$0x3F93];
	s0 =	simm.s32 @p1 $0x1  }
0x15: {  	[smem:$0x3FB0] =	sst s0;
	s0 =	simm.s32 @!p2 $0x0  }
0x16: {  	s3 =	sld [smem:$0x3FDB];
	s0 =	simm.s32 @p2 $0x1  }
0x17: {  	s4 =	simm.s32 $0x1BF5;
	[smem:$0x3FB2] =	sst s0  }
0x18: {  	s0 =	sld [smem:$0x3F95];
	_ =	swait.ge [sflag:s4], $0x0  }
0x19: {  	s7 =	sld [smem:$0x3F96]  }
0x1a: {  	s8 =	sadd.s32 $0xFFFFE003, lr  }
0x1b: {  	s9 =	sadd.s32 $0xFFFFFEF7, lr;
	s5 =	simm.s32 $0xFFFFFFFF;
	p2 =	slt.u32 s8, $0xFFFFF086  }
0x1c: {  	p1 =	slt.u32 s9, $0xF7A;
	s5 =	simm.s32 @!p2 $0x0  }
0x1d: {  	s5 =	simm.s32 @p1 $0x1;
	p0 =	seq.s32 s7, s2  }
0x1e: {  	s7 =	smul.u32 @!p0 $0xF7A, s2;
	p2 =	seq.s32 @!p0 s5, $0x0  }
0x1f: {  	s9 =	smul.u32 $0xF7A, s1;
	s8 =	simm.s32 @!p0 $0x1BF5;
	p2 =	por !p2, p0  }
0x20: {  	[sflag:s8] =	ssyncset.s32 @!p0 $0xFFFFF086;
	s6 =	sadd.s32 @!p0 s3, s7;
	s7 =	simm.s32 @!p0 $0x108  }
0x21: {  	s3 =	sadd.s32 s3, s9;
	s6 =	sadd.s32 @!p0 $0x88, s6;
	s7 =	simm.s32 @p2 $0x1082  }
0x22: {  	[simem:s7], [sflag:s8] =	dma.local @!p0 [hbm:s6], $0xF7A  }
0x23: {  	s9 =	sor.u32 $0xD0000000, s2;
	s6 =	simm.s32 $0x108;
	_ =	swait.ge @!p0 [sflag:s8], $0x0  }
0x24: {  	s3 =	sadd.s32 $0x88, s3;
	s6 =	simm.s32 @!p1 $0x1082;
	[sflag:s4] =	ssyncset.s32 $0xFFFFF086  }
0x25: {  	[simem:s6], [sflag:s4] =	dma.local [hbm:s3], $0xF7A  }
0x26: {  	[smem:$0x3F96] =	sst s1;
	(tag) =	ssettag s2;
	_ =	strace s9  }
0x27: {  	s1 =	sld [smem:$0x3FA6]  }
0x28: {  	s2 =	sld [smem:$0x3FA7]  }
0x29: {  	s4 =	sld [smem:$0x3FA9]  }
0x2a: {  	p0 =	seq.s32 s5, $0x0;
	s5 =	sld [smem:$0x3FAA]  }
0x2b: {  	s6 =	sld [smem:$0x3FAB]  }
0x2c: {  	s7 =	sld [smem:$0x3FAC]  }
0x2d: {  	s3 =	simm.s32 $0x108;
	s8 =	sld [smem:$0x3FAD]  }
0x2e: {  	s3 =	simm.s32 @!p0 $0x1082;
	s9 =	sld [smem:$0x3FAE]  }
0x2f: {  	lr =	sadd.s32 s0, s3;
	s0 =	sld [smem:$0x3FA5]  }
0x30: {  	s3 =	sld [smem:$0x3FA8]  }
0x31: {  	[smem:$0x3FB1] =	sst s10  }
0x32: {  	s10 =	sld [smem:$0x3FAF];
	_ =	sdelay $0x3  }
0x33: {  	p0 =	seq.s32 s10, $0x1;
	s10 =	sld [smem:$0x3FB1];
	_ =	sdelay $0x3  }
0x34: {  	[smem:$0x3FB1] =	sst s10  }
0x35: {  	s10 =	sld [smem:$0x3FB0];
	_ =	sdelay $0x3  }
0x36: {  	p1 =	seq.s32 s10, $0x1;
	s10 =	sld [smem:$0x3FB1];
	_ =	sdelay $0x3  }
0x37: {  	[smem:$0x3FB1] =	sst s10  }
0x38: {  	s10 =	sld [smem:$0x3FB2]  }
0x39: {  	_ = 	snop;
	(pc) =	sbr.ind lr, $3  }
0x3a: {  	_ = 	snop  }
0x3b: {  	_ = 	snop  }
0x3c: {  	p2 =	seq.s32 s10, $0x1;
	s10 =	sld [smem:$0x3FB1]  }
0x3d: {  	_ =	shalt  }
0x3e: {  	_ =	shalt  }
0x3f: {  	_ =	shalt  }
0x40: {  	_ =	shalt  }
0x41: {  	_ =	shalt  }
0x42: {  	_ =	shalt  }
0x43: {  	_ =	shalt  }
0x44: {  	_ =	shalt  }
0x45: {  	_ =	shalt  }
0x46: {  	_ =	shalt  }
0x47: {  	_ =	shalt  }
0x48: {  	_ =	shalt  }
0x49: {  	_ =	shalt  }
0x4a: {  	_ =	shalt  }
0x4b: {  	_ =	shalt  }
0x4c: {  	_ =	shalt  }
0x4d: {  	_ =	shalt  }
0x4e: {  	_ =	shalt  }
0x4f: {  	_ =	shalt  }
0x50: {  	_ =	shalt  }
0x51: {  	_ =	shalt  }
0x52: {  	_ =	shalt  }
0x53: {  	_ =	shalt  }
0x54: {  	_ =	shalt  }
0x55: {  	_ =	shalt  }
0x56: {  	_ =	shalt  }
0x57: {  	_ =	shalt  }
0x58: {  	_ =	shalt  }
0x59: {  	_ =	shalt  }
0x5a: {  	_ =	shalt  }
0x5b: {  	_ =	shalt  }
0x5c: {  	_ =	shalt  }
0x5d: {  	_ =	shalt  }
0x5e: {  	_ =	shalt  }
0x5f: {  	_ =	shalt  }
0x60: {  	_ =	shalt  }
0x61: {  	_ =	shalt  }
0x62: {  	_ =	shalt  }
0x63: {  	_ =	shalt  }
0x64: {  	_ =	shalt  }
0x65: {  	_ =	shalt  }
0x66: {  	_ =	shalt  }
0x67: {  	_ =	shalt  }
0x68: {  	_ =	shalt  }
0x69: {  	_ =	shalt  }
0x6a: {  	_ =	shalt  }
0x6b: {  	_ =	shalt  }
0x6c: {  	_ =	shalt  }
0x6d: {  	_ =	shalt  }
0x6e: {  	_ =	shalt  }
0x6f: {  	_ =	shalt  }
0x70: {  	_ =	shalt  }
0x71: {  	_ =	shalt  }
0x72: {  	_ =	shalt  }
0x73: {  	_ =	shalt  }
0x74: {  	_ =	shalt  }
0x75: {  	_ =	shalt  }
0x76: {  	_ =	shalt  }
0x77: {  	_ =	shalt  }
0x78: {  	_ =	shalt  }
0x79: {  	_ =	shalt  }
0x7a: {  	_ =	shalt  }
0x7b: {  	_ =	shalt  }
0x7c: {  	_ =	shalt  }
0x7d: {  	_ =	shalt  }
0x7e: {  	_ =	shalt  }
0x7f: {  	_ =	shalt  }
0x80: {  	_ =	shalt  }
0x81: {  	_ =	shalt  }
0x82: {  	_ =	shalt  }
0x83: {  	_ =	shalt  }
0x84: {  	_ =	shalt  }
0x85: {  	_ =	shalt  }
0x86: {  	_ =	shalt  }
0x87: {  	_ =	shalt  }
.Lfunc_end0:
.L_simem_size_0:
called_computation.2_lowered:
.L_overlay_start_0:
0x88: {  	s2 =	sld [smem:$0x3FD9]  }
0x89: {  	s3 =	sld [smem:$0x3FFE];
	_ =	sdelay $0x1  }
0x8a: {  	s1 =	srdreg.scid  }
0x8b: {  	s0 =	sand.u32 $0x1, s1  }
0x8c: {  	s16 =	sshll.u32 s0, $0xA;
	s2 =	sadd.s32 s3, s2  }
0x8d: {  	s2 =	sadd.s32 s2, s16  }
0x8e: {  	[smem:$0x3FBD] =	sst s2  }
0x8f: {  	_ = 	snop  }
0x90: {  	(tm) =	ssettm $0x1  }
0x91: {  	s17 =	sld [smem:$0x3FFB];
	_ =	sdelay $0x3  }
0x92: {  	_ =	strace s17  }
0x93: {  	s2 =	sld [smem:$0x3FFC];
	_ =	sdelay $0x3  }
0x94: {  	_ =	strace s2  }
0x95: {  	s2 =	sld [smem:$0x3FFD];
	_ =	sdelay $0x3  }
0x96: {  	_ =	strace s2  }
0x97: {  	_ =	strace $0x8FFFFFFF  }
0x98: {  	s18 =	sld [smem:$0x3FDB];
	_ =	sdelay $0x1  }
0x99: {  	s19 =	simm.s32 $_scs_section_size  }
0x9a: {  	s4 =	simm.s32 $_size__tile_overlayer_lowered;
	s5 =	simm.s32 $_tile_overlayer_lowered  }
0x9b: {  	s22 =	simm.s32 $0x1BFF;
	s21 =	sshll.u32 s5, $0x1;
	s2 =	sadd.s32 s19, s18  }
0x9c: {  	s6 =	simm.s32 $0x0;
	s20 =	sshll.u32 s4, $0x1;
	s4 =	sadd.s32 s21, s2  }
0x9d: {  	[timem:s6], [sflag:s22] =	dma.local [hbm:s4], s20  }
0x9e: {  	_ =	swait.ge [sflag:s22], s20  }
0x9f: {  	s3 =	ssub.s32 $0x0, s20;
	[sflag:s22] =	ssyncset.done $0x0  }
0xa0: {  	[sflag:s22] =	ssyncadd.s32 s3;
	_ =	sdelay $0x1  }
0xa1: {  	s23 =	simm.s32 $0x1B8B  }
0xa2: {  	_ =	swait.ge [sflag:s23], $0x1  }
0xa3: {  	[sflag:s23] =	ssyncset.done $0x0  }
0xa4: {  	s25 =	simm.s32 $0x1B8E;
	s24 =	sld [smem:$0x3FFE];
	[sflag:s23] =	ssyncadd.s32 $0xFFFFFFFF  }
0xa5: {  	s26 =	simm.s32 $execute0_lowered;
	[smem:$0x3FD2] =	sst s25  }
0xa6: {  	s4 =	sshll.u32 s26, $0x1;
	_ =	strace $0x8000004C;
	[dreg:$0x1] =	wrdreg $0xFFFFFFFF  }
0xa7: {  	s28 =	simm.s32 $_size_execute0_lowered;
	s2 =	sadd.s32 s2, s4;
	[dreg:$0x0] =	wrdreg $0x0  }
0xa8: {  	s4 =	sshll.u32 s28, $0x1;
	[dreg:$0x2] =	wrdreg s2  }
0xa9: {  	[dreg:$0x3] =	wrdreg s4  }
0xaa: {  	[dreg:$0x4] =	wrdreg $0xC0  }
0xab: {  	_ =	task [dreg:s6], $0x5FFFF  }
0xac: {  	[dreg:$0x1] =	wrdreg $0xFFFFFFFF  }
0xad: {  	[dreg:$0x0] =	wrdreg $0x60  }
0xae: {  	[dreg:$0x2] =	wrdreg s24  }
0xaf: {  	[dreg:$0x3] =	wrdreg $0xE4200  }
0xb0: {  	[dreg:$0x4] =	wrdreg $0x9  }
0xb1: {  	_ =	task.clear_ibuf [dreg:s6], $0x5FFFF;
	_ =	strace $0x9000004C  }
0xb2: {  	s29 =	simm.s32 $0x9;
	_ =	strace $0x8000004E  }
0xb3: {  	_ =	swait.ge [sflag:s29], $0x1  }
0xb4: {  	[sflag:s29] =	ssyncadd.s32 $0xFFFFFFFF  }
0xb5: {  	_ =	strace $0x9000004E  }
0xb6: {  	_ =	sfence  }
0xb7: {  	s30 =	sld [smem:$0x0];
	_ =	sdelay $0x2  }
0xb8: {  	s31 =	sshll.u32 s1, $0xD;
	s1 =	sshrl.u32 s1, $0x2  }
0xb9: {  	s3 =	sand.u32 $0x4000, s31;
	s1 =	sadd.s32 s1, s30  }
0xba: {  	s0 =	sor.u32 s3, s0;
	s1 =	sshll.u32 s1, $0x11  }
0xbb: {  	s0 =	sor.u32 s1, s0  }
0xbc: {  	s0 =	sadd.s32 $0x8F2B, s0  }
0xbd: {  	[sflag:s0] =	ssyncadd.remote.s32 $0x1  }
0xbe: {  	_ =	sfence.sel $0xFFFF  }
0xbf: {  	[dreg:$0x0] =	wrdreg $0xFFFFFFFF;
	(pc) =	sbr.abs _section_cstart, $3  }
0xc0: {  	[dreg:$0x1] =	wrdreg $0xFFFFFFFF  }
0xc1: {  	_ =	task.clear_ibuf [dreg:s6], $0x2FFFF;
	_ =	strace $0x9FFFFFFF  }
0xc2: {  	(tm) =	ssettm $0x7FFFFFFF  }
0xc3: {  	_ =	shalt  }
tec
execute0_lowered:
.L_overlay_start_1:
0x0: {  	(tag) =	ssettag $0x1  }
0x1: {  	s0 =	rddreg [dreg:$0x0]  }
0x2: {  	s1 =	rddreg [dreg:$0x1]  }
0x3: {  	s2 =	srdreg.scid;
	s3 =	simm.s32 $0x0;
	s16 =	simm.s32 $0x7  }
0x4: {  	s17 =	simm.s32 $0x2710;
	s21 =	simm.s32 $0xC8;
	s22 =	simm.s32 $0x4E20  }
0x5: {  	s23 =	simm.s32 $0x8020;
	s28 =	simm.s32 $0x4;
	s30 =	simm.s32 $0x2  }
0x6: {  	s29 =	simm.s32 $0x3;
	s31 =	simm.s32 $0x0;
	s5 =	sand.u32 $0x1, s2  }
0x7: {  	s2 =	stileid.u32;
	[smem:$0x7FF] =	sst s3;
	s10 =	sadd.s32 $0x43400, s0  }
0x8: {  	s12 =	sadd.s32 $0x6A800, s0;
	s14 =	sadd.s32 $0x56E00, s0;
	s4 =	sshll.u32 s5, $0x4  }
0x9: {  	s6 =	smul.u32 $0x14000, s2;
	_ =	strace $0x8000004D;
	s9 =	ssub.s32 $0x2, s5  }
0xa: {  	p4 =	seq.s32 s5, $0x1;
	p0 =	seq.s32 s2, $0xF;
	s4 =	sor.u32 s2, s4  }
0xb: {  	s24 =	sshrl.u32 s9, $0x1;
	p2 =	seq.s32 @p4 s2, $0xF;
	p5 =	seq.s32 @!p4 s2, $0xF  }
0xc: {  	s7 =	smul.u32 $0x4E2, s4;
	s4 =	sadd.s32 $0x17800, s0;
	s8 =	sshrl.u32 s6, $0x4  }
0xd: {  	s15 =	ssub.s32 s9, s24;
	s6 =	sshrl.u32 s6, $0x1;
	s9 =	sadd.s32 $0x96000, s1  }
0xe: {  	p1 =	por !p2, !p4;
	p2 =	por p2, !p4;
	p3 =	por !p5, p4  }
0xf: {  	p4 =	por p5, p4;
	s24 =	simm.s32 $0x6;
	s13 =	sadd.s32 s8, s0  }
0x10: {  	s15 =	smax.u32 s15, $0x1;
	s18 =	sshrl.u32 @p0 s9, $0x3;
	s7 =	sadd.s32 s7, s0  }
0x11: {  	s26 =	sadd.s32 $0x30800, s13;
	s11 =	sadd.s32 $0x57C00, s13;
	s13 =	sadd.s32 $0x44200, s13  }
0x12: {  	s0 =	sshll.u32 @!p0 s2, $0x6;
	s25 =	sadd.s32 $0x3C00, s7;
	s7 =	sadd.s32 $0xDA00, s7  }
0x13: {  	[dreg:$0x5] =	wrdreg s26;
	s19 =	sor.u32 @!p0 $0x1C07, s0;
	s26 =	simm.s32 $0x1  }
0x14: {  	s0 =	simm.s32 $0x5;
	[dreg:$0x4] =	wrdreg s7;
	s7 =	sadd.s32 s6, s1  }
0x15: {  	[dreg:$0x3] =	wrdreg s25;
	s25 =	simm.s32 $0xB220;
	s20 =	sshrl.u32 @!p0 s7, $0x3  }
.LBB2_1:
0x16: {  	s5 =	rddreg [dreg:$0x3]  }
0x17: {  	[tilespmem:s3], [sflag:$0x7] =	stream.linear.gather [hbm4b:s5+s3], $0x2710, $0x38;
	[tilespmem:$0x18060] =	vst v63  }
0x18: {  	_ =	swait.ge [sflag:s16], $0x2710  }
0x19: {  	[sflag:s16] =	ssyncset.done $0x0  }
0x1a: {  	s8 =	rddreg [dreg:$0x4];
	[sflag:s16] =	ssyncadd.s32 $0xFFFFD8F0  }
0x1b: {  	[tilespmem:s17], [sflag:$0x7] =	stream.linear.gather [hbm4b:s8+s3], $0x2710, $0x38;
	[tilespmem:$0x18060] =	vst v63  }
0x1c: {  	_ =	swait.ge [sflag:s16], $0x2710  }
0x1d: {  	[sflag:s16] =	ssyncset.done $0x0  }
0x1e: {  	s5 =	simm.s32 @p0 $0x1FC7;
	[sflag:s16] =	ssyncadd.s32 $0xFFFFD8F0  }
0x1f: {  	[spmem:s18], [sflag:s5] =	dma.local @p0 [hbm:s10], $0xC80  }
0x20: {  	s5 =	simm.s32 @p0 $0x7  }
0x21: {  	_ =	swait.ge @p0 [sflag:s5], $0xC80  }
0x22: {  	[sflag:s5] =	ssyncset.done @p0 $0x0  }
0x23: {  	[sflag:s5] =	ssyncadd.s32 @p0 $0xFFFFF380;
	s5 =	rddreg [dreg:$0x5]  }
0x24: {  	[spmem:s20], [sflag:s19] =	dma.local @!p0 [hbm:s5], $0x1400  }
0x25: {  	s5 =	simm.s32 @!p0 $0x7  }
0x26: {  	_ =	swait.ge @!p0 [sflag:s5], $0x1400  }
0x27: {  	[sflag:s5] =	ssyncset.done @!p0 $0x0  }
0x28: {  	[sflag:s5] =	ssyncadd.s32 @!p0 $0xFFFFEC00  }
0x29: {  	[bflag:$0x0] =	sbarrier.arrive $0xFFFF  }
0x2a: {  	[tilespmem:s22], [sflag:$0x1] =	stream.indirect.gather [hbm4b:s4+s21], $0x40, s3, s21, $0xb8;
	[tilespmem:$0x18060] =	vst v63  }
0x2b: {  	_ = 	snop  }
0x2c: {  	[tilespmem:s23], [sflag:$0x2] =	stream.indirect.gather [hbm4b:s4+s21], $0x40, s21, s21, $0xb8;
	[tilespmem:$0x18060] =	vst v63  }
0x2d: {  	s6 =	simm.s32 $0x190  }
0x2e: {  	[tilespmem:s25], [sflag:$0x3] =	stream.indirect.gather [hbm4b:s4+s21], $0x40, s6, s21, $0xb8;
	[tilespmem:$0x18060] =	vst v63  }
0x2f: {  	_ =	swait.ge [sflag:s26], $0x3200  }
0x30: {  	[sflag:s26] =	ssyncset.done $0x0  }
0x31: {  	[sflag:s26] =	ssyncadd.s32 $0xFFFFCE00  }
0x32: {  	[spmem:s1] =	stream.indirect.scatter.add.bf16 [tilespmem:s22], [sflag:$0x4], $0x40, s17, s21, $0xb8;
	[tilespmem:$0x18060] =	vst v63  }
0x33: {  	_ =	swait.ge [sflag:s28], $0x3200  }
0x34: {  	[sflag:s28] =	ssyncset.done $0x0  }
0x35: {  	s8 =	simm.s32 $0x258;
	[sflag:s28] =	ssyncadd.s32 $0xFFFFCE00  }
0x36: {  	[tilespmem:s22], [sflag:$0x1] =	stream.indirect.gather [hbm4b:s4+s21], $0x40, s8, s21, $0xb8;
	[tilespmem:$0x18060] =	vst v63  }
0x37: {  	_ =	swait.ge [sflag:s30], $0x3200  }
0x38: {  	[sflag:s30] =	ssyncset.done $0x0  }
0x39: {  	s6 =	simm.s32 $0x27D8;
	[sflag:s30] =	ssyncadd.s32 $0xFFFFCE00  }
0x3a: {  	[spmem:s1] =	stream.indirect.scatter.add.bf16 [tilespmem:s23], [sflag:$0x5], $0x40, s6, s21, $0xb8;
	[tilespmem:$0x18060] =	vst v63  }
0x3b: {  	_ =	swait.ge [sflag:s0], $0x3200  }
0x3c: {  	[sflag:s0] =	ssyncset.done $0x0  }
0x3d: {  	s8 =	simm.s32 $0x320;
	[sflag:s0] =	ssyncadd.s32 $0xFFFFCE00  }
0x3e: {  	[tilespmem:s23], [sflag:$0x2] =	stream.indirect.gather [hbm4b:s4+s21], $0x40, s8, s21, $0xb8;
	[tilespmem:$0x18060] =	vst v63  }
0x3f: {  	_ =	swait.ge [sflag:s29], $0x3200  }
0x40: {  	[sflag:s29] =	ssyncset.done $0x0  }
0x41: {  	s6 =	simm.s32 $0x28A0;
	[sflag:s29] =	ssyncadd.s32 $0xFFFFCE00  }
0x42: {  	[spmem:s1] =	stream.indirect.scatter.add.bf16 [tilespmem:s25], [sflag:$0x6], $0x40, s6, s21, $0xb8;
	[tilespmem:$0x18060] =	vst v63  }
0x43: {  	_ =	swait.ge [sflag:s24], $0x3200  }
0x44: {  	[sflag:s24] =	ssyncset.done $0x0  }
0x45: {  	s8 =	simm.s32 $0x3E8;
	[sflag:s24] =	ssyncadd.s32 $0xFFFFCE00  }
0x46: {  	[tilespmem:s25], [sflag:$0x3] =	stream.indirect.gather [hbm4b:s4+s21], $0x40, s8, s21, $0xb8;
	[tilespmem:$0x18060] =	vst v63  }
0x47: {  	_ =	swait.ge [sflag:s26], $0x3200  }
0x48: {  	[sflag:s26] =	ssyncset.done $0x0  }
0x49: {  	s6 =	simm.s32 $0x2968;
	[sflag:s26] =	ssyncadd.s32 $0xFFFFCE00  }
0x4a: {  	[spmem:s1] =	stream.indirect.scatter.add.bf16 [tilespmem:s22], [sflag:$0x4], $0x40, s6, s21, $0xb8;
	[tilespmem:$0x18060] =	vst v63  }
0x4b: {  	_ =	swait.ge [sflag:s28], $0x3200  }
0x4c: {  	[sflag:s28] =	ssyncset.done $0x0  }
0x4d: {  	s8 =	simm.s32 $0x4B0;
	[sflag:s28] =	ssyncadd.s32 $0xFFFFCE00  }
0x4e: {  	[tilespmem:s22], [sflag:$0x1] =	stream.indirect.gather [hbm4b:s4+s21], $0x40, s8, s21, $0xb8;
	[tilespmem:$0x18060] =	vst v63  }
0x4f: {  	_ =	swait.ge [sflag:s30], $0x3200  }
0x50: {  	[sflag:s30] =	ssyncset.done $0x0  }
0x51: {  	s6 =	simm.s32 $0x2A30;
	[sflag:s30] =	ssyncadd.s32 $0xFFFFCE00  }
0x52: {  	[spmem:s1] =	stream.indirect.scatter.add.bf16 [tilespmem:s23], [sflag:$0x5], $0x40, s6, s21, $0xb8;
	[tilespmem:$0x18060] =	vst v63  }
0x53: {  	_ =	swait.ge [sflag:s0], $0x3200  }
0x54: {  	[sflag:s0] =	ssyncset.done $0x0  }
0x55: {  	s8 =	simm.s32 $0x578;
	[sflag:s0] =	ssyncadd.s32 $0xFFFFCE00  }
0x56: {  	[tilespmem:s23], [sflag:$0x2] =	stream.indirect.gather [hbm4b:s4+s21], $0x40, s8, s21, $0xb8;
	[tilespmem:$0x18060] =	vst v63  }
0x57: {  	_ =	swait.ge [sflag:s29], $0x3200  }
0x58: {  	[sflag:s29] =	ssyncset.done $0x0  }
0x59: {  	s5 =	simm.s32 $0x960;
	s6 =	simm.s32 $0x2AF8;
	[sflag:s29] =	ssyncadd.s32 $0xFFFFCE00  }
.LBB2_2:
0x5a: {  	[spmem:s1] =	stream.indirect.scatter.add.bf16 [tilespmem:s25], [sflag:$0x6], $0x40, s6, s21, $0xb8;
	[tilespmem:$0x18060] =	vst v63  }
0x5b: {  	s6 =	smov.u32 s5  }
0x5c: {  	p5 =	sne.s32 s5, $0x8340;
	s5 =	sadd.s32 $0x960, s5;
	_ =	swait.ge [sflag:s24], $0x3200  }
0x5d: {  	s6 =	sshra.s32 s6, $0x2;
	[sflag:s24] =	ssyncset.done $0x0  }
0x5e: {  	s8 =	sadd.s32 $0x3E8, s6;
	[sflag:s24] =	ssyncadd.s32 $0xFFFFCE00  }
0x5f: {  	[tilespmem:s25], [sflag:$0x3] =	stream.indirect.gather [hbm4b:s4+s21], $0x40, s8, s21, $0xb8;
	[tilespmem:$0x18060] =	vst v63  }
0x60: {  	_ =	swait.ge [sflag:s26], $0x3200  }
0x61: {  	[sflag:s26] =	ssyncset.done $0x0  }
0x62: {  	s8 =	sadd.s32 $0x2968, s6;
	[sflag:s26] =	ssyncadd.s32 $0xFFFFCE00  }
0x63: {  	[spmem:s1] =	stream.indirect.scatter.add.bf16 [tilespmem:s22], [sflag:$0x4], $0x40, s8, s21, $0xb8;
	[tilespmem:$0x18060] =	vst v63  }
0x64: {  	_ =	swait.ge [sflag:s28], $0x3200  }
0x65: {  	[sflag:s28] =	ssyncset.done $0x0  }
0x66: {  	s8 =	sadd.s32 $0x4B0, s6;
	[sflag:s28] =	ssyncadd.s32 $0xFFFFCE00  }
0x67: {  	[tilespmem:s22], [sflag:$0x1] =	stream.indirect.gather [hbm4b:s4+s21], $0x40, s8, s21, $0xb8;
	[tilespmem:$0x18060] =	vst v63  }
0x68: {  	_ =	swait.ge [sflag:s30], $0x3200  }
0x69: {  	[sflag:s30] =	ssyncset.done $0x0  }
0x6a: {  	s8 =	sadd.s32 $0x2A30, s6;
	[sflag:s30] =	ssyncadd.s32 $0xFFFFCE00  }
0x6b: {  	[spmem:s1] =	stream.indirect.scatter.add.bf16 [tilespmem:s23], [sflag:$0x5], $0x40, s8, s21, $0xb8;
	[tilespmem:$0x18060] =	vst v63  }
0x6c: {  	_ =	swait.ge [sflag:s0], $0x3200  }
0x6d: {  	[sflag:s0] =	ssyncset.done $0x0  }
.Ltmp0:
0x6e: {  	s8 =	sadd.s32 $0x578, s6;
	[sflag:s0] =	ssyncadd.s32 $0xFFFFCE00;
	(pc) =	sbr.rel @p5 .LBB2_2-.Ltmp0, $4  }
0x6f: {  	[tilespmem:s23], [sflag:$0x2] =	stream.indirect.gather [hbm4b:s4+s21], $0x40, s8, s21, $0xb8;
	[tilespmem:$0x18060] =	vst v63  }
0x70: {  	_ =	swait.ge [sflag:s29], $0x3200  }
0x71: {  	[sflag:s29] =	ssyncset.done $0x0  }
0x72: {  	s6 =	sadd.s32 $0x2AF8, s6;
	[sflag:s29] =	ssyncadd.s32 $0xFFFFCE00  }
0x73: {  	[spmem:s1] =	stream.indirect.scatter.add.bf16 [tilespmem:s25], [sflag:$0x6], $0x40, s6, s21, $0xb8;
	[tilespmem:$0x18060] =	vst v63  }
0x74: {  	_ =	swait.ge [sflag:s26], $0x3200  }
0x75: {  	[sflag:s26] =	ssyncset.done $0x0  }
0x76: {  	s5 =	simm.s32 $0x4C90;
	[sflag:s26] =	ssyncadd.s32 $0xFFFFCE00  }
0x77: {  	[spmem:s1] =	stream.indirect.scatter.add.bf16 [tilespmem:s22], [sflag:$0x4], $0x40, s5, s21, $0xb8;
	[tilespmem:$0x18060] =	vst v63  }
0x78: {  	_ =	swait.ge [sflag:s30], $0x3200  }
0x79: {  	[sflag:s30] =	ssyncset.done $0x0  }
0x7a: {  	s8 =	simm.s32 $0x4D58;
	[sflag:s30] =	ssyncadd.s32 $0xFFFFCE00  }
0x7b: {  	[spmem:s1] =	stream.indirect.scatter.add.bf16 [tilespmem:s23], [sflag:$0x5], $0x40, s8, s21, $0xb8;
	[tilespmem:$0x18060] =	vst v63  }
0x7c: {  	_ =	swait.ge [sflag:s24], $0x3200  }
0x7d: {  	[sflag:s24] =	ssyncset.done $0x0  }
0x7e: {  	[sflag:s24] =	ssyncadd.s32 $0xFFFFCE00  }
0x7f: {  	_ =	swait.ge [sflag:s28], $0x3200  }
0x80: {  	[sflag:s28] =	ssyncset.done $0x0  }
0x81: {  	[sflag:s28] =	ssyncadd.s32 $0xFFFFCE00  }
0x82: {  	_ =	swait.ge [sflag:s0], $0x3200  }
0x83: {  	[sflag:s0] =	ssyncset.done $0x0  }
0x84: {  	[sflag:s0] =	ssyncadd.s32 $0xFFFFCE00  }
0x85: {  	s6 =	simm.s32 @!p1 $0x1FC7;
	s5 =	sshrl.u32 @!p1 s9, $0x3;
	[bflag:$0x0] =	sbarrier.arrive $0xFFFF  }
0x86: {  	[hbm:s14], [sflag:s6] =	dma.local @!p1 [spmem:s5], $0xC80  }
0x87: {  	s5 =	simm.s32 @!p1 $0x7  }
0x88: {  	_ =	swait.ge @!p1 [sflag:s5], $0xC80  }
0x89: {  	s6 =	sshll.u32 @!p2 s2, $0x6;
	[sflag:s5] =	ssyncset.done @!p1 $0x0  }
0x8a: {  	[sflag:s5] =	ssyncadd.s32 @!p1 $0xFFFFF380;
	s5 =	sor.u32 @!p2 $0x1C07, s6;
	s6 =	sshrl.u32 @!p2 s7, $0x3  }
0x8b: {  	[hbm:s13], [sflag:s5] =	dma.local @!p2 [spmem:s6], $0x1400  }
0x8c: {  	s5 =	simm.s32 @!p2 $0x7  }
0x8d: {  	_ =	swait.ge @!p2 [sflag:s5], $0x1400  }
0x8e: {  	[sflag:s5] =	ssyncset.done @!p2 $0x0  }
0x8f: {  	s6 =	simm.s32 @!p3 $0x1FC7;
	[sflag:s5] =	ssyncadd.s32 @!p2 $0xFFFFEC00;
	s5 =	sshrl.u32 @!p3 s9, $0x3  }
0x90: {  	[hbm:s12], [sflag:s6] =	dma.local @!p3 [spmem:s5], $0xC80  }
0x91: {  	s5 =	simm.s32 @!p3 $0x7  }
0x92: {  	s31 =	sadd.s32 $0x1, s31;
	_ =	swait.ge @!p3 [sflag:s5], $0xC80  }
0x93: {  	p5 =	sne.s32 s31, s15;
	s6 =	sshll.u32 @!p4 s2, $0x6;
	[sflag:s5] =	ssyncset.done @!p3 $0x0  }
0x94: {  	[sflag:s5] =	ssyncadd.s32 @!p3 $0xFFFFF380;
	s5 =	sor.u32 @!p4 $0x1C07, s6;
	s6 =	sshrl.u32 @!p4 s7, $0x3  }
0x95: {  	[hbm:s11], [sflag:s5] =	dma.local @!p4 [spmem:s6], $0x1400  }
.Ltmp1:
0x96: {  	_ = 	snop;
	(pc) =	sbr.rel @p5 .LBB2_1-.Ltmp1, $4  }
0x97: {  	s5 =	simm.s32 @!p4 $0x7  }
0x98: {  	_ =	swait.ge @!p4 [sflag:s5], $0x1400  }
0x99: {  	[sflag:s5] =	ssyncset.done @!p4 $0x0  }
0x9a: {  	[sflag:s5] =	ssyncadd.s32 @!p4 $0xFFFFEC00  }
0x9b: {  	_ =	sfence.sel $0x180000  }
0x9c: {  	[bflag:$0x0] =	sbarrier.arrive $0xFFFF  }
0x9d: {  	_ =	strace $0x9000004D  }
0x9e: {  	[bflag:$0x2] =	sbarrier.arrive $0xFFFF  }
0x9f: {  	p0 =	sne.s32 s2, $0x0;
	s0 =	rddreg [dreg:$0x2]  }
0xa0: {  	s0 =	sadd.s32 @!p0 $0x100000, s0  }
0xa1: {  	[sflag:s0] =	ssyncadd.tile.s32 @!p0 $0x1;
	_ =	shalt  }
.Lfunc_end2:
_tile_overlayer_lowered:
.L_overlay_start_2:
0xa2: {  	(tag) =	ssettag $0x2  }
0xa3: {  	s0 =	rddreg [dreg:$0x0];
	s2 =	stileid.u32  }
0xa4: {  	s1 =	rddreg [dreg:$0x1];
	p0 =	sne.s32 s2, $0x0  }
0xa5: {  	s3 =	rddreg [dreg:$0x2];
	[bflag:$0x3] =	sbarrier.arrive $0xFFFF;
	s2 =	simm.s32 @!p0 $0x1C07  }
0xa6: {  	[timem:s3], [sflag:s2] =	dma.local @!p0 [hbm:s0], s1  }
0xa7: {  	s0 =	simm.s32 @!p0 $0x7  }
0xa8: {  	_ =	swait.ge @!p0 [sflag:s0], s1  }
0xa9: {  	s1 =	ssub.s32 @!p0 $0x0, s1;
	[sflag:s0] =	ssyncset.done @!p0 $0x0  }
0xaa: {  	[sflag:s0] =	ssyncadd.s32 @!p0 s1  }
0xab: {  	[bflag:$0x3] =	sbarrier.arrive $0xFFFF  }
0xac: {  	_ =	shalt  }

// kernel: kernel.20.cloned.1.call-start
scs
__scs_entry_jumppad:
0x0: {  	(pc) =	sbr.rel $0x88, $3  }
0x1: {  	(tag) =	ssettag $0x0;
	lr =	simm.s32 $0x1  }
0x2: {  	[smem:$0x3F96] =	sst lr;
	_ =	strace $0xD0000000  }
0x3: {  	_ = 	snop  }
0x4: {  	_ = 	snop  }
0x5: {  	_ = 	snop  }
0x6: {  	_ = 	snop  }
0x7: {  	_ = 	snop  }
__scs_overlays_trampoline_lowered:
0x8: {  	[smem:$0x3FA5] =	sst s0  }
0x9: {  	[smem:$0x3FA6] =	sst s1  }
0xa: {  	[smem:$0x3FA7] =	sst s2  }
0xb: {  	[smem:$0x3FA8] =	sst s3  }
0xc: {  	[smem:$0x3FA9] =	sst s4  }
0xd: {  	[smem:$0x3FAA] =	sst s5  }
0xe: {  	[smem:$0x3FAB] =	sst s6  }
0xf: {  	[smem:$0x3FAC] =	sst s7  }
0x10: {  	[smem:$0x3FAD] =	sst s8  }
0x11: {  	[smem:$0x3FAE] =	sst s9;
	s0 =	simm.s32 @!p0 $0x0  }
0x12: {  	s1 =	sld [smem:$0x3F94];
	s0 =	simm.s32 @p0 $0x1  }
0x13: {  	[smem:$0x3FAF] =	sst s0;
	s0 =	simm.s32 @!p1 $0x0  }
0x14: {  	s2 =	sld [smem:$0x3F93];
	s0 =	simm.s32 @p1 $0x1  }
0x15: {  	[smem:$0x3FB0] =	sst s0;
	s0 =	simm.s32 @!p2 $0x0  }
0x16: {  	s3 =	sld [smem:$0x3FDB];
	s0 =	simm.s32 @p2 $0x1  }
0x17: {  	s4 =	simm.s32 $0x1BF5;
	[smem:$0x3FB2] =	sst s0  }
0x18: {  	s0 =	sld [smem:$0x3F95];
	_ =	swait.ge [sflag:s4], $0x0  }
0x19: {  	s7 =	sld [smem:$0x3F96]  }
0x1a: {  	s8 =	sadd.s32 $0xFFFFE003, lr  }
0x1b: {  	s9 =	sadd.s32 $0xFFFFFEF7, lr;
	s5 =	simm.s32 $0xFFFFFFFF;
	p2 =	slt.u32 s8, $0xFFFFF086  }
0x1c: {  	p1 =	slt.u32 s9, $0xF7A;
	s5 =	simm.s32 @!p2 $0x0  }
0x1d: {  	s5 =	simm.s32 @p1 $0x1;
	p0 =	seq.s32 s7, s2  }
0x1e: {  	s7 =	smul.u32 @!p0 $0xF7A, s2;
	p2 =	seq.s32 @!p0 s5, $0x0  }
0x1f: {  	s9 =	smul.u32 $0xF7A, s1;
	s8 =	simm.s32 @!p0 $0x1BF5;
	p2 =	por !p2, p0  }
0x20: {  	[sflag:s8] =	ssyncset.s32 @!p0 $0xFFFFF086;
	s6 =	sadd.s32 @!p0 s3, s7;
	s7 =	simm.s32 @!p0 $0x108  }
0x21: {  	s3 =	sadd.s32 s3, s9;
	s6 =	sadd.s32 @!p0 $0x88, s6;
	s7 =	simm.s32 @p2 $0x1082  }
0x22: {  	[simem:s7], [sflag:s8] =	dma.local @!p0 [hbm:s6], $0xF7A  }
0x23: {  	s9 =	sor.u32 $0xD0000000, s2;
	s6 =	simm.s32 $0x108;
	_ =	swait.ge @!p0 [sflag:s8], $0x0  }
0x24: {  	s3 =	sadd.s32 $0x88, s3;
	s6 =	simm.s32 @!p1 $0x1082;
	[sflag:s4] =	ssyncset.s32 $0xFFFFF086  }
0x25: {  	[simem:s6], [sflag:s4] =	dma.local [hbm:s3], $0xF7A  }
0x26: {  	[smem:$0x3F96] =	sst s1;
	(tag) =	ssettag s2;
	_ =	strace s9  }
0x27: {  	s1 =	sld [smem:$0x3FA6]  }
0x28: {  	s2 =	sld [smem:$0x3FA7]  }
0x29: {  	s4 =	sld [smem:$0x3FA9]  }
0x2a: {  	p0 =	seq.s32 s5, $0x0;
	s5 =	sld [smem:$0x3FAA]  }
0x2b: {  	s6 =	sld [smem:$0x3FAB]  }
0x2c: {  	s7 =	sld [smem:$0x3FAC]  }
0x2d: {  	s3 =	simm.s32 $0x108;
	s8 =	sld [smem:$0x3FAD]  }
0x2e: {  	s3 =	simm.s32 @!p0 $0x1082;
	s9 =	sld [smem:$0x3FAE]  }
0x2f: {  	lr =	sadd.s32 s0, s3;
	s0 =	sld [smem:$0x3FA5]  }
0x30: {  	s3 =	sld [smem:$0x3FA8]  }
0x31: {  	[smem:$0x3FB1] =	sst s10  }
0x32: {  	s10 =	sld [smem:$0x3FAF];
	_ =	sdelay $0x3  }
0x33: {  	p0 =	seq.s32 s10, $0x1;
	s10 =	sld [smem:$0x3FB1];
	_ =	sdelay $0x3  }
0x34: {  	[smem:$0x3FB1] =	sst s10  }
0x35: {  	s10 =	sld [smem:$0x3FB0];
	_ =	sdelay $0x3  }
0x36: {  	p1 =	seq.s32 s10, $0x1;
	s10 =	sld [smem:$0x3FB1];
	_ =	sdelay $0x3  }
0x37: {  	[smem:$0x3FB1] =	sst s10  }
0x38: {  	s10 =	sld [smem:$0x3FB2]  }
0x39: {  	_ = 	snop;
	(pc) =	sbr.ind lr, $3  }
0x3a: {  	_ = 	snop  }
0x3b: {  	_ = 	snop  }
0x3c: {  	p2 =	seq.s32 s10, $0x1;
	s10 =	sld [smem:$0x3FB1]  }
0x3d: {  	_ =	shalt  }
0x3e: {  	_ =	shalt  }
0x3f: {  	_ =	shalt  }
0x40: {  	_ =	shalt  }
0x41: {  	_ =	shalt  }
0x42: {  	_ =	shalt  }
0x43: {  	_ =	shalt  }
0x44: {  	_ =	shalt  }
0x45: {  	_ =	shalt  }
0x46: {  	_ =	shalt  }
0x47: {  	_ =	shalt  }
0x48: {  	_ =	shalt  }
0x49: {  	_ =	shalt  }
0x4a: {  	_ =	shalt  }
0x4b: {  	_ =	shalt  }
0x4c: {  	_ =	shalt  }
0x4d: {  	_ =	shalt  }
0x4e: {  	_ =	shalt  }
0x4f: {  	_ =	shalt  }
0x50: {  	_ =	shalt  }
0x51: {  	_ =	shalt  }
0x52: {  	_ =	shalt  }
0x53: {  	_ =	shalt  }
0x54: {  	_ =	shalt  }
0x55: {  	_ =	shalt  }
0x56: {  	_ =	shalt  }
0x57: {  	_ =	shalt  }
0x58: {  	_ =	shalt  }
0x59: {  	_ =	shalt  }
0x5a: {  	_ =	shalt  }
0x5b: {  	_ =	shalt  }
0x5c: {  	_ =	shalt  }
0x5d: {  	_ =	shalt  }
0x5e: {  	_ =	shalt  }
0x5f: {  	_ =	shalt  }
0x60: {  	_ =	shalt  }
0x61: {  	_ =	shalt  }
0x62: {  	_ =	shalt  }
0x63: {  	_ =	shalt  }
0x64: {  	_ =	shalt  }
0x65: {  	_ =	shalt  }
0x66: {  	_ =	shalt  }
0x67: {  	_ =	shalt  }
0x68: {  	_ =	shalt  }
0x69: {  	_ =	shalt  }
0x6a: {  	_ =	shalt  }
0x6b: {  	_ =	shalt  }
0x6c: {  	_ =	shalt  }
0x6d: {  	_ =	shalt  }
0x6e: {  	_ =	shalt  }
0x6f: {  	_ =	shalt  }
0x70: {  	_ =	shalt  }
0x71: {  	_ =	shalt  }
0x72: {  	_ =	shalt  }
0x73: {  	_ =	shalt  }
0x74: {  	_ =	shalt  }
0x75: {  	_ =	shalt  }
0x76: {  	_ =	shalt  }
0x77: {  	_ =	shalt  }
0x78: {  	_ =	shalt  }
0x79: {  	_ =	shalt  }
0x7a: {  	_ =	shalt  }
0x7b: {  	_ =	shalt  }
0x7c: {  	_ =	shalt  }
0x7d: {  	_ =	shalt  }
0x7e: {  	_ =	shalt  }
0x7f: {  	_ =	shalt  }
0x80: {  	_ =	shalt  }
0x81: {  	_ =	shalt  }
0x82: {  	_ =	shalt  }
0x83: {  	_ =	shalt  }
0x84: {  	_ =	shalt  }
0x85: {  	_ =	shalt  }
0x86: {  	_ =	shalt  }
0x87: {  	_ =	shalt  }
.Lfunc_end0:
.L_simem_size_0:
called_computation.3_lowered:
.L_overlay_start_0:
0x88: {  	s2 =	sld [smem:$0x3FD9]  }
0x89: {  	s3 =	sld [smem:$0x3FFE];
	_ =	sdelay $0x1  }
0x8a: {  	s1 =	srdreg.scid  }
0x8b: {  	s0 =	sand.u32 $0x1, s1  }
0x8c: {  	s16 =	sshll.u32 s0, $0xA;
	s2 =	sadd.s32 s3, s2  }
0x8d: {  	s2 =	sadd.s32 s2, s16  }
0x8e: {  	[smem:$0x3FBD] =	sst s2  }
0x8f: {  	_ = 	snop  }
0x90: {  	(tm) =	ssettm $0x1  }
0x91: {  	s17 =	sld [smem:$0x3FFB];
	_ =	sdelay $0x3  }
0x92: {  	_ =	strace s17  }
0x93: {  	s2 =	sld [smem:$0x3FFC];
	_ =	sdelay $0x3  }
0x94: {  	_ =	strace s2  }
0x95: {  	s2 =	sld [smem:$0x3FFD];
	_ =	sdelay $0x3  }
0x96: {  	_ =	strace s2  }
0x97: {  	_ =	strace $0x8FFFFFFF  }
0x98: {  	s18 =	sld [smem:$0x3FDB];
	_ =	sdelay $0x1  }
0x99: {  	s19 =	simm.s32 $_scs_section_size  }
0x9a: {  	s4 =	simm.s32 $_size__tile_overlayer_lowered;
	s5 =	simm.s32 $_tile_overlayer_lowered  }
0x9b: {  	s22 =	simm.s32 $0x1BFF;
	s21 =	sshll.u32 s5, $0x1;
	s2 =	sadd.s32 s19, s18  }
0x9c: {  	s6 =	simm.s32 $0x0;
	s20 =	sshll.u32 s4, $0x1;
	s4 =	sadd.s32 s21, s2  }
0x9d: {  	[timem:s6], [sflag:s22] =	dma.local [hbm:s4], s20  }
0x9e: {  	_ =	swait.ge [sflag:s22], s20  }
0x9f: {  	s3 =	ssub.s32 $0x0, s20;
	[sflag:s22] =	ssyncset.done $0x0  }
0xa0: {  	[sflag:s22] =	ssyncadd.s32 s3;
	_ =	sdelay $0x1  }
0xa1: {  	s23 =	simm.s32 $0x1B8B  }
0xa2: {  	_ =	swait.ge [sflag:s23], $0x1  }
0xa3: {  	[sflag:s23] =	ssyncset.done $0x0  }
0xa4: {  	s25 =	simm.s32 $0x1B8E;
	s24 =	sld [smem:$0x3FFE];
	[sflag:s23] =	ssyncadd.s32 $0xFFFFFFFF  }
0xa5: {  	s26 =	simm.s32 $execute0_lowered;
	[smem:$0x3FD2] =	sst s25  }
0xa6: {  	s4 =	sshll.u32 s26, $0x1;
	_ =	strace $0x8000004F;
	[dreg:$0x1] =	wrdreg $0xFFFFFFFF  }
0xa7: {  	s28 =	simm.s32 $_size_execute0_lowered;
	s2 =	sadd.s32 s2, s4;
	[dreg:$0x0] =	wrdreg $0x0  }
0xa8: {  	s4 =	sshll.u32 s28, $0x1;
	[dreg:$0x2] =	wrdreg s2  }
0xa9: {  	[dreg:$0x3] =	wrdreg s4  }
0xaa: {  	[dreg:$0x4] =	wrdreg $0xC0  }
0xab: {  	_ =	task [dreg:s6], $0x5FFFF  }
0xac: {  	[dreg:$0x1] =	wrdreg $0xFFFFFFFF  }
0xad: {  	[dreg:$0x0] =	wrdreg $0x60  }
0xae: {  	[dreg:$0x2] =	wrdreg s24  }
0xaf: {  	[dreg:$0x3] =	wrdreg $0xE4200  }
0xb0: {  	[dreg:$0x4] =	wrdreg $0x9  }
0xb1: {  	_ =	task.clear_ibuf [dreg:s6], $0x5FFFF;
	_ =	strace $0x9000004F  }
0xb2: {  	s29 =	simm.s32 $0x9;
	_ =	strace $0x80000051  }
0xb3: {  	_ =	swait.ge [sflag:s29], $0x1  }
0xb4: {  	[sflag:s29] =	ssyncadd.s32 $0xFFFFFFFF  }
0xb5: {  	_ =	strace $0x90000051  }
0xb6: {  	_ =	sfence  }
0xb7: {  	s30 =	sld [smem:$0x0];
	_ =	sdelay $0x2  }
0xb8: {  	s31 =	sshll.u32 s1, $0xD;
	s1 =	sshrl.u32 s1, $0x2  }
0xb9: {  	s3 =	sand.u32 $0x4000, s31;
	s1 =	sadd.s32 s1, s30  }
0xba: {  	s0 =	sor.u32 s3, s0;
	s1 =	sshll.u32 s1, $0x11  }
0xbb: {  	s0 =	sor.u32 s1, s0  }
0xbc: {  	s0 =	sadd.s32 $0x8F2B, s0  }
0xbd: {  	[sflag:s0] =	ssyncadd.remote.s32 $0x1  }
0xbe: {  	_ =	sfence.sel $0xFFFF  }
0xbf: {  	[dreg:$0x0] =	wrdreg $0xFFFFFFFF;
	(pc) =	sbr.abs _section_cstart, $3  }
0xc0: {  	[dreg:$0x1] =	wrdreg $0xFFFFFFFF  }
0xc1: {  	_ =	task.clear_ibuf [dreg:s6], $0x2FFFF;
	_ =	strace $0x9FFFFFFF  }
0xc2: {  	(tm) =	ssettm $0x7FFFFFFF  }
0xc3: {  	_ =	shalt  }
tec
execute0_lowered:
.L_overlay_start_1:
0x0: {  	(tag) =	ssettag $0x1  }
0x1: {  	s0 =	rddreg [dreg:$0x0]  }
0x2: {  	s1 =	rddreg [dreg:$0x1]  }
0x3: {  	s2 =	srdreg.scid;
	s3 =	simm.s32 $0x0;
	s16 =	simm.s32 $0x7  }
0x4: {  	s17 =	simm.s32 $0x2710;
	s21 =	simm.s32 $0xC8;
	s22 =	simm.s32 $0x4E20  }
0x5: {  	s23 =	simm.s32 $0x8020;
	s28 =	simm.s32 $0x4;
	s30 =	simm.s32 $0x2  }
0x6: {  	s29 =	simm.s32 $0x3;
	s31 =	simm.s32 $0x0;
	s5 =	sand.u32 $0x1, s2  }
0x7: {  	s2 =	stileid.u32;
	[smem:$0x7FF] =	sst s3;
	s10 =	sadd.s32 $0x43400, s0  }
0x8: {  	s12 =	sadd.s32 $0x56E00, s0;
	s14 =	sadd.s32 $0x6A800, s0;
	s4 =	sshll.u32 s5, $0x4  }
0x9: {  	s6 =	smul.u32 $0x14000, s2;
	_ =	strace $0x80000050;
	s9 =	ssub.s32 $0x2, s5  }
0xa: {  	p4 =	seq.s32 s5, $0x1;
	p0 =	seq.s32 s2, $0xF;
	s4 =	sor.u32 s2, s4  }
0xb: {  	s24 =	sshrl.u32 s9, $0x1;
	p2 =	seq.s32 @p4 s2, $0xF;
	p5 =	seq.s32 @!p4 s2, $0xF  }
0xc: {  	s7 =	smul.u32 $0x4E2, s4;
	s4 =	sadd.s32 $0x17800, s0;
	s8 =	sshrl.u32 s6, $0x4  }
0xd: {  	s15 =	ssub.s32 s9, s24;
	s6 =	sshrl.u32 s6, $0x1;
	s9 =	sadd.s32 $0x96000, s1  }
0xe: {  	p1 =	por !p2, !p4;
	p2 =	por p2, !p4;
	p3 =	por !p5, p4  }
0xf: {  	p4 =	por p5, p4;
	s24 =	simm.s32 $0x6;
	s13 =	sadd.s32 s8, s0  }
0x10: {  	s15 =	smax.u32 s15, $0x1;
	s18 =	sshrl.u32 @p0 s9, $0x3;
	s7 =	sadd.s32 s7, s0  }
0x11: {  	s26 =	sadd.s32 $0x30800, s13;
	s11 =	sadd.s32 $0x44200, s13;
	s13 =	sadd.s32 $0x57C00, s13  }
0x12: {  	s0 =	sshll.u32 @!p0 s2, $0x6;
	s25 =	sadd.s32 $0x3C00, s7;
	s7 =	sadd.s32 $0xDA00, s7  }
0x13: {  	[dreg:$0x5] =	wrdreg s26;
	s19 =	sor.u32 @!p0 $0x1C07, s0;
	s26 =	simm.s32 $0x1  }
0x14: {  	s0 =	simm.s32 $0x5;
	[dreg:$0x4] =	wrdreg s7;
	s7 =	sadd.s32 s6, s1  }
0x15: {  	[dreg:$0x3] =	wrdreg s25;
	s25 =	simm.s32 $0xB220;
	s20 =	sshrl.u32 @!p0 s7, $0x3  }
.LBB2_1:
0x16: {  	s5 =	rddreg [dreg:$0x3]  }
0x17: {  	[tilespmem:s3], [sflag:$0x7] =	stream.linear.gather [hbm4b:s5+s3], $0x2710, $0x38;
	[tilespmem:$0x18060] =	vst v63  }
0x18: {  	_ =	swait.ge [sflag:s16], $0x2710  }
0x19: {  	[sflag:s16] =	ssyncset.done $0x0  }
0x1a: {  	s8 =	rddreg [dreg:$0x4];
	[sflag:s16] =	ssyncadd.s32 $0xFFFFD8F0  }
0x1b: {  	[tilespmem:s17], [sflag:$0x7] =	stream.linear.gather [hbm4b:s8+s3], $0x2710, $0x38;
	[tilespmem:$0x18060] =	vst v63  }
0x1c: {  	_ =	swait.ge [sflag:s16], $0x2710  }
0x1d: {  	[sflag:s16] =	ssyncset.done $0x0  }
0x1e: {  	s5 =	simm.s32 @p0 $0x1FC7;
	[sflag:s16] =	ssyncadd.s32 $0xFFFFD8F0  }
0x1f: {  	[spmem:s18], [sflag:s5] =	dma.local @p0 [hbm:s10], $0xC80  }
0x20: {  	s5 =	simm.s32 @p0 $0x7  }
0x21: {  	_ =	swait.ge @p0 [sflag:s5], $0xC80  }
0x22: {  	[sflag:s5] =	ssyncset.done @p0 $0x0  }
0x23: {  	[sflag:s5] =	ssyncadd.s32 @p0 $0xFFFFF380;
	s5 =	rddreg [dreg:$0x5]  }
0x24: {  	[spmem:s20], [sflag:s19] =	dma.local @!p0 [hbm:s5], $0x1400  }
0x25: {  	s5 =	simm.s32 @!p0 $0x7  }
0x26: {  	_ =	swait.ge @!p0 [sflag:s5], $0x1400  }
0x27: {  	[sflag:s5] =	ssyncset.done @!p0 $0x0  }
0x28: {  	[sflag:s5] =	ssyncadd.s32 @!p0 $0xFFFFEC00  }
0x29: {  	[bflag:$0x0] =	sbarrier.arrive $0xFFFF  }
0x2a: {  	[tilespmem:s22], [sflag:$0x1] =	stream.indirect.gather [hbm4b:s4+s21], $0x40, s3, s21, $0xb8;
	[tilespmem:$0x18060] =	vst v63  }
0x2b: {  	_ = 	snop  }
0x2c: {  	[tilespmem:s23], [sflag:$0x2] =	stream.indirect.gather [hbm4b:s4+s21], $0x40, s21, s21, $0xb8;
	[tilespmem:$0x18060] =	vst v63  }
0x2d: {  	s6 =	simm.s32 $0x190  }
0x2e: {  	[tilespmem:s25], [sflag:$0x3] =	stream.indirect.gather [hbm4b:s4+s21], $0x40, s6, s21, $0xb8;
	[tilespmem:$0x18060] =	vst v63  }
0x2f: {  	_ =	swait.ge [sflag:s26], $0x3200  }
0x30: {  	[sflag:s26] =	ssyncset.done $0x0  }
0x31: {  	[sflag:s26] =	ssyncadd.s32 $0xFFFFCE00  }
0x32: {  	[spmem:s1] =	stream.indirect.scatter.add.bf16 [tilespmem:s22], [sflag:$0x4], $0x40, s17, s21, $0xb8;
	[tilespmem:$0x18060] =	vst v63  }
0x33: {  	_ =	swait.ge [sflag:s28], $0x3200  }
0x34: {  	[sflag:s28] =	ssyncset.done $0x0  }
0x35: {  	s8 =	simm.s32 $0x258;
	[sflag:s28] =	ssyncadd.s32 $0xFFFFCE00  }
0x36: {  	[tilespmem:s22], [sflag:$0x1] =	stream.indirect.gather [hbm4b:s4+s21], $0x40, s8, s21, $0xb8;
	[tilespmem:$0x18060] =	vst v63  }
0x37: {  	_ =	swait.ge [sflag:s30], $0x3200  }
0x38: {  	[sflag:s30] =	ssyncset.done $0x0  }
0x39: {  	s6 =	simm.s32 $0x27D8;
	[sflag:s30] =	ssyncadd.s32 $0xFFFFCE00  }
0x3a: {  	[spmem:s1] =	stream.indirect.scatter.add.bf16 [tilespmem:s23], [sflag:$0x5], $0x40, s6, s21, $0xb8;
	[tilespmem:$0x18060] =	vst v63  }
0x3b: {  	_ =	swait.ge [sflag:s0], $0x3200  }
0x3c: {  	[sflag:s0] =	ssyncset.done $0x0  }
0x3d: {  	s8 =	simm.s32 $0x320;
	[sflag:s0] =	ssyncadd.s32 $0xFFFFCE00  }
0x3e: {  	[tilespmem:s23], [sflag:$0x2] =	stream.indirect.gather [hbm4b:s4+s21], $0x40, s8, s21, $0xb8;
	[tilespmem:$0x18060] =	vst v63  }
0x3f: {  	_ =	swait.ge [sflag:s29], $0x3200  }
0x40: {  	[sflag:s29] =	ssyncset.done $0x0  }
0x41: {  	s6 =	simm.s32 $0x28A0;
	[sflag:s29] =	ssyncadd.s32 $0xFFFFCE00  }
0x42: {  	[spmem:s1] =	stream.indirect.scatter.add.bf16 [tilespmem:s25], [sflag:$0x6], $0x40, s6, s21, $0xb8;
	[tilespmem:$0x18060] =	vst v63  }
0x43: {  	_ =	swait.ge [sflag:s24], $0x3200  }
0x44: {  	[sflag:s24] =	ssyncset.done $0x0  }
0x45: {  	s8 =	simm.s32 $0x3E8;
	[sflag:s24] =	ssyncadd.s32 $0xFFFFCE00  }
0x46: {  	[tilespmem:s25], [sflag:$0x3] =	stream.indirect.gather [hbm4b:s4+s21], $0x40, s8, s21, $0xb8;
	[tilespmem:$0x18060] =	vst v63  }
0x47: {  	_ =	swait.ge [sflag:s26], $0x3200  }
0x48: {  	[sflag:s26] =	ssyncset.done $0x0  }
0x49: {  	s6 =	simm.s32 $0x2968;
	[sflag:s26] =	ssyncadd.s32 $0xFFFFCE00  }
0x4a: {  	[spmem:s1] =	stream.indirect.scatter.add.bf16 [tilespmem:s22], [sflag:$0x4], $0x40, s6, s21, $0xb8;
	[tilespmem:$0x18060] =	vst v63  }
0x4b: {  	_ =	swait.ge [sflag:s28], $0x3200  }
0x4c: {  	[sflag:s28] =	ssyncset.done $0x0  }
0x4d: {  	s8 =	simm.s32 $0x4B0;
	[sflag:s28] =	ssyncadd.s32 $0xFFFFCE00  }
0x4e: {  	[tilespmem:s22], [sflag:$0x1] =	stream.indirect.gather [hbm4b:s4+s21], $0x40, s8, s21, $0xb8;
	[tilespmem:$0x18060] =	vst v63  }
0x4f: {  	_ =	swait.ge [sflag:s30], $0x3200  }
0x50: {  	[sflag:s30] =	ssyncset.done $0x0  }
0x51: {  	s6 =	simm.s32 $0x2A30;
	[sflag:s30] =	ssyncadd.s32 $0xFFFFCE00  }
0x52: {  	[spmem:s1] =	stream.indirect.scatter.add.bf16 [tilespmem:s23], [sflag:$0x5], $0x40, s6, s21, $0xb8;
	[tilespmem:$0x18060] =	vst v63  }
0x53: {  	_ =	swait.ge [sflag:s0], $0x3200  }
0x54: {  	[sflag:s0] =	ssyncset.done $0x0  }
0x55: {  	s8 =	simm.s32 $0x578;
	[sflag:s0] =	ssyncadd.s32 $0xFFFFCE00  }
0x56: {  	[tilespmem:s23], [sflag:$0x2] =	stream.indirect.gather [hbm4b:s4+s21], $0x40, s8, s21, $0xb8;
	[tilespmem:$0x18060] =	vst v63  }
0x57: {  	_ =	swait.ge [sflag:s29], $0x3200  }
0x58: {  	[sflag:s29] =	ssyncset.done $0x0  }
0x59: {  	s5 =	simm.s32 $0x960;
	s6 =	simm.s32 $0x2AF8;
	[sflag:s29] =	ssyncadd.s32 $0xFFFFCE00  }
.LBB2_2:
0x5a: {  	[spmem:s1] =	stream.indirect.scatter.add.bf16 [tilespmem:s25], [sflag:$0x6], $0x40, s6, s21, $0xb8;
	[tilespmem:$0x18060] =	vst v63  }
0x5b: {  	s6 =	smov.u32 s5  }
0x5c: {  	p5 =	sne.s32 s5, $0x8340;
	s5 =	sadd.s32 $0x960, s5;
	_ =	swait.ge [sflag:s24], $0x3200  }
0x5d: {  	s6 =	sshra.s32 s6, $0x2;
	[sflag:s24] =	ssyncset.done $0x0  }
0x5e: {  	s8 =	sadd.s32 $0x3E8, s6;
	[sflag:s24] =	ssyncadd.s32 $0xFFFFCE00  }
0x5f: {  	[tilespmem:s25], [sflag:$0x3] =	stream.indirect.gather [hbm4b:s4+s21], $0x40, s8, s21, $0xb8;
	[tilespmem:$0x18060] =	vst v63  }
0x60: {  	_ =	swait.ge [sflag:s26], $0x3200  }
0x61: {  	[sflag:s26] =	ssyncset.done $0x0  }
0x62: {  	s8 =	sadd.s32 $0x2968, s6;
	[sflag:s26] =	ssyncadd.s32 $0xFFFFCE00  }
0x63: {  	[spmem:s1] =	stream.indirect.scatter.add.bf16 [tilespmem:s22], [sflag:$0x4], $0x40, s8, s21, $0xb8;
	[tilespmem:$0x18060] =	vst v63  }
0x64: {  	_ =	swait.ge [sflag:s28], $0x3200  }
0x65: {  	[sflag:s28] =	ssyncset.done $0x0  }
0x66: {  	s8 =	sadd.s32 $0x4B0, s6;
	[sflag:s28] =	ssyncadd.s32 $0xFFFFCE00  }
0x67: {  	[tilespmem:s22], [sflag:$0x1] =	stream.indirect.gather [hbm4b:s4+s21], $0x40, s8, s21, $0xb8;
	[tilespmem:$0x18060] =	vst v63  }
0x68: {  	_ =	swait.ge [sflag:s30], $0x3200  }
0x69: {  	[sflag:s30] =	ssyncset.done $0x0  }
0x6a: {  	s8 =	sadd.s32 $0x2A30, s6;
	[sflag:s30] =	ssyncadd.s32 $0xFFFFCE00  }
0x6b: {  	[spmem:s1] =	stream.indirect.scatter.add.bf16 [tilespmem:s23], [sflag:$0x5], $0x40, s8, s21, $0xb8;
	[tilespmem:$0x18060] =	vst v63  }
0x6c: {  	_ =	swait.ge [sflag:s0], $0x3200  }
0x6d: {  	[sflag:s0] =	ssyncset.done $0x0  }
.Ltmp0:
0x6e: {  	s8 =	sadd.s32 $0x578, s6;
	[sflag:s0] =	ssyncadd.s32 $0xFFFFCE00;
	(pc) =	sbr.rel @p5 .LBB2_2-.Ltmp0, $4  }
0x6f: {  	[tilespmem:s23], [sflag:$0x2] =	stream.indirect.gather [hbm4b:s4+s21], $0x40, s8, s21, $0xb8;
	[tilespmem:$0x18060] =	vst v63  }
0x70: {  	_ =	swait.ge [sflag:s29], $0x3200  }
0x71: {  	[sflag:s29] =	ssyncset.done $0x0  }
0x72: {  	s6 =	sadd.s32 $0x2AF8, s6;
	[sflag:s29] =	ssyncadd.s32 $0xFFFFCE00  }
0x73: {  	[spmem:s1] =	stream.indirect.scatter.add.bf16 [tilespmem:s25], [sflag:$0x6], $0x40, s6, s21, $0xb8;
	[tilespmem:$0x18060] =	vst v63  }
0x74: {  	_ =	swait.ge [sflag:s26], $0x3200  }
0x75: {  	[sflag:s26] =	ssyncset.done $0x0  }
0x76: {  	s5 =	simm.s32 $0x4C90;
	[sflag:s26] =	ssyncadd.s32 $0xFFFFCE00  }
0x77: {  	[spmem:s1] =	stream.indirect.scatter.add.bf16 [tilespmem:s22], [sflag:$0x4], $0x40, s5, s21, $0xb8;
	[tilespmem:$0x18060] =	vst v63  }
0x78: {  	_ =	swait.ge [sflag:s30], $0x3200  }
0x79: {  	[sflag:s30] =	ssyncset.done $0x0  }
0x7a: {  	s8 =	simm.s32 $0x4D58;
	[sflag:s30] =	ssyncadd.s32 $0xFFFFCE00  }
0x7b: {  	[spmem:s1] =	stream.indirect.scatter.add.bf16 [tilespmem:s23], [sflag:$0x5], $0x40, s8, s21, $0xb8;
	[tilespmem:$0x18060] =	vst v63  }
0x7c: {  	_ =	swait.ge [sflag:s24], $0x3200  }
0x7d: {  	[sflag:s24] =	ssyncset.done $0x0  }
0x7e: {  	[sflag:s24] =	ssyncadd.s32 $0xFFFFCE00  }
0x7f: {  	_ =	swait.ge [sflag:s28], $0x3200  }
0x80: {  	[sflag:s28] =	ssyncset.done $0x0  }
0x81: {  	[sflag:s28] =	ssyncadd.s32 $0xFFFFCE00  }
0x82: {  	_ =	swait.ge [sflag:s0], $0x3200  }
0x83: {  	[sflag:s0] =	ssyncset.done $0x0  }
0x84: {  	[sflag:s0] =	ssyncadd.s32 $0xFFFFCE00  }
0x85: {  	s6 =	simm.s32 @!p1 $0x1FC7;
	s5 =	sshrl.u32 @!p1 s9, $0x3;
	[bflag:$0x0] =	sbarrier.arrive $0xFFFF  }
0x86: {  	[hbm:s14], [sflag:s6] =	dma.local @!p1 [spmem:s5], $0xC80  }
0x87: {  	s5 =	simm.s32 @!p1 $0x7  }
0x88: {  	_ =	swait.ge @!p1 [sflag:s5], $0xC80  }
0x89: {  	s6 =	sshll.u32 @!p2 s2, $0x6;
	[sflag:s5] =	ssyncset.done @!p1 $0x0  }
0x8a: {  	[sflag:s5] =	ssyncadd.s32 @!p1 $0xFFFFF380;
	s5 =	sor.u32 @!p2 $0x1C07, s6;
	s6 =	sshrl.u32 @!p2 s7, $0x3  }
0x8b: {  	[hbm:s13], [sflag:s5] =	dma.local @!p2 [spmem:s6], $0x1400  }
0x8c: {  	s5 =	simm.s32 @!p2 $0x7  }
0x8d: {  	_ =	swait.ge @!p2 [sflag:s5], $0x1400  }
0x8e: {  	[sflag:s5] =	ssyncset.done @!p2 $0x0  }
0x8f: {  	s6 =	simm.s32 @!p3 $0x1FC7;
	[sflag:s5] =	ssyncadd.s32 @!p2 $0xFFFFEC00;
	s5 =	sshrl.u32 @!p3 s9, $0x3  }
0x90: {  	[hbm:s12], [sflag:s6] =	dma.local @!p3 [spmem:s5], $0xC80  }
0x91: {  	s5 =	simm.s32 @!p3 $0x7  }
0x92: {  	s31 =	sadd.s32 $0x1, s31;
	_ =	swait.ge @!p3 [sflag:s5], $0xC80  }
0x93: {  	p5 =	sne.s32 s31, s15;
	s6 =	sshll.u32 @!p4 s2, $0x6;
	[sflag:s5] =	ssyncset.done @!p3 $0x0  }
0x94: {  	[sflag:s5] =	ssyncadd.s32 @!p3 $0xFFFFF380;
	s5 =	sor.u32 @!p4 $0x1C07, s6;
	s6 =	sshrl.u32 @!p4 s7, $0x3  }
0x95: {  	[hbm:s11], [sflag:s5] =	dma.local @!p4 [spmem:s6], $0x1400  }
.Ltmp1:
0x96: {  	_ = 	snop;
	(pc) =	sbr.rel @p5 .LBB2_1-.Ltmp1, $4  }
0x97: {  	s5 =	simm.s32 @!p4 $0x7  }
0x98: {  	_ =	swait.ge @!p4 [sflag:s5], $0x1400  }
0x99: {  	[sflag:s5] =	ssyncset.done @!p4 $0x0  }
0x9a: {  	[sflag:s5] =	ssyncadd.s32 @!p4 $0xFFFFEC00  }
0x9b: {  	_ =	sfence.sel $0x180000  }
0x9c: {  	[bflag:$0x0] =	sbarrier.arrive $0xFFFF  }
0x9d: {  	_ =	strace $0x90000050  }
0x9e: {  	[bflag:$0x2] =	sbarrier.arrive $0xFFFF  }
0x9f: {  	p0 =	sne.s32 s2, $0x0;
	s0 =	rddreg [dreg:$0x2]  }
0xa0: {  	s0 =	sadd.s32 @!p0 $0x100000, s0  }
0xa1: {  	[sflag:s0] =	ssyncadd.tile.s32 @!p0 $0x1;
	_ =	shalt  }
.Lfunc_end2:
_tile_overlayer_lowered:
.L_overlay_start_2:
0xa2: {  	(tag) =	ssettag $0x2  }
0xa3: {  	s0 =	rddreg [dreg:$0x0];
	s2 =	stileid.u32  }
0xa4: {  	s1 =	rddreg [dreg:$0x1];
	p0 =	sne.s32 s2, $0x0  }
0xa5: {  	s3 =	rddreg [dreg:$0x2];
	[bflag:$0x3] =	sbarrier.arrive $0xFFFF;
	s2 =	simm.s32 @!p0 $0x1C07  }
0xa6: {  	[timem:s3], [sflag:s2] =	dma.local @!p0 [hbm:s0], s1  }
0xa7: {  	s0 =	simm.s32 @!p0 $0x7  }
0xa8: {  	_ =	swait.ge @!p0 [sflag:s0], s1  }
0xa9: {  	s1 =	ssub.s32 @!p0 $0x0, s1;
	[sflag:s0] =	ssyncset.done @!p0 $0x0  }
0xaa: {  	[sflag:s0] =	ssyncadd.s32 @!p0 s1  }
0xab: {  	[bflag:$0x3] =	sbarrier.arrive $0xFFFF  }
0xac: {  	_ =	shalt  }

</sc_bundles>
